<compile_context>
chip_gen: v7x
topology: tpu7x:2x2x1
jax: 0.10.2.dev20260603
libtpu: 0.0.44.dev20260713+nightly
codegen_flags: <defaults>
</compile_context>

<pallas_src>
import functools

import jax
import jax.numpy as jnp
from jax import lax
from jax.experimental import pallas as pl
from jax.experimental.pallas import tpu as pltpu
from jax.experimental.pallas import tpu_sc as plsc

B = 2
N = 4096
K = 20
KPAD = 32
NUM_CLASSES = 13



def _knn_body(xrm_ref, xcm_ref, idx_ref, *, rt, n, kk, kpad):
    xt = xrm_ref[0]
    xf = xcm_ref[0]
    g = lax.dot_general(xt, xf, (((1,), (0,)), ((), ())),
                        preferred_element_type=jnp.float32)
    d = jnp.sum(xf * xf, axis=0)
    key = 2.0 * g - d[None, :]
    colf = lax.broadcasted_iota(jnp.int32, (rt, n), 1).astype(jnp.float32)
    base = pl.program_id(0) * n
    neginf = jnp.float32(-jnp.inf)
    bigf = jnp.float32(n)
    cols = []
    m = jnp.max(key, axis=1, keepdims=True)
    for k in range(kk):
        hit = key == m
        am = jnp.min(jnp.where(hit, colf, bigf), axis=1, keepdims=True)
        cols.append(am.astype(jnp.int32) + base)
        if k < kk - 1:
            key = jnp.where(hit, neginf, key)
            m = jnp.max(key, axis=1, keepdims=True)
    mat = jnp.concatenate(cols + [cols[-1]] * (kpad - kk), axis=1)
    idx_ref[0] = jnp.transpose(mat)


def _knn_indices(x_rm, x_cm):
    c = x_rm.shape[2]
    rt = 256
    body = functools.partial(_knn_body, rt=rt, n=N, kk=K, kpad=KPAD)
    return pl.pallas_call(
        body,
        grid=(B, N // rt),
        in_specs=[
            pl.BlockSpec((1, rt, c), lambda b, t: (b, t, 0)),
            pl.BlockSpec((1, c, N), lambda b, t: (b, 0, 0)),
        ],
        out_specs=pl.BlockSpec((1, KPAD, rt), lambda b, t: (b, 0, t)),
        out_shape=jax.ShapeDtypeStruct((B, KPAD, N), jnp.int32),
        interpret=False,
    )(x_rm, x_cm)



def _gather_rows(table, idxt, cdim):
    nb = 1024
    gsub = 128
    chunks = N // nb
    items = B * K * chunks
    nw = 32
    per = items // nw

    mesh = plsc.VectorSubcoreMesh(core_axis_name="c", subcore_axis_name="s")

    @functools.partial(
        pl.kernel,
        out_type=jax.ShapeDtypeStruct((B, K, N, cdim), jnp.float32),
        mesh=mesh,
        scratch_types=[
            pltpu.VMEM((nb,), jnp.int32),
            pltpu.VMEM((nb, cdim), jnp.float32),
            pltpu.SemaphoreType.DMA,
        ],
        compiler_params=pltpu.CompilerParams(use_tc_tiling_on_sc=False),
    )
    def gk(table_hbm, idxt_hbm, out_hbm, idxv, rows, sem):
        wid = lax.axis_index("s") * 2 + lax.axis_index("c")

        def item_body(i, carry):
            item = wid * per + i
            b = item // (K * chunks)
            r = item % (K * chunks)
            k = r // chunks
            n0 = (r % chunks) * nb
            pltpu.sync_copy(idxt_hbm.at[b, k, pl.ds(n0, nb)], idxv)
            copies = [
                pltpu.make_async_copy(
                    table_hbm.at[idxv.at[pl.ds(j * gsub, gsub)]],
                    rows.at[pl.ds(j * gsub, gsub), :],
                    sem,
                )
                for j in range(nb // gsub)
            ]
            for cp in copies:
                cp.start()
            for cp in copies:
                cp.wait()
            pltpu.sync_copy(rows, out_hbm.at[b, k, pl.ds(n0, nb), :])
            return carry

        lax.fori_loop(0, per, item_body, 0)

    return gk(table, idxt)



def _lrelu(h):
    return jnp.where(h >= 0, h, 0.2 * h)


def _edgeconv_body2(feat_ref, xc_ref, a1_ref, bc_ref, bt1_ref, a2_ref, bt2_ref,
                    out_ref, outc_ref, *, kk):
    xc = xc_ref[0]
    ct = jnp.dot(xc, bc_ref[...], preferred_element_type=jnp.float32) + bt1_ref[...]
    acc = None
    for k in range(kk):
        h = jnp.dot(feat_ref[0, k], a1_ref[...],
                    preferred_element_type=jnp.float32) + ct
        h = _lrelu(h)
        h = jnp.dot(h, a2_ref[...], preferred_element_type=jnp.float32) + bt2_ref[...]
        h = _lrelu(h)
        acc = h if acc is None else jnp.maximum(acc, h)
    out_ref[0] = acc
    outc_ref[0] = jnp.transpose(acc)


def _edgeconv_body1(feat_ref, xc_ref, a1_ref, bc_ref, bt1_ref, out_ref, *, kk):
    xc = xc_ref[0]
    ct = jnp.dot(xc, bc_ref[...], preferred_element_type=jnp.float32) + bt1_ref[...]
    acc = None
    for k in range(kk):
        h = jnp.dot(feat_ref[0, k], a1_ref[...],
                    preferred_element_type=jnp.float32) + ct
        h = _lrelu(h)
        acc = h if acc is None else jnp.maximum(acc, h)
    out_ref[0] = acc


def _edgeconv(feat, x_rm, a1, bc, bt1, a2=None, bt2=None):
    c = x_rm.shape[2]
    nt = 1024
    wspec = lambda shp: pl.BlockSpec(shp, lambda b, t: tuple(0 for _ in shp))
    in_specs = [
        pl.BlockSpec((1, K, nt, c), lambda b, t: (b, 0, t, 0)),
        pl.BlockSpec((1, nt, c), lambda b, t: (b, t, 0)),
        wspec(a1.shape),
        wspec(bc.shape),
        wspec(bt1.shape),
    ]
    args = [feat, x_rm, a1, bc, bt1]
    if a2 is not None:
        body = functools.partial(_edgeconv_body2, kk=K)
        in_specs += [wspec(a2.shape), wspec(bt2.shape)]
        args += [a2, bt2]
    else:
        body = functools.partial(_edgeconv_body1, kk=K)
    out_specs = pl.BlockSpec((1, nt, 64), lambda b, t: (b, t, 0))
    out_shape = jax.ShapeDtypeStruct((B, N, 64), jnp.float32)
    if a2 is not None:
        out_specs = [out_specs, pl.BlockSpec((1, 64, nt), lambda b, t: (b, 0, t))]
        out_shape = [out_shape, jax.ShapeDtypeStruct((B, 64, N), jnp.float32)]
    return pl.pallas_call(
        body,
        grid=(B, N // nt),
        in_specs=in_specs,
        out_specs=out_specs,
        out_shape=out_shape,
        interpret=False,
    )(*args)



def _head_body(x1_ref, x2_ref, x3_ref, a6_ref, bt6_ref, a7h_ref, a7x_ref,
               bt7_ref, a8_ref, bt8_ref, a9_ref, out_ref, *, nt, ntiles):
    hm = None
    for t in range(ntiles):
        sl = pl.ds(t * nt, nt)
        z = jnp.concatenate([x1_ref[0, sl], x2_ref[0, sl], x3_ref[0, sl]], axis=1)
        h6 = _lrelu(jnp.dot(z, a6_ref[...], preferred_element_type=jnp.float32)
                    + bt6_ref[...])
        mt = jnp.max(h6, axis=0, keepdims=True)
        hm = mt if hm is None else jnp.maximum(hm, mt)
    c7 = jnp.dot(hm, a7h_ref[...], preferred_element_type=jnp.float32)
    for t in range(ntiles):
        sl = pl.ds(t * nt, nt)
        z = jnp.concatenate([x1_ref[0, sl], x2_ref[0, sl], x3_ref[0, sl]], axis=1)
        h7 = _lrelu(jnp.dot(z, a7x_ref[...], preferred_element_type=jnp.float32)
                    + c7 + bt7_ref[...])
        h8 = _lrelu(jnp.dot(h7, a8_ref[...], preferred_element_type=jnp.float32)
                    + bt8_ref[...])
        out_ref[0, sl] = jnp.dot(h8, a9_ref[...], preferred_element_type=jnp.float32)


def _head(x1, x2, x3, a6, bt6, a7h, a7x, bt7, a8, bt8, a9):
    nt = 1024
    body = functools.partial(_head_body, nt=nt, ntiles=N // nt)
    wspec = lambda a: pl.BlockSpec(a.shape, lambda b: tuple(0 for _ in a.shape))
    xspec = pl.BlockSpec((1, N, 64), lambda b: (b, 0, 0))
    return pl.pallas_call(
        body,
        grid=(B,),
        in_specs=[xspec, xspec, xspec] + [wspec(a) for a in
                                          (a6, bt6, a7h, a7x, bt7, a8, bt8, a9)],
        out_specs=pl.BlockSpec((1, N, 16), lambda b: (b, 0, 0)),
        out_shape=jax.ShapeDtypeStruct((B, N, 16), jnp.float32),
        interpret=False,
    )(x1, x2, x3, a6, bt6, a7h, a7x, bt7, a8, bt8, a9)



def kernel(x, W1, g1, b1, W2, g2, b2, W3, g3, b3, W4, g4, b4, W5, g5, b5,
           W6, g6, b6, W7, g7, b7, W8, g8, b8, W9):
    s = jnp.float32(1.0) / jnp.sqrt(jnp.float32(1.0 + 1e-5))

    def fold_edge(W, g, c, cpad):
        gs = (g * s)[None, :]
        wa = jnp.transpose(W[:, :c])
        wb = jnp.transpose(W[:, c:])
        a = wa * gs
        bcm = (wb - wa) * gs
        if cpad > c:
            a = jnp.pad(a, ((0, cpad - c), (0, 0)))
            bcm = jnp.pad(bcm, ((0, cpad - c), (0, 0)))
        return a, bcm

    def fold_lin(W, g):
        return jnp.transpose(W) * (g * s)[None, :]

    x_cm = jnp.pad(x, ((0, 0), (0, 7), (0, 0)))
    x_rm = jnp.transpose(x_cm, (0, 2, 1))
    idx1 = _knn_indices(x_rm, x_cm)
    f1 = _gather_rows(x_rm.reshape(B * N, 16), idx1, 16)
    a1, bc1 = fold_edge(W1, g1, 9, 16)
    a2 = fold_lin(W2, g2)
    x1, x1_cm = _edgeconv(f1, x_rm, a1, bc1, b1[None, :], a2, b2[None, :])

    idx2 = _knn_indices(x1, x1_cm)
    f2 = _gather_rows(x1.reshape(B * N, 64), idx2, 64)
    a3, bc3 = fold_edge(W3, g3, 64, 64)
    a4 = fold_lin(W4, g4)
    x2, x2_cm = _edgeconv(f2, x1, a3, bc3, b3[None, :], a4, b4[None, :])

    idx3 = _knn_indices(x2, x2_cm)
    f3 = _gather_rows(x2.reshape(B * N, 64), idx3, 64)
    a5, bc5 = fold_edge(W5, g5, 64, 64)
    x3 = _edgeconv(f3, x2, a5, bc5, b5[None, :])

    a6 = fold_lin(W6, g6)
    a7 = fold_lin(W7, g7)
    a8 = fold_lin(W8, g8)
    a9 = jnp.pad(jnp.transpose(W9), ((0, 0), (0, 16 - NUM_CLASSES)))
    out = _head(x1, x2, x3, a6, b6[None, :], a7[:1024], a7[1024:],
                b7[None, :], a8, b8[None, :], a9)
    return jnp.transpose(out[:, :, :NUM_CLASSES], (0, 2, 1))

# --- scband reference (transcript-rebuilt; emitter-appended) ---
"""Pipeline reference for scband-dgcnn-32727650795899 (READ-ONLY COPY).

The authoritative reference and input builder live on the scoring server;
editing this copy changes nothing except your own understanding.
"""

import jax, jax.numpy as jnp
import numpy as np

B, C, N, K = 2, 9, 4096, 20
NUM_CLASSES = 13
EMB = 1024


def _knn(x, k):
    inner = -2.0 * jnp.einsum('bcn,bcm->bnm', x, x)
    xx = jnp.sum(x * x, axis=1, keepdims=True)
    pd = -xx - inner - jnp.transpose(xx, (0, 2, 1))
    return jax.lax.top_k(pd, k)[1]


def _graph_feature(x, k):
    idx = _knn(x, k)
    xt = jnp.transpose(x, (0, 2, 1))
    feat = jax.vmap(lambda xb, ib: xb[ib])(xt, idx)
    center = jnp.broadcast_to(xt[:, :, None, :], feat.shape)
    out = jnp.concatenate([feat - center, center], axis=3)
    return jnp.transpose(out, (0, 3, 1, 2))


def _bn(x, g, b):
    eps = 1e-05
    shape = [1] * x.ndim
    shape[1] = -1
    return x / jnp.sqrt(1.0 + eps) * g.reshape(shape) + b.reshape(shape)


def _lrelu(x):
    return jnp.where(x >= 0, x, 0.2 * x)


def _conv2d(x, W):
    return jnp.einsum('oc,bcnk->bonk', W, x)


def _conv1d(x, W):
    return jnp.einsum('oc,bcn->bon', W, x)


def _forward(x, W1, g1, b1, W2, g2, b2, W3, g3, b3, W4, g4, b4, W5, g5, b5, W6, g6, b6, W7, g7, b7, W8, g8, b8, W9):
    n = x.shape[2]
    h = _graph_feature(x, K)
    h = _lrelu(_bn(_conv2d(h, W1), g1, b1))
    h = _lrelu(_bn(_conv2d(h, W2), g2, b2))
    x1 = jnp.max(h, axis=-1)
    h = _graph_feature(x1, K)
    h = _lrelu(_bn(_conv2d(h, W3), g3, b3))
    h = _lrelu(_bn(_conv2d(h, W4), g4, b4))
    x2 = jnp.max(h, axis=-1)
    h = _graph_feature(x2, K)
    h = _lrelu(_bn(_conv2d(h, W5), g5, b5))
    x3 = jnp.max(h, axis=-1)
    h = jnp.concatenate([x1, x2, x3], axis=1)
    h = _lrelu(_bn(_conv1d(h, W6), g6, b6))
    hm = jnp.max(h, axis=-1, keepdims=True)
    hm = jnp.tile(hm, (1, 1, n))
    h = jnp.concatenate([hm, x1, x2, x3], axis=1)
    h = _lrelu(_bn(_conv1d(h, W7), g7, b7))
    h = _lrelu(_bn(_conv1d(h, W8), g8, b8))
    h = _conv1d(h, W9)
    return h


def setup_inputs(seed: int = 0):
    key = jax.random.key(seed)
    ks = jax.random.split(key, 16)

    def w(k, shape, scale=0.05):
        return jax.random.normal(k, shape, dtype=jnp.float32) * scale
    inp = {'x': jax.random.normal(ks[0], (B, C, N), dtype=jnp.float32)}
    dims = [('1', 64, 2 * C), ('2', 64, 64), ('3', 64, 128), ('4', 64, 64), ('5', 64, 128), ('6', EMB, 192), ('7', 512, EMB + 192), ('8', 256, 512)]
    i = 1
    for name, o, c in dims:
        inp['W' + name] = w(ks[i], (o, c))
        inp['g' + name] = jnp.ones((o,), jnp.float32)
        inp['b' + name] = jnp.zeros((o,), jnp.float32)
        i += 1
    inp['W9'] = w(ks[i], (NUM_CLASSES, 256))
    return inp


def reference(x, W1, g1, b1, W2, g2, b2, W3, g3, b3, W4, g4, b4, W5, g5, b5, W6, g6, b6, W7, g7, b7, W8, g8, b8, W9):
    return _forward(x, W1, g1, b1, W2, g2, b2, W3, g3, b3, W4, g4, b4, W5, g5, b5, W6, g6, b6, W7, g7, b7, W8, g8, b8, W9)

if __name__ == "__main__":
    import jax
    _d = setup_inputs()
    print(jax.jit(kernel)(*tuple(_d.values())))

</pallas_src>

<mosaic_0001>
#map = affine_map<(d0, d1) -> (0, 0)>
#map1 = affine_map<(d0, d1) -> (0, 0, 0)>
#map2 = affine_map<(d0, d1) -> (0, 0, 0, 0)>
module attributes {stable_mosaic.version = 14 : i64} {
  func.func @gk(%arg0: i32, %arg1: i32, %arg2: memref<8192x64xf32, #tpu.memory_space<hbm>>, %arg3: memref<2x32x4096xi32, #tpu.memory_space<hbm>>, %arg4: memref<2x20x4096x64xf32, #tpu.memory_space<hbm>>, %arg5: memref<1024xi32, #tpu.memory_space<vmem>>, %arg6: memref<1024x64xf32, #tpu.memory_space<vmem>>, %arg7: memref<!tpu.dma_semaphore, #tpu.memory_space<semaphore_mem>>) attributes {dimension_semantics = [#tpu.dimension_semantics<core_parallel>, #tpu.dimension_semantics<subcore_parallel>], iteration_bounds = array<i64: 2, 16>, scalar_prefetch = 0 : i64, scratch_operands = 3 : i64, tpu.core_type = #tpu.core_type<sc_vector_subcore>, window_params = [{transform_indices = #map}, {transform_indices = #map1}, {transform_indices = #map2}]} {
    %mul3A = arith.constant 2 : i32
    %mul3A_0 = arith.muli %arg1, %mul3A : i32
    %add3A = arith.addi %mul3A_0, %arg0 : i32
    %scan3A = arith.constant 0 : i32
    %scan3A_1 = arith.constant 0 : i32
    %scan3A_2 = arith.constant 5 : i32
    %scan3A_3 = arith.addi %scan3A_1, %scan3A_2 : i32
    %scan3A_4 = arith.constant 1 : i32
    scf.for %scan3A_6 = %scan3A_1 to %scan3A_3 step %scan3A_4  : i32 {
      %mul3A_7 = arith.constant 5 : i32
      %mul3A_8 = arith.muli %add3A, %mul3A_7 : i32
      %add3A_9 = arith.addi %mul3A_8, %scan3A_6 : i32
      %jit3A = arith.constant 80 : i32
      %div3A = arith.divsi %add3A_9, %jit3A : i32
      %sign3A = arith.constant 0 : i32
      %sign3A_10 = arith.cmpi sgt, %add3A_9, %sign3A : i32
      %sign3A_11 = arith.extui %sign3A_10 : i1 to i32
      %sign3A_12 = arith.constant 0 : i32
      %sign3A_13 = arith.cmpi slt, %add3A_9, %sign3A_12 : i32
      %sign3A_14 = arith.extui %sign3A_13 : i1 to i32
      %sign3A_15 = arith.subi %sign3A_11, %sign3A_14 : i32
      %sign3A_16 = arith.constant 0 : i32
      %sign3A_17 = arith.cmpi sgt, %jit3A, %sign3A_16 : i32
      %sign3A_18 = arith.extui %sign3A_17 : i1 to i32
      %sign3A_19 = arith.constant 0 : i32
      %sign3A_20 = arith.cmpi slt, %jit3A, %sign3A_19 : i32
      %sign3A_21 = arith.extui %sign3A_20 : i1 to i32
      %sign3A_22 = arith.subi %sign3A_18, %sign3A_21 : i32
      %ne3A = arith.cmpi ne, %sign3A_15, %sign3A_22 : i32
      %rem3A = arith.remsi %add3A_9, %jit3A : i32
      %ne3A_23 = arith.constant 0 : i32
      %ne3A_24 = arith.cmpi ne, %rem3A, %ne3A_23 : i32
      %and3A = arith.andi %ne3A, %ne3A_24 : i1
      %sub3A = arith.constant 1 : i32
      %sub3A_25 = arith.subi %div3A, %sub3A : i32
      %select_n3A = arith.select %and3A, %sub3A_25, %div3A : i32
      %jit3A_26 = arith.constant 80 : i32
      %eq3A = arith.constant 0 : i32
      %eq3A_27 = arith.cmpi eq, %jit3A_26, %eq3A : i32
      %jit3A_28 = arith.constant 1 : i32
      %select_n3A_29 = arith.select %eq3A_27, %jit3A_28, %jit3A_26 : i32
      %rem3A_30 = arith.remsi %add3A_9, %select_n3A_29 : i32
      %ne3A_31 = arith.constant 0 : i32
      %ne3A_32 = arith.cmpi ne, %rem3A_30, %ne3A_31 : i32
      %lt3A = arith.constant 0 : i32
      %lt3A_33 = arith.cmpi slt, %rem3A_30, %lt3A : i32
      %lt3A_34 = arith.constant 0 : i32
      %lt3A_35 = arith.cmpi slt, %select_n3A_29, %lt3A_34 : i32
      %ne3A_36 = arith.xori %lt3A_33, %lt3A_35 : i1
      %and3A_37 = arith.andi %ne3A_36, %ne3A_32 : i1
      %add3A_38 = arith.addi %rem3A_30, %select_n3A_29 : i32
      %select_n3A_39 = arith.select %and3A_37, %add3A_38, %rem3A_30 : i32
      %jit3A_40 = arith.constant 4 : i32
      %div3A_41 = arith.divsi %select_n3A_39, %jit3A_40 : i32
      %sign3A_42 = arith.constant 0 : i32
      %sign3A_43 = arith.cmpi sgt, %select_n3A_39, %sign3A_42 : i32
      %sign3A_44 = arith.extui %sign3A_43 : i1 to i32
      %sign3A_45 = arith.constant 0 : i32
      %sign3A_46 = arith.cmpi slt, %select_n3A_39, %sign3A_45 : i32
      %sign3A_47 = arith.extui %sign3A_46 : i1 to i32
      %sign3A_48 = arith.subi %sign3A_44, %sign3A_47 : i32
      %sign3A_49 = arith.constant 0 : i32
      %sign3A_50 = arith.cmpi sgt, %jit3A_40, %sign3A_49 : i32
      %sign3A_51 = arith.extui %sign3A_50 : i1 to i32
      %sign3A_52 = arith.constant 0 : i32
      %sign3A_53 = arith.cmpi slt, %jit3A_40, %sign3A_52 : i32
      %sign3A_54 = arith.extui %sign3A_53 : i1 to i32
      %sign3A_55 = arith.subi %sign3A_51, %sign3A_54 : i32
      %ne3A_56 = arith.cmpi ne, %sign3A_48, %sign3A_55 : i32
      %rem3A_57 = arith.remsi %select_n3A_39, %jit3A_40 : i32
      %ne3A_58 = arith.constant 0 : i32
      %ne3A_59 = arith.cmpi ne, %rem3A_57, %ne3A_58 : i32
      %and3A_60 = arith.andi %ne3A_56, %ne3A_59 : i1
      %sub3A_61 = arith.constant 1 : i32
      %sub3A_62 = arith.subi %div3A_41, %sub3A_61 : i32
      %select_n3A_63 = arith.select %and3A_60, %sub3A_62, %div3A_41 : i32
      %jit3A_64 = arith.constant 4 : i32
      %eq3A_65 = arith.constant 0 : i32
      %eq3A_66 = arith.cmpi eq, %jit3A_64, %eq3A_65 : i32
      %jit3A_67 = arith.constant 1 : i32
      %select_n3A_68 = arith.select %eq3A_66, %jit3A_67, %jit3A_64 : i32
      %rem3A_69 = arith.remsi %select_n3A_39, %select_n3A_68 : i32
      %ne3A_70 = arith.constant 0 : i32
      %ne3A_71 = arith.cmpi ne, %rem3A_69, %ne3A_70 : i32
      %lt3A_72 = arith.constant 0 : i32
      %lt3A_73 = arith.cmpi slt, %rem3A_69, %lt3A_72 : i32
      %lt3A_74 = arith.constant 0 : i32
      %lt3A_75 = arith.cmpi slt, %select_n3A_68, %lt3A_74 : i32
      %ne3A_76 = arith.xori %lt3A_73, %lt3A_75 : i1
      %and3A_77 = arith.andi %ne3A_76, %ne3A_71 : i1
      %add3A_78 = arith.addi %rem3A_69, %select_n3A_68 : i32
      %select_n3A_79 = arith.select %and3A_77, %add3A_78, %rem3A_69 : i32
      %mul3A_80 = arith.constant 1024 : i32
      %mul3A_81 = arith.muli %select_n3A_79, %mul3A_80 : i32
      "tpu.region"() ({
        %run_scoped3A = tpu.sem_alloc : memref<!tpu.dma_semaphore, #tpu.memory_space<semaphore_mem>>
        %dma_start3A_208 = tpu.memref_slice %arg3[%select_n3A, %select_n3A_63, %mul3A_81] : memref<2x32x4096xi32, #tpu.memory_space<hbm>> -> memref<1x1x1024xi32, #tpu.memory_space<hbm>>
        %dma_start3A_209 = tpu.memref_squeeze %dma_start3A_208 : memref<1x1x1024xi32, #tpu.memory_space<hbm>> -> memref<1024xi32, #tpu.memory_space<hbm>>
        %dma_start3A_210 = tpu.memref_slice %arg3[%select_n3A, %select_n3A_63, %mul3A_81] : memref<2x32x4096xi32, #tpu.memory_space<hbm>> -> memref<1x1x1024xi32, #tpu.memory_space<hbm>>
        %dma_start3A_211 = tpu.memref_squeeze %dma_start3A_210 : memref<1x1x1024xi32, #tpu.memory_space<hbm>> -> memref<1024xi32, #tpu.memory_space<hbm>>
        tpu.enqueue_dma source(%dma_start3A_211 : memref<1024xi32, #tpu.memory_space<hbm>>) target(%arg5 : memref<1024xi32, #tpu.memory_space<vmem>>) target_semaphore(%run_scoped3A : memref<!tpu.dma_semaphore, #tpu.memory_space<semaphore_mem>>)
        %dma_wait3A_212 = tpu.memref_slice %arg3[%select_n3A, %select_n3A_63, %mul3A_81] : memref<2x32x4096xi32, #tpu.memory_space<hbm>> -> memref<1x1x1024xi32, #tpu.memory_space<hbm>>
        %dma_wait3A_213 = tpu.memref_squeeze %dma_wait3A_212 : memref<1x1x1024xi32, #tpu.memory_space<hbm>> -> memref<1024xi32, #tpu.memory_space<hbm>>
        %dma_wait3A_214 = tpu.memref_slice %arg3[%select_n3A, %select_n3A_63, %mul3A_81] : memref<2x32x4096xi32, #tpu.memory_space<hbm>> -> memref<1x1x1024xi32, #tpu.memory_space<hbm>>
        %dma_wait3A_215 = tpu.memref_squeeze %dma_wait3A_214 : memref<1x1x1024xi32, #tpu.memory_space<hbm>> -> memref<1024xi32, #tpu.memory_space<hbm>>
        tpu.wait_dma2 semaphore(%run_scoped3A : memref<!tpu.dma_semaphore, #tpu.memory_space<semaphore_mem>>) src(%dma_wait3A_215 : memref<1024xi32, #tpu.memory_space<hbm>>) dst(%arg5 : memref<1024xi32, #tpu.memory_space<vmem>>)
        tpu.yield
      }) : () -> ()
      %dma_start3A = arith.constant 0 : i32
      %dma_start3A_82 = arith.constant 0 : i32
      %dma_start3A_83 = tpu.memref_slice %arg6[%dma_start3A, %dma_start3A_82] : memref<1024x64xf32, #tpu.memory_space<vmem>> -> memref<128x64xf32, #tpu.memory_space<vmem>>
      %dma_start3A_84 = arith.constant 0 : i32
      %dma_start3A_85 = tpu.memref_slice %arg5[%dma_start3A_84] : memref<1024xi32, #tpu.memory_space<vmem>> -> memref<128xi32, #tpu.memory_space<vmem>>
      %dma_start3A_86 = arith.constant 0 : i32
      %dma_start3A_87 = arith.constant 0 : i32
      %dma_start3A_88 = tpu.memref_slice %arg2[%dma_start3A_86, %dma_start3A_87] : memref<8192x64xf32, #tpu.memory_space<hbm>> -> memref<8192x64xf32, #tpu.memory_space<hbm>>
      tpu.enqueue_indirect_dma source(%dma_start3A_88 : memref<8192x64xf32, #tpu.memory_space<hbm>>) target(%dma_start3A_83 : memref<128x64xf32, #tpu.memory_space<vmem>>) offsets(%dma_start3A_85 : memref<128xi32, #tpu.memory_space<vmem>>) semaphore(%arg7 : memref<!tpu.dma_semaphore, #tpu.memory_space<semaphore_mem>>)
      %dma_start3A_89 = arith.constant 128 : i32
      %dma_start3A_90 = arith.constant 0 : i32
      %dma_start3A_91 = tpu.memref_slice %arg6[%dma_start3A_89, %dma_start3A_90] : memref<1024x64xf32, #tpu.memory_space<vmem>> -> memref<128x64xf32, #tpu.memory_space<vmem>>
      %dma_start3A_92 = arith.constant 128 : i32
      %dma_start3A_93 = tpu.memref_slice %arg5[%dma_start3A_92] : memref<1024xi32, #tpu.memory_space<vmem>> -> memref<128xi32, #tpu.memory_space<vmem>>
      %dma_start3A_94 = arith.constant 0 : i32
      %dma_start3A_95 = arith.constant 0 : i32
      %dma_start3A_96 = tpu.memref_slice %arg2[%dma_start3A_94, %dma_start3A_95] : memref<8192x64xf32, #tpu.memory_space<hbm>> -> memref<8192x64xf32, #tpu.memory_space<hbm>>
      tpu.enqueue_indirect_dma source(%dma_start3A_96 : memref<8192x64xf32, #tpu.memory_space<hbm>>) target(%dma_start3A_91 : memref<128x64xf32, #tpu.memory_space<vmem>>) offsets(%dma_start3A_93 : memref<128xi32, #tpu.memory_space<vmem>>) semaphore(%arg7 : memref<!tpu.dma_semaphore, #tpu.memory_space<semaphore_mem>>)
      %dma_start3A_97 = arith.constant 256 : i32
      %dma_start3A_98 = arith.constant 0 : i32
      %dma_start3A_99 = tpu.memref_slice %arg6[%dma_start3A_97, %dma_start3A_98] : memref<1024x64xf32, #tpu.memory_space<vmem>> -> memref<128x64xf32, #tpu.memory_space<vmem>>
      %dma_start3A_100 = arith.constant 256 : i32
      %dma_start3A_101 = tpu.memref_slice %arg5[%dma_start3A_100] : memref<1024xi32, #tpu.memory_space<vmem>> -> memref<128xi32, #tpu.memory_space<vmem>>
      %dma_start3A_102 = arith.constant 0 : i32
      %dma_start3A_103 = arith.constant 0 : i32
      %dma_start3A_104 = tpu.memref_slice %arg2[%dma_start3A_102, %dma_start3A_103] : memref<8192x64xf32, #tpu.memory_space<hbm>> -> memref<8192x64xf32, #tpu.memory_space<hbm>>
      tpu.enqueue_indirect_dma source(%dma_start3A_104 : memref<8192x64xf32, #tpu.memory_space<hbm>>) target(%dma_start3A_99 : memref<128x64xf32, #tpu.memory_space<vmem>>) offsets(%dma_start3A_101 : memref<128xi32, #tpu.memory_space<vmem>>) semaphore(%arg7 : memref<!tpu.dma_semaphore, #tpu.memory_space<semaphore_mem>>)
      %dma_start3A_105 = arith.constant 384 : i32
      %dma_start3A_106 = arith.constant 0 : i32
      %dma_start3A_107 = tpu.memref_slice %arg6[%dma_start3A_105, %dma_start3A_106] : memref<1024x64xf32, #tpu.memory_space<vmem>> -> memref<128x64xf32, #tpu.memory_space<vmem>>
      %dma_start3A_108 = arith.constant 384 : i32
      %dma_start3A_109 = tpu.memref_slice %arg5[%dma_start3A_108] : memref<1024xi32, #tpu.memory_space<vmem>> -> memref<128xi32, #tpu.memory_space<vmem>>
      %dma_start3A_110 = arith.constant 0 : i32
      %dma_start3A_111 = arith.constant 0 : i32
      %dma_start3A_112 = tpu.memref_slice %arg2[%dma_start3A_110, %dma_start3A_111] : memref<8192x64xf32, #tpu.memory_space<hbm>> -> memref<8192x64xf32, #tpu.memory_space<hbm>>
      tpu.enqueue_indirect_dma source(%dma_start3A_112 : memref<8192x64xf32, #tpu.memory_space<hbm>>) target(%dma_start3A_107 : memref<128x64xf32, #tpu.memory_space<vmem>>) offsets(%dma_start3A_109 : memref<128xi32, #tpu.memory_space<vmem>>) semaphore(%arg7 : memref<!tpu.dma_semaphore, #tpu.memory_space<semaphore_mem>>)
      %dma_start3A_113 = arith.constant 512 : i32
      %dma_start3A_114 = arith.constant 0 : i32
      %dma_start3A_115 = tpu.memref_slice %arg6[%dma_start3A_113, %dma_start3A_114] : memref<1024x64xf32, #tpu.memory_space<vmem>> -> memref<128x64xf32, #tpu.memory_space<vmem>>
      %dma_start3A_116 = arith.constant 512 : i32
      %dma_start3A_117 = tpu.memref_slice %arg5[%dma_start3A_116] : memref<1024xi32, #tpu.memory_space<vmem>> -> memref<128xi32, #tpu.memory_space<vmem>>
      %dma_start3A_118 = arith.constant 0 : i32
      %dma_start3A_119 = arith.constant 0 : i32
      %dma_start3A_120 = tpu.memref_slice %arg2[%dma_start3A_118, %dma_start3A_119] : memref<8192x64xf32, #tpu.memory_space<hbm>> -> memref<8192x64xf32, #tpu.memory_space<hbm>>
      tpu.enqueue_indirect_dma source(%dma_start3A_120 : memref<8192x64xf32, #tpu.memory_space<hbm>>) target(%dma_start3A_115 : memref<128x64xf32, #tpu.memory_space<vmem>>) offsets(%dma_start3A_117 : memref<128xi32, #tpu.memory_space<vmem>>) semaphore(%arg7 : memref<!tpu.dma_semaphore, #tpu.memory_space<semaphore_mem>>)
      %dma_start3A_121 = arith.constant 640 : i32
      %dma_start3A_122 = arith.constant 0 : i32
      %dma_start3A_123 = tpu.memref_slice %arg6[%dma_start3A_121, %dma_start3A_122] : memref<1024x64xf32, #tpu.memory_space<vmem>> -> memref<128x64xf32, #tpu.memory_space<vmem>>
      %dma_start3A_124 = arith.constant 640 : i32
      %dma_start3A_125 = tpu.memref_slice %arg5[%dma_start3A_124] : memref<1024xi32, #tpu.memory_space<vmem>> -> memref<128xi32, #tpu.memory_space<vmem>>
      %dma_start3A_126 = arith.constant 0 : i32
      %dma_start3A_127 = arith.constant 0 : i32
      %dma_start3A_128 = tpu.memref_slice %arg2[%dma_start3A_126, %dma_start3A_127] : memref<8192x64xf32, #tpu.memory_space<hbm>> -> memref<8192x64xf32, #tpu.memory_space<hbm>>
      tpu.enqueue_indirect_dma source(%dma_start3A_128 : memref<8192x64xf32, #tpu.memory_space<hbm>>) target(%dma_start3A_123 : memref<128x64xf32, #tpu.memory_space<vmem>>) offsets(%dma_start3A_125 : memref<128xi32, #tpu.memory_space<vmem>>) semaphore(%arg7 : memref<!tpu.dma_semaphore, #tpu.memory_space<semaphore_mem>>)
      %dma_start3A_129 = arith.constant 768 : i32
      %dma_start3A_130 = arith.constant 0 : i32
      %dma_start3A_131 = tpu.memref_slice %arg6[%dma_start3A_129, %dma_start3A_130] : memref<1024x64xf32, #tpu.memory_space<vmem>> -> memref<128x64xf32, #tpu.memory_space<vmem>>
      %dma_start3A_132 = arith.constant 768 : i32
      %dma_start3A_133 = tpu.memref_slice %arg5[%dma_start3A_132] : memref<1024xi32, #tpu.memory_space<vmem>> -> memref<128xi32, #tpu.memory_space<vmem>>
      %dma_start3A_134 = arith.constant 0 : i32
      %dma_start3A_135 = arith.constant 0 : i32
      %dma_start3A_136 = tpu.memref_slice %arg2[%dma_start3A_134, %dma_start3A_135] : memref<8192x64xf32, #tpu.memory_space<hbm>> -> memref<8192x64xf32, #tpu.memory_space<hbm>>
      tpu.enqueue_indirect_dma source(%dma_start3A_136 : memref<8192x64xf32, #tpu.memory_space<hbm>>) target(%dma_start3A_131 : memref<128x64xf32, #tpu.memory_space<vmem>>) offsets(%dma_start3A_133 : memref<128xi32, #tpu.memory_space<vmem>>) semaphore(%arg7 : memref<!tpu.dma_semaphore, #tpu.memory_space<semaphore_mem>>)
      %dma_start3A_137 = arith.constant 896 : i32
      %dma_start3A_138 = arith.constant 0 : i32
      %dma_start3A_139 = tpu.memref_slice %arg6[%dma_start3A_137, %dma_start3A_138] : memref<1024x64xf32, #tpu.memory_space<vmem>> -> memref<128x64xf32, #tpu.memory_space<vmem>>
      %dma_start3A_140 = arith.constant 896 : i32
      %dma_start3A_141 = tpu.memref_slice %arg5[%dma_start3A_140] : memref<1024xi32, #tpu.memory_space<vmem>> -> memref<128xi32, #tpu.memory_space<vmem>>
      %dma_start3A_142 = arith.constant 0 : i32
      %dma_start3A_143 = arith.constant 0 : i32
      %dma_start3A_144 = tpu.memref_slice %arg2[%dma_start3A_142, %dma_start3A_143] : memref<8192x64xf32, #tpu.memory_space<hbm>> -> memref<8192x64xf32, #tpu.memory_space<hbm>>
      tpu.enqueue_indirect_dma source(%dma_start3A_144 : memref<8192x64xf32, #tpu.memory_space<hbm>>) target(%dma_start3A_139 : memref<128x64xf32, #tpu.memory_space<vmem>>) offsets(%dma_start3A_141 : memref<128xi32, #tpu.memory_space<vmem>>) semaphore(%arg7 : memref<!tpu.dma_semaphore, #tpu.memory_space<semaphore_mem>>)
      %dma_wait3A = arith.constant 0 : i32
      %dma_wait3A_145 = arith.constant 0 : i32
      %dma_wait3A_146 = tpu.memref_slice %arg6[%dma_wait3A, %dma_wait3A_145] : memref<1024x64xf32, #tpu.memory_space<vmem>> -> memref<128x64xf32, #tpu.memory_space<vmem>>
      %dma_wait3A_147 = arith.constant 0 : i32
      %dma_wait3A_148 = tpu.memref_slice %arg5[%dma_wait3A_147] : memref<1024xi32, #tpu.memory_space<vmem>> -> memref<128xi32, #tpu.memory_space<vmem>>
      %dma_wait3A_149 = arith.constant 0 : i32
      %dma_wait3A_150 = arith.constant 0 : i32
      %dma_wait3A_151 = tpu.memref_slice %arg2[%dma_wait3A_149, %dma_wait3A_150] : memref<8192x64xf32, #tpu.memory_space<hbm>> -> memref<8192x64xf32, #tpu.memory_space<hbm>>
      tpu.wait_indirect_dma semaphore(%arg7 : memref<!tpu.dma_semaphore, #tpu.memory_space<semaphore_mem>>) src(%dma_wait3A_151 : memref<8192x64xf32, #tpu.memory_space<hbm>>) dst(%dma_wait3A_146 : memref<128x64xf32, #tpu.memory_space<vmem>>)
      %dma_wait3A_152 = arith.constant 128 : i32
      %dma_wait3A_153 = arith.constant 0 : i32
      %dma_wait3A_154 = tpu.memref_slice %arg6[%dma_wait3A_152, %dma_wait3A_153] : memref<1024x64xf32, #tpu.memory_space<vmem>> -> memref<128x64xf32, #tpu.memory_space<vmem>>
      %dma_wait3A_155 = arith.constant 128 : i32
      %dma_wait3A_156 = tpu.memref_slice %arg5[%dma_wait3A_155] : memref<1024xi32, #tpu.memory_space<vmem>> -> memref<128xi32, #tpu.memory_space<vmem>>
      %dma_wait3A_157 = arith.constant 0 : i32
      %dma_wait3A_158 = arith.constant 0 : i32
      %dma_wait3A_159 = tpu.memref_slice %arg2[%dma_wait3A_157, %dma_wait3A_158] : memref<8192x64xf32, #tpu.memory_space<hbm>> -> memref<8192x64xf32, #tpu.memory_space<hbm>>
      tpu.wait_indirect_dma semaphore(%arg7 : memref<!tpu.dma_semaphore, #tpu.memory_space<semaphore_mem>>) src(%dma_wait3A_159 : memref<8192x64xf32, #tpu.memory_space<hbm>>) dst(%dma_wait3A_154 : memref<128x64xf32, #tpu.memory_space<vmem>>)
      %dma_wait3A_160 = arith.constant 256 : i32
      %dma_wait3A_161 = arith.constant 0 : i32
      %dma_wait3A_162 = tpu.memref_slice %arg6[%dma_wait3A_160, %dma_wait3A_161] : memref<1024x64xf32, #tpu.memory_space<vmem>> -> memref<128x64xf32, #tpu.memory_space<vmem>>
      %dma_wait3A_163 = arith.constant 256 : i32
      %dma_wait3A_164 = tpu.memref_slice %arg5[%dma_wait3A_163] : memref<1024xi32, #tpu.memory_space<vmem>> -> memref<128xi32, #tpu.memory_space<vmem>>
      %dma_wait3A_165 = arith.constant 0 : i32
      %dma_wait3A_166 = arith.constant 0 : i32
      %dma_wait3A_167 = tpu.memref_slice %arg2[%dma_wait3A_165, %dma_wait3A_166] : memref<8192x64xf32, #tpu.memory_space<hbm>> -> memref<8192x64xf32, #tpu.memory_space<hbm>>
      tpu.wait_indirect_dma semaphore(%arg7 : memref<!tpu.dma_semaphore, #tpu.memory_space<semaphore_mem>>) src(%dma_wait3A_167 : memref<8192x64xf32, #tpu.memory_space<hbm>>) dst(%dma_wait3A_162 : memref<128x64xf32, #tpu.memory_space<vmem>>)
      %dma_wait3A_168 = arith.constant 384 : i32
      %dma_wait3A_169 = arith.constant 0 : i32
      %dma_wait3A_170 = tpu.memref_slice %arg6[%dma_wait3A_168, %dma_wait3A_169] : memref<1024x64xf32, #tpu.memory_space<vmem>> -> memref<128x64xf32, #tpu.memory_space<vmem>>
      %dma_wait3A_171 = arith.constant 384 : i32
      %dma_wait3A_172 = tpu.memref_slice %arg5[%dma_wait3A_171] : memref<1024xi32, #tpu.memory_space<vmem>> -> memref<128xi32, #tpu.memory_space<vmem>>
      %dma_wait3A_173 = arith.constant 0 : i32
      %dma_wait3A_174 = arith.constant 0 : i32
      %dma_wait3A_175 = tpu.memref_slice %arg2[%dma_wait3A_173, %dma_wait3A_174] : memref<8192x64xf32, #tpu.memory_space<hbm>> -> memref<8192x64xf32, #tpu.memory_space<hbm>>
      tpu.wait_indirect_dma semaphore(%arg7 : memref<!tpu.dma_semaphore, #tpu.memory_space<semaphore_mem>>) src(%dma_wait3A_175 : memref<8192x64xf32, #tpu.memory_space<hbm>>) dst(%dma_wait3A_170 : memref<128x64xf32, #tpu.memory_space<vmem>>)
      %dma_wait3A_176 = arith.constant 512 : i32
      %dma_wait3A_177 = arith.constant 0 : i32
      %dma_wait3A_178 = tpu.memref_slice %arg6[%dma_wait3A_176, %dma_wait3A_177] : memref<1024x64xf32, #tpu.memory_space<vmem>> -> memref<128x64xf32, #tpu.memory_space<vmem>>
      %dma_wait3A_179 = arith.constant 512 : i32
      %dma_wait3A_180 = tpu.memref_slice %arg5[%dma_wait3A_179] : memref<1024xi32, #tpu.memory_space<vmem>> -> memref<128xi32, #tpu.memory_space<vmem>>
      %dma_wait3A_181 = arith.constant 0 : i32
      %dma_wait3A_182 = arith.constant 0 : i32
      %dma_wait3A_183 = tpu.memref_slice %arg2[%dma_wait3A_181, %dma_wait3A_182] : memref<8192x64xf32, #tpu.memory_space<hbm>> -> memref<8192x64xf32, #tpu.memory_space<hbm>>
      tpu.wait_indirect_dma semaphore(%arg7 : memref<!tpu.dma_semaphore, #tpu.memory_space<semaphore_mem>>) src(%dma_wait3A_183 : memref<8192x64xf32, #tpu.memory_space<hbm>>) dst(%dma_wait3A_178 : memref<128x64xf32, #tpu.memory_space<vmem>>)
      %dma_wait3A_184 = arith.constant 640 : i32
      %dma_wait3A_185 = arith.constant 0 : i32
      %dma_wait3A_186 = tpu.memref_slice %arg6[%dma_wait3A_184, %dma_wait3A_185] : memref<1024x64xf32, #tpu.memory_space<vmem>> -> memref<128x64xf32, #tpu.memory_space<vmem>>
      %dma_wait3A_187 = arith.constant 640 : i32
      %dma_wait3A_188 = tpu.memref_slice %arg5[%dma_wait3A_187] : memref<1024xi32, #tpu.memory_space<vmem>> -> memref<128xi32, #tpu.memory_space<vmem>>
      %dma_wait3A_189 = arith.constant 0 : i32
      %dma_wait3A_190 = arith.constant 0 : i32
      %dma_wait3A_191 = tpu.memref_slice %arg2[%dma_wait3A_189, %dma_wait3A_190] : memref<8192x64xf32, #tpu.memory_space<hbm>> -> memref<8192x64xf32, #tpu.memory_space<hbm>>
      tpu.wait_indirect_dma semaphore(%arg7 : memref<!tpu.dma_semaphore, #tpu.memory_space<semaphore_mem>>) src(%dma_wait3A_191 : memref<8192x64xf32, #tpu.memory_space<hbm>>) dst(%dma_wait3A_186 : memref<128x64xf32, #tpu.memory_space<vmem>>)
      %dma_wait3A_192 = arith.constant 768 : i32
      %dma_wait3A_193 = arith.constant 0 : i32
      %dma_wait3A_194 = tpu.memref_slice %arg6[%dma_wait3A_192, %dma_wait3A_193] : memref<1024x64xf32, #tpu.memory_space<vmem>> -> memref<128x64xf32, #tpu.memory_space<vmem>>
      %dma_wait3A_195 = arith.constant 768 : i32
      %dma_wait3A_196 = tpu.memref_slice %arg5[%dma_wait3A_195] : memref<1024xi32, #tpu.memory_space<vmem>> -> memref<128xi32, #tpu.memory_space<vmem>>
      %dma_wait3A_197 = arith.constant 0 : i32
      %dma_wait3A_198 = arith.constant 0 : i32
      %dma_wait3A_199 = tpu.memref_slice %arg2[%dma_wait3A_197, %dma_wait3A_198] : memref<8192x64xf32, #tpu.memory_space<hbm>> -> memref<8192x64xf32, #tpu.memory_space<hbm>>
      tpu.wait_indirect_dma semaphore(%arg7 : memref<!tpu.dma_semaphore, #tpu.memory_space<semaphore_mem>>) src(%dma_wait3A_199 : memref<8192x64xf32, #tpu.memory_space<hbm>>) dst(%dma_wait3A_194 : memref<128x64xf32, #tpu.memory_space<vmem>>)
      %dma_wait3A_200 = arith.constant 896 : i32
      %dma_wait3A_201 = arith.constant 0 : i32
      %dma_wait3A_202 = tpu.memref_slice %arg6[%dma_wait3A_200, %dma_wait3A_201] : memref<1024x64xf32, #tpu.memory_space<vmem>> -> memref<128x64xf32, #tpu.memory_space<vmem>>
      %dma_wait3A_203 = arith.constant 896 : i32
      %dma_wait3A_204 = tpu.memref_slice %arg5[%dma_wait3A_203] : memref<1024xi32, #tpu.memory_space<vmem>> -> memref<128xi32, #tpu.memory_space<vmem>>
      %dma_wait3A_205 = arith.constant 0 : i32
      %dma_wait3A_206 = arith.constant 0 : i32
      %dma_wait3A_207 = tpu.memref_slice %arg2[%dma_wait3A_205, %dma_wait3A_206] : memref<8192x64xf32, #tpu.memory_space<hbm>> -> memref<8192x64xf32, #tpu.memory_space<hbm>>
      tpu.wait_indirect_dma semaphore(%arg7 : memref<!tpu.dma_semaphore, #tpu.memory_space<semaphore_mem>>) src(%dma_wait3A_207 : memref<8192x64xf32, #tpu.memory_space<hbm>>) dst(%dma_wait3A_202 : memref<128x64xf32, #tpu.memory_space<vmem>>)
      "tpu.region"() ({
        %run_scoped3A = tpu.sem_alloc : memref<!tpu.dma_semaphore, #tpu.memory_space<semaphore_mem>>
        %dma_start3A_208 = arith.constant 0 : i32
        %dma_start3A_209 = tpu.memref_slice %arg4[%select_n3A, %select_n3A_63, %mul3A_81, %dma_start3A_208] : memref<2x20x4096x64xf32, #tpu.memory_space<hbm>> -> memref<1x1x1024x64xf32, #tpu.memory_space<hbm>>
        %dma_start3A_210 = tpu.memref_squeeze %dma_start3A_209 : memref<1x1x1024x64xf32, #tpu.memory_space<hbm>> -> memref<1024x64xf32, #tpu.memory_space<hbm>>
        %dma_start3A_211 = arith.constant 0 : i32
        %dma_start3A_212 = tpu.memref_slice %arg4[%select_n3A, %select_n3A_63, %mul3A_81, %dma_start3A_211] : memref<2x20x4096x64xf32, #tpu.memory_space<hbm>> -> memref<1x1x1024x64xf32, #tpu.memory_space<hbm>>
        %dma_start3A_213 = tpu.memref_squeeze %dma_start3A_212 : memref<1x1x1024x64xf32, #tpu.memory_space<hbm>> -> memref<1024x64xf32, #tpu.memory_space<hbm>>
        tpu.enqueue_dma source(%arg6 : memref<1024x64xf32, #tpu.memory_space<vmem>>) target(%dma_start3A_213 : memref<1024x64xf32, #tpu.memory_space<hbm>>) target_semaphore(%run_scoped3A : memref<!tpu.dma_semaphore, #tpu.memory_space<semaphore_mem>>)
        %dma_wait3A_214 = arith.constant 0 : i32
        %dma_wait3A_215 = tpu.memref_slice %arg4[%select_n3A, %select_n3A_63, %mul3A_81, %dma_wait3A_214] : memref<2x20x4096x64xf32, #tpu.memory_space<hbm>> -> memref<1x1x1024x64xf32, #tpu.memory_space<hbm>>
        %dma_wait3A_216 = tpu.memref_squeeze %dma_wait3A_215 : memref<1x1x1024x64xf32, #tpu.memory_space<hbm>> -> memref<1024x64xf32, #tpu.memory_space<hbm>>
        %dma_wait3A_217 = arith.constant 0 : i32
        %dma_wait3A_218 = tpu.memref_slice %arg4[%select_n3A, %select_n3A_63, %mul3A_81, %dma_wait3A_217] : memref<2x20x4096x64xf32, #tpu.memory_space<hbm>> -> memref<1x1x1024x64xf32, #tpu.memory_space<hbm>>
        %dma_wait3A_219 = tpu.memref_squeeze %dma_wait3A_218 : memref<1x1x1024x64xf32, #tpu.memory_space<hbm>> -> memref<1024x64xf32, #tpu.memory_space<hbm>>
        tpu.wait_dma2 semaphore(%run_scoped3A : memref<!tpu.dma_semaphore, #tpu.memory_space<semaphore_mem>>) src(%arg6 : memref<1024x64xf32, #tpu.memory_space<vmem>>) dst(%dma_wait3A_219 : memref<1024x64xf32, #tpu.memory_space<hbm>>)
        tpu.yield
      }) : () -> ()
    }
    %scan3A_5 = arith.constant 5 : i32
    return
  }
}

#map = affine_map<(d0, d1) -> (0, 0)>
#map1 = affine_map<(d0, d1) -> (0, 0, 0)>
#map2 = affine_map<(d0, d1) -> (0, 0, 0, 0)>
module attributes {stable_mosaic.version = 14 : i64} {
  func.func @gk(%arg0: i32, %arg1: i32, %arg2: memref<8192x64xf32, #tpu.memory_space<hbm>>, %arg3: memref<2x32x4096xi32, #tpu.memory_space<hbm>>, %arg4: memref<2x20x4096x64xf32, #tpu.memory_space<hbm>>, %arg5: memref<1024xi32, #tpu.memory_space<vmem>>, %arg6: memref<1024x64xf32, #tpu.memory_space<vmem>>, %arg7: memref<!tpu.dma_semaphore, #tpu.memory_space<semaphore_mem>>) attributes {dimension_semantics = [#tpu.dimension_semantics<core_parallel>, #tpu.dimension_semantics<subcore_parallel>], iteration_bounds = array<i64: 2, 16>, scalar_prefetch = 0 : i64, scratch_operands = 3 : i64, tpu.core_type = #tpu.core_type<sc_vector_subcore>, window_params = [{transform_indices = #map}, {transform_indices = #map1}, {transform_indices = #map2}]} {
    %mul3A = arith.constant 2 : i32
    %mul3A_0 = arith.muli %arg1, %mul3A : i32
    %add3A = arith.addi %mul3A_0, %arg0 : i32
    %scan3A = arith.constant 0 : i32
    %scan3A_1 = arith.constant 0 : i32
    %scan3A_2 = arith.constant 5 : i32
    %scan3A_3 = arith.addi %scan3A_1, %scan3A_2 : i32
    %scan3A_4 = arith.constant 1 : i32
    scf.for %scan3A_6 = %scan3A_1 to %scan3A_3 step %scan3A_4  : i32 {
      %mul3A_7 = arith.constant 5 : i32
      %mul3A_8 = arith.muli %add3A, %mul3A_7 : i32
      %add3A_9 = arith.addi %mul3A_8, %scan3A_6 : i32
      %jit3A = arith.constant 80 : i32
      %div3A = arith.divsi %add3A_9, %jit3A : i32
      %sign3A = arith.constant 0 : i32
      %sign3A_10 = arith.cmpi sgt, %add3A_9, %sign3A : i32
      %sign3A_11 = arith.extui %sign3A_10 : i1 to i32
      %sign3A_12 = arith.constant 0 : i32
      %sign3A_13 = arith.cmpi slt, %add3A_9, %sign3A_12 : i32
      %sign3A_14 = arith.extui %sign3A_13 : i1 to i32
      %sign3A_15 = arith.subi %sign3A_11, %sign3A_14 : i32
      %sign3A_16 = arith.constant 0 : i32
      %sign3A_17 = arith.cmpi sgt, %jit3A, %sign3A_16 : i32
      %sign3A_18 = arith.extui %sign3A_17 : i1 to i32
      %sign3A_19 = arith.constant 0 : i32
      %sign3A_20 = arith.cmpi slt, %jit3A, %sign3A_19 : i32
      %sign3A_21 = arith.extui %sign3A_20 : i1 to i32
      %sign3A_22 = arith.subi %sign3A_18, %sign3A_21 : i32
      %ne3A = arith.cmpi ne, %sign3A_15, %sign3A_22 : i32
      %rem3A = arith.remsi %add3A_9, %jit3A : i32
      %ne3A_23 = arith.constant 0 : i32
      %ne3A_24 = arith.cmpi ne, %rem3A, %ne3A_23 : i32
      %and3A = arith.andi %ne3A, %ne3A_24 : i1
      %sub3A = arith.constant 1 : i32
      %sub3A_25 = arith.subi %div3A, %sub3A : i32
      %select_n3A = arith.select %and3A, %sub3A_25, %div3A : i32
      %jit3A_26 = arith.constant 80 : i32
      %eq3A = arith.constant 0 : i32
      %eq3A_27 = arith.cmpi eq, %jit3A_26, %eq3A : i32
      %jit3A_28 = arith.constant 1 : i32
      %select_n3A_29 = arith.select %eq3A_27, %jit3A_28, %jit3A_26 : i32
      %rem3A_30 = arith.remsi %add3A_9, %select_n3A_29 : i32
      %ne3A_31 = arith.constant 0 : i32
      %ne3A_32 = arith.cmpi ne, %rem3A_30, %ne3A_31 : i32
      %lt3A = arith.constant 0 : i32
      %lt3A_33 = arith.cmpi slt, %rem3A_30, %lt3A : i32
      %lt3A_34 = arith.constant 0 : i32
      %lt3A_35 = arith.cmpi slt, %select_n3A_29, %lt3A_34 : i32
      %ne3A_36 = arith.xori %lt3A_33, %lt3A_35 : i1
      %and3A_37 = arith.andi %ne3A_36, %ne3A_32 : i1
      %add3A_38 = arith.addi %rem3A_30, %select_n3A_29 : i32
      %select_n3A_39 = arith.select %and3A_37, %add3A_38, %rem3A_30 : i32
      %jit3A_40 = arith.constant 4 : i32
      %div3A_41 = arith.divsi %select_n3A_39, %jit3A_40 : i32
      %sign3A_42 = arith.constant 0 : i32
      %sign3A_43 = arith.cmpi sgt, %select_n3A_39, %sign3A_42 : i32
      %sign3A_44 = arith.extui %sign3A_43 : i1 to i32
      %sign3A_45 = arith.constant 0 : i32
      %sign3A_46 = arith.cmpi slt, %select_n3A_39, %sign3A_45 : i32
      %sign3A_47 = arith.extui %sign3A_46 : i1 to i32
      %sign3A_48 = arith.subi %sign3A_44, %sign3A_47 : i32
      %sign3A_49 = arith.constant 0 : i32
      %sign3A_50 = arith.cmpi sgt, %jit3A_40, %sign3A_49 : i32
      %sign3A_51 = arith.extui %sign3A_50 : i1 to i32
      %sign3A_52 = arith.constant 0 : i32
      %sign3A_53 = arith.cmpi slt, %jit3A_40, %sign3A_52 : i32
      %sign3A_54 = arith.extui %sign3A_53 : i1 to i32
      %sign3A_55 = arith.subi %sign3A_51, %sign3A_54 : i32
      %ne3A_56 = arith.cmpi ne, %sign3A_48, %sign3A_55 : i32
      %rem3A_57 = arith.remsi %select_n3A_39, %jit3A_40 : i32
      %ne3A_58 = arith.constant 0 : i32
      %ne3A_59 = arith.cmpi ne, %rem3A_57, %ne3A_58 : i32
      %and3A_60 = arith.andi %ne3A_56, %ne3A_59 : i1
      %sub3A_61 = arith.constant 1 : i32
      %sub3A_62 = arith.subi %div3A_41, %sub3A_61 : i32
      %select_n3A_63 = arith.select %and3A_60, %sub3A_62, %div3A_41 : i32
      %jit3A_64 = arith.constant 4 : i32
      %eq3A_65 = arith.constant 0 : i32
      %eq3A_66 = arith.cmpi eq, %jit3A_64, %eq3A_65 : i32
      %jit3A_67 = arith.constant 1 : i32
      %select_n3A_68 = arith.select %eq3A_66, %jit3A_67, %jit3A_64 : i32
      %rem3A_69 = arith.remsi %select_n3A_39, %select_n3A_68 : i32
      %ne3A_70 = arith.constant 0 : i32
      %ne3A_71 = arith.cmpi ne, %rem3A_69, %ne3A_70 : i32
      %lt3A_72 = arith.constant 0 : i32
      %lt3A_73 = arith.cmpi slt, %rem3A_69, %lt3A_72 : i32
      %lt3A_74 = arith.constant 0 : i32
      %lt3A_75 = arith.cmpi slt, %select_n3A_68, %lt3A_74 : i32
      %ne3A_76 = arith.xori %lt3A_73, %lt3A_75 : i1
      %and3A_77 = arith.andi %ne3A_76, %ne3A_71 : i1
      %add3A_78 = arith.addi %rem3A_69, %select_n3A_68 : i32
      %select_n3A_79 = arith.select %and3A_77, %add3A_78, %rem3A_69 : i32
      %mul3A_80 = arith.constant 1024 : i32
      %mul3A_81 = arith.muli %select_n3A_79, %mul3A_80 : i32
      "tpu.region"() ({
        %run_scoped3A = tpu.sem_alloc : memref<!tpu.dma_semaphore, #tpu.memory_space<semaphore_mem>>
        %dma_start3A_208 = tpu.memref_slice %arg3[%select_n3A, %select_n3A_63, %mul3A_81] : memref<2x32x4096xi32, #tpu.memory_space<hbm>> -> memref<1x1x1024xi32, #tpu.memory_space<hbm>>
        %dma_start3A_209 = tpu.memref_squeeze %dma_start3A_208 : memref<1x1x1024xi32, #tpu.memory_space<hbm>> -> memref<1024xi32, #tpu.memory_space<hbm>>
        %dma_start3A_210 = tpu.memref_slice %arg3[%select_n3A, %select_n3A_63, %mul3A_81] : memref<2x32x4096xi32, #tpu.memory_space<hbm>> -> memref<1x1x1024xi32, #tpu.memory_space<hbm>>
        %dma_start3A_211 = tpu.memref_squeeze %dma_start3A_210 : memref<1x1x1024xi32, #tpu.memory_space<hbm>> -> memref<1024xi32, #tpu.memory_space<hbm>>
        tpu.enqueue_dma source(%dma_start3A_211 : memref<1024xi32, #tpu.memory_space<hbm>>) target(%arg5 : memref<1024xi32, #tpu.memory_space<vmem>>) target_semaphore(%run_scoped3A : memref<!tpu.dma_semaphore, #tpu.memory_space<semaphore_mem>>)
        %dma_wait3A_212 = tpu.memref_slice %arg3[%select_n3A, %select_n3A_63, %mul3A_81] : memref<2x32x4096xi32, #tpu.memory_space<hbm>> -> memref<1x1x1024xi32, #tpu.memory_space<hbm>>
        %dma_wait3A_213 = tpu.memref_squeeze %dma_wait3A_212 : memref<1x1x1024xi32, #tpu.memory_space<hbm>> -> memref<1024xi32, #tpu.memory_space<hbm>>
        %dma_wait3A_214 = tpu.memref_slice %arg3[%select_n3A, %select_n3A_63, %mul3A_81] : memref<2x32x4096xi32, #tpu.memory_space<hbm>> -> memref<1x1x1024xi32, #tpu.memory_space<hbm>>
        %dma_wait3A_215 = tpu.memref_squeeze %dma_wait3A_214 : memref<1x1x1024xi32, #tpu.memory_space<hbm>> -> memref<1024xi32, #tpu.memory_space<hbm>>
        tpu.wait_dma2 semaphore(%run_scoped3A : memref<!tpu.dma_semaphore, #tpu.memory_space<semaphore_mem>>) src(%dma_wait3A_215 : memref<1024xi32, #tpu.memory_space<hbm>>) dst(%arg5 : memref<1024xi32, #tpu.memory_space<vmem>>)
        tpu.yield
      }) : () -> ()
      %dma_start3A = arith.constant 0 : i32
      %dma_start3A_82 = arith.constant 0 : i32
      %dma_start3A_83 = tpu.memref_slice %arg6[%dma_start3A, %dma_start3A_82] : memref<1024x64xf32, #tpu.memory_space<vmem>> -> memref<128x64xf32, #tpu.memory_space<vmem>>
      %dma_start3A_84 = arith.constant 0 : i32
      %dma_start3A_85 = tpu.memref_slice %arg5[%dma_start3A_84] : memref<1024xi32, #tpu.memory_space<vmem>> -> memref<128xi32, #tpu.memory_space<vmem>>
      %dma_start3A_86 = arith.constant 0 : i32
      %dma_start3A_87 = arith.constant 0 : i32
      %dma_start3A_88 = tpu.memref_slice %arg2[%dma_start3A_86, %dma_start3A_87] : memref<8192x64xf32, #tpu.memory_space<hbm>> -> memref<8192x64xf32, #tpu.memory_space<hbm>>
      tpu.enqueue_indirect_dma source(%dma_start3A_88 : memref<8192x64xf32, #tpu.memory_space<hbm>>) target(%dma_start3A_83 : memref<128x64xf32, #tpu.memory_space<vmem>>) offsets(%dma_start3A_85 : memref<128xi32, #tpu.memory_space<vmem>>) semaphore(%arg7 : memref<!tpu.dma_semaphore, #tpu.memory_space<semaphore_mem>>)
      %dma_start3A_89 = arith.constant 128 : i32
      %dma_start3A_90 = arith.constant 0 : i32
      %dma_start3A_91 = tpu.memref_slice %arg6[%dma_start3A_89, %dma_start3A_90] : memref<1024x64xf32, #tpu.memory_space<vmem>> -> memref<128x64xf32, #tpu.memory_space<vmem>>
      %dma_start3A_92 = arith.constant 128 : i32
      %dma_start3A_93 = tpu.memref_slice %arg5[%dma_start3A_92] : memref<1024xi32, #tpu.memory_space<vmem>> -> memref<128xi32, #tpu.memory_space<vmem>>
      %dma_start3A_94 = arith.constant 0 : i32
      %dma_start3A_95 = arith.constant 0 : i32
      %dma_start3A_96 = tpu.memref_slice %arg2[%dma_start3A_94, %dma_start3A_95] : memref<8192x64xf32, #tpu.memory_space<hbm>> -> memref<8192x64xf32, #tpu.memory_space<hbm>>
      tpu.enqueue_indirect_dma source(%dma_start3A_96 : memref<8192x64xf32, #tpu.memory_space<hbm>>) target(%dma_start3A_91 : memref<128x64xf32, #tpu.memory_space<vmem>>) offsets(%dma_start3A_93 : memref<128xi32, #tpu.memory_space<vmem>>) semaphore(%arg7 : memref<!tpu.dma_semaphore, #tpu.memory_space<semaphore_mem>>)
      %dma_start3A_97 = arith.constant 256 : i32
      %dma_start3A_98 = arith.constant 0 : i32
      %dma_start3A_99 = tpu.memref_slice %arg6[%dma_start3A_97, %dma_start3A_98] : memref<1024x64xf32, #tpu.memory_space<vmem>> -> memref<128x64xf32, #tpu.memory_space<vmem>>
      %dma_start3A_100 = arith.constant 256 : i32
      %dma_start3A_101 = tpu.memref_slice %arg5[%dma_start3A_100] : memref<1024xi32, #tpu.memory_space<vmem>> -> memref<128xi32, #tpu.memory_space<vmem>>
      %dma_start3A_102 = arith.constant 0 : i32
      %dma_start3A_103 = arith.constant 0 : i32
      %dma_start3A_104 = tpu.memref_slice %arg2[%dma_start3A_102, %dma_start3A_103] : memref<8192x64xf32, #tpu.memory_space<hbm>> -> memref<8192x64xf32, #tpu.memory_space<hbm>>
      tpu.enqueue_indirect_dma source(%dma_start3A_104 : memref<8192x64xf32, #tpu.memory_space<hbm>>) target(%dma_start3A_99 : memref<128x64xf32, #tpu.memory_space<vmem>>) offsets(%dma_start3A_101 : memref<128xi32, #tpu.memory_space<vmem>>) semaphore(%arg7 : memref<!tpu.dma_semaphore, #tpu.memory_space<semaphore_mem>>)
      %dma_start3A_105 = arith.constant 384 : i32
      %dma_start3A_106 = arith.constant 0 : i32
      %dma_start3A_107 = tpu.memref_slice %arg6[%dma_start3A_105, %dma_start3A_106] : memref<1024x64xf32, #tpu.memory_space<vmem>> -> memref<128x64xf32, #tpu.memory_space<vmem>>
      %dma_start3A_108 = arith.constant 384 : i32
      %dma_start3A_109 = tpu.memref_slice %arg5[%dma_start3A_108] : memref<1024xi32, #tpu.memory_space<vmem>> -> memref<128xi32, #tpu.memory_space<vmem>>
      %dma_start3A_110 = arith.constant 0 : i32
      %dma_start3A_111 = arith.constant 0 : i32
      %dma_start3A_112 = tpu.memref_slice %arg2[%dma_start3A_110, %dma_start3A_111] : memref<8192x64xf32, #tpu.memory_space<hbm>> -> memref<8192x64xf32, #tpu.memory_space<hbm>>
      tpu.enqueue_indirect_dma source(%dma_start3A_112 : memref<8192x64xf32, #tpu.memory_space<hbm>>) target(%dma_start3A_107 : memref<128x64xf32, #tpu.memory_space<vmem>>) offsets(%dma_start3A_109 : memref<128xi32, #tpu.memory_space<vmem>>) semaphore(%arg7 : memref<!tpu.dma_semaphore, #tpu.memory_space<semaphore_mem>>)
      %dma_start3A_113 = arith.constant 512 : i32
      %dma_start3A_114 = arith.constant 0 : i32
      %dma_start3A_115 = tpu.memref_slice %arg6[%dma_start3A_113, %dma_start3A_114] : memref<1024x64xf32, #tpu.memory_space<vmem>> -> memref<128x64xf32, #tpu.memory_space<vmem>>
      %dma_start3A_116 = arith.constant 512 : i32
      %dma_start3A_117 = tpu.memref_slice %arg5[%dma_start3A_116] : memref<1024xi32, #tpu.memory_space<vmem>> -> memref<128xi32, #tpu.memory_space<vmem>>
      %dma_start3A_118 = arith.constant 0 : i32
      %dma_start3A_119 = arith.constant 0 : i32
      %dma_start3A_120 = tpu.memref_slice %arg2[%dma_start3A_118, %dma_start3A_119] : memref<8192x64xf32, #tpu.memory_space<hbm>> -> memref<8192x64xf32, #tpu.memory_space<hbm>>
      tpu.enqueue_indirect_dma source(%dma_start3A_120 : memref<8192x64xf32, #tpu.memory_space<hbm>>) target(%dma_start3A_115 : memref<128x64xf32, #tpu.memory_space<vmem>>) offsets(%dma_start3A_117 : memref<128xi32, #tpu.memory_space<vmem>>) semaphore(%arg7 : memref<!tpu.dma_semaphore, #tpu.memory_space<semaphore_mem>>)
      %dma_start3A_121 = arith.constant 640 : i32
      %dma_start3A_122 = arith.constant 0 : i32
      %dma_start3A_123 = tpu.memref_slice %arg6[%dma_start3A_121, %dma_start3A_122] : memref<1024x64xf32, #tpu.memory_space<vmem>> -> memref<128x64xf32, #tpu.memory_space<vmem>>
      %dma_start3A_124 = arith.constant 640 : i32
      %dma_start3A_125 = tpu.memref_slice %arg5[%dma_start3A_124] : memref<1024xi32, #tpu.memory_space<vmem>> -> memref<128xi32, #tpu.memory_space<vmem>>
      %dma_start3A_126 = arith.constant 0 : i32
      %dma_start3A_127 = arith.constant 0 : i32
      %dma_start3A_128 = tpu.memref_slice %arg2[%dma_start3A_126, %dma_start3A_127] : memref<8192x64xf32, #tpu.memory_space<hbm>> -> memref<8192x64xf32, #tpu.memory_space<hbm>>
      tpu.enqueue_indirect_dma source(%dma_start3A_128 : memref<8192x64xf32, #tpu.memory_space<hbm>>) target(%dma_start3A_123 : memref<128x64xf32, #tpu.memory_space<vmem>>) offsets(%dma_start3A_125 : memref<128xi32, #tpu.memory_space<vmem>>) semaphore(%arg7 : memref<!tpu.dma_semaphore, #tpu.memory_space<semaphore_mem>>)
      %dma_start3A_129 = arith.constant 768 : i32
      %dma_start3A_130 = arith.constant 0 : i32
      %dma_start3A_131 = tpu.memref_slice %arg6[%dma_start3A_129, %dma_start3A_130] : memref<1024x64xf32, #tpu.memory_space<vmem>> -> memref<128x64xf32, #tpu.memory_space<vmem>>
      %dma_start3A_132 = arith.constant 768 : i32
      %dma_start3A_133 = tpu.memref_slice %arg5[%dma_start3A_132] : memref<1024xi32, #tpu.memory_space<vmem>> -> memref<128xi32, #tpu.memory_space<vmem>>
      %dma_start3A_134 = arith.constant 0 : i32
      %dma_start3A_135 = arith.constant 0 : i32
      %dma_start3A_136 = tpu.memref_slice %arg2[%dma_start3A_134, %dma_start3A_135] : memref<8192x64xf32, #tpu.memory_space<hbm>> -> memref<8192x64xf32, #tpu.memory_space<hbm>>
      tpu.enqueue_indirect_dma source(%dma_start3A_136 : memref<8192x64xf32, #tpu.memory_space<hbm>>) target(%dma_start3A_131 : memref<128x64xf32, #tpu.memory_space<vmem>>) offsets(%dma_start3A_133 : memref<128xi32, #tpu.memory_space<vmem>>) semaphore(%arg7 : memref<!tpu.dma_semaphore, #tpu.memory_space<semaphore_mem>>)
      %dma_start3A_137 = arith.constant 896 : i32
      %dma_start3A_138 = arith.constant 0 : i32
      %dma_start3A_139 = tpu.memref_slice %arg6[%dma_start3A_137, %dma_start3A_138] : memref<1024x64xf32, #tpu.memory_space<vmem>> -> memref<128x64xf32, #tpu.memory_space<vmem>>
      %dma_start3A_140 = arith.constant 896 : i32
      %dma_start3A_141 = tpu.memref_slice %arg5[%dma_start3A_140] : memref<1024xi32, #tpu.memory_space<vmem>> -> memref<128xi32, #tpu.memory_space<vmem>>
      %dma_start3A_142 = arith.constant 0 : i32
      %dma_start3A_143 = arith.constant 0 : i32
      %dma_start3A_144 = tpu.memref_slice %arg2[%dma_start3A_142, %dma_start3A_143] : memref<8192x64xf32, #tpu.memory_space<hbm>> -> memref<8192x64xf32, #tpu.memory_space<hbm>>
      tpu.enqueue_indirect_dma source(%dma_start3A_144 : memref<8192x64xf32, #tpu.memory_space<hbm>>) target(%dma_start3A_139 : memref<128x64xf32, #tpu.memory_space<vmem>>) offsets(%dma_start3A_141 : memref<128xi32, #tpu.memory_space<vmem>>) semaphore(%arg7 : memref<!tpu.dma_semaphore, #tpu.memory_space<semaphore_mem>>)
      %dma_wait3A = arith.constant 0 : i32
      %dma_wait3A_145 = arith.constant 0 : i32
      %dma_wait3A_146 = tpu.memref_slice %arg6[%dma_wait3A, %dma_wait3A_145] : memref<1024x64xf32, #tpu.memory_space<vmem>> -> memref<128x64xf32, #tpu.memory_space<vmem>>
      %dma_wait3A_147 = arith.constant 0 : i32
      %dma_wait3A_148 = tpu.memref_slice %arg5[%dma_wait3A_147] : memref<1024xi32, #tpu.memory_space<vmem>> -> memref<128xi32, #tpu.memory_space<vmem>>
      %dma_wait3A_149 = arith.constant 0 : i32
      %dma_wait3A_150 = arith.constant 0 : i32
      %dma_wait3A_151 = tpu.memref_slice %arg2[%dma_wait3A_149, %dma_wait3A_150] : memref<8192x64xf32, #tpu.memory_space<hbm>> -> memref<8192x64xf32, #tpu.memory_space<hbm>>
      tpu.wait_indirect_dma semaphore(%arg7 : memref<!tpu.dma_semaphore, #tpu.memory_space<semaphore_mem>>) src(%dma_wait3A_151 : memref<8192x64xf32, #tpu.memory_space<hbm>>) dst(%dma_wait3A_146 : memref<128x64xf32, #tpu.memory_space<vmem>>)
      %dma_wait3A_152 = arith.constant 128 : i32
      %dma_wait3A_153 = arith.constant 0 : i32
      %dma_wait3A_154 = tpu.memref_slice %arg6[%dma_wait3A_152, %dma_wait3A_153] : memref<1024x64xf32, #tpu.memory_space<vmem>> -> memref<128x64xf32, #tpu.memory_space<vmem>>
      %dma_wait3A_155 = arith.constant 128 : i32
      %dma_wait3A_156 = tpu.memref_slice %arg5[%dma_wait3A_155] : memref<1024xi32, #tpu.memory_space<vmem>> -> memref<128xi32, #tpu.memory_space<vmem>>
      %dma_wait3A_157 = arith.constant 0 : i32
      %dma_wait3A_158 = arith.constant 0 : i32
      %dma_wait3A_159 = tpu.memref_slice %arg2[%dma_wait3A_157, %dma_wait3A_158] : memref<8192x64xf32, #tpu.memory_space<hbm>> -> memref<8192x64xf32, #tpu.memory_space<hbm>>
      tpu.wait_indirect_dma semaphore(%arg7 : memref<!tpu.dma_semaphore, #tpu.memory_space<semaphore_mem>>) src(%dma_wait3A_159 : memref<8192x64xf32, #tpu.memory_space<hbm>>) dst(%dma_wait3A_154 : memref<128x64xf32, #tpu.memory_space<vmem>>)
      %dma_wait3A_160 = arith.constant 256 : i32
      %dma_wait3A_161 = arith.constant 0 : i32
      %dma_wait3A_162 = tpu.memref_slice %arg6[%dma_wait3A_160, %dma_wait3A_161] : memref<1024x64xf32, #tpu.memory_space<vmem>> -> memref<128x64xf32, #tpu.memory_space<vmem>>
      %dma_wait3A_163 = arith.constant 256 : i32
      %dma_wait3A_164 = tpu.memref_slice %arg5[%dma_wait3A_163] : memref<1024xi32, #tpu.memory_space<vmem>> -> memref<128xi32, #tpu.memory_space<vmem>>
      %dma_wait3A_165 = arith.constant 0 : i32
      %dma_wait3A_166 = arith.constant 0 : i32
      %dma_wait3A_167 = tpu.memref_slice %arg2[%dma_wait3A_165, %dma_wait3A_166] : memref<8192x64xf32, #tpu.memory_space<hbm>> -> memref<8192x64xf32, #tpu.memory_space<hbm>>
      tpu.wait_indirect_dma semaphore(%arg7 : memref<!tpu.dma_semaphore, #tpu.memory_space<semaphore_mem>>) src(%dma_wait3A_167 : memref<8192x64xf32, #tpu.memory_space<hbm>>) dst(%dma_wait3A_162 : memref<128x64xf32, #tpu.memory_space<vmem>>)
      %dma_wait3A_168 = arith.constant 384 : i32
      %dma_wait3A_169 = arith.constant 0 : i32
      %dma_wait3A_170 = tpu.memref_slice %arg6[%dma_wait3A_168, %dma_wait3A_169] : memref<1024x64xf32, #tpu.memory_space<vmem>> -> memref<128x64xf32, #tpu.memory_space<vmem>>
      %dma_wait3A_171 = arith.constant 384 : i32
      %dma_wait3A_172 = tpu.memref_slice %arg5[%dma_wait3A_171] : memref<1024xi32, #tpu.memory_space<vmem>> -> memref<128xi32, #tpu.memory_space<vmem>>
      %dma_wait3A_173 = arith.constant 0 : i32
      %dma_wait3A_174 = arith.constant 0 : i32
      %dma_wait3A_175 = tpu.memref_slice %arg2[%dma_wait3A_173, %dma_wait3A_174] : memref<8192x64xf32, #tpu.memory_space<hbm>> -> memref<8192x64xf32, #tpu.memory_space<hbm>>
      tpu.wait_indirect_dma semaphore(%arg7 : memref<!tpu.dma_semaphore, #tpu.memory_space<semaphore_mem>>) src(%dma_wait3A_175 : memref<8192x64xf32, #tpu.memory_space<hbm>>) dst(%dma_wait3A_170 : memref<128x64xf32, #tpu.memory_space<vmem>>)
      %dma_wait3A_176 = arith.constant 512 : i32
      %dma_wait3A_177 = arith.constant 0 : i32
      %dma_wait3A_178 = tpu.memref_slice %arg6[%dma_wait3A_176, %dma_wait3A_177] : memref<1024x64xf32, #tpu.memory_space<vmem>> -> memref<128x64xf32, #tpu.memory_space<vmem>>
      %dma_wait3A_179 = arith.constant 512 : i32
      %dma_wait3A_180 = tpu.memref_slice %arg5[%dma_wait3A_179] : memref<1024xi32, #tpu.memory_space<vmem>> -> memref<128xi32, #tpu.memory_space<vmem>>
      %dma_wait3A_181 = arith.constant 0 : i32
      %dma_wait3A_182 = arith.constant 0 : i32
      %dma_wait3A_183 = tpu.memref_slice %arg2[%dma_wait3A_181, %dma_wait3A_182] : memref<8192x64xf32, #tpu.memory_space<hbm>> -> memref<8192x64xf32, #tpu.memory_space<hbm>>
      tpu.wait_indirect_dma semaphore(%arg7 : memref<!tpu.dma_semaphore, #tpu.memory_space<semaphore_mem>>) src(%dma_wait3A_183 : memref<8192x64xf32, #tpu.memory_space<hbm>>) dst(%dma_wait3A_178 : memref<128x64xf32, #tpu.memory_space<vmem>>)
      %dma_wait3A_184 = arith.constant 640 : i32
      %dma_wait3A_185 = arith.constant 0 : i32
      %dma_wait3A_186 = tpu.memref_slice %arg6[%dma_wait3A_184, %dma_wait3A_185] : memref<1024x64xf32, #tpu.memory_space<vmem>> -> memref<128x64xf32, #tpu.memory_space<vmem>>
      %dma_wait3A_187 = arith.constant 640 : i32
      %dma_wait3A_188 = tpu.memref_slice %arg5[%dma_wait3A_187] : memref<1024xi32, #tpu.memory_space<vmem>> -> memref<128xi32, #tpu.memory_space<vmem>>
      %dma_wait3A_189 = arith.constant 0 : i32
      %dma_wait3A_190 = arith.constant 0 : i32
      %dma_wait3A_191 = tpu.memref_slice %arg2[%dma_wait3A_189, %dma_wait3A_190] : memref<8192x64xf32, #tpu.memory_space<hbm>> -> memref<8192x64xf32, #tpu.memory_space<hbm>>
      tpu.wait_indirect_dma semaphore(%arg7 : memref<!tpu.dma_semaphore, #tpu.memory_space<semaphore_mem>>) src(%dma_wait3A_191 : memref<8192x64xf32, #tpu.memory_space<hbm>>) dst(%dma_wait3A_186 : memref<128x64xf32, #tpu.memory_space<vmem>>)
      %dma_wait3A_192 = arith.constant 768 : i32
      %dma_wait3A_193 = arith.constant 0 : i32
      %dma_wait3A_194 = tpu.memref_slice %arg6[%dma_wait3A_192, %dma_wait3A_193] : memref<1024x64xf32, #tpu.memory_space<vmem>> -> memref<128x64xf32, #tpu.memory_space<vmem>>
      %dma_wait3A_195 = arith.constant 768 : i32
      %dma_wait3A_196 = tpu.memref_slice %arg5[%dma_wait3A_195] : memref<1024xi32, #tpu.memory_space<vmem>> -> memref<128xi32, #tpu.memory_space<vmem>>
      %dma_wait3A_197 = arith.constant 0 : i32
      %dma_wait3A_198 = arith.constant 0 : i32
      %dma_wait3A_199 = tpu.memref_slice %arg2[%dma_wait3A_197, %dma_wait3A_198] : memref<8192x64xf32, #tpu.memory_space<hbm>> -> memref<8192x64xf32, #tpu.memory_space<hbm>>
      tpu.wait_indirect_dma semaphore(%arg7 : memref<!tpu.dma_semaphore, #tpu.memory_space<semaphore_mem>>) src(%dma_wait3A_199 : memref<8192x64xf32, #tpu.memory_space<hbm>>) dst(%dma_wait3A_194 : memref<128x64xf32, #tpu.memory_space<vmem>>)
      %dma_wait3A_200 = arith.constant 896 : i32
      %dma_wait3A_201 = arith.constant 0 : i32
      %dma_wait3A_202 = tpu.memref_slice %arg6[%dma_wait3A_200, %dma_wait3A_201] : memref<1024x64xf32, #tpu.memory_space<vmem>> -> memref<128x64xf32, #tpu.memory_space<vmem>>
      %dma_wait3A_203 = arith.constant 896 : i32
      %dma_wait3A_204 = tpu.memref_slice %arg5[%dma_wait3A_203] : memref<1024xi32, #tpu.memory_space<vmem>> -> memref<128xi32, #tpu.memory_space<vmem>>
      %dma_wait3A_205 = arith.constant 0 : i32
      %dma_wait3A_206 = arith.constant 0 : i32
      %dma_wait3A_207 = tpu.memref_slice %arg2[%dma_wait3A_205, %dma_wait3A_206] : memref<8192x64xf32, #tpu.memory_space<hbm>> -> memref<8192x64xf32, #tpu.memory_space<hbm>>
      tpu.wait_indirect_dma semaphore(%arg7 : memref<!tpu.dma_semaphore, #tpu.memory_space<semaphore_mem>>) src(%dma_wait3A_207 : memref<8192x64xf32, #tpu.memory_space<hbm>>) dst(%dma_wait3A_202 : memref<128x64xf32, #tpu.memory_space<vmem>>)
      "tpu.region"() ({
        %run_scoped3A = tpu.sem_alloc : memref<!tpu.dma_semaphore, #tpu.memory_space<semaphore_mem>>
        %dma_start3A_208 = arith.constant 0 : i32
        %dma_start3A_209 = tpu.memref_slice %arg4[%select_n3A, %select_n3A_63, %mul3A_81, %dma_start3A_208] : memref<2x20x4096x64xf32, #tpu.memory_space<hbm>> -> memref<1x1x1024x64xf32, #tpu.memory_space<hbm>>
        %dma_start3A_210 = tpu.memref_squeeze %dma_start3A_209 : memref<1x1x1024x64xf32, #tpu.memory_space<hbm>> -> memref<1024x64xf32, #tpu.memory_space<hbm>>
        %dma_start3A_211 = arith.constant 0 : i32
        %dma_start3A_212 = tpu.memref_slice %arg4[%select_n3A, %select_n3A_63, %mul3A_81, %dma_start3A_211] : memref<2x20x4096x64xf32, #tpu.memory_space<hbm>> -> memref<1x1x1024x64xf32, #tpu.memory_space<hbm>>
        %dma_start3A_213 = tpu.memref_squeeze %dma_start3A_212 : memref<1x1x1024x64xf32, #tpu.memory_space<hbm>> -> memref<1024x64xf32, #tpu.memory_space<hbm>>
        tpu.enqueue_dma source(%arg6 : memref<1024x64xf32, #tpu.memory_space<vmem>>) target(%dma_start3A_213 : memref<1024x64xf32, #tpu.memory_space<hbm>>) target_semaphore(%run_scoped3A : memref<!tpu.dma_semaphore, #tpu.memory_space<semaphore_mem>>)
        %dma_wait3A_214 = arith.constant 0 : i32
        %dma_wait3A_215 = tpu.memref_slice %arg4[%select_n3A, %select_n3A_63, %mul3A_81, %dma_wait3A_214] : memref<2x20x4096x64xf32, #tpu.memory_space<hbm>> -> memref<1x1x1024x64xf32, #tpu.memory_space<hbm>>
        %dma_wait3A_216 = tpu.memref_squeeze %dma_wait3A_215 : memref<1x1x1024x64xf32, #tpu.memory_space<hbm>> -> memref<1024x64xf32, #tpu.memory_space<hbm>>
        %dma_wait3A_217 = arith.constant 0 : i32
        %dma_wait3A_218 = tpu.memref_slice %arg4[%select_n3A, %select_n3A_63, %mul3A_81, %dma_wait3A_217] : memref<2x20x4096x64xf32, #tpu.memory_space<hbm>> -> memref<1x1x1024x64xf32, #tpu.memory_space<hbm>>
        %dma_wait3A_219 = tpu.memref_squeeze %dma_wait3A_218 : memref<1x1x1024x64xf32, #tpu.memory_space<hbm>> -> memref<1024x64xf32, #tpu.memory_space<hbm>>
        tpu.wait_dma2 semaphore(%run_scoped3A : memref<!tpu.dma_semaphore, #tpu.memory_space<semaphore_mem>>) src(%arg6 : memref<1024x64xf32, #tpu.memory_space<vmem>>) dst(%dma_wait3A_219 : memref<1024x64xf32, #tpu.memory_space<hbm>>)
        tpu.yield
      }) : () -> ()
    }
    %scan3A_5 = arith.constant 5 : i32
    return
  }
}

#map = affine_map<(d0, d1) -> (0, 0)>
#map1 = affine_map<(d0, d1) -> (0, 0, 0)>
#map2 = affine_map<(d0, d1) -> (0, 0, 0, 0)>
module attributes {stable_mosaic.version = 14 : i64} {
  func.func @gk(%arg0: i32, %arg1: i32, %arg2: memref<8192x16xf32, #tpu.memory_space<hbm>>, %arg3: memref<2x32x4096xi32, #tpu.memory_space<hbm>>, %arg4: memref<2x20x4096x16xf32, #tpu.memory_space<hbm>>, %arg5: memref<1024xi32, #tpu.memory_space<vmem>>, %arg6: memref<1024x16xf32, #tpu.memory_space<vmem>>, %arg7: memref<!tpu.dma_semaphore, #tpu.memory_space<semaphore_mem>>) attributes {dimension_semantics = [#tpu.dimension_semantics<core_parallel>, #tpu.dimension_semantics<subcore_parallel>], iteration_bounds = array<i64: 2, 16>, scalar_prefetch = 0 : i64, scratch_operands = 3 : i64, tpu.core_type = #tpu.core_type<sc_vector_subcore>, window_params = [{transform_indices = #map}, {transform_indices = #map1}, {transform_indices = #map2}]} {
    %mul3A = arith.constant 2 : i32
    %mul3A_0 = arith.muli %arg1, %mul3A : i32
    %add3A = arith.addi %mul3A_0, %arg0 : i32
    %scan3A = arith.constant 0 : i32
    %scan3A_1 = arith.constant 0 : i32
    %scan3A_2 = arith.constant 5 : i32
    %scan3A_3 = arith.addi %scan3A_1, %scan3A_2 : i32
    %scan3A_4 = arith.constant 1 : i32
    scf.for %scan3A_6 = %scan3A_1 to %scan3A_3 step %scan3A_4  : i32 {
      %mul3A_7 = arith.constant 5 : i32
      %mul3A_8 = arith.muli %add3A, %mul3A_7 : i32
      %add3A_9 = arith.addi %mul3A_8, %scan3A_6 : i32
      %jit3A = arith.constant 80 : i32
      %div3A = arith.divsi %add3A_9, %jit3A : i32
      %sign3A = arith.constant 0 : i32
      %sign3A_10 = arith.cmpi sgt, %add3A_9, %sign3A : i32
      %sign3A_11 = arith.extui %sign3A_10 : i1 to i32
      %sign3A_12 = arith.constant 0 : i32
      %sign3A_13 = arith.cmpi slt, %add3A_9, %sign3A_12 : i32
      %sign3A_14 = arith.extui %sign3A_13 : i1 to i32
      %sign3A_15 = arith.subi %sign3A_11, %sign3A_14 : i32
      %sign3A_16 = arith.constant 0 : i32
      %sign3A_17 = arith.cmpi sgt, %jit3A, %sign3A_16 : i32
      %sign3A_18 = arith.extui %sign3A_17 : i1 to i32
      %sign3A_19 = arith.constant 0 : i32
      %sign3A_20 = arith.cmpi slt, %jit3A, %sign3A_19 : i32
      %sign3A_21 = arith.extui %sign3A_20 : i1 to i32
      %sign3A_22 = arith.subi %sign3A_18, %sign3A_21 : i32
      %ne3A = arith.cmpi ne, %sign3A_15, %sign3A_22 : i32
      %rem3A = arith.remsi %add3A_9, %jit3A : i32
      %ne3A_23 = arith.constant 0 : i32
      %ne3A_24 = arith.cmpi ne, %rem3A, %ne3A_23 : i32
      %and3A = arith.andi %ne3A, %ne3A_24 : i1
      %sub3A = arith.constant 1 : i32
      %sub3A_25 = arith.subi %div3A, %sub3A : i32
      %select_n3A = arith.select %and3A, %sub3A_25, %div3A : i32
      %jit3A_26 = arith.constant 80 : i32
      %eq3A = arith.constant 0 : i32
      %eq3A_27 = arith.cmpi eq, %jit3A_26, %eq3A : i32
      %jit3A_28 = arith.constant 1 : i32
      %select_n3A_29 = arith.select %eq3A_27, %jit3A_28, %jit3A_26 : i32
      %rem3A_30 = arith.remsi %add3A_9, %select_n3A_29 : i32
      %ne3A_31 = arith.constant 0 : i32
      %ne3A_32 = arith.cmpi ne, %rem3A_30, %ne3A_31 : i32
      %lt3A = arith.constant 0 : i32
      %lt3A_33 = arith.cmpi slt, %rem3A_30, %lt3A : i32
      %lt3A_34 = arith.constant 0 : i32
      %lt3A_35 = arith.cmpi slt, %select_n3A_29, %lt3A_34 : i32
      %ne3A_36 = arith.xori %lt3A_33, %lt3A_35 : i1
      %and3A_37 = arith.andi %ne3A_36, %ne3A_32 : i1
      %add3A_38 = arith.addi %rem3A_30, %select_n3A_29 : i32
      %select_n3A_39 = arith.select %and3A_37, %add3A_38, %rem3A_30 : i32
      %jit3A_40 = arith.constant 4 : i32
      %div3A_41 = arith.divsi %select_n3A_39, %jit3A_40 : i32
      %sign3A_42 = arith.constant 0 : i32
      %sign3A_43 = arith.cmpi sgt, %select_n3A_39, %sign3A_42 : i32
      %sign3A_44 = arith.extui %sign3A_43 : i1 to i32
      %sign3A_45 = arith.constant 0 : i32
      %sign3A_46 = arith.cmpi slt, %select_n3A_39, %sign3A_45 : i32
      %sign3A_47 = arith.extui %sign3A_46 : i1 to i32
      %sign3A_48 = arith.subi %sign3A_44, %sign3A_47 : i32
      %sign3A_49 = arith.constant 0 : i32
      %sign3A_50 = arith.cmpi sgt, %jit3A_40, %sign3A_49 : i32
      %sign3A_51 = arith.extui %sign3A_50 : i1 to i32
      %sign3A_52 = arith.constant 0 : i32
      %sign3A_53 = arith.cmpi slt, %jit3A_40, %sign3A_52 : i32
      %sign3A_54 = arith.extui %sign3A_53 : i1 to i32
      %sign3A_55 = arith.subi %sign3A_51, %sign3A_54 : i32
      %ne3A_56 = arith.cmpi ne, %sign3A_48, %sign3A_55 : i32
      %rem3A_57 = arith.remsi %select_n3A_39, %jit3A_40 : i32
      %ne3A_58 = arith.constant 0 : i32
      %ne3A_59 = arith.cmpi ne, %rem3A_57, %ne3A_58 : i32
      %and3A_60 = arith.andi %ne3A_56, %ne3A_59 : i1
      %sub3A_61 = arith.constant 1 : i32
      %sub3A_62 = arith.subi %div3A_41, %sub3A_61 : i32
      %select_n3A_63 = arith.select %and3A_60, %sub3A_62, %div3A_41 : i32
      %jit3A_64 = arith.constant 4 : i32
      %eq3A_65 = arith.constant 0 : i32
      %eq3A_66 = arith.cmpi eq, %jit3A_64, %eq3A_65 : i32
      %jit3A_67 = arith.constant 1 : i32
      %select_n3A_68 = arith.select %eq3A_66, %jit3A_67, %jit3A_64 : i32
      %rem3A_69 = arith.remsi %select_n3A_39, %select_n3A_68 : i32
      %ne3A_70 = arith.constant 0 : i32
      %ne3A_71 = arith.cmpi ne, %rem3A_69, %ne3A_70 : i32
      %lt3A_72 = arith.constant 0 : i32
      %lt3A_73 = arith.cmpi slt, %rem3A_69, %lt3A_72 : i32
      %lt3A_74 = arith.constant 0 : i32
      %lt3A_75 = arith.cmpi slt, %select_n3A_68, %lt3A_74 : i32
      %ne3A_76 = arith.xori %lt3A_73, %lt3A_75 : i1
      %and3A_77 = arith.andi %ne3A_76, %ne3A_71 : i1
      %add3A_78 = arith.addi %rem3A_69, %select_n3A_68 : i32
      %select_n3A_79 = arith.select %and3A_77, %add3A_78, %rem3A_69 : i32
      %mul3A_80 = arith.constant 1024 : i32
      %mul3A_81 = arith.muli %select_n3A_79, %mul3A_80 : i32
      "tpu.region"() ({
        %run_scoped3A = tpu.sem_alloc : memref<!tpu.dma_semaphore, #tpu.memory_space<semaphore_mem>>
        %dma_start3A_208 = tpu.memref_slice %arg3[%select_n3A, %select_n3A_63, %mul3A_81] : memref<2x32x4096xi32, #tpu.memory_space<hbm>> -> memref<1x1x1024xi32, #tpu.memory_space<hbm>>
        %dma_start3A_209 = tpu.memref_squeeze %dma_start3A_208 : memref<1x1x1024xi32, #tpu.memory_space<hbm>> -> memref<1024xi32, #tpu.memory_space<hbm>>
        %dma_start3A_210 = tpu.memref_slice %arg3[%select_n3A, %select_n3A_63, %mul3A_81] : memref<2x32x4096xi32, #tpu.memory_space<hbm>> -> memref<1x1x1024xi32, #tpu.memory_space<hbm>>
        %dma_start3A_211 = tpu.memref_squeeze %dma_start3A_210 : memref<1x1x1024xi32, #tpu.memory_space<hbm>> -> memref<1024xi32, #tpu.memory_space<hbm>>
        tpu.enqueue_dma source(%dma_start3A_211 : memref<1024xi32, #tpu.memory_space<hbm>>) target(%arg5 : memref<1024xi32, #tpu.memory_space<vmem>>) target_semaphore(%run_scoped3A : memref<!tpu.dma_semaphore, #tpu.memory_space<semaphore_mem>>)
        %dma_wait3A_212 = tpu.memref_slice %arg3[%select_n3A, %select_n3A_63, %mul3A_81] : memref<2x32x4096xi32, #tpu.memory_space<hbm>> -> memref<1x1x1024xi32, #tpu.memory_space<hbm>>
        %dma_wait3A_213 = tpu.memref_squeeze %dma_wait3A_212 : memref<1x1x1024xi32, #tpu.memory_space<hbm>> -> memref<1024xi32, #tpu.memory_space<hbm>>
        %dma_wait3A_214 = tpu.memref_slice %arg3[%select_n3A, %select_n3A_63, %mul3A_81] : memref<2x32x4096xi32, #tpu.memory_space<hbm>> -> memref<1x1x1024xi32, #tpu.memory_space<hbm>>
        %dma_wait3A_215 = tpu.memref_squeeze %dma_wait3A_214 : memref<1x1x1024xi32, #tpu.memory_space<hbm>> -> memref<1024xi32, #tpu.memory_space<hbm>>
        tpu.wait_dma2 semaphore(%run_scoped3A : memref<!tpu.dma_semaphore, #tpu.memory_space<semaphore_mem>>) src(%dma_wait3A_215 : memref<1024xi32, #tpu.memory_space<hbm>>) dst(%arg5 : memref<1024xi32, #tpu.memory_space<vmem>>)
        tpu.yield
      }) : () -> ()
      %dma_start3A = arith.constant 0 : i32
      %dma_start3A_82 = arith.constant 0 : i32
      %dma_start3A_83 = tpu.memref_slice %arg6[%dma_start3A, %dma_start3A_82] : memref<1024x16xf32, #tpu.memory_space<vmem>> -> memref<128x16xf32, #tpu.memory_space<vmem>>
      %dma_start3A_84 = arith.constant 0 : i32
      %dma_start3A_85 = tpu.memref_slice %arg5[%dma_start3A_84] : memref<1024xi32, #tpu.memory_space<vmem>> -> memref<128xi32, #tpu.memory_space<vmem>>
      %dma_start3A_86 = arith.constant 0 : i32
      %dma_start3A_87 = arith.constant 0 : i32
      %dma_start3A_88 = tpu.memref_slice %arg2[%dma_start3A_86, %dma_start3A_87] : memref<8192x16xf32, #tpu.memory_space<hbm>> -> memref<8192x16xf32, #tpu.memory_space<hbm>>
      tpu.enqueue_indirect_dma source(%dma_start3A_88 : memref<8192x16xf32, #tpu.memory_space<hbm>>) target(%dma_start3A_83 : memref<128x16xf32, #tpu.memory_space<vmem>>) offsets(%dma_start3A_85 : memref<128xi32, #tpu.memory_space<vmem>>) semaphore(%arg7 : memref<!tpu.dma_semaphore, #tpu.memory_space<semaphore_mem>>)
      %dma_start3A_89 = arith.constant 128 : i32
      %dma_start3A_90 = arith.constant 0 : i32
      %dma_start3A_91 = tpu.memref_slice %arg6[%dma_start3A_89, %dma_start3A_90] : memref<1024x16xf32, #tpu.memory_space<vmem>> -> memref<128x16xf32, #tpu.memory_space<vmem>>
      %dma_start3A_92 = arith.constant 128 : i32
      %dma_start3A_93 = tpu.memref_slice %arg5[%dma_start3A_92] : memref<1024xi32, #tpu.memory_space<vmem>> -> memref<128xi32, #tpu.memory_space<vmem>>
      %dma_start3A_94 = arith.constant 0 : i32
      %dma_start3A_95 = arith.constant 0 : i32
      %dma_start3A_96 = tpu.memref_slice %arg2[%dma_start3A_94, %dma_start3A_95] : memref<8192x16xf32, #tpu.memory_space<hbm>> -> memref<8192x16xf32, #tpu.memory_space<hbm>>
      tpu.enqueue_indirect_dma source(%dma_start3A_96 : memref<8192x16xf32, #tpu.memory_space<hbm>>) target(%dma_start3A_91 : memref<128x16xf32, #tpu.memory_space<vmem>>) offsets(%dma_start3A_93 : memref<128xi32, #tpu.memory_space<vmem>>) semaphore(%arg7 : memref<!tpu.dma_semaphore, #tpu.memory_space<semaphore_mem>>)
      %dma_start3A_97 = arith.constant 256 : i32
      %dma_start3A_98 = arith.constant 0 : i32
      %dma_start3A_99 = tpu.memref_slice %arg6[%dma_start3A_97, %dma_start3A_98] : memref<1024x16xf32, #tpu.memory_space<vmem>> -> memref<128x16xf32, #tpu.memory_space<vmem>>
      %dma_start3A_100 = arith.constant 256 : i32
      %dma_start3A_101 = tpu.memref_slice %arg5[%dma_start3A_100] : memref<1024xi32, #tpu.memory_space<vmem>> -> memref<128xi32, #tpu.memory_space<vmem>>
      %dma_start3A_102 = arith.constant 0 : i32
      %dma_start3A_103 = arith.constant 0 : i32
      %dma_start3A_104 = tpu.memref_slice %arg2[%dma_start3A_102, %dma_start3A_103] : memref<8192x16xf32, #tpu.memory_space<hbm>> -> memref<8192x16xf32, #tpu.memory_space<hbm>>
      tpu.enqueue_indirect_dma source(%dma_start3A_104 : memref<8192x16xf32, #tpu.memory_space<hbm>>) target(%dma_start3A_99 : memref<128x16xf32, #tpu.memory_space<vmem>>) offsets(%dma_start3A_101 : memref<128xi32, #tpu.memory_space<vmem>>) semaphore(%arg7 : memref<!tpu.dma_semaphore, #tpu.memory_space<semaphore_mem>>)
      %dma_start3A_105 = arith.constant 384 : i32
      %dma_start3A_106 = arith.constant 0 : i32
      %dma_start3A_107 = tpu.memref_slice %arg6[%dma_start3A_105, %dma_start3A_106] : memref<1024x16xf32, #tpu.memory_space<vmem>> -> memref<128x16xf32, #tpu.memory_space<vmem>>
      %dma_start3A_108 = arith.constant 384 : i32
      %dma_start3A_109 = tpu.memref_slice %arg5[%dma_start3A_108] : memref<1024xi32, #tpu.memory_space<vmem>> -> memref<128xi32, #tpu.memory_space<vmem>>
      %dma_start3A_110 = arith.constant 0 : i32
      %dma_start3A_111 = arith.constant 0 : i32
      %dma_start3A_112 = tpu.memref_slice %arg2[%dma_start3A_110, %dma_start3A_111] : memref<8192x16xf32, #tpu.memory_space<hbm>> -> memref<8192x16xf32, #tpu.memory_space<hbm>>
      tpu.enqueue_indirect_dma source(%dma_start3A_112 : memref<8192x16xf32, #tpu.memory_space<hbm>>) target(%dma_start3A_107 : memref<128x16xf32, #tpu.memory_space<vmem>>) offsets(%dma_start3A_109 : memref<128xi32, #tpu.memory_space<vmem>>) semaphore(%arg7 : memref<!tpu.dma_semaphore, #tpu.memory_space<semaphore_mem>>)
      %dma_start3A_113 = arith.constant 512 : i32
      %dma_start3A_114 = arith.constant 0 : i32
      %dma_start3A_115 = tpu.memref_slice %arg6[%dma_start3A_113, %dma_start3A_114] : memref<1024x16xf32, #tpu.memory_space<vmem>> -> memref<128x16xf32, #tpu.memory_space<vmem>>
      %dma_start3A_116 = arith.constant 512 : i32
      %dma_start3A_117 = tpu.memref_slice %arg5[%dma_start3A_116] : memref<1024xi32, #tpu.memory_space<vmem>> -> memref<128xi32, #tpu.memory_space<vmem>>
      %dma_start3A_118 = arith.constant 0 : i32
      %dma_start3A_119 = arith.constant 0 : i32
      %dma_start3A_120 = tpu.memref_slice %arg2[%dma_start3A_118, %dma_start3A_119] : memref<8192x16xf32, #tpu.memory_space<hbm>> -> memref<8192x16xf32, #tpu.memory_space<hbm>>
      tpu.enqueue_indirect_dma source(%dma_start3A_120 : memref<8192x16xf32, #tpu.memory_space<hbm>>) target(%dma_start3A_115 : memref<128x16xf32, #tpu.memory_space<vmem>>) offsets(%dma_start3A_117 : memref<128xi32, #tpu.memory_space<vmem>>) semaphore(%arg7 : memref<!tpu.dma_semaphore, #tpu.memory_space<semaphore_mem>>)
      %dma_start3A_121 = arith.constant 640 : i32
      %dma_start3A_122 = arith.constant 0 : i32
      %dma_start3A_123 = tpu.memref_slice %arg6[%dma_start3A_121, %dma_start3A_122] : memref<1024x16xf32, #tpu.memory_space<vmem>> -> memref<128x16xf32, #tpu.memory_space<vmem>>
      %dma_start3A_124 = arith.constant 640 : i32
      %dma_start3A_125 = tpu.memref_slice %arg5[%dma_start3A_124] : memref<1024xi32, #tpu.memory_space<vmem>> -> memref<128xi32, #tpu.memory_space<vmem>>
      %dma_start3A_126 = arith.constant 0 : i32
      %dma_start3A_127 = arith.constant 0 : i32
      %dma_start3A_128 = tpu.memref_slice %arg2[%dma_start3A_126, %dma_start3A_127] : memref<8192x16xf32, #tpu.memory_space<hbm>> -> memref<8192x16xf32, #tpu.memory_space<hbm>>
      tpu.enqueue_indirect_dma source(%dma_start3A_128 : memref<8192x16xf32, #tpu.memory_space<hbm>>) target(%dma_start3A_123 : memref<128x16xf32, #tpu.memory_space<vmem>>) offsets(%dma_start3A_125 : memref<128xi32, #tpu.memory_space<vmem>>) semaphore(%arg7 : memref<!tpu.dma_semaphore, #tpu.memory_space<semaphore_mem>>)
      %dma_start3A_129 = arith.constant 768 : i32
      %dma_start3A_130 = arith.constant 0 : i32
      %dma_start3A_131 = tpu.memref_slice %arg6[%dma_start3A_129, %dma_start3A_130] : memref<1024x16xf32, #tpu.memory_space<vmem>> -> memref<128x16xf32, #tpu.memory_space<vmem>>
      %dma_start3A_132 = arith.constant 768 : i32
      %dma_start3A_133 = tpu.memref_slice %arg5[%dma_start3A_132] : memref<1024xi32, #tpu.memory_space<vmem>> -> memref<128xi32, #tpu.memory_space<vmem>>
      %dma_start3A_134 = arith.constant 0 : i32
      %dma_start3A_135 = arith.constant 0 : i32
      %dma_start3A_136 = tpu.memref_slice %arg2[%dma_start3A_134, %dma_start3A_135] : memref<8192x16xf32, #tpu.memory_space<hbm>> -> memref<8192x16xf32, #tpu.memory_space<hbm>>
      tpu.enqueue_indirect_dma source(%dma_start3A_136 : memref<8192x16xf32, #tpu.memory_space<hbm>>) target(%dma_start3A_131 : memref<128x16xf32, #tpu.memory_space<vmem>>) offsets(%dma_start3A_133 : memref<128xi32, #tpu.memory_space<vmem>>) semaphore(%arg7 : memref<!tpu.dma_semaphore, #tpu.memory_space<semaphore_mem>>)
      %dma_start3A_137 = arith.constant 896 : i32
      %dma_start3A_138 = arith.constant 0 : i32
      %dma_start3A_139 = tpu.memref_slice %arg6[%dma_start3A_137, %dma_start3A_138] : memref<1024x16xf32, #tpu.memory_space<vmem>> -> memref<128x16xf32, #tpu.memory_space<vmem>>
      %dma_start3A_140 = arith.constant 896 : i32
      %dma_start3A_141 = tpu.memref_slice %arg5[%dma_start3A_140] : memref<1024xi32, #tpu.memory_space<vmem>> -> memref<128xi32, #tpu.memory_space<vmem>>
      %dma_start3A_142 = arith.constant 0 : i32
      %dma_start3A_143 = arith.constant 0 : i32
      %dma_start3A_144 = tpu.memref_slice %arg2[%dma_start3A_142, %dma_start3A_143] : memref<8192x16xf32, #tpu.memory_space<hbm>> -> memref<8192x16xf32, #tpu.memory_space<hbm>>
      tpu.enqueue_indirect_dma source(%dma_start3A_144 : memref<8192x16xf32, #tpu.memory_space<hbm>>) target(%dma_start3A_139 : memref<128x16xf32, #tpu.memory_space<vmem>>) offsets(%dma_start3A_141 : memref<128xi32, #tpu.memory_space<vmem>>) semaphore(%arg7 : memref<!tpu.dma_semaphore, #tpu.memory_space<semaphore_mem>>)
      %dma_wait3A = arith.constant 0 : i32
      %dma_wait3A_145 = arith.constant 0 : i32
      %dma_wait3A_146 = tpu.memref_slice %arg6[%dma_wait3A, %dma_wait3A_145] : memref<1024x16xf32, #tpu.memory_space<vmem>> -> memref<128x16xf32, #tpu.memory_space<vmem>>
      %dma_wait3A_147 = arith.constant 0 : i32
      %dma_wait3A_148 = tpu.memref_slice %arg5[%dma_wait3A_147] : memref<1024xi32, #tpu.memory_space<vmem>> -> memref<128xi32, #tpu.memory_space<vmem>>
      %dma_wait3A_149 = arith.constant 0 : i32
      %dma_wait3A_150 = arith.constant 0 : i32
      %dma_wait3A_151 = tpu.memref_slice %arg2[%dma_wait3A_149, %dma_wait3A_150] : memref<8192x16xf32, #tpu.memory_space<hbm>> -> memref<8192x16xf32, #tpu.memory_space<hbm>>
      tpu.wait_indirect_dma semaphore(%arg7 : memref<!tpu.dma_semaphore, #tpu.memory_space<semaphore_mem>>) src(%dma_wait3A_151 : memref<8192x16xf32, #tpu.memory_space<hbm>>) dst(%dma_wait3A_146 : memref<128x16xf32, #tpu.memory_space<vmem>>)
      %dma_wait3A_152 = arith.constant 128 : i32
      %dma_wait3A_153 = arith.constant 0 : i32
      %dma_wait3A_154 = tpu.memref_slice %arg6[%dma_wait3A_152, %dma_wait3A_153] : memref<1024x16xf32, #tpu.memory_space<vmem>> -> memref<128x16xf32, #tpu.memory_space<vmem>>
      %dma_wait3A_155 = arith.constant 128 : i32
      %dma_wait3A_156 = tpu.memref_slice %arg5[%dma_wait3A_155] : memref<1024xi32, #tpu.memory_space<vmem>> -> memref<128xi32, #tpu.memory_space<vmem>>
      %dma_wait3A_157 = arith.constant 0 : i32
      %dma_wait3A_158 = arith.constant 0 : i32
      %dma_wait3A_159 = tpu.memref_slice %arg2[%dma_wait3A_157, %dma_wait3A_158] : memref<8192x16xf32, #tpu.memory_space<hbm>> -> memref<8192x16xf32, #tpu.memory_space<hbm>>
      tpu.wait_indirect_dma semaphore(%arg7 : memref<!tpu.dma_semaphore, #tpu.memory_space<semaphore_mem>>) src(%dma_wait3A_159 : memref<8192x16xf32, #tpu.memory_space<hbm>>) dst(%dma_wait3A_154 : memref<128x16xf32, #tpu.memory_space<vmem>>)
      %dma_wait3A_160 = arith.constant 256 : i32
      %dma_wait3A_161 = arith.constant 0 : i32
      %dma_wait3A_162 = tpu.memref_slice %arg6[%dma_wait3A_160, %dma_wait3A_161] : memref<1024x16xf32, #tpu.memory_space<vmem>> -> memref<128x16xf32, #tpu.memory_space<vmem>>
      %dma_wait3A_163 = arith.constant 256 : i32
      %dma_wait3A_164 = tpu.memref_slice %arg5[%dma_wait3A_163] : memref<1024xi32, #tpu.memory_space<vmem>> -> memref<128xi32, #tpu.memory_space<vmem>>
      %dma_wait3A_165 = arith.constant 0 : i32
      %dma_wait3A_166 = arith.constant 0 : i32
      %dma_wait3A_167 = tpu.memref_slice %arg2[%dma_wait3A_165, %dma_wait3A_166] : memref<8192x16xf32, #tpu.memory_space<hbm>> -> memref<8192x16xf32, #tpu.memory_space<hbm>>
      tpu.wait_indirect_dma semaphore(%arg7 : memref<!tpu.dma_semaphore, #tpu.memory_space<semaphore_mem>>) src(%dma_wait3A_167 : memref<8192x16xf32, #tpu.memory_space<hbm>>) dst(%dma_wait3A_162 : memref<128x16xf32, #tpu.memory_space<vmem>>)
      %dma_wait3A_168 = arith.constant 384 : i32
      %dma_wait3A_169 = arith.constant 0 : i32
      %dma_wait3A_170 = tpu.memref_slice %arg6[%dma_wait3A_168, %dma_wait3A_169] : memref<1024x16xf32, #tpu.memory_space<vmem>> -> memref<128x16xf32, #tpu.memory_space<vmem>>
      %dma_wait3A_171 = arith.constant 384 : i32
      %dma_wait3A_172 = tpu.memref_slice %arg5[%dma_wait3A_171] : memref<1024xi32, #tpu.memory_space<vmem>> -> memref<128xi32, #tpu.memory_space<vmem>>
      %dma_wait3A_173 = arith.constant 0 : i32
      %dma_wait3A_174 = arith.constant 0 : i32
      %dma_wait3A_175 = tpu.memref_slice %arg2[%dma_wait3A_173, %dma_wait3A_174] : memref<8192x16xf32, #tpu.memory_space<hbm>> -> memref<8192x16xf32, #tpu.memory_space<hbm>>
      tpu.wait_indirect_dma semaphore(%arg7 : memref<!tpu.dma_semaphore, #tpu.memory_space<semaphore_mem>>) src(%dma_wait3A_175 : memref<8192x16xf32, #tpu.memory_space<hbm>>) dst(%dma_wait3A_170 : memref<128x16xf32, #tpu.memory_space<vmem>>)
      %dma_wait3A_176 = arith.constant 512 : i32
      %dma_wait3A_177 = arith.constant 0 : i32
      %dma_wait3A_178 = tpu.memref_slice %arg6[%dma_wait3A_176, %dma_wait3A_177] : memref<1024x16xf32, #tpu.memory_space<vmem>> -> memref<128x16xf32, #tpu.memory_space<vmem>>
      %dma_wait3A_179 = arith.constant 512 : i32
      %dma_wait3A_180 = tpu.memref_slice %arg5[%dma_wait3A_179] : memref<1024xi32, #tpu.memory_space<vmem>> -> memref<128xi32, #tpu.memory_space<vmem>>
      %dma_wait3A_181 = arith.constant 0 : i32
      %dma_wait3A_182 = arith.constant 0 : i32
      %dma_wait3A_183 = tpu.memref_slice %arg2[%dma_wait3A_181, %dma_wait3A_182] : memref<8192x16xf32, #tpu.memory_space<hbm>> -> memref<8192x16xf32, #tpu.memory_space<hbm>>
      tpu.wait_indirect_dma semaphore(%arg7 : memref<!tpu.dma_semaphore, #tpu.memory_space<semaphore_mem>>) src(%dma_wait3A_183 : memref<8192x16xf32, #tpu.memory_space<hbm>>) dst(%dma_wait3A_178 : memref<128x16xf32, #tpu.memory_space<vmem>>)
      %dma_wait3A_184 = arith.constant 640 : i32
      %dma_wait3A_185 = arith.constant 0 : i32
      %dma_wait3A_186 = tpu.memref_slice %arg6[%dma_wait3A_184, %dma_wait3A_185] : memref<1024x16xf32, #tpu.memory_space<vmem>> -> memref<128x16xf32, #tpu.memory_space<vmem>>
      %dma_wait3A_187 = arith.constant 640 : i32
      %dma_wait3A_188 = tpu.memref_slice %arg5[%dma_wait3A_187] : memref<1024xi32, #tpu.memory_space<vmem>> -> memref<128xi32, #tpu.memory_space<vmem>>
      %dma_wait3A_189 = arith.constant 0 : i32
      %dma_wait3A_190 = arith.constant 0 : i32
      %dma_wait3A_191 = tpu.memref_slice %arg2[%dma_wait3A_189, %dma_wait3A_190] : memref<8192x16xf32, #tpu.memory_space<hbm>> -> memref<8192x16xf32, #tpu.memory_space<hbm>>
      tpu.wait_indirect_dma semaphore(%arg7 : memref<!tpu.dma_semaphore, #tpu.memory_space<semaphore_mem>>) src(%dma_wait3A_191 : memref<8192x16xf32, #tpu.memory_space<hbm>>) dst(%dma_wait3A_186 : memref<128x16xf32, #tpu.memory_space<vmem>>)
      %dma_wait3A_192 = arith.constant 768 : i32
      %dma_wait3A_193 = arith.constant 0 : i32
      %dma_wait3A_194 = tpu.memref_slice %arg6[%dma_wait3A_192, %dma_wait3A_193] : memref<1024x16xf32, #tpu.memory_space<vmem>> -> memref<128x16xf32, #tpu.memory_space<vmem>>
      %dma_wait3A_195 = arith.constant 768 : i32
      %dma_wait3A_196 = tpu.memref_slice %arg5[%dma_wait3A_195] : memref<1024xi32, #tpu.memory_space<vmem>> -> memref<128xi32, #tpu.memory_space<vmem>>
      %dma_wait3A_197 = arith.constant 0 : i32
      %dma_wait3A_198 = arith.constant 0 : i32
      %dma_wait3A_199 = tpu.memref_slice %arg2[%dma_wait3A_197, %dma_wait3A_198] : memref<8192x16xf32, #tpu.memory_space<hbm>> -> memref<8192x16xf32, #tpu.memory_space<hbm>>
      tpu.wait_indirect_dma semaphore(%arg7 : memref<!tpu.dma_semaphore, #tpu.memory_space<semaphore_mem>>) src(%dma_wait3A_199 : memref<8192x16xf32, #tpu.memory_space<hbm>>) dst(%dma_wait3A_194 : memref<128x16xf32, #tpu.memory_space<vmem>>)
      %dma_wait3A_200 = arith.constant 896 : i32
      %dma_wait3A_201 = arith.constant 0 : i32
      %dma_wait3A_202 = tpu.memref_slice %arg6[%dma_wait3A_200, %dma_wait3A_201] : memref<1024x16xf32, #tpu.memory_space<vmem>> -> memref<128x16xf32, #tpu.memory_space<vmem>>
      %dma_wait3A_203 = arith.constant 896 : i32
      %dma_wait3A_204 = tpu.memref_slice %arg5[%dma_wait3A_203] : memref<1024xi32, #tpu.memory_space<vmem>> -> memref<128xi32, #tpu.memory_space<vmem>>
      %dma_wait3A_205 = arith.constant 0 : i32
      %dma_wait3A_206 = arith.constant 0 : i32
      %dma_wait3A_207 = tpu.memref_slice %arg2[%dma_wait3A_205, %dma_wait3A_206] : memref<8192x16xf32, #tpu.memory_space<hbm>> -> memref<8192x16xf32, #tpu.memory_space<hbm>>
      tpu.wait_indirect_dma semaphore(%arg7 : memref<!tpu.dma_semaphore, #tpu.memory_space<semaphore_mem>>) src(%dma_wait3A_207 : memref<8192x16xf32, #tpu.memory_space<hbm>>) dst(%dma_wait3A_202 : memref<128x16xf32, #tpu.memory_space<vmem>>)
      "tpu.region"() ({
        %run_scoped3A = tpu.sem_alloc : memref<!tpu.dma_semaphore, #tpu.memory_space<semaphore_mem>>
        %dma_start3A_208 = arith.constant 0 : i32
        %dma_start3A_209 = tpu.memref_slice %arg4[%select_n3A, %select_n3A_63, %mul3A_81, %dma_start3A_208] : memref<2x20x4096x16xf32, #tpu.memory_space<hbm>> -> memref<1x1x1024x16xf32, #tpu.memory_space<hbm>>
        %dma_start3A_210 = tpu.memref_squeeze %dma_start3A_209 : memref<1x1x1024x16xf32, #tpu.memory_space<hbm>> -> memref<1024x16xf32, #tpu.memory_space<hbm>>
        %dma_start3A_211 = arith.constant 0 : i32
        %dma_start3A_212 = tpu.memref_slice %arg4[%select_n3A, %select_n3A_63, %mul3A_81, %dma_start3A_211] : memref<2x20x4096x16xf32, #tpu.memory_space<hbm>> -> memref<1x1x1024x16xf32, #tpu.memory_space<hbm>>
        %dma_start3A_213 = tpu.memref_squeeze %dma_start3A_212 : memref<1x1x1024x16xf32, #tpu.memory_space<hbm>> -> memref<1024x16xf32, #tpu.memory_space<hbm>>
        tpu.enqueue_dma source(%arg6 : memref<1024x16xf32, #tpu.memory_space<vmem>>) target(%dma_start3A_213 : memref<1024x16xf32, #tpu.memory_space<hbm>>) target_semaphore(%run_scoped3A : memref<!tpu.dma_semaphore, #tpu.memory_space<semaphore_mem>>)
        %dma_wait3A_214 = arith.constant 0 : i32
        %dma_wait3A_215 = tpu.memref_slice %arg4[%select_n3A, %select_n3A_63, %mul3A_81, %dma_wait3A_214] : memref<2x20x4096x16xf32, #tpu.memory_space<hbm>> -> memref<1x1x1024x16xf32, #tpu.memory_space<hbm>>
        %dma_wait3A_216 = tpu.memref_squeeze %dma_wait3A_215 : memref<1x1x1024x16xf32, #tpu.memory_space<hbm>> -> memref<1024x16xf32, #tpu.memory_space<hbm>>
        %dma_wait3A_217 = arith.constant 0 : i32
        %dma_wait3A_218 = tpu.memref_slice %arg4[%select_n3A, %select_n3A_63, %mul3A_81, %dma_wait3A_217] : memref<2x20x4096x16xf32, #tpu.memory_space<hbm>> -> memref<1x1x1024x16xf32, #tpu.memory_space<hbm>>
        %dma_wait3A_219 = tpu.memref_squeeze %dma_wait3A_218 : memref<1x1x1024x16xf32, #tpu.memory_space<hbm>> -> memref<1024x16xf32, #tpu.memory_space<hbm>>
        tpu.wait_dma2 semaphore(%run_scoped3A : memref<!tpu.dma_semaphore, #tpu.memory_space<semaphore_mem>>) src(%arg6 : memref<1024x16xf32, #tpu.memory_space<vmem>>) dst(%dma_wait3A_219 : memref<1024x16xf32, #tpu.memory_space<hbm>>)
        tpu.yield
      }) : () -> ()
    }
    %scan3A_5 = arith.constant 5 : i32
    return
  }
}

module attributes {stable_mosaic.version = 14 : i64} {
  func.func @_knn_body(%arg0: i32, %arg1: i32, %arg2: memref<1x256x16xf32, #tpu.memory_space<vmem>>, %arg3: memref<1x16x4096xf32, #tpu.memory_space<vmem>>, %arg4: memref<1x32x256xi32, #tpu.memory_space<vmem>>) attributes {dimension_semantics = [#tpu.dimension_semantics<arbitrary>, #tpu.dimension_semantics<arbitrary>], iteration_bounds = array<i64: 2, 16>, scalar_prefetch = 0 : i64, scratch_operands = 0 : i64, tpu.core_type = #tpu.core_type<tc>, window_params = [{transform_indices = @transform_0, window_bounds = array<i64: 1, 256, 16>}, {transform_indices = @transform_1, window_bounds = array<i64: 1, 16, 4096>}, {transform_indices = @transform_2, window_bounds = array<i64: 1, 32, 256>}]} {
    %get3A = arith.constant 0 : index
    %get3A_0 = arith.constant 0 : index
    %get3A_1 = arith.constant 0 : index
    %get3A_2 = vector.load %arg2[%get3A, %get3A_0, %get3A_1] : memref<1x256x16xf32, #tpu.memory_space<vmem>>, vector<1x256x16xf32>
    %get3A_3 = vector.shape_cast %get3A_2 : vector<1x256x16xf32> to vector<256x16xf32>
    %get3A_4 = arith.constant 0 : index
    %get3A_5 = arith.constant 0 : index
    %get3A_6 = arith.constant 0 : index
    %get3A_7 = vector.load %arg3[%get3A_4, %get3A_5, %get3A_6] : memref<1x16x4096xf32, #tpu.memory_space<vmem>>, vector<1x16x4096xf32>
    %get3A_8 = vector.shape_cast %get3A_7 : vector<1x16x4096xf32> to vector<16x4096xf32>
    %dot_general3A = arith.constant dense<0.000000e+00> : vector<256x4096xf32>
    %dot_general3A_9 = tpu.matmul %get3A_3, %get3A_8, %dot_general3A {dimension_numbers = #tpu.dot_dimension_numbers<[1], [0], [0], [1], [0, 0, 1, 1], [], []>, transpose_lhs_hint = false} : vector<256x16xf32>, vector<16x4096xf32>, vector<256x4096xf32> -> vector<256x4096xf32>
    %mul3A = arith.mulf %get3A_8, %get3A_8 : vector<16x4096xf32>
    %reduce_sum3A = arith.constant dense<0.000000e+00> : vector<4096xf32>
    %reduce_sum3A_10 = vector.multi_reduction <add>, %mul3A, %reduce_sum3A [0] : vector<16x4096xf32> to vector<4096xf32>
    %mul3A_11 = arith.constant 2.000000e+00 : f32
    %mul3A_12 = vector.broadcast %mul3A_11 : f32 to vector<256x4096xf32>
    %mul3A_13 = arith.mulf %mul3A_12, %dot_general3A_9 : vector<256x4096xf32>
    %broadcast_in_dim3A = vector.shape_cast %reduce_sum3A_10 : vector<4096xf32> to vector<1x4096xf32>
    %sub3A = vector.broadcast %broadcast_in_dim3A : vector<1x4096xf32> to vector<256x4096xf32>
    %sub3A_14 = arith.subf %mul3A_13, %sub3A : vector<256x4096xf32>
    %iota3A = tpu.iota {dimensions = array<i32: 1>} : vector<256x4096xi32>
    %convert_element_type3A = arith.sitofp %iota3A : vector<256x4096xi32> to vector<256x4096xf32>
    %mul3A_15 = arith.constant 4096 : i32
    %mul3A_16 = arith.muli %arg0, %mul3A_15 : i32
    %reduce_max3A = arith.constant dense<0xFF800000> : vector<256xf32>
    %reduce_max3A_17 = vector.multi_reduction <maximumf>, %sub3A_14, %reduce_max3A [1] : vector<256x4096xf32> to vector<256xf32>
    %broadcast_in_dim3A_18 = vector.shape_cast %reduce_max3A_17 : vector<256xf32> to vector<256x1xf32>
    %eq3A = vector.broadcast %broadcast_in_dim3A_18 : vector<256x1xf32> to vector<256x4096xf32>
    %eq3A_19 = arith.cmpf oeq, %sub3A_14, %eq3A : vector<256x4096xf32>
    %jit3A = arith.constant 4.096000e+03 : f32
    %broadcast_in_dim3A_20 = vector.broadcast %jit3A : f32 to vector<256x4096xf32>
    %select_n3A = arith.select %eq3A_19, %convert_element_type3A, %broadcast_in_dim3A_20 : vector<256x4096xi1>, vector<256x4096xf32>
    %reduce_min3A = arith.constant dense<0x7F800000> : vector<256xf32>
    %reduce_min3A_21 = vector.multi_reduction <minimumf>, %select_n3A, %reduce_min3A [1] : vector<256x4096xf32> to vector<256xf32>
    %broadcast_in_dim3A_22 = vector.shape_cast %reduce_min3A_21 : vector<256xf32> to vector<256x1xf32>
    %convert_element_type3A_23 = arith.fptosi %broadcast_in_dim3A_22 : vector<256x1xf32> to vector<256x1xi32>
    %add3A = vector.broadcast %mul3A_16 : i32 to vector<256x1xi32>
    %add3A_24 = arith.addi %convert_element_type3A_23, %add3A : vector<256x1xi32>
    %jit3A_25 = arith.constant 0xFF800000 : f32
    %broadcast_in_dim3A_26 = vector.broadcast %jit3A_25 : f32 to vector<256x4096xf32>
    %select_n3A_27 = arith.select %eq3A_19, %broadcast_in_dim3A_26, %sub3A_14 : vector<256x4096xi1>, vector<256x4096xf32>
    %reduce_max3A_28 = arith.constant dense<0xFF800000> : vector<256xf32>
    %reduce_max3A_29 = vector.multi_reduction <maximumf>, %select_n3A_27, %reduce_max3A_28 [1] : vector<256x4096xf32> to vector<256xf32>
    %broadcast_in_dim3A_30 = vector.shape_cast %reduce_max3A_29 : vector<256xf32> to vector<256x1xf32>
    %eq3A_31 = vector.broadcast %broadcast_in_dim3A_30 : vector<256x1xf32> to vector<256x4096xf32>
    %eq3A_32 = arith.cmpf oeq, %select_n3A_27, %eq3A_31 : vector<256x4096xf32>
    %jit3A_33 = arith.constant 4.096000e+03 : f32
    %broadcast_in_dim3A_34 = vector.broadcast %jit3A_33 : f32 to vector<256x4096xf32>
    %select_n3A_35 = arith.select %eq3A_32, %convert_element_type3A, %broadcast_in_dim3A_34 : vector<256x4096xi1>, vector<256x4096xf32>
    %reduce_min3A_36 = arith.constant dense<0x7F800000> : vector<256xf32>
    %reduce_min3A_37 = vector.multi_reduction <minimumf>, %select_n3A_35, %reduce_min3A_36 [1] : vector<256x4096xf32> to vector<256xf32>
    %broadcast_in_dim3A_38 = vector.shape_cast %reduce_min3A_37 : vector<256xf32> to vector<256x1xf32>
    %convert_element_type3A_39 = arith.fptosi %broadcast_in_dim3A_38 : vector<256x1xf32> to vector<256x1xi32>
    %add3A_40 = vector.broadcast %mul3A_16 : i32 to vector<256x1xi32>
    %add3A_41 = arith.addi %convert_element_type3A_39, %add3A_40 : vector<256x1xi32>
    %jit3A_42 = arith.constant 0xFF800000 : f32
    %broadcast_in_dim3A_43 = vector.broadcast %jit3A_42 : f32 to vector<256x4096xf32>
    %select_n3A_44 = arith.select %eq3A_32, %broadcast_in_dim3A_43, %select_n3A_27 : vector<256x4096xi1>, vector<256x4096xf32>
    %reduce_max3A_45 = arith.constant dense<0xFF800000> : vector<256xf32>
    %reduce_max3A_46 = vector.multi_reduction <maximumf>, %select_n3A_44, %reduce_max3A_45 [1] : vector<256x4096xf32> to vector<256xf32>
    %broadcast_in_dim3A_47 = vector.shape_cast %reduce_max3A_46 : vector<256xf32> to vector<256x1xf32>
    %eq3A_48 = vector.broadcast %broadcast_in_dim3A_47 : vector<256x1xf32> to vector<256x4096xf32>
    %eq3A_49 = arith.cmpf oeq, %select_n3A_44, %eq3A_48 : vector<256x4096xf32>
    %jit3A_50 = arith.constant 4.096000e+03 : f32
    %broadcast_in_dim3A_51 = vector.broadcast %jit3A_50 : f32 to vector<256x4096xf32>
    %select_n3A_52 = arith.select %eq3A_49, %convert_element_type3A, %broadcast_in_dim3A_51 : vector<256x4096xi1>, vector<256x4096xf32>
    %reduce_min3A_53 = arith.constant dense<0x7F800000> : vector<256xf32>
    %reduce_min3A_54 = vector.multi_reduction <minimumf>, %select_n3A_52, %reduce_min3A_53 [1] : vector<256x4096xf32> to vector<256xf32>
    %broadcast_in_dim3A_55 = vector.shape_cast %reduce_min3A_54 : vector<256xf32> to vector<256x1xf32>
    %convert_element_type3A_56 = arith.fptosi %broadcast_in_dim3A_55 : vector<256x1xf32> to vector<256x1xi32>
    %add3A_57 = vector.broadcast %mul3A_16 : i32 to vector<256x1xi32>
    %add3A_58 = arith.addi %convert_element_type3A_56, %add3A_57 : vector<256x1xi32>
    %jit3A_59 = arith.constant 0xFF800000 : f32
    %broadcast_in_dim3A_60 = vector.broadcast %jit3A_59 : f32 to vector<256x4096xf32>
    %select_n3A_61 = arith.select %eq3A_49, %broadcast_in_dim3A_60, %select_n3A_44 : vector<256x4096xi1>, vector<256x4096xf32>
    %reduce_max3A_62 = arith.constant dense<0xFF800000> : vector<256xf32>
    %reduce_max3A_63 = vector.multi_reduction <maximumf>, %select_n3A_61, %reduce_max3A_62 [1] : vector<256x4096xf32> to vector<256xf32>
    %broadcast_in_dim3A_64 = vector.shape_cast %reduce_max3A_63 : vector<256xf32> to vector<256x1xf32>
    %eq3A_65 = vector.broadcast %broadcast_in_dim3A_64 : vector<256x1xf32> to vector<256x4096xf32>
    %eq3A_66 = arith.cmpf oeq, %select_n3A_61, %eq3A_65 : vector<256x4096xf32>
    %jit3A_67 = arith.constant 4.096000e+03 : f32
    %broadcast_in_dim3A_68 = vector.broadcast %jit3A_67 : f32 to vector<256x4096xf32>
    %select_n3A_69 = arith.select %eq3A_66, %convert_element_type3A, %broadcast_in_dim3A_68 : vector<256x4096xi1>, vector<256x4096xf32>
    %reduce_min3A_70 = arith.constant dense<0x7F800000> : vector<256xf32>
    %reduce_min3A_71 = vector.multi_reduction <minimumf>, %select_n3A_69, %reduce_min3A_70 [1] : vector<256x4096xf32> to vector<256xf32>
    %broadcast_in_dim3A_72 = vector.shape_cast %reduce_min3A_71 : vector<256xf32> to vector<256x1xf32>
    %convert_element_type3A_73 = arith.fptosi %broadcast_in_dim3A_72 : vector<256x1xf32> to vector<256x1xi32>
    %add3A_74 = vector.broadcast %mul3A_16 : i32 to vector<256x1xi32>
    %add3A_75 = arith.addi %convert_element_type3A_73, %add3A_74 : vector<256x1xi32>
    %jit3A_76 = arith.constant 0xFF800000 : f32
    %broadcast_in_dim3A_77 = vector.broadcast %jit3A_76 : f32 to vector<256x4096xf32>
    %select_n3A_78 = arith.select %eq3A_66, %broadcast_in_dim3A_77, %select_n3A_61 : vector<256x4096xi1>, vector<256x4096xf32>
    %reduce_max3A_79 = arith.constant dense<0xFF800000> : vector<256xf32>
    %reduce_max3A_80 = vector.multi_reduction <maximumf>, %select_n3A_78, %reduce_max3A_79 [1] : vector<256x4096xf32> to vector<256xf32>
    %broadcast_in_dim3A_81 = vector.shape_cast %reduce_max3A_80 : vector<256xf32> to vector<256x1xf32>
    %eq3A_82 = vector.broadcast %broadcast_in_dim3A_81 : vector<256x1xf32> to vector<256x4096xf32>
    %eq3A_83 = arith.cmpf oeq, %select_n3A_78, %eq3A_82 : vector<256x4096xf32>
    %jit3A_84 = arith.constant 4.096000e+03 : f32
    %broadcast_in_dim3A_85 = vector.broadcast %jit3A_84 : f32 to vector<256x4096xf32>
    %select_n3A_86 = arith.select %eq3A_83, %convert_element_type3A, %broadcast_in_dim3A_85 : vector<256x4096xi1>, vector<256x4096xf32>
    %reduce_min3A_87 = arith.constant dense<0x7F800000> : vector<256xf32>
    %reduce_min3A_88 = vector.multi_reduction <minimumf>, %select_n3A_86, %reduce_min3A_87 [1] : vector<256x4096xf32> to vector<256xf32>
    %broadcast_in_dim3A_89 = vector.shape_cast %reduce_min3A_88 : vector<256xf32> to vector<256x1xf32>
    %convert_element_type3A_90 = arith.fptosi %broadcast_in_dim3A_89 : vector<256x1xf32> to vector<256x1xi32>
    %add3A_91 = vector.broadcast %mul3A_16 : i32 to vector<256x1xi32>
    %add3A_92 = arith.addi %convert_element_type3A_90, %add3A_91 : vector<256x1xi32>
    %jit3A_93 = arith.constant 0xFF800000 : f32
    %broadcast_in_dim3A_94 = vector.broadcast %jit3A_93 : f32 to vector<256x4096xf32>
    %select_n3A_95 = arith.select %eq3A_83, %broadcast_in_dim3A_94, %select_n3A_78 : vector<256x4096xi1>, vector<256x4096xf32>
    %reduce_max3A_96 = arith.constant dense<0xFF800000> : vector<256xf32>
    %reduce_max3A_97 = vector.multi_reduction <maximumf>, %select_n3A_95, %reduce_max3A_96 [1] : vector<256x4096xf32> to vector<256xf32>
    %broadcast_in_dim3A_98 = vector.shape_cast %reduce_max3A_97 : vector<256xf32> to vector<256x1xf32>
    %eq3A_99 = vector.broadcast %broadcast_in_dim3A_98 : vector<256x1xf32> to vector<256x4096xf32>
    %eq3A_100 = arith.cmpf oeq, %select_n3A_95, %eq3A_99 : vector<256x4096xf32>
    %jit3A_101 = arith.constant 4.096000e+03 : f32
    %broadcast_in_dim3A_102 = vector.broadcast %jit3A_101 : f32 to vector<256x4096xf32>
    %select_n3A_103 = arith.select %eq3A_100, %convert_element_type3A, %broadcast_in_dim3A_102 : vector<256x4096xi1>, vector<256x4096xf32>
    %reduce_min3A_104 = arith.constant dense<0x7F800000> : vector<256xf32>
    %reduce_min3A_105 = vector.multi_reduction <minimumf>, %select_n3A_103, %reduce_min3A_104 [1] : vector<256x4096xf32> to vector<256xf32>
    %broadcast_in_dim3A_106 = vector.shape_cast %reduce_min3A_105 : vector<256xf32> to vector<256x1xf32>
    %convert_element_type3A_107 = arith.fptosi %broadcast_in_dim3A_106 : vector<256x1xf32> to vector<256x1xi32>
    %add3A_108 = vector.broadcast %mul3A_16 : i32 to vector<256x1xi32>
    %add3A_109 = arith.addi %convert_element_type3A_107, %add3A_108 : vector<256x1xi32>
    %jit3A_110 = arith.constant 0xFF800000 : f32
    %broadcast_in_dim3A_111 = vector.broadcast %jit3A_110 : f32 to vector<256x4096xf32>
    %select_n3A_112 = arith.select %eq3A_100, %broadcast_in_dim3A_111, %select_n3A_95 : vector<256x4096xi1>, vector<256x4096xf32>
    %reduce_max3A_113 = arith.constant dense<0xFF800000> : vector<256xf32>
    %reduce_max3A_114 = vector.multi_reduction <maximumf>, %select_n3A_112, %reduce_max3A_113 [1] : vector<256x4096xf32> to vector<256xf32>
    %broadcast_in_dim3A_115 = vector.shape_cast %reduce_max3A_114 : vector<256xf32> to vector<256x1xf32>
    %eq3A_116 = vector.broadcast %broadcast_in_dim3A_115 : vector<256x1xf32> to vector<256x4096xf32>
    %eq3A_117 = arith.cmpf oeq, %select_n3A_112, %eq3A_116 : vector<256x4096xf32>
    %jit3A_118 = arith.constant 4.096000e+03 : f32
    %broadcast_in_dim3A_119 = vector.broadcast %jit3A_118 : f32 to vector<256x4096xf32>
    %select_n3A_120 = arith.select %eq3A_117, %convert_element_type3A, %broadcast_in_dim3A_119 : vector<256x4096xi1>, vector<256x4096xf32>
    %reduce_min3A_121 = arith.constant dense<0x7F800000> : vector<256xf32>
    %reduce_min3A_122 = vector.multi_reduction <minimumf>, %select_n3A_120, %reduce_min3A_121 [1] : vector<256x4096xf32> to vector<256xf32>
    %broadcast_in_dim3A_123 = vector.shape_cast %reduce_min3A_122 : vector<256xf32> to vector<256x1xf32>
    %convert_element_type3A_124 = arith.fptosi %broadcast_in_dim3A_123 : vector<256x1xf32> to vector<256x1xi32>
    %add3A_125 = vector.broadcast %mul3A_16 : i32 to vector<256x1xi32>
    %add3A_126 = arith.addi %convert_element_type3A_124, %add3A_125 : vector<256x1xi32>
    %jit3A_127 = arith.constant 0xFF800000 : f32
    %broadcast_in_dim3A_128 = vector.broadcast %jit3A_127 : f32 to vector<256x4096xf32>
    %select_n3A_129 = arith.select %eq3A_117, %broadcast_in_dim3A_128, %select_n3A_112 : vector<256x4096xi1>, vector<256x4096xf32>
    %reduce_max3A_130 = arith.constant dense<0xFF800000> : vector<256xf32>
    %reduce_max3A_131 = vector.multi_reduction <maximumf>, %select_n3A_129, %reduce_max3A_130 [1] : vector<256x4096xf32> to vector<256xf32>
    %broadcast_in_dim3A_132 = vector.shape_cast %reduce_max3A_131 : vector<256xf32> to vector<256x1xf32>
    %eq3A_133 = vector.broadcast %broadcast_in_dim3A_132 : vector<256x1xf32> to vector<256x4096xf32>
    %eq3A_134 = arith.cmpf oeq, %select_n3A_129, %eq3A_133 : vector<256x4096xf32>
    %jit3A_135 = arith.constant 4.096000e+03 : f32
    %broadcast_in_dim3A_136 = vector.broadcast %jit3A_135 : f32 to vector<256x4096xf32>
    %select_n3A_137 = arith.select %eq3A_134, %convert_element_type3A, %broadcast_in_dim3A_136 : vector<256x4096xi1>, vector<256x4096xf32>
    %reduce_min3A_138 = arith.constant dense<0x7F800000> : vector<256xf32>
    %reduce_min3A_139 = vector.multi_reduction <minimumf>, %select_n3A_137, %reduce_min3A_138 [1] : vector<256x4096xf32> to vector<256xf32>
    %broadcast_in_dim3A_140 = vector.shape_cast %reduce_min3A_139 : vector<256xf32> to vector<256x1xf32>
    %convert_element_type3A_141 = arith.fptosi %broadcast_in_dim3A_140 : vector<256x1xf32> to vector<256x1xi32>
    %add3A_142 = vector.broadcast %mul3A_16 : i32 to vector<256x1xi32>
    %add3A_143 = arith.addi %convert_element_type3A_141, %add3A_142 : vector<256x1xi32>
    %jit3A_144 = arith.constant 0xFF800000 : f32
    %broadcast_in_dim3A_145 = vector.broadcast %jit3A_144 : f32 to vector<256x4096xf32>
    %select_n3A_146 = arith.select %eq3A_134, %broadcast_in_dim3A_145, %select_n3A_129 : vector<256x4096xi1>, vector<256x4096xf32>
    %reduce_max3A_147 = arith.constant dense<0xFF800000> : vector<256xf32>
    %reduce_max3A_148 = vector.multi_reduction <maximumf>, %select_n3A_146, %reduce_max3A_147 [1] : vector<256x4096xf32> to vector<256xf32>
    %broadcast_in_dim3A_149 = vector.shape_cast %reduce_max3A_148 : vector<256xf32> to vector<256x1xf32>
    %eq3A_150 = vector.broadcast %broadcast_in_dim3A_149 : vector<256x1xf32> to vector<256x4096xf32>
    %eq3A_151 = arith.cmpf oeq, %select_n3A_146, %eq3A_150 : vector<256x4096xf32>
    %jit3A_152 = arith.constant 4.096000e+03 : f32
    %broadcast_in_dim3A_153 = vector.broadcast %jit3A_152 : f32 to vector<256x4096xf32>
    %select_n3A_154 = arith.select %eq3A_151, %convert_element_type3A, %broadcast_in_dim3A_153 : vector<256x4096xi1>, vector<256x4096xf32>
    %reduce_min3A_155 = arith.constant dense<0x7F800000> : vector<256xf32>
    %reduce_min3A_156 = vector.multi_reduction <minimumf>, %select_n3A_154, %reduce_min3A_155 [1] : vector<256x4096xf32> to vector<256xf32>
    %broadcast_in_dim3A_157 = vector.shape_cast %reduce_min3A_156 : vector<256xf32> to vector<256x1xf32>
    %convert_element_type3A_158 = arith.fptosi %broadcast_in_dim3A_157 : vector<256x1xf32> to vector<256x1xi32>
    %add3A_159 = vector.broadcast %mul3A_16 : i32 to vector<256x1xi32>
    %add3A_160 = arith.addi %convert_element_type3A_158, %add3A_159 : vector<256x1xi32>
    %jit3A_161 = arith.constant 0xFF800000 : f32
    %broadcast_in_dim3A_162 = vector.broadcast %jit3A_161 : f32 to vector<256x4096xf32>
    %select_n3A_163 = arith.select %eq3A_151, %broadcast_in_dim3A_162, %select_n3A_146 : vector<256x4096xi1>, vector<256x4096xf32>
    %reduce_max3A_164 = arith.constant dense<0xFF800000> : vector<256xf32>
    %reduce_max3A_165 = vector.multi_reduction <maximumf>, %select_n3A_163, %reduce_max3A_164 [1] : vector<256x4096xf32> to vector<256xf32>
    %broadcast_in_dim3A_166 = vector.shape_cast %reduce_max3A_165 : vector<256xf32> to vector<256x1xf32>
    %eq3A_167 = vector.broadcast %broadcast_in_dim3A_166 : vector<256x1xf32> to vector<256x4096xf32>
    %eq3A_168 = arith.cmpf oeq, %select_n3A_163, %eq3A_167 : vector<256x4096xf32>
    %jit3A_169 = arith.constant 4.096000e+03 : f32
    %broadcast_in_dim3A_170 = vector.broadcast %jit3A_169 : f32 to vector<256x4096xf32>
    %select_n3A_171 = arith.select %eq3A_168, %convert_element_type3A, %broadcast_in_dim3A_170 : vector<256x4096xi1>, vector<256x4096xf32>
    %reduce_min3A_172 = arith.constant dense<0x7F800000> : vector<256xf32>
    %reduce_min3A_173 = vector.multi_reduction <minimumf>, %select_n3A_171, %reduce_min3A_172 [1] : vector<256x4096xf32> to vector<256xf32>
    %broadcast_in_dim3A_174 = vector.shape_cast %reduce_min3A_173 : vector<256xf32> to vector<256x1xf32>
    %convert_element_type3A_175 = arith.fptosi %broadcast_in_dim3A_174 : vector<256x1xf32> to vector<256x1xi32>
    %add3A_176 = vector.broadcast %mul3A_16 : i32 to vector<256x1xi32>
    %add3A_177 = arith.addi %convert_element_type3A_175, %add3A_176 : vector<256x1xi32>
    %jit3A_178 = arith.constant 0xFF800000 : f32
    %broadcast_in_dim3A_179 = vector.broadcast %jit3A_178 : f32 to vector<256x4096xf32>
    %select_n3A_180 = arith.select %eq3A_168, %broadcast_in_dim3A_179, %select_n3A_163 : vector<256x4096xi1>, vector<256x4096xf32>
    %reduce_max3A_181 = arith.constant dense<0xFF800000> : vector<256xf32>
    %reduce_max3A_182 = vector.multi_reduction <maximumf>, %select_n3A_180, %reduce_max3A_181 [1] : vector<256x4096xf32> to vector<256xf32>
    %broadcast_in_dim3A_183 = vector.shape_cast %reduce_max3A_182 : vector<256xf32> to vector<256x1xf32>
    %eq3A_184 = vector.broadcast %broadcast_in_dim3A_183 : vector<256x1xf32> to vector<256x4096xf32>
    %eq3A_185 = arith.cmpf oeq, %select_n3A_180, %eq3A_184 : vector<256x4096xf32>
    %jit3A_186 = arith.constant 4.096000e+03 : f32
    %broadcast_in_dim3A_187 = vector.broadcast %jit3A_186 : f32 to vector<256x4096xf32>
    %select_n3A_188 = arith.select %eq3A_185, %convert_element_type3A, %broadcast_in_dim3A_187 : vector<256x4096xi1>, vector<256x4096xf32>
    %reduce_min3A_189 = arith.constant dense<0x7F800000> : vector<256xf32>
    %reduce_min3A_190 = vector.multi_reduction <minimumf>, %select_n3A_188, %reduce_min3A_189 [1] : vector<256x4096xf32> to vector<256xf32>
    %broadcast_in_dim3A_191 = vector.shape_cast %reduce_min3A_190 : vector<256xf32> to vector<256x1xf32>
    %convert_element_type3A_192 = arith.fptosi %broadcast_in_dim3A_191 : vector<256x1xf32> to vector<256x1xi32>
    %add3A_193 = vector.broadcast %mul3A_16 : i32 to vector<256x1xi32>
    %add3A_194 = arith.addi %convert_element_type3A_192, %add3A_193 : vector<256x1xi32>
    %jit3A_195 = arith.constant 0xFF800000 : f32
    %broadcast_in_dim3A_196 = vector.broadcast %jit3A_195 : f32 to vector<256x4096xf32>
    %select_n3A_197 = arith.select %eq3A_185, %broadcast_in_dim3A_196, %select_n3A_180 : vector<256x4096xi1>, vector<256x4096xf32>
    %reduce_max3A_198 = arith.constant dense<0xFF800000> : vector<256xf32>
    %reduce_max3A_199 = vector.multi_reduction <maximumf>, %select_n3A_197, %reduce_max3A_198 [1] : vector<256x4096xf32> to vector<256xf32>
    %broadcast_in_dim3A_200 = vector.shape_cast %reduce_max3A_199 : vector<256xf32> to vector<256x1xf32>
    %eq3A_201 = vector.broadcast %broadcast_in_dim3A_200 : vector<256x1xf32> to vector<256x4096xf32>
    %eq3A_202 = arith.cmpf oeq, %select_n3A_197, %eq3A_201 : vector<256x4096xf32>
    %jit3A_203 = arith.constant 4.096000e+03 : f32
    %broadcast_in_dim3A_204 = vector.broadcast %jit3A_203 : f32 to vector<256x4096xf32>
    %select_n3A_205 = arith.select %eq3A_202, %convert_element_type3A, %broadcast_in_dim3A_204 : vector<256x4096xi1>, vector<256x4096xf32>
    %reduce_min3A_206 = arith.constant dense<0x7F800000> : vector<256xf32>
    %reduce_min3A_207 = vector.multi_reduction <minimumf>, %select_n3A_205, %reduce_min3A_206 [1] : vector<256x4096xf32> to vector<256xf32>
    %broadcast_in_dim3A_208 = vector.shape_cast %reduce_min3A_207 : vector<256xf32> to vector<256x1xf32>
    %convert_element_type3A_209 = arith.fptosi %broadcast_in_dim3A_208 : vector<256x1xf32> to vector<256x1xi32>
    %add3A_210 = vector.broadcast %mul3A_16 : i32 to vector<256x1xi32>
    %add3A_211 = arith.addi %convert_element_type3A_209, %add3A_210 : vector<256x1xi32>
    %jit3A_212 = arith.constant 0xFF800000 : f32
    %broadcast_in_dim3A_213 = vector.broadcast %jit3A_212 : f32 to vector<256x4096xf32>
    %select_n3A_214 = arith.select %eq3A_202, %broadcast_in_dim3A_213, %select_n3A_197 : vector<256x4096xi1>, vector<256x4096xf32>
    %reduce_max3A_215 = arith.constant dense<0xFF800000> : vector<256xf32>
    %reduce_max3A_216 = vector.multi_reduction <maximumf>, %select_n3A_214, %reduce_max3A_215 [1] : vector<256x4096xf32> to vector<256xf32>
    %broadcast_in_dim3A_217 = vector.shape_cast %reduce_max3A_216 : vector<256xf32> to vector<256x1xf32>
    %eq3A_218 = vector.broadcast %broadcast_in_dim3A_217 : vector<256x1xf32> to vector<256x4096xf32>
    %eq3A_219 = arith.cmpf oeq, %select_n3A_214, %eq3A_218 : vector<256x4096xf32>
    %jit3A_220 = arith.constant 4.096000e+03 : f32
    %broadcast_in_dim3A_221 = vector.broadcast %jit3A_220 : f32 to vector<256x4096xf32>
    %select_n3A_222 = arith.select %eq3A_219, %convert_element_type3A, %broadcast_in_dim3A_221 : vector<256x4096xi1>, vector<256x4096xf32>
    %reduce_min3A_223 = arith.constant dense<0x7F800000> : vector<256xf32>
    %reduce_min3A_224 = vector.multi_reduction <minimumf>, %select_n3A_222, %reduce_min3A_223 [1] : vector<256x4096xf32> to vector<256xf32>
    %broadcast_in_dim3A_225 = vector.shape_cast %reduce_min3A_224 : vector<256xf32> to vector<256x1xf32>
    %convert_element_type3A_226 = arith.fptosi %broadcast_in_dim3A_225 : vector<256x1xf32> to vector<256x1xi32>
    %add3A_227 = vector.broadcast %mul3A_16 : i32 to vector<256x1xi32>
    %add3A_228 = arith.addi %convert_element_type3A_226, %add3A_227 : vector<256x1xi32>
    %jit3A_229 = arith.constant 0xFF800000 : f32
    %broadcast_in_dim3A_230 = vector.broadcast %jit3A_229 : f32 to vector<256x4096xf32>
    %select_n3A_231 = arith.select %eq3A_219, %broadcast_in_dim3A_230, %select_n3A_214 : vector<256x4096xi1>, vector<256x4096xf32>
    %reduce_max3A_232 = arith.constant dense<0xFF800000> : vector<256xf32>
    %reduce_max3A_233 = vector.multi_reduction <maximumf>, %select_n3A_231, %reduce_max3A_232 [1] : vector<256x4096xf32> to vector<256xf32>
    %broadcast_in_dim3A_234 = vector.shape_cast %reduce_max3A_233 : vector<256xf32> to vector<256x1xf32>
    %eq3A_235 = vector.broadcast %broadcast_in_dim3A_234 : vector<256x1xf32> to vector<256x4096xf32>
    %eq3A_236 = arith.cmpf oeq, %select_n3A_231, %eq3A_235 : vector<256x4096xf32>
    %jit3A_237 = arith.constant 4.096000e+03 : f32
    %broadcast_in_dim3A_238 = vector.broadcast %jit3A_237 : f32 to vector<256x4096xf32>
    %select_n3A_239 = arith.select %eq3A_236, %convert_element_type3A, %broadcast_in_dim3A_238 : vector<256x4096xi1>, vector<256x4096xf32>
    %reduce_min3A_240 = arith.constant dense<0x7F800000> : vector<256xf32>
    %reduce_min3A_241 = vector.multi_reduction <minimumf>, %select_n3A_239, %reduce_min3A_240 [1] : vector<256x4096xf32> to vector<256xf32>
    %broadcast_in_dim3A_242 = vector.shape_cast %reduce_min3A_241 : vector<256xf32> to vector<256x1xf32>
    %convert_element_type3A_243 = arith.fptosi %broadcast_in_dim3A_242 : vector<256x1xf32> to vector<256x1xi32>
    %add3A_244 = vector.broadcast %mul3A_16 : i32 to vector<256x1xi32>
    %add3A_245 = arith.addi %convert_element_type3A_243, %add3A_244 : vector<256x1xi32>
    %jit3A_246 = arith.constant 0xFF800000 : f32
    %broadcast_in_dim3A_247 = vector.broadcast %jit3A_246 : f32 to vector<256x4096xf32>
    %select_n3A_248 = arith.select %eq3A_236, %broadcast_in_dim3A_247, %select_n3A_231 : vector<256x4096xi1>, vector<256x4096xf32>
    %reduce_max3A_249 = arith.constant dense<0xFF800000> : vector<256xf32>
    %reduce_max3A_250 = vector.multi_reduction <maximumf>, %select_n3A_248, %reduce_max3A_249 [1] : vector<256x4096xf32> to vector<256xf32>
    %broadcast_in_dim3A_251 = vector.shape_cast %reduce_max3A_250 : vector<256xf32> to vector<256x1xf32>
    %eq3A_252 = vector.broadcast %broadcast_in_dim3A_251 : vector<256x1xf32> to vector<256x4096xf32>
    %eq3A_253 = arith.cmpf oeq, %select_n3A_248, %eq3A_252 : vector<256x4096xf32>
    %jit3A_254 = arith.constant 4.096000e+03 : f32
    %broadcast_in_dim3A_255 = vector.broadcast %jit3A_254 : f32 to vector<256x4096xf32>
    %select_n3A_256 = arith.select %eq3A_253, %convert_element_type3A, %broadcast_in_dim3A_255 : vector<256x4096xi1>, vector<256x4096xf32>
    %reduce_min3A_257 = arith.constant dense<0x7F800000> : vector<256xf32>
    %reduce_min3A_258 = vector.multi_reduction <minimumf>, %select_n3A_256, %reduce_min3A_257 [1] : vector<256x4096xf32> to vector<256xf32>
    %broadcast_in_dim3A_259 = vector.shape_cast %reduce_min3A_258 : vector<256xf32> to vector<256x1xf32>
    %convert_element_type3A_260 = arith.fptosi %broadcast_in_dim3A_259 : vector<256x1xf32> to vector<256x1xi32>
    %add3A_261 = vector.broadcast %mul3A_16 : i32 to vector<256x1xi32>
    %add3A_262 = arith.addi %convert_element_type3A_260, %add3A_261 : vector<256x1xi32>
    %jit3A_263 = arith.constant 0xFF800000 : f32
    %broadcast_in_dim3A_264 = vector.broadcast %jit3A_263 : f32 to vector<256x4096xf32>
    %select_n3A_265 = arith.select %eq3A_253, %broadcast_in_dim3A_264, %select_n3A_248 : vector<256x4096xi1>, vector<256x4096xf32>
    %reduce_max3A_266 = arith.constant dense<0xFF800000> : vector<256xf32>
    %reduce_max3A_267 = vector.multi_reduction <maximumf>, %select_n3A_265, %reduce_max3A_266 [1] : vector<256x4096xf32> to vector<256xf32>
    %broadcast_in_dim3A_268 = vector.shape_cast %reduce_max3A_267 : vector<256xf32> to vector<256x1xf32>
    %eq3A_269 = vector.broadcast %broadcast_in_dim3A_268 : vector<256x1xf32> to vector<256x4096xf32>
    %eq3A_270 = arith.cmpf oeq, %select_n3A_265, %eq3A_269 : vector<256x4096xf32>
    %jit3A_271 = arith.constant 4.096000e+03 : f32
    %broadcast_in_dim3A_272 = vector.broadcast %jit3A_271 : f32 to vector<256x4096xf32>
    %select_n3A_273 = arith.select %eq3A_270, %convert_element_type3A, %broadcast_in_dim3A_272 : vector<256x4096xi1>, vector<256x4096xf32>
    %reduce_min3A_274 = arith.constant dense<0x7F800000> : vector<256xf32>
    %reduce_min3A_275 = vector.multi_reduction <minimumf>, %select_n3A_273, %reduce_min3A_274 [1] : vector<256x4096xf32> to vector<256xf32>
    %broadcast_in_dim3A_276 = vector.shape_cast %reduce_min3A_275 : vector<256xf32> to vector<256x1xf32>
    %convert_element_type3A_277 = arith.fptosi %broadcast_in_dim3A_276 : vector<256x1xf32> to vector<256x1xi32>
    %add3A_278 = vector.broadcast %mul3A_16 : i32 to vector<256x1xi32>
    %add3A_279 = arith.addi %convert_element_type3A_277, %add3A_278 : vector<256x1xi32>
    %jit3A_280 = arith.constant 0xFF800000 : f32
    %broadcast_in_dim3A_281 = vector.broadcast %jit3A_280 : f32 to vector<256x4096xf32>
    %select_n3A_282 = arith.select %eq3A_270, %broadcast_in_dim3A_281, %select_n3A_265 : vector<256x4096xi1>, vector<256x4096xf32>
    %reduce_max3A_283 = arith.constant dense<0xFF800000> : vector<256xf32>
    %reduce_max3A_284 = vector.multi_reduction <maximumf>, %select_n3A_282, %reduce_max3A_283 [1] : vector<256x4096xf32> to vector<256xf32>
    %broadcast_in_dim3A_285 = vector.shape_cast %reduce_max3A_284 : vector<256xf32> to vector<256x1xf32>
    %eq3A_286 = vector.broadcast %broadcast_in_dim3A_285 : vector<256x1xf32> to vector<256x4096xf32>
    %eq3A_287 = arith.cmpf oeq, %select_n3A_282, %eq3A_286 : vector<256x4096xf32>
    %jit3A_288 = arith.constant 4.096000e+03 : f32
    %broadcast_in_dim3A_289 = vector.broadcast %jit3A_288 : f32 to vector<256x4096xf32>
    %select_n3A_290 = arith.select %eq3A_287, %convert_element_type3A, %broadcast_in_dim3A_289 : vector<256x4096xi1>, vector<256x4096xf32>
    %reduce_min3A_291 = arith.constant dense<0x7F800000> : vector<256xf32>
    %reduce_min3A_292 = vector.multi_reduction <minimumf>, %select_n3A_290, %reduce_min3A_291 [1] : vector<256x4096xf32> to vector<256xf32>
    %broadcast_in_dim3A_293 = vector.shape_cast %reduce_min3A_292 : vector<256xf32> to vector<256x1xf32>
    %convert_element_type3A_294 = arith.fptosi %broadcast_in_dim3A_293 : vector<256x1xf32> to vector<256x1xi32>
    %add3A_295 = vector.broadcast %mul3A_16 : i32 to vector<256x1xi32>
    %add3A_296 = arith.addi %convert_element_type3A_294, %add3A_295 : vector<256x1xi32>
    %jit3A_297 = arith.constant 0xFF800000 : f32
    %broadcast_in_dim3A_298 = vector.broadcast %jit3A_297 : f32 to vector<256x4096xf32>
    %select_n3A_299 = arith.select %eq3A_287, %broadcast_in_dim3A_298, %select_n3A_282 : vector<256x4096xi1>, vector<256x4096xf32>
    %reduce_max3A_300 = arith.constant dense<0xFF800000> : vector<256xf32>
    %reduce_max3A_301 = vector.multi_reduction <maximumf>, %select_n3A_299, %reduce_max3A_300 [1] : vector<256x4096xf32> to vector<256xf32>
    %broadcast_in_dim3A_302 = vector.shape_cast %reduce_max3A_301 : vector<256xf32> to vector<256x1xf32>
    %eq3A_303 = vector.broadcast %broadcast_in_dim3A_302 : vector<256x1xf32> to vector<256x4096xf32>
    %eq3A_304 = arith.cmpf oeq, %select_n3A_299, %eq3A_303 : vector<256x4096xf32>
    %jit3A_305 = arith.constant 4.096000e+03 : f32
    %broadcast_in_dim3A_306 = vector.broadcast %jit3A_305 : f32 to vector<256x4096xf32>
    %select_n3A_307 = arith.select %eq3A_304, %convert_element_type3A, %broadcast_in_dim3A_306 : vector<256x4096xi1>, vector<256x4096xf32>
    %reduce_min3A_308 = arith.constant dense<0x7F800000> : vector<256xf32>
    %reduce_min3A_309 = vector.multi_reduction <minimumf>, %select_n3A_307, %reduce_min3A_308 [1] : vector<256x4096xf32> to vector<256xf32>
    %broadcast_in_dim3A_310 = vector.shape_cast %reduce_min3A_309 : vector<256xf32> to vector<256x1xf32>
    %convert_element_type3A_311 = arith.fptosi %broadcast_in_dim3A_310 : vector<256x1xf32> to vector<256x1xi32>
    %add3A_312 = vector.broadcast %mul3A_16 : i32 to vector<256x1xi32>
    %add3A_313 = arith.addi %convert_element_type3A_311, %add3A_312 : vector<256x1xi32>
    %jit3A_314 = arith.constant 0xFF800000 : f32
    %broadcast_in_dim3A_315 = vector.broadcast %jit3A_314 : f32 to vector<256x4096xf32>
    %select_n3A_316 = arith.select %eq3A_304, %broadcast_in_dim3A_315, %select_n3A_299 : vector<256x4096xi1>, vector<256x4096xf32>
    %reduce_max3A_317 = arith.constant dense<0xFF800000> : vector<256xf32>
    %reduce_max3A_318 = vector.multi_reduction <maximumf>, %select_n3A_316, %reduce_max3A_317 [1] : vector<256x4096xf32> to vector<256xf32>
    %broadcast_in_dim3A_319 = vector.shape_cast %reduce_max3A_318 : vector<256xf32> to vector<256x1xf32>
    %eq3A_320 = vector.broadcast %broadcast_in_dim3A_319 : vector<256x1xf32> to vector<256x4096xf32>
    %eq3A_321 = arith.cmpf oeq, %select_n3A_316, %eq3A_320 : vector<256x4096xf32>
    %jit3A_322 = arith.constant 4.096000e+03 : f32
    %broadcast_in_dim3A_323 = vector.broadcast %jit3A_322 : f32 to vector<256x4096xf32>
    %select_n3A_324 = arith.select %eq3A_321, %convert_element_type3A, %broadcast_in_dim3A_323 : vector<256x4096xi1>, vector<256x4096xf32>
    %reduce_min3A_325 = arith.constant dense<0x7F800000> : vector<256xf32>
    %reduce_min3A_326 = vector.multi_reduction <minimumf>, %select_n3A_324, %reduce_min3A_325 [1] : vector<256x4096xf32> to vector<256xf32>
    %broadcast_in_dim3A_327 = vector.shape_cast %reduce_min3A_326 : vector<256xf32> to vector<256x1xf32>
    %convert_element_type3A_328 = arith.fptosi %broadcast_in_dim3A_327 : vector<256x1xf32> to vector<256x1xi32>
    %add3A_329 = vector.broadcast %mul3A_16 : i32 to vector<256x1xi32>
    %add3A_330 = arith.addi %convert_element_type3A_328, %add3A_329 : vector<256x1xi32>
    %jit3A_331 = arith.constant 0xFF800000 : f32
    %broadcast_in_dim3A_332 = vector.broadcast %jit3A_331 : f32 to vector<256x4096xf32>
    %select_n3A_333 = arith.select %eq3A_321, %broadcast_in_dim3A_332, %select_n3A_316 : vector<256x4096xi1>, vector<256x4096xf32>
    %reduce_max3A_334 = arith.constant dense<0xFF800000> : vector<256xf32>
    %reduce_max3A_335 = vector.multi_reduction <maximumf>, %select_n3A_333, %reduce_max3A_334 [1] : vector<256x4096xf32> to vector<256xf32>
    %broadcast_in_dim3A_336 = vector.shape_cast %reduce_max3A_335 : vector<256xf32> to vector<256x1xf32>
    %eq3A_337 = vector.broadcast %broadcast_in_dim3A_336 : vector<256x1xf32> to vector<256x4096xf32>
    %eq3A_338 = arith.cmpf oeq, %select_n3A_333, %eq3A_337 : vector<256x4096xf32>
    %jit3A_339 = arith.constant 4.096000e+03 : f32
    %broadcast_in_dim3A_340 = vector.broadcast %jit3A_339 : f32 to vector<256x4096xf32>
    %select_n3A_341 = arith.select %eq3A_338, %convert_element_type3A, %broadcast_in_dim3A_340 : vector<256x4096xi1>, vector<256x4096xf32>
    %reduce_min3A_342 = arith.constant dense<0x7F800000> : vector<256xf32>
    %reduce_min3A_343 = vector.multi_reduction <minimumf>, %select_n3A_341, %reduce_min3A_342 [1] : vector<256x4096xf32> to vector<256xf32>
    %broadcast_in_dim3A_344 = vector.shape_cast %reduce_min3A_343 : vector<256xf32> to vector<256x1xf32>
    %convert_element_type3A_345 = arith.fptosi %broadcast_in_dim3A_344 : vector<256x1xf32> to vector<256x1xi32>
    %add3A_346 = vector.broadcast %mul3A_16 : i32 to vector<256x1xi32>
    %add3A_347 = arith.addi %convert_element_type3A_345, %add3A_346 : vector<256x1xi32>
    %concatenate3A = tpu.concatenate %add3A_24, %add3A_41, %add3A_58, %add3A_75, %add3A_92, %add3A_109, %add3A_126, %add3A_143, %add3A_160, %add3A_177, %add3A_194, %add3A_211, %add3A_228, %add3A_245, %add3A_262, %add3A_279, %add3A_296, %add3A_313, %add3A_330, %add3A_347, %add3A_347, %add3A_347, %add3A_347, %add3A_347, %add3A_347, %add3A_347, %add3A_347, %add3A_347, %add3A_347, %add3A_347, %add3A_347, %add3A_347 in 1 : vector<256x1xi32>, vector<256x1xi32>, vector<256x1xi32>, vector<256x1xi32>, vector<256x1xi32>, vector<256x1xi32>, vector<256x1xi32>, vector<256x1xi32>, vector<256x1xi32>, vector<256x1xi32>, vector<256x1xi32>, vector<256x1xi32>, vector<256x1xi32>, vector<256x1xi32>, vector<256x1xi32>, vector<256x1xi32>, vector<256x1xi32>, vector<256x1xi32>, vector<256x1xi32>, vector<256x1xi32>, vector<256x1xi32>, vector<256x1xi32>, vector<256x1xi32>, vector<256x1xi32>, vector<256x1xi32>, vector<256x1xi32>, vector<256x1xi32>, vector<256x1xi32>, vector<256x1xi32>, vector<256x1xi32>, vector<256x1xi32>, vector<256x1xi32> -> vector<256x32xi32>
    %transpose3A = tpu.transpose %concatenate3A, [1, 0] : vector<256x32xi32> -> vector<32x256xi32>
    %swap3A = arith.constant 0 : index
    %swap3A_348 = arith.constant 0 : index
    %swap3A_349 = arith.constant 0 : index
    %swap3A_350 = vector.load %arg4[%swap3A, %swap3A_348, %swap3A_349] : memref<1x32x256xi32, #tpu.memory_space<vmem>>, vector<1x32x256xi32>
    %swap3A_351 = vector.shape_cast %swap3A_350 : vector<1x32x256xi32> to vector<32x256xi32>
    %swap3A_352 = vector.shape_cast %transpose3A : vector<32x256xi32> to vector<1x32x256xi32>
    tpu.vector_store %arg4[%swap3A, %swap3A_348, %swap3A_349], %swap3A_352 {strides = array<i32>} : memref<1x32x256xi32, #tpu.memory_space<vmem>>, vector<1x32x256xi32>,
    return
  }
  func.func @transform_0(%arg0: i32, %arg1: i32) -> (i32, i32, i32) {
    %c0_i32 = arith.constant 0 : i32
    %c0_i32_0 = arith.constant 0 : i32
    return %arg0, %arg1, %c0_i32 : i32, i32, i32
  }
  func.func @transform_1(%arg0: i32, %arg1: i32) -> (i32, i32, i32) {
    %c0_i32 = arith.constant 0 : i32
    %c0_i32_0 = arith.constant 0 : i32
    %c0_i32_1 = arith.constant 0 : i32
    return %arg0, %c0_i32, %c0_i32_0 : i32, i32, i32
  }
  func.func @transform_2(%arg0: i32, %arg1: i32) -> (i32, i32, i32) {
    %c0_i32 = arith.constant 0 : i32
    %c0_i32_0 = arith.constant 0 : i32
    return %arg0, %c0_i32, %arg1 : i32, i32, i32
  }
}

module attributes {stable_mosaic.version = 14 : i64} {
  func.func @_edgeconv_body2(%arg0: i32, %arg1: i32, %arg2: memref<1x20x1024x16xf32, #tpu.memory_space<vmem>>, %arg3: memref<1x1024x16xf32, #tpu.memory_space<vmem>>, %arg4: memref<16x64xf32, #tpu.memory_space<vmem>>, %arg5: memref<16x64xf32, #tpu.memory_space<vmem>>, %arg6: memref<1x64xf32, #tpu.memory_space<vmem>>, %arg7: memref<64x64xf32, #tpu.memory_space<vmem>>, %arg8: memref<1x64xf32, #tpu.memory_space<vmem>>, %arg9: memref<1x1024x64xf32, #tpu.memory_space<vmem>>, %arg10: memref<1x64x1024xf32, #tpu.memory_space<vmem>>) attributes {dimension_semantics = [#tpu.dimension_semantics<arbitrary>, #tpu.dimension_semantics<arbitrary>], iteration_bounds = array<i64: 2, 4>, scalar_prefetch = 0 : i64, scratch_operands = 0 : i64, tpu.core_type = #tpu.core_type<tc>, window_params = [{transform_indices = @transform_0, window_bounds = array<i64: 1, 20, 1024, 16>}, {transform_indices = @transform_1, window_bounds = array<i64: 1, 1024, 16>}, {pipeline_mode = #tpu.pipeline_mode<synchronous>, transform_indices = @transform_2, window_bounds = array<i64: 16, 64>}, {pipeline_mode = #tpu.pipeline_mode<synchronous>, transform_indices = @transform_3, window_bounds = array<i64: 16, 64>}, {pipeline_mode = #tpu.pipeline_mode<synchronous>, transform_indices = @transform_4, window_bounds = array<i64: 1, 64>}, {pipeline_mode = #tpu.pipeline_mode<synchronous>, transform_indices = @transform_5, window_bounds = array<i64: 64, 64>}, {pipeline_mode = #tpu.pipeline_mode<synchronous>, transform_indices = @transform_6, window_bounds = array<i64: 1, 64>}, {transform_indices = @transform_7, window_bounds = array<i64: 1, 1024, 64>}, {transform_indices = @transform_8, window_bounds = array<i64: 1, 64, 1024>}]} {
    %get3A = arith.constant 0 : index
    %get3A_0 = arith.constant 0 : index
    %get3A_1 = arith.constant 0 : index
    %get3A_2 = vector.load %arg3[%get3A, %get3A_0, %get3A_1] : memref<1x1024x16xf32, #tpu.memory_space<vmem>>, vector<1x1024x16xf32>
    %get3A_3 = vector.shape_cast %get3A_2 : vector<1x1024x16xf32> to vector<1024x16xf32>
    %get3A_4 = arith.constant 0 : index
    %get3A_5 = arith.constant 0 : index
    %get3A_6 = vector.load %arg5[%get3A_4, %get3A_5] : memref<16x64xf32, #tpu.memory_space<vmem>>, vector<16x64xf32>
    %dot_general3A = arith.constant dense<0.000000e+00> : vector<1024x64xf32>
    %dot_general3A_7 = tpu.matmul %get3A_3, %get3A_6, %dot_general3A {dimension_numbers = #tpu.dot_dimension_numbers<[1], [0], [0], [1], [0, 0, 1, 1], [], []>, transpose_lhs_hint = false} : vector<1024x16xf32>, vector<16x64xf32>, vector<1024x64xf32> -> vector<1024x64xf32>
    %get3A_8 = arith.constant 0 : index
    %get3A_9 = arith.constant 0 : index
    %get3A_10 = vector.load %arg6[%get3A_8, %get3A_9] : memref<1x64xf32, #tpu.memory_space<vmem>>, vector<1x64xf32>
    %add3A = vector.broadcast %get3A_10 : vector<1x64xf32> to vector<1024x64xf32>
    %add3A_11 = arith.addf %dot_general3A_7, %add3A : vector<1024x64xf32>
    %get3A_12 = arith.constant 0 : index
    %get3A_13 = arith.constant 0 : index
    %get3A_14 = arith.constant 0 : index
    %get3A_15 = arith.constant 0 : index
    %get3A_16 = vector.load %arg2[%get3A_12, %get3A_13, %get3A_14, %get3A_15] : memref<1x20x1024x16xf32, #tpu.memory_space<vmem>>, vector<1x1x1024x16xf32>
    %get3A_17 = vector.shape_cast %get3A_16 : vector<1x1x1024x16xf32> to vector<1024x16xf32>
    %get3A_18 = arith.constant 0 : index
    %get3A_19 = arith.constant 0 : index
    %get3A_20 = vector.load %arg4[%get3A_18, %get3A_19] : memref<16x64xf32, #tpu.memory_space<vmem>>, vector<16x64xf32>
    %dot_general3A_21 = arith.constant dense<0.000000e+00> : vector<1024x64xf32>
    %dot_general3A_22 = tpu.matmul %get3A_17, %get3A_20, %dot_general3A_21 {dimension_numbers = #tpu.dot_dimension_numbers<[1], [0], [0], [1], [0, 0, 1, 1], [], []>, transpose_lhs_hint = false} : vector<1024x16xf32>, vector<16x64xf32>, vector<1024x64xf32> -> vector<1024x64xf32>
    %add3A_23 = arith.addf %dot_general3A_22, %add3A_11 : vector<1024x64xf32>
    %ge3A = arith.constant 0.000000e+00 : f32
    %ge3A_24 = vector.broadcast %ge3A : f32 to vector<1024x64xf32>
    %ge3A_25 = arith.cmpf oge, %add3A_23, %ge3A_24 : vector<1024x64xf32>
    %mul3A = arith.constant 2.000000e-01 : f32
    %mul3A_26 = vector.broadcast %mul3A : f32 to vector<1024x64xf32>
    %mul3A_27 = arith.mulf %mul3A_26, %add3A_23 : vector<1024x64xf32>
    %select_n3A = arith.select %ge3A_25, %add3A_23, %mul3A_27 : vector<1024x64xi1>, vector<1024x64xf32>
    %get3A_28 = arith.constant 0 : index
    %get3A_29 = arith.constant 0 : index
    %get3A_30 = vector.load %arg7[%get3A_28, %get3A_29] : memref<64x64xf32, #tpu.memory_space<vmem>>, vector<64x64xf32>
    %dot_general3A_31 = arith.constant dense<0.000000e+00> : vector<1024x64xf32>
    %dot_general3A_32 = tpu.matmul %select_n3A, %get3A_30, %dot_general3A_31 {dimension_numbers = #tpu.dot_dimension_numbers<[1], [0], [0], [1], [0, 0, 1, 1], [], []>, transpose_lhs_hint = false} : vector<1024x64xf32>, vector<64x64xf32>, vector<1024x64xf32> -> vector<1024x64xf32>
    %get3A_33 = arith.constant 0 : index
    %get3A_34 = arith.constant 0 : index
    %get3A_35 = vector.load %arg8[%get3A_33, %get3A_34] : memref<1x64xf32, #tpu.memory_space<vmem>>, vector<1x64xf32>
    %add3A_36 = vector.broadcast %get3A_35 : vector<1x64xf32> to vector<1024x64xf32>
    %add3A_37 = arith.addf %dot_general3A_32, %add3A_36 : vector<1024x64xf32>
    %ge3A_38 = arith.constant 0.000000e+00 : f32
    %ge3A_39 = vector.broadcast %ge3A_38 : f32 to vector<1024x64xf32>
    %ge3A_40 = arith.cmpf oge, %add3A_37, %ge3A_39 : vector<1024x64xf32>
    %mul3A_41 = arith.constant 2.000000e-01 : f32
    %mul3A_42 = vector.broadcast %mul3A_41 : f32 to vector<1024x64xf32>
    %mul3A_43 = arith.mulf %mul3A_42, %add3A_37 : vector<1024x64xf32>
    %select_n3A_44 = arith.select %ge3A_40, %add3A_37, %mul3A_43 : vector<1024x64xi1>, vector<1024x64xf32>
    %get3A_45 = arith.constant 0 : index
    %get3A_46 = arith.constant 1 : index
    %get3A_47 = arith.constant 0 : index
    %get3A_48 = arith.constant 0 : index
    %get3A_49 = vector.load %arg2[%get3A_45, %get3A_46, %get3A_47, %get3A_48] : memref<1x20x1024x16xf32, #tpu.memory_space<vmem>>, vector<1x1x1024x16xf32>
    %get3A_50 = vector.shape_cast %get3A_49 : vector<1x1x1024x16xf32> to vector<1024x16xf32>
    %get3A_51 = arith.constant 0 : index
    %get3A_52 = arith.constant 0 : index
    %get3A_53 = vector.load %arg4[%get3A_51, %get3A_52] : memref<16x64xf32, #tpu.memory_space<vmem>>, vector<16x64xf32>
    %dot_general3A_54 = arith.constant dense<0.000000e+00> : vector<1024x64xf32>
    %dot_general3A_55 = tpu.matmul %get3A_50, %get3A_53, %dot_general3A_54 {dimension_numbers = #tpu.dot_dimension_numbers<[1], [0], [0], [1], [0, 0, 1, 1], [], []>, transpose_lhs_hint = false} : vector<1024x16xf32>, vector<16x64xf32>, vector<1024x64xf32> -> vector<1024x64xf32>
    %add3A_56 = arith.addf %dot_general3A_55, %add3A_11 : vector<1024x64xf32>
    %ge3A_57 = arith.constant 0.000000e+00 : f32
    %ge3A_58 = vector.broadcast %ge3A_57 : f32 to vector<1024x64xf32>
    %ge3A_59 = arith.cmpf oge, %add3A_56, %ge3A_58 : vector<1024x64xf32>
    %mul3A_60 = arith.constant 2.000000e-01 : f32
    %mul3A_61 = vector.broadcast %mul3A_60 : f32 to vector<1024x64xf32>
    %mul3A_62 = arith.mulf %mul3A_61, %add3A_56 : vector<1024x64xf32>
    %select_n3A_63 = arith.select %ge3A_59, %add3A_56, %mul3A_62 : vector<1024x64xi1>, vector<1024x64xf32>
    %get3A_64 = arith.constant 0 : index
    %get3A_65 = arith.constant 0 : index
    %get3A_66 = vector.load %arg7[%get3A_64, %get3A_65] : memref<64x64xf32, #tpu.memory_space<vmem>>, vector<64x64xf32>
    %dot_general3A_67 = arith.constant dense<0.000000e+00> : vector<1024x64xf32>
    %dot_general3A_68 = tpu.matmul %select_n3A_63, %get3A_66, %dot_general3A_67 {dimension_numbers = #tpu.dot_dimension_numbers<[1], [0], [0], [1], [0, 0, 1, 1], [], []>, transpose_lhs_hint = false} : vector<1024x64xf32>, vector<64x64xf32>, vector<1024x64xf32> -> vector<1024x64xf32>
    %get3A_69 = arith.constant 0 : index
    %get3A_70 = arith.constant 0 : index
    %get3A_71 = vector.load %arg8[%get3A_69, %get3A_70] : memref<1x64xf32, #tpu.memory_space<vmem>>, vector<1x64xf32>
    %add3A_72 = vector.broadcast %get3A_71 : vector<1x64xf32> to vector<1024x64xf32>
    %add3A_73 = arith.addf %dot_general3A_68, %add3A_72 : vector<1024x64xf32>
    %ge3A_74 = arith.constant 0.000000e+00 : f32
    %ge3A_75 = vector.broadcast %ge3A_74 : f32 to vector<1024x64xf32>
    %ge3A_76 = arith.cmpf oge, %add3A_73, %ge3A_75 : vector<1024x64xf32>
    %mul3A_77 = arith.constant 2.000000e-01 : f32
    %mul3A_78 = vector.broadcast %mul3A_77 : f32 to vector<1024x64xf32>
    %mul3A_79 = arith.mulf %mul3A_78, %add3A_73 : vector<1024x64xf32>
    %select_n3A_80 = arith.select %ge3A_76, %add3A_73, %mul3A_79 : vector<1024x64xi1>, vector<1024x64xf32>
    %max3A = arith.maximumf %select_n3A_44, %select_n3A_80 : vector<1024x64xf32>
    %get3A_81 = arith.constant 0 : index
    %get3A_82 = arith.constant 2 : index
    %get3A_83 = arith.constant 0 : index
    %get3A_84 = arith.constant 0 : index
    %get3A_85 = vector.load %arg2[%get3A_81, %get3A_82, %get3A_83, %get3A_84] : memref<1x20x1024x16xf32, #tpu.memory_space<vmem>>, vector<1x1x1024x16xf32>
    %get3A_86 = vector.shape_cast %get3A_85 : vector<1x1x1024x16xf32> to vector<1024x16xf32>
    %get3A_87 = arith.constant 0 : index
    %get3A_88 = arith.constant 0 : index
    %get3A_89 = vector.load %arg4[%get3A_87, %get3A_88] : memref<16x64xf32, #tpu.memory_space<vmem>>, vector<16x64xf32>
    %dot_general3A_90 = arith.constant dense<0.000000e+00> : vector<1024x64xf32>
    %dot_general3A_91 = tpu.matmul %get3A_86, %get3A_89, %dot_general3A_90 {dimension_numbers = #tpu.dot_dimension_numbers<[1], [0], [0], [1], [0, 0, 1, 1], [], []>, transpose_lhs_hint = false} : vector<1024x16xf32>, vector<16x64xf32>, vector<1024x64xf32> -> vector<1024x64xf32>
    %add3A_92 = arith.addf %dot_general3A_91, %add3A_11 : vector<1024x64xf32>
    %ge3A_93 = arith.constant 0.000000e+00 : f32
    %ge3A_94 = vector.broadcast %ge3A_93 : f32 to vector<1024x64xf32>
    %ge3A_95 = arith.cmpf oge, %add3A_92, %ge3A_94 : vector<1024x64xf32>
    %mul3A_96 = arith.constant 2.000000e-01 : f32
    %mul3A_97 = vector.broadcast %mul3A_96 : f32 to vector<1024x64xf32>
    %mul3A_98 = arith.mulf %mul3A_97, %add3A_92 : vector<1024x64xf32>
    %select_n3A_99 = arith.select %ge3A_95, %add3A_92, %mul3A_98 : vector<1024x64xi1>, vector<1024x64xf32>
    %get3A_100 = arith.constant 0 : index
    %get3A_101 = arith.constant 0 : index
    %get3A_102 = vector.load %arg7[%get3A_100, %get3A_101] : memref<64x64xf32, #tpu.memory_space<vmem>>, vector<64x64xf32>
    %dot_general3A_103 = arith.constant dense<0.000000e+00> : vector<1024x64xf32>
    %dot_general3A_104 = tpu.matmul %select_n3A_99, %get3A_102, %dot_general3A_103 {dimension_numbers = #tpu.dot_dimension_numbers<[1], [0], [0], [1], [0, 0, 1, 1], [], []>, transpose_lhs_hint = false} : vector<1024x64xf32>, vector<64x64xf32>, vector<1024x64xf32> -> vector<1024x64xf32>
    %get3A_105 = arith.constant 0 : index
    %get3A_106 = arith.constant 0 : index
    %get3A_107 = vector.load %arg8[%get3A_105, %get3A_106] : memref<1x64xf32, #tpu.memory_space<vmem>>, vector<1x64xf32>
    %add3A_108 = vector.broadcast %get3A_107 : vector<1x64xf32> to vector<1024x64xf32>
    %add3A_109 = arith.addf %dot_general3A_104, %add3A_108 : vector<1024x64xf32>
    %ge3A_110 = arith.constant 0.000000e+00 : f32
    %ge3A_111 = vector.broadcast %ge3A_110 : f32 to vector<1024x64xf32>
    %ge3A_112 = arith.cmpf oge, %add3A_109, %ge3A_111 : vector<1024x64xf32>
    %mul3A_113 = arith.constant 2.000000e-01 : f32
    %mul3A_114 = vector.broadcast %mul3A_113 : f32 to vector<1024x64xf32>
    %mul3A_115 = arith.mulf %mul3A_114, %add3A_109 : vector<1024x64xf32>
    %select_n3A_116 = arith.select %ge3A_112, %add3A_109, %mul3A_115 : vector<1024x64xi1>, vector<1024x64xf32>
    %max3A_117 = arith.maximumf %max3A, %select_n3A_116 : vector<1024x64xf32>
    %get3A_118 = arith.constant 0 : index
    %get3A_119 = arith.constant 3 : index
    %get3A_120 = arith.constant 0 : index
    %get3A_121 = arith.constant 0 : index
    %get3A_122 = vector.load %arg2[%get3A_118, %get3A_119, %get3A_120, %get3A_121] : memref<1x20x1024x16xf32, #tpu.memory_space<vmem>>, vector<1x1x1024x16xf32>
    %get3A_123 = vector.shape_cast %get3A_122 : vector<1x1x1024x16xf32> to vector<1024x16xf32>
    %get3A_124 = arith.constant 0 : index
    %get3A_125 = arith.constant 0 : index
    %get3A_126 = vector.load %arg4[%get3A_124, %get3A_125] : memref<16x64xf32, #tpu.memory_space<vmem>>, vector<16x64xf32>
    %dot_general3A_127 = arith.constant dense<0.000000e+00> : vector<1024x64xf32>
    %dot_general3A_128 = tpu.matmul %get3A_123, %get3A_126, %dot_general3A_127 {dimension_numbers = #tpu.dot_dimension_numbers<[1], [0], [0], [1], [0, 0, 1, 1], [], []>, transpose_lhs_hint = false} : vector<1024x16xf32>, vector<16x64xf32>, vector<1024x64xf32> -> vector<1024x64xf32>
    %add3A_129 = arith.addf %dot_general3A_128, %add3A_11 : vector<1024x64xf32>
    %ge3A_130 = arith.constant 0.000000e+00 : f32
    %ge3A_131 = vector.broadcast %ge3A_130 : f32 to vector<1024x64xf32>
    %ge3A_132 = arith.cmpf oge, %add3A_129, %ge3A_131 : vector<1024x64xf32>
    %mul3A_133 = arith.constant 2.000000e-01 : f32
    %mul3A_134 = vector.broadcast %mul3A_133 : f32 to vector<1024x64xf32>
    %mul3A_135 = arith.mulf %mul3A_134, %add3A_129 : vector<1024x64xf32>
    %select_n3A_136 = arith.select %ge3A_132, %add3A_129, %mul3A_135 : vector<1024x64xi1>, vector<1024x64xf32>
    %get3A_137 = arith.constant 0 : index
    %get3A_138 = arith.constant 0 : index
    %get3A_139 = vector.load %arg7[%get3A_137, %get3A_138] : memref<64x64xf32, #tpu.memory_space<vmem>>, vector<64x64xf32>
    %dot_general3A_140 = arith.constant dense<0.000000e+00> : vector<1024x64xf32>
    %dot_general3A_141 = tpu.matmul %select_n3A_136, %get3A_139, %dot_general3A_140 {dimension_numbers = #tpu.dot_dimension_numbers<[1], [0], [0], [1], [0, 0, 1, 1], [], []>, transpose_lhs_hint = false} : vector<1024x64xf32>, vector<64x64xf32>, vector<1024x64xf32> -> vector<1024x64xf32>
    %get3A_142 = arith.constant 0 : index
    %get3A_143 = arith.constant 0 : index
    %get3A_144 = vector.load %arg8[%get3A_142, %get3A_143] : memref<1x64xf32, #tpu.memory_space<vmem>>, vector<1x64xf32>
    %add3A_145 = vector.broadcast %get3A_144 : vector<1x64xf32> to vector<1024x64xf32>
    %add3A_146 = arith.addf %dot_general3A_141, %add3A_145 : vector<1024x64xf32>
    %ge3A_147 = arith.constant 0.000000e+00 : f32
    %ge3A_148 = vector.broadcast %ge3A_147 : f32 to vector<1024x64xf32>
    %ge3A_149 = arith.cmpf oge, %add3A_146, %ge3A_148 : vector<1024x64xf32>
    %mul3A_150 = arith.constant 2.000000e-01 : f32
    %mul3A_151 = vector.broadcast %mul3A_150 : f32 to vector<1024x64xf32>
    %mul3A_152 = arith.mulf %mul3A_151, %add3A_146 : vector<1024x64xf32>
    %select_n3A_153 = arith.select %ge3A_149, %add3A_146, %mul3A_152 : vector<1024x64xi1>, vector<1024x64xf32>
    %max3A_154 = arith.maximumf %max3A_117, %select_n3A_153 : vector<1024x64xf32>
    %get3A_155 = arith.constant 0 : index
    %get3A_156 = arith.constant 4 : index
    %get3A_157 = arith.constant 0 : index
    %get3A_158 = arith.constant 0 : index
    %get3A_159 = vector.load %arg2[%get3A_155, %get3A_156, %get3A_157, %get3A_158] : memref<1x20x1024x16xf32, #tpu.memory_space<vmem>>, vector<1x1x1024x16xf32>
    %get3A_160 = vector.shape_cast %get3A_159 : vector<1x1x1024x16xf32> to vector<1024x16xf32>
    %get3A_161 = arith.constant 0 : index
    %get3A_162 = arith.constant 0 : index
    %get3A_163 = vector.load %arg4[%get3A_161, %get3A_162] : memref<16x64xf32, #tpu.memory_space<vmem>>, vector<16x64xf32>
    %dot_general3A_164 = arith.constant dense<0.000000e+00> : vector<1024x64xf32>
    %dot_general3A_165 = tpu.matmul %get3A_160, %get3A_163, %dot_general3A_164 {dimension_numbers = #tpu.dot_dimension_numbers<[1], [0], [0], [1], [0, 0, 1, 1], [], []>, transpose_lhs_hint = false} : vector<1024x16xf32>, vector<16x64xf32>, vector<1024x64xf32> -> vector<1024x64xf32>
    %add3A_166 = arith.addf %dot_general3A_165, %add3A_11 : vector<1024x64xf32>
    %ge3A_167 = arith.constant 0.000000e+00 : f32
    %ge3A_168 = vector.broadcast %ge3A_167 : f32 to vector<1024x64xf32>
    %ge3A_169 = arith.cmpf oge, %add3A_166, %ge3A_168 : vector<1024x64xf32>
    %mul3A_170 = arith.constant 2.000000e-01 : f32
    %mul3A_171 = vector.broadcast %mul3A_170 : f32 to vector<1024x64xf32>
    %mul3A_172 = arith.mulf %mul3A_171, %add3A_166 : vector<1024x64xf32>
    %select_n3A_173 = arith.select %ge3A_169, %add3A_166, %mul3A_172 : vector<1024x64xi1>, vector<1024x64xf32>
    %get3A_174 = arith.constant 0 : index
    %get3A_175 = arith.constant 0 : index
    %get3A_176 = vector.load %arg7[%get3A_174, %get3A_175] : memref<64x64xf32, #tpu.memory_space<vmem>>, vector<64x64xf32>
    %dot_general3A_177 = arith.constant dense<0.000000e+00> : vector<1024x64xf32>
    %dot_general3A_178 = tpu.matmul %select_n3A_173, %get3A_176, %dot_general3A_177 {dimension_numbers = #tpu.dot_dimension_numbers<[1], [0], [0], [1], [0, 0, 1, 1], [], []>, transpose_lhs_hint = false} : vector<1024x64xf32>, vector<64x64xf32>, vector<1024x64xf32> -> vector<1024x64xf32>
    %get3A_179 = arith.constant 0 : index
    %get3A_180 = arith.constant 0 : index
    %get3A_181 = vector.load %arg8[%get3A_179, %get3A_180] : memref<1x64xf32, #tpu.memory_space<vmem>>, vector<1x64xf32>
    %add3A_182 = vector.broadcast %get3A_181 : vector<1x64xf32> to vector<1024x64xf32>
    %add3A_183 = arith.addf %dot_general3A_178, %add3A_182 : vector<1024x64xf32>
    %ge3A_184 = arith.constant 0.000000e+00 : f32
    %ge3A_185 = vector.broadcast %ge3A_184 : f32 to vector<1024x64xf32>
    %ge3A_186 = arith.cmpf oge, %add3A_183, %ge3A_185 : vector<1024x64xf32>
    %mul3A_187 = arith.constant 2.000000e-01 : f32
    %mul3A_188 = vector.broadcast %mul3A_187 : f32 to vector<1024x64xf32>
    %mul3A_189 = arith.mulf %mul3A_188, %add3A_183 : vector<1024x64xf32>
    %select_n3A_190 = arith.select %ge3A_186, %add3A_183, %mul3A_189 : vector<1024x64xi1>, vector<1024x64xf32>
    %max3A_191 = arith.maximumf %max3A_154, %select_n3A_190 : vector<1024x64xf32>
    %get3A_192 = arith.constant 0 : index
    %get3A_193 = arith.constant 5 : index
    %get3A_194 = arith.constant 0 : index
    %get3A_195 = arith.constant 0 : index
    %get3A_196 = vector.load %arg2[%get3A_192, %get3A_193, %get3A_194, %get3A_195] : memref<1x20x1024x16xf32, #tpu.memory_space<vmem>>, vector<1x1x1024x16xf32>
    %get3A_197 = vector.shape_cast %get3A_196 : vector<1x1x1024x16xf32> to vector<1024x16xf32>
    %get3A_198 = arith.constant 0 : index
    %get3A_199 = arith.constant 0 : index
    %get3A_200 = vector.load %arg4[%get3A_198, %get3A_199] : memref<16x64xf32, #tpu.memory_space<vmem>>, vector<16x64xf32>
    %dot_general3A_201 = arith.constant dense<0.000000e+00> : vector<1024x64xf32>
    %dot_general3A_202 = tpu.matmul %get3A_197, %get3A_200, %dot_general3A_201 {dimension_numbers = #tpu.dot_dimension_numbers<[1], [0], [0], [1], [0, 0, 1, 1], [], []>, transpose_lhs_hint = false} : vector<1024x16xf32>, vector<16x64xf32>, vector<1024x64xf32> -> vector<1024x64xf32>
    %add3A_203 = arith.addf %dot_general3A_202, %add3A_11 : vector<1024x64xf32>
    %ge3A_204 = arith.constant 0.000000e+00 : f32
    %ge3A_205 = vector.broadcast %ge3A_204 : f32 to vector<1024x64xf32>
    %ge3A_206 = arith.cmpf oge, %add3A_203, %ge3A_205 : vector<1024x64xf32>
    %mul3A_207 = arith.constant 2.000000e-01 : f32
    %mul3A_208 = vector.broadcast %mul3A_207 : f32 to vector<1024x64xf32>
    %mul3A_209 = arith.mulf %mul3A_208, %add3A_203 : vector<1024x64xf32>
    %select_n3A_210 = arith.select %ge3A_206, %add3A_203, %mul3A_209 : vector<1024x64xi1>, vector<1024x64xf32>
    %get3A_211 = arith.constant 0 : index
    %get3A_212 = arith.constant 0 : index
    %get3A_213 = vector.load %arg7[%get3A_211, %get3A_212] : memref<64x64xf32, #tpu.memory_space<vmem>>, vector<64x64xf32>
    %dot_general3A_214 = arith.constant dense<0.000000e+00> : vector<1024x64xf32>
    %dot_general3A_215 = tpu.matmul %select_n3A_210, %get3A_213, %dot_general3A_214 {dimension_numbers = #tpu.dot_dimension_numbers<[1], [0], [0], [1], [0, 0, 1, 1], [], []>, transpose_lhs_hint = false} : vector<1024x64xf32>, vector<64x64xf32>, vector<1024x64xf32> -> vector<1024x64xf32>
    %get3A_216 = arith.constant 0 : index
    %get3A_217 = arith.constant 0 : index
    %get3A_218 = vector.load %arg8[%get3A_216, %get3A_217] : memref<1x64xf32, #tpu.memory_space<vmem>>, vector<1x64xf32>
    %add3A_219 = vector.broadcast %get3A_218 : vector<1x64xf32> to vector<1024x64xf32>
    %add3A_220 = arith.addf %dot_general3A_215, %add3A_219 : vector<1024x64xf32>
    %ge3A_221 = arith.constant 0.000000e+00 : f32
    %ge3A_222 = vector.broadcast %ge3A_221 : f32 to vector<1024x64xf32>
    %ge3A_223 = arith.cmpf oge, %add3A_220, %ge3A_222 : vector<1024x64xf32>
    %mul3A_224 = arith.constant 2.000000e-01 : f32
    %mul3A_225 = vector.broadcast %mul3A_224 : f32 to vector<1024x64xf32>
    %mul3A_226 = arith.mulf %mul3A_225, %add3A_220 : vector<1024x64xf32>
    %select_n3A_227 = arith.select %ge3A_223, %add3A_220, %mul3A_226 : vector<1024x64xi1>, vector<1024x64xf32>
    %max3A_228 = arith.maximumf %max3A_191, %select_n3A_227 : vector<1024x64xf32>
    %get3A_229 = arith.constant 0 : index
    %get3A_230 = arith.constant 6 : index
    %get3A_231 = arith.constant 0 : index
    %get3A_232 = arith.constant 0 : index
    %get3A_233 = vector.load %arg2[%get3A_229, %get3A_230, %get3A_231, %get3A_232] : memref<1x20x1024x16xf32, #tpu.memory_space<vmem>>, vector<1x1x1024x16xf32>
    %get3A_234 = vector.shape_cast %get3A_233 : vector<1x1x1024x16xf32> to vector<1024x16xf32>
    %get3A_235 = arith.constant 0 : index
    %get3A_236 = arith.constant 0 : index
    %get3A_237 = vector.load %arg4[%get3A_235, %get3A_236] : memref<16x64xf32, #tpu.memory_space<vmem>>, vector<16x64xf32>
    %dot_general3A_238 = arith.constant dense<0.000000e+00> : vector<1024x64xf32>
    %dot_general3A_239 = tpu.matmul %get3A_234, %get3A_237, %dot_general3A_238 {dimension_numbers = #tpu.dot_dimension_numbers<[1], [0], [0], [1], [0, 0, 1, 1], [], []>, transpose_lhs_hint = false} : vector<1024x16xf32>, vector<16x64xf32>, vector<1024x64xf32> -> vector<1024x64xf32>
    %add3A_240 = arith.addf %dot_general3A_239, %add3A_11 : vector<1024x64xf32>
    %ge3A_241 = arith.constant 0.000000e+00 : f32
    %ge3A_242 = vector.broadcast %ge3A_241 : f32 to vector<1024x64xf32>
    %ge3A_243 = arith.cmpf oge, %add3A_240, %ge3A_242 : vector<1024x64xf32>
    %mul3A_244 = arith.constant 2.000000e-01 : f32
    %mul3A_245 = vector.broadcast %mul3A_244 : f32 to vector<1024x64xf32>
    %mul3A_246 = arith.mulf %mul3A_245, %add3A_240 : vector<1024x64xf32>
    %select_n3A_247 = arith.select %ge3A_243, %add3A_240, %mul3A_246 : vector<1024x64xi1>, vector<1024x64xf32>
    %get3A_248 = arith.constant 0 : index
    %get3A_249 = arith.constant 0 : index
    %get3A_250 = vector.load %arg7[%get3A_248, %get3A_249] : memref<64x64xf32, #tpu.memory_space<vmem>>, vector<64x64xf32>
    %dot_general3A_251 = arith.constant dense<0.000000e+00> : vector<1024x64xf32>
    %dot_general3A_252 = tpu.matmul %select_n3A_247, %get3A_250, %dot_general3A_251 {dimension_numbers = #tpu.dot_dimension_numbers<[1], [0], [0], [1], [0, 0, 1, 1], [], []>, transpose_lhs_hint = false} : vector<1024x64xf32>, vector<64x64xf32>, vector<1024x64xf32> -> vector<1024x64xf32>
    %get3A_253 = arith.constant 0 : index
    %get3A_254 = arith.constant 0 : index
    %get3A_255 = vector.load %arg8[%get3A_253, %get3A_254] : memref<1x64xf32, #tpu.memory_space<vmem>>, vector<1x64xf32>
    %add3A_256 = vector.broadcast %get3A_255 : vector<1x64xf32> to vector<1024x64xf32>
    %add3A_257 = arith.addf %dot_general3A_252, %add3A_256 : vector<1024x64xf32>
    %ge3A_258 = arith.constant 0.000000e+00 : f32
    %ge3A_259 = vector.broadcast %ge3A_258 : f32 to vector<1024x64xf32>
    %ge3A_260 = arith.cmpf oge, %add3A_257, %ge3A_259 : vector<1024x64xf32>
    %mul3A_261 = arith.constant 2.000000e-01 : f32
    %mul3A_262 = vector.broadcast %mul3A_261 : f32 to vector<1024x64xf32>
    %mul3A_263 = arith.mulf %mul3A_262, %add3A_257 : vector<1024x64xf32>
    %select_n3A_264 = arith.select %ge3A_260, %add3A_257, %mul3A_263 : vector<1024x64xi1>, vector<1024x64xf32>
    %max3A_265 = arith.maximumf %max3A_228, %select_n3A_264 : vector<1024x64xf32>
    %get3A_266 = arith.constant 0 : index
    %get3A_267 = arith.constant 7 : index
    %get3A_268 = arith.constant 0 : index
    %get3A_269 = arith.constant 0 : index
    %get3A_270 = vector.load %arg2[%get3A_266, %get3A_267, %get3A_268, %get3A_269] : memref<1x20x1024x16xf32, #tpu.memory_space<vmem>>, vector<1x1x1024x16xf32>
    %get3A_271 = vector.shape_cast %get3A_270 : vector<1x1x1024x16xf32> to vector<1024x16xf32>
    %get3A_272 = arith.constant 0 : index
    %get3A_273 = arith.constant 0 : index
    %get3A_274 = vector.load %arg4[%get3A_272, %get3A_273] : memref<16x64xf32, #tpu.memory_space<vmem>>, vector<16x64xf32>
    %dot_general3A_275 = arith.constant dense<0.000000e+00> : vector<1024x64xf32>
    %dot_general3A_276 = tpu.matmul %get3A_271, %get3A_274, %dot_general3A_275 {dimension_numbers = #tpu.dot_dimension_numbers<[1], [0], [0], [1], [0, 0, 1, 1], [], []>, transpose_lhs_hint = false} : vector<1024x16xf32>, vector<16x64xf32>, vector<1024x64xf32> -> vector<1024x64xf32>
    %add3A_277 = arith.addf %dot_general3A_276, %add3A_11 : vector<1024x64xf32>
    %ge3A_278 = arith.constant 0.000000e+00 : f32
    %ge3A_279 = vector.broadcast %ge3A_278 : f32 to vector<1024x64xf32>
    %ge3A_280 = arith.cmpf oge, %add3A_277, %ge3A_279 : vector<1024x64xf32>
    %mul3A_281 = arith.constant 2.000000e-01 : f32
    %mul3A_282 = vector.broadcast %mul3A_281 : f32 to vector<1024x64xf32>
    %mul3A_283 = arith.mulf %mul3A_282, %add3A_277 : vector<1024x64xf32>
    %select_n3A_284 = arith.select %ge3A_280, %add3A_277, %mul3A_283 : vector<1024x64xi1>, vector<1024x64xf32>
    %get3A_285 = arith.constant 0 : index
    %get3A_286 = arith.constant 0 : index
    %get3A_287 = vector.load %arg7[%get3A_285, %get3A_286] : memref<64x64xf32, #tpu.memory_space<vmem>>, vector<64x64xf32>
    %dot_general3A_288 = arith.constant dense<0.000000e+00> : vector<1024x64xf32>
    %dot_general3A_289 = tpu.matmul %select_n3A_284, %get3A_287, %dot_general3A_288 {dimension_numbers = #tpu.dot_dimension_numbers<[1], [0], [0], [1], [0, 0, 1, 1], [], []>, transpose_lhs_hint = false} : vector<1024x64xf32>, vector<64x64xf32>, vector<1024x64xf32> -> vector<1024x64xf32>
    %get3A_290 = arith.constant 0 : index
    %get3A_291 = arith.constant 0 : index
    %get3A_292 = vector.load %arg8[%get3A_290, %get3A_291] : memref<1x64xf32, #tpu.memory_space<vmem>>, vector<1x64xf32>
    %add3A_293 = vector.broadcast %get3A_292 : vector<1x64xf32> to vector<1024x64xf32>
    %add3A_294 = arith.addf %dot_general3A_289, %add3A_293 : vector<1024x64xf32>
    %ge3A_295 = arith.constant 0.000000e+00 : f32
    %ge3A_296 = vector.broadcast %ge3A_295 : f32 to vector<1024x64xf32>
    %ge3A_297 = arith.cmpf oge, %add3A_294, %ge3A_296 : vector<1024x64xf32>
    %mul3A_298 = arith.constant 2.000000e-01 : f32
    %mul3A_299 = vector.broadcast %mul3A_298 : f32 to vector<1024x64xf32>
    %mul3A_300 = arith.mulf %mul3A_299, %add3A_294 : vector<1024x64xf32>
    %select_n3A_301 = arith.select %ge3A_297, %add3A_294, %mul3A_300 : vector<1024x64xi1>, vector<1024x64xf32>
    %max3A_302 = arith.maximumf %max3A_265, %select_n3A_301 : vector<1024x64xf32>
    %get3A_303 = arith.constant 0 : index
    %get3A_304 = arith.constant 8 : index
    %get3A_305 = arith.constant 0 : index
    %get3A_306 = arith.constant 0 : index
    %get3A_307 = vector.load %arg2[%get3A_303, %get3A_304, %get3A_305, %get3A_306] : memref<1x20x1024x16xf32, #tpu.memory_space<vmem>>, vector<1x1x1024x16xf32>
    %get3A_308 = vector.shape_cast %get3A_307 : vector<1x1x1024x16xf32> to vector<1024x16xf32>
    %get3A_309 = arith.constant 0 : index
    %get3A_310 = arith.constant 0 : index
    %get3A_311 = vector.load %arg4[%get3A_309, %get3A_310] : memref<16x64xf32, #tpu.memory_space<vmem>>, vector<16x64xf32>
    %dot_general3A_312 = arith.constant dense<0.000000e+00> : vector<1024x64xf32>
    %dot_general3A_313 = tpu.matmul %get3A_308, %get3A_311, %dot_general3A_312 {dimension_numbers = #tpu.dot_dimension_numbers<[1], [0], [0], [1], [0, 0, 1, 1], [], []>, transpose_lhs_hint = false} : vector<1024x16xf32>, vector<16x64xf32>, vector<1024x64xf32> -> vector<1024x64xf32>
    %add3A_314 = arith.addf %dot_general3A_313, %add3A_11 : vector<1024x64xf32>
    %ge3A_315 = arith.constant 0.000000e+00 : f32
    %ge3A_316 = vector.broadcast %ge3A_315 : f32 to vector<1024x64xf32>
    %ge3A_317 = arith.cmpf oge, %add3A_314, %ge3A_316 : vector<1024x64xf32>
    %mul3A_318 = arith.constant 2.000000e-01 : f32
    %mul3A_319 = vector.broadcast %mul3A_318 : f32 to vector<1024x64xf32>
    %mul3A_320 = arith.mulf %mul3A_319, %add3A_314 : vector<1024x64xf32>
    %select_n3A_321 = arith.select %ge3A_317, %add3A_314, %mul3A_320 : vector<1024x64xi1>, vector<1024x64xf32>
    %get3A_322 = arith.constant 0 : index
    %get3A_323 = arith.constant 0 : index
    %get3A_324 = vector.load %arg7[%get3A_322, %get3A_323] : memref<64x64xf32, #tpu.memory_space<vmem>>, vector<64x64xf32>
    %dot_general3A_325 = arith.constant dense<0.000000e+00> : vector<1024x64xf32>
    %dot_general3A_326 = tpu.matmul %select_n3A_321, %get3A_324, %dot_general3A_325 {dimension_numbers = #tpu.dot_dimension_numbers<[1], [0], [0], [1], [0, 0, 1, 1], [], []>, transpose_lhs_hint = false} : vector<1024x64xf32>, vector<64x64xf32>, vector<1024x64xf32> -> vector<1024x64xf32>
    %get3A_327 = arith.constant 0 : index
    %get3A_328 = arith.constant 0 : index
    %get3A_329 = vector.load %arg8[%get3A_327, %get3A_328] : memref<1x64xf32, #tpu.memory_space<vmem>>, vector<1x64xf32>
    %add3A_330 = vector.broadcast %get3A_329 : vector<1x64xf32> to vector<1024x64xf32>
    %add3A_331 = arith.addf %dot_general3A_326, %add3A_330 : vector<1024x64xf32>
    %ge3A_332 = arith.constant 0.000000e+00 : f32
    %ge3A_333 = vector.broadcast %ge3A_332 : f32 to vector<1024x64xf32>
    %ge3A_334 = arith.cmpf oge, %add3A_331, %ge3A_333 : vector<1024x64xf32>
    %mul3A_335 = arith.constant 2.000000e-01 : f32
    %mul3A_336 = vector.broadcast %mul3A_335 : f32 to vector<1024x64xf32>
    %mul3A_337 = arith.mulf %mul3A_336, %add3A_331 : vector<1024x64xf32>
    %select_n3A_338 = arith.select %ge3A_334, %add3A_331, %mul3A_337 : vector<1024x64xi1>, vector<1024x64xf32>
    %max3A_339 = arith.maximumf %max3A_302, %select_n3A_338 : vector<1024x64xf32>
    %get3A_340 = arith.constant 0 : index
    %get3A_341 = arith.constant 9 : index
    %get3A_342 = arith.constant 0 : index
    %get3A_343 = arith.constant 0 : index
    %get3A_344 = vector.load %arg2[%get3A_340, %get3A_341, %get3A_342, %get3A_343] : memref<1x20x1024x16xf32, #tpu.memory_space<vmem>>, vector<1x1x1024x16xf32>
    %get3A_345 = vector.shape_cast %get3A_344 : vector<1x1x1024x16xf32> to vector<1024x16xf32>
    %get3A_346 = arith.constant 0 : index
    %get3A_347 = arith.constant 0 : index
    %get3A_348 = vector.load %arg4[%get3A_346, %get3A_347] : memref<16x64xf32, #tpu.memory_space<vmem>>, vector<16x64xf32>
    %dot_general3A_349 = arith.constant dense<0.000000e+00> : vector<1024x64xf32>
    %dot_general3A_350 = tpu.matmul %get3A_345, %get3A_348, %dot_general3A_349 {dimension_numbers = #tpu.dot_dimension_numbers<[1], [0], [0], [1], [0, 0, 1, 1], [], []>, transpose_lhs_hint = false} : vector<1024x16xf32>, vector<16x64xf32>, vector<1024x64xf32> -> vector<1024x64xf32>
    %add3A_351 = arith.addf %dot_general3A_350, %add3A_11 : vector<1024x64xf32>
    %ge3A_352 = arith.constant 0.000000e+00 : f32
    %ge3A_353 = vector.broadcast %ge3A_352 : f32 to vector<1024x64xf32>
    %ge3A_354 = arith.cmpf oge, %add3A_351, %ge3A_353 : vector<1024x64xf32>
    %mul3A_355 = arith.constant 2.000000e-01 : f32
    %mul3A_356 = vector.broadcast %mul3A_355 : f32 to vector<1024x64xf32>
    %mul3A_357 = arith.mulf %mul3A_356, %add3A_351 : vector<1024x64xf32>
    %select_n3A_358 = arith.select %ge3A_354, %add3A_351, %mul3A_357 : vector<1024x64xi1>, vector<1024x64xf32>
    %get3A_359 = arith.constant 0 : index
    %get3A_360 = arith.constant 0 : index
    %get3A_361 = vector.load %arg7[%get3A_359, %get3A_360] : memref<64x64xf32, #tpu.memory_space<vmem>>, vector<64x64xf32>
    %dot_general3A_362 = arith.constant dense<0.000000e+00> : vector<1024x64xf32>
    %dot_general3A_363 = tpu.matmul %select_n3A_358, %get3A_361, %dot_general3A_362 {dimension_numbers = #tpu.dot_dimension_numbers<[1], [0], [0], [1], [0, 0, 1, 1], [], []>, transpose_lhs_hint = false} : vector<1024x64xf32>, vector<64x64xf32>, vector<1024x64xf32> -> vector<1024x64xf32>
    %get3A_364 = arith.constant 0 : index
    %get3A_365 = arith.constant 0 : index
    %get3A_366 = vector.load %arg8[%get3A_364, %get3A_365] : memref<1x64xf32, #tpu.memory_space<vmem>>, vector<1x64xf32>
    %add3A_367 = vector.broadcast %get3A_366 : vector<1x64xf32> to vector<1024x64xf32>
    %add3A_368 = arith.addf %dot_general3A_363, %add3A_367 : vector<1024x64xf32>
    %ge3A_369 = arith.constant 0.000000e+00 : f32
    %ge3A_370 = vector.broadcast %ge3A_369 : f32 to vector<1024x64xf32>
    %ge3A_371 = arith.cmpf oge, %add3A_368, %ge3A_370 : vector<1024x64xf32>
    %mul3A_372 = arith.constant 2.000000e-01 : f32
    %mul3A_373 = vector.broadcast %mul3A_372 : f32 to vector<1024x64xf32>
    %mul3A_374 = arith.mulf %mul3A_373, %add3A_368 : vector<1024x64xf32>
    %select_n3A_375 = arith.select %ge3A_371, %add3A_368, %mul3A_374 : vector<1024x64xi1>, vector<1024x64xf32>
    %max3A_376 = arith.maximumf %max3A_339, %select_n3A_375 : vector<1024x64xf32>
    %get3A_377 = arith.constant 0 : index
    %get3A_378 = arith.constant 10 : index
    %get3A_379 = arith.constant 0 : index
    %get3A_380 = arith.constant 0 : index
    %get3A_381 = vector.load %arg2[%get3A_377, %get3A_378, %get3A_379, %get3A_380] : memref<1x20x1024x16xf32, #tpu.memory_space<vmem>>, vector<1x1x1024x16xf32>
    %get3A_382 = vector.shape_cast %get3A_381 : vector<1x1x1024x16xf32> to vector<1024x16xf32>
    %get3A_383 = arith.constant 0 : index
    %get3A_384 = arith.constant 0 : index
    %get3A_385 = vector.load %arg4[%get3A_383, %get3A_384] : memref<16x64xf32, #tpu.memory_space<vmem>>, vector<16x64xf32>
    %dot_general3A_386 = arith.constant dense<0.000000e+00> : vector<1024x64xf32>
    %dot_general3A_387 = tpu.matmul %get3A_382, %get3A_385, %dot_general3A_386 {dimension_numbers = #tpu.dot_dimension_numbers<[1], [0], [0], [1], [0, 0, 1, 1], [], []>, transpose_lhs_hint = false} : vector<1024x16xf32>, vector<16x64xf32>, vector<1024x64xf32> -> vector<1024x64xf32>
    %add3A_388 = arith.addf %dot_general3A_387, %add3A_11 : vector<1024x64xf32>
    %ge3A_389 = arith.constant 0.000000e+00 : f32
    %ge3A_390 = vector.broadcast %ge3A_389 : f32 to vector<1024x64xf32>
    %ge3A_391 = arith.cmpf oge, %add3A_388, %ge3A_390 : vector<1024x64xf32>
    %mul3A_392 = arith.constant 2.000000e-01 : f32
    %mul3A_393 = vector.broadcast %mul3A_392 : f32 to vector<1024x64xf32>
    %mul3A_394 = arith.mulf %mul3A_393, %add3A_388 : vector<1024x64xf32>
    %select_n3A_395 = arith.select %ge3A_391, %add3A_388, %mul3A_394 : vector<1024x64xi1>, vector<1024x64xf32>
    %get3A_396 = arith.constant 0 : index
    %get3A_397 = arith.constant 0 : index
    %get3A_398 = vector.load %arg7[%get3A_396, %get3A_397] : memref<64x64xf32, #tpu.memory_space<vmem>>, vector<64x64xf32>
    %dot_general3A_399 = arith.constant dense<0.000000e+00> : vector<1024x64xf32>
    %dot_general3A_400 = tpu.matmul %select_n3A_395, %get3A_398, %dot_general3A_399 {dimension_numbers = #tpu.dot_dimension_numbers<[1], [0], [0], [1], [0, 0, 1, 1], [], []>, transpose_lhs_hint = false} : vector<1024x64xf32>, vector<64x64xf32>, vector<1024x64xf32> -> vector<1024x64xf32>
    %get3A_401 = arith.constant 0 : index
    %get3A_402 = arith.constant 0 : index
    %get3A_403 = vector.load %arg8[%get3A_401, %get3A_402] : memref<1x64xf32, #tpu.memory_space<vmem>>, vector<1x64xf32>
    %add3A_404 = vector.broadcast %get3A_403 : vector<1x64xf32> to vector<1024x64xf32>
    %add3A_405 = arith.addf %dot_general3A_400, %add3A_404 : vector<1024x64xf32>
    %ge3A_406 = arith.constant 0.000000e+00 : f32
    %ge3A_407 = vector.broadcast %ge3A_406 : f32 to vector<1024x64xf32>
    %ge3A_408 = arith.cmpf oge, %add3A_405, %ge3A_407 : vector<1024x64xf32>
    %mul3A_409 = arith.constant 2.000000e-01 : f32
    %mul3A_410 = vector.broadcast %mul3A_409 : f32 to vector<1024x64xf32>
    %mul3A_411 = arith.mulf %mul3A_410, %add3A_405 : vector<1024x64xf32>
    %select_n3A_412 = arith.select %ge3A_408, %add3A_405, %mul3A_411 : vector<1024x64xi1>, vector<1024x64xf32>
    %max3A_413 = arith.maximumf %max3A_376, %select_n3A_412 : vector<1024x64xf32>
    %get3A_414 = arith.constant 0 : index
    %get3A_415 = arith.constant 11 : index
    %get3A_416 = arith.constant 0 : index
    %get3A_417 = arith.constant 0 : index
    %get3A_418 = vector.load %arg2[%get3A_414, %get3A_415, %get3A_416, %get3A_417] : memref<1x20x1024x16xf32, #tpu.memory_space<vmem>>, vector<1x1x1024x16xf32>
    %get3A_419 = vector.shape_cast %get3A_418 : vector<1x1x1024x16xf32> to vector<1024x16xf32>
    %get3A_420 = arith.constant 0 : index
    %get3A_421 = arith.constant 0 : index
    %get3A_422 = vector.load %arg4[%get3A_420, %get3A_421] : memref<16x64xf32, #tpu.memory_space<vmem>>, vector<16x64xf32>
    %dot_general3A_423 = arith.constant dense<0.000000e+00> : vector<1024x64xf32>
    %dot_general3A_424 = tpu.matmul %get3A_419, %get3A_422, %dot_general3A_423 {dimension_numbers = #tpu.dot_dimension_numbers<[1], [0], [0], [1], [0, 0, 1, 1], [], []>, transpose_lhs_hint = false} : vector<1024x16xf32>, vector<16x64xf32>, vector<1024x64xf32> -> vector<1024x64xf32>
    %add3A_425 = arith.addf %dot_general3A_424, %add3A_11 : vector<1024x64xf32>
    %ge3A_426 = arith.constant 0.000000e+00 : f32
    %ge3A_427 = vector.broadcast %ge3A_426 : f32 to vector<1024x64xf32>
    %ge3A_428 = arith.cmpf oge, %add3A_425, %ge3A_427 : vector<1024x64xf32>
    %mul3A_429 = arith.constant 2.000000e-01 : f32
    %mul3A_430 = vector.broadcast %mul3A_429 : f32 to vector<1024x64xf32>
    %mul3A_431 = arith.mulf %mul3A_430, %add3A_425 : vector<1024x64xf32>
    %select_n3A_432 = arith.select %ge3A_428, %add3A_425, %mul3A_431 : vector<1024x64xi1>, vector<1024x64xf32>
    %get3A_433 = arith.constant 0 : index
    %get3A_434 = arith.constant 0 : index
    %get3A_435 = vector.load %arg7[%get3A_433, %get3A_434] : memref<64x64xf32, #tpu.memory_space<vmem>>, vector<64x64xf32>
    %dot_general3A_436 = arith.constant dense<0.000000e+00> : vector<1024x64xf32>
    %dot_general3A_437 = tpu.matmul %select_n3A_432, %get3A_435, %dot_general3A_436 {dimension_numbers = #tpu.dot_dimension_numbers<[1], [0], [0], [1], [0, 0, 1, 1], [], []>, transpose_lhs_hint = false} : vector<1024x64xf32>, vector<64x64xf32>, vector<1024x64xf32> -> vector<1024x64xf32>
    %get3A_438 = arith.constant 0 : index
    %get3A_439 = arith.constant 0 : index
    %get3A_440 = vector.load %arg8[%get3A_438, %get3A_439] : memref<1x64xf32, #tpu.memory_space<vmem>>, vector<1x64xf32>
    %add3A_441 = vector.broadcast %get3A_440 : vector<1x64xf32> to vector<1024x64xf32>
    %add3A_442 = arith.addf %dot_general3A_437, %add3A_441 : vector<1024x64xf32>
    %ge3A_443 = arith.constant 0.000000e+00 : f32
    %ge3A_444 = vector.broadcast %ge3A_443 : f32 to vector<1024x64xf32>
    %ge3A_445 = arith.cmpf oge, %add3A_442, %ge3A_444 : vector<1024x64xf32>
    %mul3A_446 = arith.constant 2.000000e-01 : f32
    %mul3A_447 = vector.broadcast %mul3A_446 : f32 to vector<1024x64xf32>
    %mul3A_448 = arith.mulf %mul3A_447, %add3A_442 : vector<1024x64xf32>
    %select_n3A_449 = arith.select %ge3A_445, %add3A_442, %mul3A_448 : vector<1024x64xi1>, vector<1024x64xf32>
    %max3A_450 = arith.maximumf %max3A_413, %select_n3A_449 : vector<1024x64xf32>
    %get3A_451 = arith.constant 0 : index
    %get3A_452 = arith.constant 12 : index
    %get3A_453 = arith.constant 0 : index
    %get3A_454 = arith.constant 0 : index
    %get3A_455 = vector.load %arg2[%get3A_451, %get3A_452, %get3A_453, %get3A_454] : memref<1x20x1024x16xf32, #tpu.memory_space<vmem>>, vector<1x1x1024x16xf32>
    %get3A_456 = vector.shape_cast %get3A_455 : vector<1x1x1024x16xf32> to vector<1024x16xf32>
    %get3A_457 = arith.constant 0 : index
    %get3A_458 = arith.constant 0 : index
    %get3A_459 = vector.load %arg4[%get3A_457, %get3A_458] : memref<16x64xf32, #tpu.memory_space<vmem>>, vector<16x64xf32>
    %dot_general3A_460 = arith.constant dense<0.000000e+00> : vector<1024x64xf32>
    %dot_general3A_461 = tpu.matmul %get3A_456, %get3A_459, %dot_general3A_460 {dimension_numbers = #tpu.dot_dimension_numbers<[1], [0], [0], [1], [0, 0, 1, 1], [], []>, transpose_lhs_hint = false} : vector<1024x16xf32>, vector<16x64xf32>, vector<1024x64xf32> -> vector<1024x64xf32>
    %add3A_462 = arith.addf %dot_general3A_461, %add3A_11 : vector<1024x64xf32>
    %ge3A_463 = arith.constant 0.000000e+00 : f32
    %ge3A_464 = vector.broadcast %ge3A_463 : f32 to vector<1024x64xf32>
    %ge3A_465 = arith.cmpf oge, %add3A_462, %ge3A_464 : vector<1024x64xf32>
    %mul3A_466 = arith.constant 2.000000e-01 : f32
    %mul3A_467 = vector.broadcast %mul3A_466 : f32 to vector<1024x64xf32>
    %mul3A_468 = arith.mulf %mul3A_467, %add3A_462 : vector<1024x64xf32>
    %select_n3A_469 = arith.select %ge3A_465, %add3A_462, %mul3A_468 : vector<1024x64xi1>, vector<1024x64xf32>
    %get3A_470 = arith.constant 0 : index
    %get3A_471 = arith.constant 0 : index
    %get3A_472 = vector.load %arg7[%get3A_470, %get3A_471] : memref<64x64xf32, #tpu.memory_space<vmem>>, vector<64x64xf32>
    %dot_general3A_473 = arith.constant dense<0.000000e+00> : vector<1024x64xf32>
    %dot_general3A_474 = tpu.matmul %select_n3A_469, %get3A_472, %dot_general3A_473 {dimension_numbers = #tpu.dot_dimension_numbers<[1], [0], [0], [1], [0, 0, 1, 1], [], []>, transpose_lhs_hint = false} : vector<1024x64xf32>, vector<64x64xf32>, vector<1024x64xf32> -> vector<1024x64xf32>
    %get3A_475 = arith.constant 0 : index
    %get3A_476 = arith.constant 0 : index
    %get3A_477 = vector.load %arg8[%get3A_475, %get3A_476] : memref<1x64xf32, #tpu.memory_space<vmem>>, vector<1x64xf32>
    %add3A_478 = vector.broadcast %get3A_477 : vector<1x64xf32> to vector<1024x64xf32>
    %add3A_479 = arith.addf %dot_general3A_474, %add3A_478 : vector<1024x64xf32>
    %ge3A_480 = arith.constant 0.000000e+00 : f32
    %ge3A_481 = vector.broadcast %ge3A_480 : f32 to vector<1024x64xf32>
    %ge3A_482 = arith.cmpf oge, %add3A_479, %ge3A_481 : vector<1024x64xf32>
    %mul3A_483 = arith.constant 2.000000e-01 : f32
    %mul3A_484 = vector.broadcast %mul3A_483 : f32 to vector<1024x64xf32>
    %mul3A_485 = arith.mulf %mul3A_484, %add3A_479 : vector<1024x64xf32>
    %select_n3A_486 = arith.select %ge3A_482, %add3A_479, %mul3A_485 : vector<1024x64xi1>, vector<1024x64xf32>
    %max3A_487 = arith.maximumf %max3A_450, %select_n3A_486 : vector<1024x64xf32>
    %get3A_488 = arith.constant 0 : index
    %get3A_489 = arith.constant 13 : index
    %get3A_490 = arith.constant 0 : index
    %get3A_491 = arith.constant 0 : index
    %get3A_492 = vector.load %arg2[%get3A_488, %get3A_489, %get3A_490, %get3A_491] : memref<1x20x1024x16xf32, #tpu.memory_space<vmem>>, vector<1x1x1024x16xf32>
    %get3A_493 = vector.shape_cast %get3A_492 : vector<1x1x1024x16xf32> to vector<1024x16xf32>
    %get3A_494 = arith.constant 0 : index
    %get3A_495 = arith.constant 0 : index
    %get3A_496 = vector.load %arg4[%get3A_494, %get3A_495] : memref<16x64xf32, #tpu.memory_space<vmem>>, vector<16x64xf32>
    %dot_general3A_497 = arith.constant dense<0.000000e+00> : vector<1024x64xf32>
    %dot_general3A_498 = tpu.matmul %get3A_493, %get3A_496, %dot_general3A_497 {dimension_numbers = #tpu.dot_dimension_numbers<[1], [0], [0], [1], [0, 0, 1, 1], [], []>, transpose_lhs_hint = false} : vector<1024x16xf32>, vector<16x64xf32>, vector<1024x64xf32> -> vector<1024x64xf32>
    %add3A_499 = arith.addf %dot_general3A_498, %add3A_11 : vector<1024x64xf32>
    %ge3A_500 = arith.constant 0.000000e+00 : f32
    %ge3A_501 = vector.broadcast %ge3A_500 : f32 to vector<1024x64xf32>
    %ge3A_502 = arith.cmpf oge, %add3A_499, %ge3A_501 : vector<1024x64xf32>
    %mul3A_503 = arith.constant 2.000000e-01 : f32
    %mul3A_504 = vector.broadcast %mul3A_503 : f32 to vector<1024x64xf32>
    %mul3A_505 = arith.mulf %mul3A_504, %add3A_499 : vector<1024x64xf32>
    %select_n3A_506 = arith.select %ge3A_502, %add3A_499, %mul3A_505 : vector<1024x64xi1>, vector<1024x64xf32>
    %get3A_507 = arith.constant 0 : index
    %get3A_508 = arith.constant 0 : index
    %get3A_509 = vector.load %arg7[%get3A_507, %get3A_508] : memref<64x64xf32, #tpu.memory_space<vmem>>, vector<64x64xf32>
    %dot_general3A_510 = arith.constant dense<0.000000e+00> : vector<1024x64xf32>
    %dot_general3A_511 = tpu.matmul %select_n3A_506, %get3A_509, %dot_general3A_510 {dimension_numbers = #tpu.dot_dimension_numbers<[1], [0], [0], [1], [0, 0, 1, 1], [], []>, transpose_lhs_hint = false} : vector<1024x64xf32>, vector<64x64xf32>, vector<1024x64xf32> -> vector<1024x64xf32>
    %get3A_512 = arith.constant 0 : index
    %get3A_513 = arith.constant 0 : index
    %get3A_514 = vector.load %arg8[%get3A_512, %get3A_513] : memref<1x64xf32, #tpu.memory_space<vmem>>, vector<1x64xf32>
    %add3A_515 = vector.broadcast %get3A_514 : vector<1x64xf32> to vector<1024x64xf32>
    %add3A_516 = arith.addf %dot_general3A_511, %add3A_515 : vector<1024x64xf32>
    %ge3A_517 = arith.constant 0.000000e+00 : f32
    %ge3A_518 = vector.broadcast %ge3A_517 : f32 to vector<1024x64xf32>
    %ge3A_519 = arith.cmpf oge, %add3A_516, %ge3A_518 : vector<1024x64xf32>
    %mul3A_520 = arith.constant 2.000000e-01 : f32
    %mul3A_521 = vector.broadcast %mul3A_520 : f32 to vector<1024x64xf32>
    %mul3A_522 = arith.mulf %mul3A_521, %add3A_516 : vector<1024x64xf32>
    %select_n3A_523 = arith.select %ge3A_519, %add3A_516, %mul3A_522 : vector<1024x64xi1>, vector<1024x64xf32>
    %max3A_524 = arith.maximumf %max3A_487, %select_n3A_523 : vector<1024x64xf32>
    %get3A_525 = arith.constant 0 : index
    %get3A_526 = arith.constant 14 : index
    %get3A_527 = arith.constant 0 : index
    %get3A_528 = arith.constant 0 : index
    %get3A_529 = vector.load %arg2[%get3A_525, %get3A_526, %get3A_527, %get3A_528] : memref<1x20x1024x16xf32, #tpu.memory_space<vmem>>, vector<1x1x1024x16xf32>
    %get3A_530 = vector.shape_cast %get3A_529 : vector<1x1x1024x16xf32> to vector<1024x16xf32>
    %get3A_531 = arith.constant 0 : index
    %get3A_532 = arith.constant 0 : index
    %get3A_533 = vector.load %arg4[%get3A_531, %get3A_532] : memref<16x64xf32, #tpu.memory_space<vmem>>, vector<16x64xf32>
    %dot_general3A_534 = arith.constant dense<0.000000e+00> : vector<1024x64xf32>
    %dot_general3A_535 = tpu.matmul %get3A_530, %get3A_533, %dot_general3A_534 {dimension_numbers = #tpu.dot_dimension_numbers<[1], [0], [0], [1], [0, 0, 1, 1], [], []>, transpose_lhs_hint = false} : vector<1024x16xf32>, vector<16x64xf32>, vector<1024x64xf32> -> vector<1024x64xf32>
    %add3A_536 = arith.addf %dot_general3A_535, %add3A_11 : vector<1024x64xf32>
    %ge3A_537 = arith.constant 0.000000e+00 : f32
    %ge3A_538 = vector.broadcast %ge3A_537 : f32 to vector<1024x64xf32>
    %ge3A_539 = arith.cmpf oge, %add3A_536, %ge3A_538 : vector<1024x64xf32>
    %mul3A_540 = arith.constant 2.000000e-01 : f32
    %mul3A_541 = vector.broadcast %mul3A_540 : f32 to vector<1024x64xf32>
    %mul3A_542 = arith.mulf %mul3A_541, %add3A_536 : vector<1024x64xf32>
    %select_n3A_543 = arith.select %ge3A_539, %add3A_536, %mul3A_542 : vector<1024x64xi1>, vector<1024x64xf32>
    %get3A_544 = arith.constant 0 : index
    %get3A_545 = arith.constant 0 : index
    %get3A_546 = vector.load %arg7[%get3A_544, %get3A_545] : memref<64x64xf32, #tpu.memory_space<vmem>>, vector<64x64xf32>
    %dot_general3A_547 = arith.constant dense<0.000000e+00> : vector<1024x64xf32>
    %dot_general3A_548 = tpu.matmul %select_n3A_543, %get3A_546, %dot_general3A_547 {dimension_numbers = #tpu.dot_dimension_numbers<[1], [0], [0], [1], [0, 0, 1, 1], [], []>, transpose_lhs_hint = false} : vector<1024x64xf32>, vector<64x64xf32>, vector<1024x64xf32> -> vector<1024x64xf32>
    %get3A_549 = arith.constant 0 : index
    %get3A_550 = arith.constant 0 : index
    %get3A_551 = vector.load %arg8[%get3A_549, %get3A_550] : memref<1x64xf32, #tpu.memory_space<vmem>>, vector<1x64xf32>
    %add3A_552 = vector.broadcast %get3A_551 : vector<1x64xf32> to vector<1024x64xf32>
    %add3A_553 = arith.addf %dot_general3A_548, %add3A_552 : vector<1024x64xf32>
    %ge3A_554 = arith.constant 0.000000e+00 : f32
    %ge3A_555 = vector.broadcast %ge3A_554 : f32 to vector<1024x64xf32>
    %ge3A_556 = arith.cmpf oge, %add3A_553, %ge3A_555 : vector<1024x64xf32>
    %mul3A_557 = arith.constant 2.000000e-01 : f32
    %mul3A_558 = vector.broadcast %mul3A_557 : f32 to vector<1024x64xf32>
    %mul3A_559 = arith.mulf %mul3A_558, %add3A_553 : vector<1024x64xf32>
    %select_n3A_560 = arith.select %ge3A_556, %add3A_553, %mul3A_559 : vector<1024x64xi1>, vector<1024x64xf32>
    %max3A_561 = arith.maximumf %max3A_524, %select_n3A_560 : vector<1024x64xf32>
    %get3A_562 = arith.constant 0 : index
    %get3A_563 = arith.constant 15 : index
    %get3A_564 = arith.constant 0 : index
    %get3A_565 = arith.constant 0 : index
    %get3A_566 = vector.load %arg2[%get3A_562, %get3A_563, %get3A_564, %get3A_565] : memref<1x20x1024x16xf32, #tpu.memory_space<vmem>>, vector<1x1x1024x16xf32>
    %get3A_567 = vector.shape_cast %get3A_566 : vector<1x1x1024x16xf32> to vector<1024x16xf32>
    %get3A_568 = arith.constant 0 : index
    %get3A_569 = arith.constant 0 : index
    %get3A_570 = vector.load %arg4[%get3A_568, %get3A_569] : memref<16x64xf32, #tpu.memory_space<vmem>>, vector<16x64xf32>
    %dot_general3A_571 = arith.constant dense<0.000000e+00> : vector<1024x64xf32>
    %dot_general3A_572 = tpu.matmul %get3A_567, %get3A_570, %dot_general3A_571 {dimension_numbers = #tpu.dot_dimension_numbers<[1], [0], [0], [1], [0, 0, 1, 1], [], []>, transpose_lhs_hint = false} : vector<1024x16xf32>, vector<16x64xf32>, vector<1024x64xf32> -> vector<1024x64xf32>
    %add3A_573 = arith.addf %dot_general3A_572, %add3A_11 : vector<1024x64xf32>
    %ge3A_574 = arith.constant 0.000000e+00 : f32
    %ge3A_575 = vector.broadcast %ge3A_574 : f32 to vector<1024x64xf32>
    %ge3A_576 = arith.cmpf oge, %add3A_573, %ge3A_575 : vector<1024x64xf32>
    %mul3A_577 = arith.constant 2.000000e-01 : f32
    %mul3A_578 = vector.broadcast %mul3A_577 : f32 to vector<1024x64xf32>
    %mul3A_579 = arith.mulf %mul3A_578, %add3A_573 : vector<1024x64xf32>
    %select_n3A_580 = arith.select %ge3A_576, %add3A_573, %mul3A_579 : vector<1024x64xi1>, vector<1024x64xf32>
    %get3A_581 = arith.constant 0 : index
    %get3A_582 = arith.constant 0 : index
    %get3A_583 = vector.load %arg7[%get3A_581, %get3A_582] : memref<64x64xf32, #tpu.memory_space<vmem>>, vector<64x64xf32>
    %dot_general3A_584 = arith.constant dense<0.000000e+00> : vector<1024x64xf32>
    %dot_general3A_585 = tpu.matmul %select_n3A_580, %get3A_583, %dot_general3A_584 {dimension_numbers = #tpu.dot_dimension_numbers<[1], [0], [0], [1], [0, 0, 1, 1], [], []>, transpose_lhs_hint = false} : vector<1024x64xf32>, vector<64x64xf32>, vector<1024x64xf32> -> vector<1024x64xf32>
    %get3A_586 = arith.constant 0 : index
    %get3A_587 = arith.constant 0 : index
    %get3A_588 = vector.load %arg8[%get3A_586, %get3A_587] : memref<1x64xf32, #tpu.memory_space<vmem>>, vector<1x64xf32>
    %add3A_589 = vector.broadcast %get3A_588 : vector<1x64xf32> to vector<1024x64xf32>
    %add3A_590 = arith.addf %dot_general3A_585, %add3A_589 : vector<1024x64xf32>
    %ge3A_591 = arith.constant 0.000000e+00 : f32
    %ge3A_592 = vector.broadcast %ge3A_591 : f32 to vector<1024x64xf32>
    %ge3A_593 = arith.cmpf oge, %add3A_590, %ge3A_592 : vector<1024x64xf32>
    %mul3A_594 = arith.constant 2.000000e-01 : f32
    %mul3A_595 = vector.broadcast %mul3A_594 : f32 to vector<1024x64xf32>
    %mul3A_596 = arith.mulf %mul3A_595, %add3A_590 : vector<1024x64xf32>
    %select_n3A_597 = arith.select %ge3A_593, %add3A_590, %mul3A_596 : vector<1024x64xi1>, vector<1024x64xf32>
    %max3A_598 = arith.maximumf %max3A_561, %select_n3A_597 : vector<1024x64xf32>
    %get3A_599 = arith.constant 0 : index
    %get3A_600 = arith.constant 16 : index
    %get3A_601 = arith.constant 0 : index
    %get3A_602 = arith.constant 0 : index
    %get3A_603 = vector.load %arg2[%get3A_599, %get3A_600, %get3A_601, %get3A_602] : memref<1x20x1024x16xf32, #tpu.memory_space<vmem>>, vector<1x1x1024x16xf32>
    %get3A_604 = vector.shape_cast %get3A_603 : vector<1x1x1024x16xf32> to vector<1024x16xf32>
    %get3A_605 = arith.constant 0 : index
    %get3A_606 = arith.constant 0 : index
    %get3A_607 = vector.load %arg4[%get3A_605, %get3A_606] : memref<16x64xf32, #tpu.memory_space<vmem>>, vector<16x64xf32>
    %dot_general3A_608 = arith.constant dense<0.000000e+00> : vector<1024x64xf32>
    %dot_general3A_609 = tpu.matmul %get3A_604, %get3A_607, %dot_general3A_608 {dimension_numbers = #tpu.dot_dimension_numbers<[1], [0], [0], [1], [0, 0, 1, 1], [], []>, transpose_lhs_hint = false} : vector<1024x16xf32>, vector<16x64xf32>, vector<1024x64xf32> -> vector<1024x64xf32>
    %add3A_610 = arith.addf %dot_general3A_609, %add3A_11 : vector<1024x64xf32>
    %ge3A_611 = arith.constant 0.000000e+00 : f32
    %ge3A_612 = vector.broadcast %ge3A_611 : f32 to vector<1024x64xf32>
    %ge3A_613 = arith.cmpf oge, %add3A_610, %ge3A_612 : vector<1024x64xf32>
    %mul3A_614 = arith.constant 2.000000e-01 : f32
    %mul3A_615 = vector.broadcast %mul3A_614 : f32 to vector<1024x64xf32>
    %mul3A_616 = arith.mulf %mul3A_615, %add3A_610 : vector<1024x64xf32>
    %select_n3A_617 = arith.select %ge3A_613, %add3A_610, %mul3A_616 : vector<1024x64xi1>, vector<1024x64xf32>
    %get3A_618 = arith.constant 0 : index
    %get3A_619 = arith.constant 0 : index
    %get3A_620 = vector.load %arg7[%get3A_618, %get3A_619] : memref<64x64xf32, #tpu.memory_space<vmem>>, vector<64x64xf32>
    %dot_general3A_621 = arith.constant dense<0.000000e+00> : vector<1024x64xf32>
    %dot_general3A_622 = tpu.matmul %select_n3A_617, %get3A_620, %dot_general3A_621 {dimension_numbers = #tpu.dot_dimension_numbers<[1], [0], [0], [1], [0, 0, 1, 1], [], []>, transpose_lhs_hint = false} : vector<1024x64xf32>, vector<64x64xf32>, vector<1024x64xf32> -> vector<1024x64xf32>
    %get3A_623 = arith.constant 0 : index
    %get3A_624 = arith.constant 0 : index
    %get3A_625 = vector.load %arg8[%get3A_623, %get3A_624] : memref<1x64xf32, #tpu.memory_space<vmem>>, vector<1x64xf32>
    %add3A_626 = vector.broadcast %get3A_625 : vector<1x64xf32> to vector<1024x64xf32>
    %add3A_627 = arith.addf %dot_general3A_622, %add3A_626 : vector<1024x64xf32>
    %ge3A_628 = arith.constant 0.000000e+00 : f32
    %ge3A_629 = vector.broadcast %ge3A_628 : f32 to vector<1024x64xf32>
    %ge3A_630 = arith.cmpf oge, %add3A_627, %ge3A_629 : vector<1024x64xf32>
    %mul3A_631 = arith.constant 2.000000e-01 : f32
    %mul3A_632 = vector.broadcast %mul3A_631 : f32 to vector<1024x64xf32>
    %mul3A_633 = arith.mulf %mul3A_632, %add3A_627 : vector<1024x64xf32>
    %select_n3A_634 = arith.select %ge3A_630, %add3A_627, %mul3A_633 : vector<1024x64xi1>, vector<1024x64xf32>
    %max3A_635 = arith.maximumf %max3A_598, %select_n3A_634 : vector<1024x64xf32>
    %get3A_636 = arith.constant 0 : index
    %get3A_637 = arith.constant 17 : index
    %get3A_638 = arith.constant 0 : index
    %get3A_639 = arith.constant 0 : index
    %get3A_640 = vector.load %arg2[%get3A_636, %get3A_637, %get3A_638, %get3A_639] : memref<1x20x1024x16xf32, #tpu.memory_space<vmem>>, vector<1x1x1024x16xf32>
    %get3A_641 = vector.shape_cast %get3A_640 : vector<1x1x1024x16xf32> to vector<1024x16xf32>
    %get3A_642 = arith.constant 0 : index
    %get3A_643 = arith.constant 0 : index
    %get3A_644 = vector.load %arg4[%get3A_642, %get3A_643] : memref<16x64xf32, #tpu.memory_space<vmem>>, vector<16x64xf32>
    %dot_general3A_645 = arith.constant dense<0.000000e+00> : vector<1024x64xf32>
    %dot_general3A_646 = tpu.matmul %get3A_641, %get3A_644, %dot_general3A_645 {dimension_numbers = #tpu.dot_dimension_numbers<[1], [0], [0], [1], [0, 0, 1, 1], [], []>, transpose_lhs_hint = false} : vector<1024x16xf32>, vector<16x64xf32>, vector<1024x64xf32> -> vector<1024x64xf32>
    %add3A_647 = arith.addf %dot_general3A_646, %add3A_11 : vector<1024x64xf32>
    %ge3A_648 = arith.constant 0.000000e+00 : f32
    %ge3A_649 = vector.broadcast %ge3A_648 : f32 to vector<1024x64xf32>
    %ge3A_650 = arith.cmpf oge, %add3A_647, %ge3A_649 : vector<1024x64xf32>
    %mul3A_651 = arith.constant 2.000000e-01 : f32
    %mul3A_652 = vector.broadcast %mul3A_651 : f32 to vector<1024x64xf32>
    %mul3A_653 = arith.mulf %mul3A_652, %add3A_647 : vector<1024x64xf32>
    %select_n3A_654 = arith.select %ge3A_650, %add3A_647, %mul3A_653 : vector<1024x64xi1>, vector<1024x64xf32>
    %get3A_655 = arith.constant 0 : index
    %get3A_656 = arith.constant 0 : index
    %get3A_657 = vector.load %arg7[%get3A_655, %get3A_656] : memref<64x64xf32, #tpu.memory_space<vmem>>, vector<64x64xf32>
    %dot_general3A_658 = arith.constant dense<0.000000e+00> : vector<1024x64xf32>
    %dot_general3A_659 = tpu.matmul %select_n3A_654, %get3A_657, %dot_general3A_658 {dimension_numbers = #tpu.dot_dimension_numbers<[1], [0], [0], [1], [0, 0, 1, 1], [], []>, transpose_lhs_hint = false} : vector<1024x64xf32>, vector<64x64xf32>, vector<1024x64xf32> -> vector<1024x64xf32>
    %get3A_660 = arith.constant 0 : index
    %get3A_661 = arith.constant 0 : index
    %get3A_662 = vector.load %arg8[%get3A_660, %get3A_661] : memref<1x64xf32, #tpu.memory_space<vmem>>, vector<1x64xf32>
    %add3A_663 = vector.broadcast %get3A_662 : vector<1x64xf32> to vector<1024x64xf32>
    %add3A_664 = arith.addf %dot_general3A_659, %add3A_663 : vector<1024x64xf32>
    %ge3A_665 = arith.constant 0.000000e+00 : f32
    %ge3A_666 = vector.broadcast %ge3A_665 : f32 to vector<1024x64xf32>
    %ge3A_667 = arith.cmpf oge, %add3A_664, %ge3A_666 : vector<1024x64xf32>
    %mul3A_668 = arith.constant 2.000000e-01 : f32
    %mul3A_669 = vector.broadcast %mul3A_668 : f32 to vector<1024x64xf32>
    %mul3A_670 = arith.mulf %mul3A_669, %add3A_664 : vector<1024x64xf32>
    %select_n3A_671 = arith.select %ge3A_667, %add3A_664, %mul3A_670 : vector<1024x64xi1>, vector<1024x64xf32>
    %max3A_672 = arith.maximumf %max3A_635, %select_n3A_671 : vector<1024x64xf32>
    %get3A_673 = arith.constant 0 : index
    %get3A_674 = arith.constant 18 : index
    %get3A_675 = arith.constant 0 : index
    %get3A_676 = arith.constant 0 : index
    %get3A_677 = vector.load %arg2[%get3A_673, %get3A_674, %get3A_675, %get3A_676] : memref<1x20x1024x16xf32, #tpu.memory_space<vmem>>, vector<1x1x1024x16xf32>
    %get3A_678 = vector.shape_cast %get3A_677 : vector<1x1x1024x16xf32> to vector<1024x16xf32>
    %get3A_679 = arith.constant 0 : index
    %get3A_680 = arith.constant 0 : index
    %get3A_681 = vector.load %arg4[%get3A_679, %get3A_680] : memref<16x64xf32, #tpu.memory_space<vmem>>, vector<16x64xf32>
    %dot_general3A_682 = arith.constant dense<0.000000e+00> : vector<1024x64xf32>
    %dot_general3A_683 = tpu.matmul %get3A_678, %get3A_681, %dot_general3A_682 {dimension_numbers = #tpu.dot_dimension_numbers<[1], [0], [0], [1], [0, 0, 1, 1], [], []>, transpose_lhs_hint = false} : vector<1024x16xf32>, vector<16x64xf32>, vector<1024x64xf32> -> vector<1024x64xf32>
    %add3A_684 = arith.addf %dot_general3A_683, %add3A_11 : vector<1024x64xf32>
    %ge3A_685 = arith.constant 0.000000e+00 : f32
    %ge3A_686 = vector.broadcast %ge3A_685 : f32 to vector<1024x64xf32>
    %ge3A_687 = arith.cmpf oge, %add3A_684, %ge3A_686 : vector<1024x64xf32>
    %mul3A_688 = arith.constant 2.000000e-01 : f32
    %mul3A_689 = vector.broadcast %mul3A_688 : f32 to vector<1024x64xf32>
    %mul3A_690 = arith.mulf %mul3A_689, %add3A_684 : vector<1024x64xf32>
    %select_n3A_691 = arith.select %ge3A_687, %add3A_684, %mul3A_690 : vector<1024x64xi1>, vector<1024x64xf32>
    %get3A_692 = arith.constant 0 : index
    %get3A_693 = arith.constant 0 : index
    %get3A_694 = vector.load %arg7[%get3A_692, %get3A_693] : memref<64x64xf32, #tpu.memory_space<vmem>>, vector<64x64xf32>
    %dot_general3A_695 = arith.constant dense<0.000000e+00> : vector<1024x64xf32>
    %dot_general3A_696 = tpu.matmul %select_n3A_691, %get3A_694, %dot_general3A_695 {dimension_numbers = #tpu.dot_dimension_numbers<[1], [0], [0], [1], [0, 0, 1, 1], [], []>, transpose_lhs_hint = false} : vector<1024x64xf32>, vector<64x64xf32>, vector<1024x64xf32> -> vector<1024x64xf32>
    %get3A_697 = arith.constant 0 : index
    %get3A_698 = arith.constant 0 : index
    %get3A_699 = vector.load %arg8[%get3A_697, %get3A_698] : memref<1x64xf32, #tpu.memory_space<vmem>>, vector<1x64xf32>
    %add3A_700 = vector.broadcast %get3A_699 : vector<1x64xf32> to vector<1024x64xf32>
    %add3A_701 = arith.addf %dot_general3A_696, %add3A_700 : vector<1024x64xf32>
    %ge3A_702 = arith.constant 0.000000e+00 : f32
    %ge3A_703 = vector.broadcast %ge3A_702 : f32 to vector<1024x64xf32>
    %ge3A_704 = arith.cmpf oge, %add3A_701, %ge3A_703 : vector<1024x64xf32>
    %mul3A_705 = arith.constant 2.000000e-01 : f32
    %mul3A_706 = vector.broadcast %mul3A_705 : f32 to vector<1024x64xf32>
    %mul3A_707 = arith.mulf %mul3A_706, %add3A_701 : vector<1024x64xf32>
    %select_n3A_708 = arith.select %ge3A_704, %add3A_701, %mul3A_707 : vector<1024x64xi1>, vector<1024x64xf32>
    %max3A_709 = arith.maximumf %max3A_672, %select_n3A_708 : vector<1024x64xf32>
    %get3A_710 = arith.constant 0 : index
    %get3A_711 = arith.constant 19 : index
    %get3A_712 = arith.constant 0 : index
    %get3A_713 = arith.constant 0 : index
    %get3A_714 = vector.load %arg2[%get3A_710, %get3A_711, %get3A_712, %get3A_713] : memref<1x20x1024x16xf32, #tpu.memory_space<vmem>>, vector<1x1x1024x16xf32>
    %get3A_715 = vector.shape_cast %get3A_714 : vector<1x1x1024x16xf32> to vector<1024x16xf32>
    %get3A_716 = arith.constant 0 : index
    %get3A_717 = arith.constant 0 : index
    %get3A_718 = vector.load %arg4[%get3A_716, %get3A_717] : memref<16x64xf32, #tpu.memory_space<vmem>>, vector<16x64xf32>
    %dot_general3A_719 = arith.constant dense<0.000000e+00> : vector<1024x64xf32>
    %dot_general3A_720 = tpu.matmul %get3A_715, %get3A_718, %dot_general3A_719 {dimension_numbers = #tpu.dot_dimension_numbers<[1], [0], [0], [1], [0, 0, 1, 1], [], []>, transpose_lhs_hint = false} : vector<1024x16xf32>, vector<16x64xf32>, vector<1024x64xf32> -> vector<1024x64xf32>
    %add3A_721 = arith.addf %dot_general3A_720, %add3A_11 : vector<1024x64xf32>
    %ge3A_722 = arith.constant 0.000000e+00 : f32
    %ge3A_723 = vector.broadcast %ge3A_722 : f32 to vector<1024x64xf32>
    %ge3A_724 = arith.cmpf oge, %add3A_721, %ge3A_723 : vector<1024x64xf32>
    %mul3A_725 = arith.constant 2.000000e-01 : f32
    %mul3A_726 = vector.broadcast %mul3A_725 : f32 to vector<1024x64xf32>
    %mul3A_727 = arith.mulf %mul3A_726, %add3A_721 : vector<1024x64xf32>
    %select_n3A_728 = arith.select %ge3A_724, %add3A_721, %mul3A_727 : vector<1024x64xi1>, vector<1024x64xf32>
    %get3A_729 = arith.constant 0 : index
    %get3A_730 = arith.constant 0 : index
    %get3A_731 = vector.load %arg7[%get3A_729, %get3A_730] : memref<64x64xf32, #tpu.memory_space<vmem>>, vector<64x64xf32>
    %dot_general3A_732 = arith.constant dense<0.000000e+00> : vector<1024x64xf32>
    %dot_general3A_733 = tpu.matmul %select_n3A_728, %get3A_731, %dot_general3A_732 {dimension_numbers = #tpu.dot_dimension_numbers<[1], [0], [0], [1], [0, 0, 1, 1], [], []>, transpose_lhs_hint = false} : vector<1024x64xf32>, vector<64x64xf32>, vector<1024x64xf32> -> vector<1024x64xf32>
    %get3A_734 = arith.constant 0 : index
    %get3A_735 = arith.constant 0 : index
    %get3A_736 = vector.load %arg8[%get3A_734, %get3A_735] : memref<1x64xf32, #tpu.memory_space<vmem>>, vector<1x64xf32>
    %add3A_737 = vector.broadcast %get3A_736 : vector<1x64xf32> to vector<1024x64xf32>
    %add3A_738 = arith.addf %dot_general3A_733, %add3A_737 : vector<1024x64xf32>
    %ge3A_739 = arith.constant 0.000000e+00 : f32
    %ge3A_740 = vector.broadcast %ge3A_739 : f32 to vector<1024x64xf32>
    %ge3A_741 = arith.cmpf oge, %add3A_738, %ge3A_740 : vector<1024x64xf32>
    %mul3A_742 = arith.constant 2.000000e-01 : f32
    %mul3A_743 = vector.broadcast %mul3A_742 : f32 to vector<1024x64xf32>
    %mul3A_744 = arith.mulf %mul3A_743, %add3A_738 : vector<1024x64xf32>
    %select_n3A_745 = arith.select %ge3A_741, %add3A_738, %mul3A_744 : vector<1024x64xi1>, vector<1024x64xf32>
    %max3A_746 = arith.maximumf %max3A_709, %select_n3A_745 : vector<1024x64xf32>
    %swap3A = arith.constant 0 : index
    %swap3A_747 = arith.constant 0 : index
    %swap3A_748 = arith.constant 0 : index
    %swap3A_749 = vector.load %arg9[%swap3A, %swap3A_747, %swap3A_748] : memref<1x1024x64xf32, #tpu.memory_space<vmem>>, vector<1x1024x64xf32>
    %swap3A_750 = vector.shape_cast %swap3A_749 : vector<1x1024x64xf32> to vector<1024x64xf32>
    %swap3A_751 = vector.shape_cast %max3A_746 : vector<1024x64xf32> to vector<1x1024x64xf32>
    tpu.vector_store %arg9[%swap3A, %swap3A_747, %swap3A_748], %swap3A_751 {strides = array<i32>} : memref<1x1024x64xf32, #tpu.memory_space<vmem>>, vector<1x1024x64xf32>,
    %transpose3A = tpu.transpose %max3A_746, [1, 0] : vector<1024x64xf32> -> vector<64x1024xf32>
    %swap3A_752 = arith.constant 0 : index
    %swap3A_753 = arith.constant 0 : index
    %swap3A_754 = arith.constant 0 : index
    %swap3A_755 = vector.load %arg10[%swap3A_752, %swap3A_753, %swap3A_754] : memref<1x64x1024xf32, #tpu.memory_space<vmem>>, vector<1x64x1024xf32>
    %swap3A_756 = vector.shape_cast %swap3A_755 : vector<1x64x1024xf32> to vector<64x1024xf32>
    %swap3A_757 = vector.shape_cast %transpose3A : vector<64x1024xf32> to vector<1x64x1024xf32>
    tpu.vector_store %arg10[%swap3A_752, %swap3A_753, %swap3A_754], %swap3A_757 {strides = array<i32>} : memref<1x64x1024xf32, #tpu.memory_space<vmem>>, vector<1x64x1024xf32>,
    return
  }
  func.func @transform_0(%arg0: i32, %arg1: i32) -> (i32, i32, i32, i32) {
    %c0_i32 = arith.constant 0 : i32
    %c0_i32_0 = arith.constant 0 : i32
    %c0_i32_1 = arith.constant 0 : i32
    return %arg0, %c0_i32, %arg1, %c0_i32_0 : i32, i32, i32, i32
  }
  func.func @transform_1(%arg0: i32, %arg1: i32) -> (i32, i32, i32) {
    %c0_i32 = arith.constant 0 : i32
    %c0_i32_0 = arith.constant 0 : i32
    return %arg0, %arg1, %c0_i32 : i32, i32, i32
  }
  func.func @transform_2(%arg0: i32, %arg1: i32) -> (i32, i32) {
    %c0_i32 = arith.constant 0 : i32
    %c0_i32_0 = arith.constant 0 : i32
    %c0_i32_1 = arith.constant 0 : i32
    return %c0_i32, %c0_i32_0 : i32, i32
  }
  func.func @transform_3(%arg0: i32, %arg1: i32) -> (i32, i32) {
    %c0_i32 = arith.constant 0 : i32
    %c0_i32_0 = arith.constant 0 : i32
    %c0_i32_1 = arith.constant 0 : i32
    return %c0_i32, %c0_i32_0 : i32, i32
  }
  func.func @transform_4(%arg0: i32, %arg1: i32) -> (i32, i32) {
    %c0_i32 = arith.constant 0 : i32
    %c0_i32_0 = arith.constant 0 : i32
    %c0_i32_1 = arith.constant 0 : i32
    return %c0_i32, %c0_i32_0 : i32, i32
  }
  func.func @transform_5(%arg0: i32, %arg1: i32) -> (i32, i32) {
    %c0_i32 = arith.constant 0 : i32
    %c0_i32_0 = arith.constant 0 : i32
    %c0_i32_1 = arith.constant 0 : i32
    return %c0_i32, %c0_i32_0 : i32, i32
  }
  func.func @transform_6(%arg0: i32, %arg1: i32) -> (i32, i32) {
    %c0_i32 = arith.constant 0 : i32
    %c0_i32_0 = arith.constant 0 : i32
    %c0_i32_1 = arith.constant 0 : i32
    return %c0_i32, %c0_i32_0 : i32, i32
  }
  func.func @transform_7(%arg0: i32, %arg1: i32) -> (i32, i32, i32) {
    %c0_i32 = arith.constant 0 : i32
    %c0_i32_0 = arith.constant 0 : i32
    return %arg0, %arg1, %c0_i32 : i32, i32, i32
  }
  func.func @transform_8(%arg0: i32, %arg1: i32) -> (i32, i32, i32) {
    %c0_i32 = arith.constant 0 : i32
    %c0_i32_0 = arith.constant 0 : i32
    return %arg0, %c0_i32, %arg1 : i32, i32, i32
  }
}

module attributes {stable_mosaic.version = 14 : i64} {
  func.func @_knn_body(%arg0: i32, %arg1: i32, %arg2: memref<1x256x64xf32, #tpu.memory_space<vmem>>, %arg3: memref<1x64x4096xf32, #tpu.memory_space<vmem>>, %arg4: memref<1x32x256xi32, #tpu.memory_space<vmem>>) attributes {dimension_semantics = [#tpu.dimension_semantics<arbitrary>, #tpu.dimension_semantics<arbitrary>], iteration_bounds = array<i64: 2, 16>, scalar_prefetch = 0 : i64, scratch_operands = 0 : i64, tpu.core_type = #tpu.core_type<tc>, window_params = [{transform_indices = @transform_0, window_bounds = array<i64: 1, 256, 64>}, {transform_indices = @transform_1, window_bounds = array<i64: 1, 64, 4096>}, {transform_indices = @transform_2, window_bounds = array<i64: 1, 32, 256>}]} {
    %get3A = arith.constant 0 : index
    %get3A_0 = arith.constant 0 : index
    %get3A_1 = arith.constant 0 : index
    %get3A_2 = vector.load %arg2[%get3A, %get3A_0, %get3A_1] : memref<1x256x64xf32, #tpu.memory_space<vmem>>, vector<1x256x64xf32>
    %get3A_3 = vector.shape_cast %get3A_2 : vector<1x256x64xf32> to vector<256x64xf32>
    %get3A_4 = arith.constant 0 : index
    %get3A_5 = arith.constant 0 : index
    %get3A_6 = arith.constant 0 : index
    %get3A_7 = vector.load %arg3[%get3A_4, %get3A_5, %get3A_6] : memref<1x64x4096xf32, #tpu.memory_space<vmem>>, vector<1x64x4096xf32>
    %get3A_8 = vector.shape_cast %get3A_7 : vector<1x64x4096xf32> to vector<64x4096xf32>
    %dot_general3A = arith.constant dense<0.000000e+00> : vector<256x4096xf32>
    %dot_general3A_9 = tpu.matmul %get3A_3, %get3A_8, %dot_general3A {dimension_numbers = #tpu.dot_dimension_numbers<[1], [0], [0], [1], [0, 0, 1, 1], [], []>, transpose_lhs_hint = false} : vector<256x64xf32>, vector<64x4096xf32>, vector<256x4096xf32> -> vector<256x4096xf32>
    %mul3A = arith.mulf %get3A_8, %get3A_8 : vector<64x4096xf32>
    %reduce_sum3A = arith.constant dense<0.000000e+00> : vector<4096xf32>
    %reduce_sum3A_10 = vector.multi_reduction <add>, %mul3A, %reduce_sum3A [0] : vector<64x4096xf32> to vector<4096xf32>
    %mul3A_11 = arith.constant 2.000000e+00 : f32
    %mul3A_12 = vector.broadcast %mul3A_11 : f32 to vector<256x4096xf32>
    %mul3A_13 = arith.mulf %mul3A_12, %dot_general3A_9 : vector<256x4096xf32>
    %broadcast_in_dim3A = vector.shape_cast %reduce_sum3A_10 : vector<4096xf32> to vector<1x4096xf32>
    %sub3A = vector.broadcast %broadcast_in_dim3A : vector<1x4096xf32> to vector<256x4096xf32>
    %sub3A_14 = arith.subf %mul3A_13, %sub3A : vector<256x4096xf32>
    %iota3A = tpu.iota {dimensions = array<i32: 1>} : vector<256x4096xi32>
    %convert_element_type3A = arith.sitofp %iota3A : vector<256x4096xi32> to vector<256x4096xf32>
    %mul3A_15 = arith.constant 4096 : i32
    %mul3A_16 = arith.muli %arg0, %mul3A_15 : i32
    %reduce_max3A = arith.constant dense<0xFF800000> : vector<256xf32>
    %reduce_max3A_17 = vector.multi_reduction <maximumf>, %sub3A_14, %reduce_max3A [1] : vector<256x4096xf32> to vector<256xf32>
    %broadcast_in_dim3A_18 = vector.shape_cast %reduce_max3A_17 : vector<256xf32> to vector<256x1xf32>
    %eq3A = vector.broadcast %broadcast_in_dim3A_18 : vector<256x1xf32> to vector<256x4096xf32>
    %eq3A_19 = arith.cmpf oeq, %sub3A_14, %eq3A : vector<256x4096xf32>
    %jit3A = arith.constant 4.096000e+03 : f32
    %broadcast_in_dim3A_20 = vector.broadcast %jit3A : f32 to vector<256x4096xf32>
    %select_n3A = arith.select %eq3A_19, %convert_element_type3A, %broadcast_in_dim3A_20 : vector<256x4096xi1>, vector<256x4096xf32>
    %reduce_min3A = arith.constant dense<0x7F800000> : vector<256xf32>
    %reduce_min3A_21 = vector.multi_reduction <minimumf>, %select_n3A, %reduce_min3A [1] : vector<256x4096xf32> to vector<256xf32>
    %broadcast_in_dim3A_22 = vector.shape_cast %reduce_min3A_21 : vector<256xf32> to vector<256x1xf32>
    %convert_element_type3A_23 = arith.fptosi %broadcast_in_dim3A_22 : vector<256x1xf32> to vector<256x1xi32>
    %add3A = vector.broadcast %mul3A_16 : i32 to vector<256x1xi32>
    %add3A_24 = arith.addi %convert_element_type3A_23, %add3A : vector<256x1xi32>
    %jit3A_25 = arith.constant 0xFF800000 : f32
    %broadcast_in_dim3A_26 = vector.broadcast %jit3A_25 : f32 to vector<256x4096xf32>
    %select_n3A_27 = arith.select %eq3A_19, %broadcast_in_dim3A_26, %sub3A_14 : vector<256x4096xi1>, vector<256x4096xf32>
    %reduce_max3A_28 = arith.constant dense<0xFF800000> : vector<256xf32>
    %reduce_max3A_29 = vector.multi_reduction <maximumf>, %select_n3A_27, %reduce_max3A_28 [1] : vector<256x4096xf32> to vector<256xf32>
    %broadcast_in_dim3A_30 = vector.shape_cast %reduce_max3A_29 : vector<256xf32> to vector<256x1xf32>
    %eq3A_31 = vector.broadcast %broadcast_in_dim3A_30 : vector<256x1xf32> to vector<256x4096xf32>
    %eq3A_32 = arith.cmpf oeq, %select_n3A_27, %eq3A_31 : vector<256x4096xf32>
    %jit3A_33 = arith.constant 4.096000e+03 : f32
    %broadcast_in_dim3A_34 = vector.broadcast %jit3A_33 : f32 to vector<256x4096xf32>
    %select_n3A_35 = arith.select %eq3A_32, %convert_element_type3A, %broadcast_in_dim3A_34 : vector<256x4096xi1>, vector<256x4096xf32>
    %reduce_min3A_36 = arith.constant dense<0x7F800000> : vector<256xf32>
    %reduce_min3A_37 = vector.multi_reduction <minimumf>, %select_n3A_35, %reduce_min3A_36 [1] : vector<256x4096xf32> to vector<256xf32>
    %broadcast_in_dim3A_38 = vector.shape_cast %reduce_min3A_37 : vector<256xf32> to vector<256x1xf32>
    %convert_element_type3A_39 = arith.fptosi %broadcast_in_dim3A_38 : vector<256x1xf32> to vector<256x1xi32>
    %add3A_40 = vector.broadcast %mul3A_16 : i32 to vector<256x1xi32>
    %add3A_41 = arith.addi %convert_element_type3A_39, %add3A_40 : vector<256x1xi32>
    %jit3A_42 = arith.constant 0xFF800000 : f32
    %broadcast_in_dim3A_43 = vector.broadcast %jit3A_42 : f32 to vector<256x4096xf32>
    %select_n3A_44 = arith.select %eq3A_32, %broadcast_in_dim3A_43, %select_n3A_27 : vector<256x4096xi1>, vector<256x4096xf32>
    %reduce_max3A_45 = arith.constant dense<0xFF800000> : vector<256xf32>
    %reduce_max3A_46 = vector.multi_reduction <maximumf>, %select_n3A_44, %reduce_max3A_45 [1] : vector<256x4096xf32> to vector<256xf32>
    %broadcast_in_dim3A_47 = vector.shape_cast %reduce_max3A_46 : vector<256xf32> to vector<256x1xf32>
    %eq3A_48 = vector.broadcast %broadcast_in_dim3A_47 : vector<256x1xf32> to vector<256x4096xf32>
    %eq3A_49 = arith.cmpf oeq, %select_n3A_44, %eq3A_48 : vector<256x4096xf32>
    %jit3A_50 = arith.constant 4.096000e+03 : f32
    %broadcast_in_dim3A_51 = vector.broadcast %jit3A_50 : f32 to vector<256x4096xf32>
    %select_n3A_52 = arith.select %eq3A_49, %convert_element_type3A, %broadcast_in_dim3A_51 : vector<256x4096xi1>, vector<256x4096xf32>
    %reduce_min3A_53 = arith.constant dense<0x7F800000> : vector<256xf32>
    %reduce_min3A_54 = vector.multi_reduction <minimumf>, %select_n3A_52, %reduce_min3A_53 [1] : vector<256x4096xf32> to vector<256xf32>
    %broadcast_in_dim3A_55 = vector.shape_cast %reduce_min3A_54 : vector<256xf32> to vector<256x1xf32>
    %convert_element_type3A_56 = arith.fptosi %broadcast_in_dim3A_55 : vector<256x1xf32> to vector<256x1xi32>
    %add3A_57 = vector.broadcast %mul3A_16 : i32 to vector<256x1xi32>
    %add3A_58 = arith.addi %convert_element_type3A_56, %add3A_57 : vector<256x1xi32>
    %jit3A_59 = arith.constant 0xFF800000 : f32
    %broadcast_in_dim3A_60 = vector.broadcast %jit3A_59 : f32 to vector<256x4096xf32>
    %select_n3A_61 = arith.select %eq3A_49, %broadcast_in_dim3A_60, %select_n3A_44 : vector<256x4096xi1>, vector<256x4096xf32>
    %reduce_max3A_62 = arith.constant dense<0xFF800000> : vector<256xf32>
    %reduce_max3A_63 = vector.multi_reduction <maximumf>, %select_n3A_61, %reduce_max3A_62 [1] : vector<256x4096xf32> to vector<256xf32>
    %broadcast_in_dim3A_64 = vector.shape_cast %reduce_max3A_63 : vector<256xf32> to vector<256x1xf32>
    %eq3A_65 = vector.broadcast %broadcast_in_dim3A_64 : vector<256x1xf32> to vector<256x4096xf32>
    %eq3A_66 = arith.cmpf oeq, %select_n3A_61, %eq3A_65 : vector<256x4096xf32>
    %jit3A_67 = arith.constant 4.096000e+03 : f32
    %broadcast_in_dim3A_68 = vector.broadcast %jit3A_67 : f32 to vector<256x4096xf32>
    %select_n3A_69 = arith.select %eq3A_66, %convert_element_type3A, %broadcast_in_dim3A_68 : vector<256x4096xi1>, vector<256x4096xf32>
    %reduce_min3A_70 = arith.constant dense<0x7F800000> : vector<256xf32>
    %reduce_min3A_71 = vector.multi_reduction <minimumf>, %select_n3A_69, %reduce_min3A_70 [1] : vector<256x4096xf32> to vector<256xf32>
    %broadcast_in_dim3A_72 = vector.shape_cast %reduce_min3A_71 : vector<256xf32> to vector<256x1xf32>
    %convert_element_type3A_73 = arith.fptosi %broadcast_in_dim3A_72 : vector<256x1xf32> to vector<256x1xi32>
    %add3A_74 = vector.broadcast %mul3A_16 : i32 to vector<256x1xi32>
    %add3A_75 = arith.addi %convert_element_type3A_73, %add3A_74 : vector<256x1xi32>
    %jit3A_76 = arith.constant 0xFF800000 : f32
    %broadcast_in_dim3A_77 = vector.broadcast %jit3A_76 : f32 to vector<256x4096xf32>
    %select_n3A_78 = arith.select %eq3A_66, %broadcast_in_dim3A_77, %select_n3A_61 : vector<256x4096xi1>, vector<256x4096xf32>
    %reduce_max3A_79 = arith.constant dense<0xFF800000> : vector<256xf32>
    %reduce_max3A_80 = vector.multi_reduction <maximumf>, %select_n3A_78, %reduce_max3A_79 [1] : vector<256x4096xf32> to vector<256xf32>
    %broadcast_in_dim3A_81 = vector.shape_cast %reduce_max3A_80 : vector<256xf32> to vector<256x1xf32>
    %eq3A_82 = vector.broadcast %broadcast_in_dim3A_81 : vector<256x1xf32> to vector<256x4096xf32>
    %eq3A_83 = arith.cmpf oeq, %select_n3A_78, %eq3A_82 : vector<256x4096xf32>
    %jit3A_84 = arith.constant 4.096000e+03 : f32
    %broadcast_in_dim3A_85 = vector.broadcast %jit3A_84 : f32 to vector<256x4096xf32>
    %select_n3A_86 = arith.select %eq3A_83, %convert_element_type3A, %broadcast_in_dim3A_85 : vector<256x4096xi1>, vector<256x4096xf32>
    %reduce_min3A_87 = arith.constant dense<0x7F800000> : vector<256xf32>
    %reduce_min3A_88 = vector.multi_reduction <minimumf>, %select_n3A_86, %reduce_min3A_87 [1] : vector<256x4096xf32> to vector<256xf32>
    %broadcast_in_dim3A_89 = vector.shape_cast %reduce_min3A_88 : vector<256xf32> to vector<256x1xf32>
    %convert_element_type3A_90 = arith.fptosi %broadcast_in_dim3A_89 : vector<256x1xf32> to vector<256x1xi32>
    %add3A_91 = vector.broadcast %mul3A_16 : i32 to vector<256x1xi32>
    %add3A_92 = arith.addi %convert_element_type3A_90, %add3A_91 : vector<256x1xi32>
    %jit3A_93 = arith.constant 0xFF800000 : f32
    %broadcast_in_dim3A_94 = vector.broadcast %jit3A_93 : f32 to vector<256x4096xf32>
    %select_n3A_95 = arith.select %eq3A_83, %broadcast_in_dim3A_94, %select_n3A_78 : vector<256x4096xi1>, vector<256x4096xf32>
    %reduce_max3A_96 = arith.constant dense<0xFF800000> : vector<256xf32>
    %reduce_max3A_97 = vector.multi_reduction <maximumf>, %select_n3A_95, %reduce_max3A_96 [1] : vector<256x4096xf32> to vector<256xf32>
    %broadcast_in_dim3A_98 = vector.shape_cast %reduce_max3A_97 : vector<256xf32> to vector<256x1xf32>
    %eq3A_99 = vector.broadcast %broadcast_in_dim3A_98 : vector<256x1xf32> to vector<256x4096xf32>
    %eq3A_100 = arith.cmpf oeq, %select_n3A_95, %eq3A_99 : vector<256x4096xf32>
    %jit3A_101 = arith.constant 4.096000e+03 : f32
    %broadcast_in_dim3A_102 = vector.broadcast %jit3A_101 : f32 to vector<256x4096xf32>
    %select_n3A_103 = arith.select %eq3A_100, %convert_element_type3A, %broadcast_in_dim3A_102 : vector<256x4096xi1>, vector<256x4096xf32>
    %reduce_min3A_104 = arith.constant dense<0x7F800000> : vector<256xf32>
    %reduce_min3A_105 = vector.multi_reduction <minimumf>, %select_n3A_103, %reduce_min3A_104 [1] : vector<256x4096xf32> to vector<256xf32>
    %broadcast_in_dim3A_106 = vector.shape_cast %reduce_min3A_105 : vector<256xf32> to vector<256x1xf32>
    %convert_element_type3A_107 = arith.fptosi %broadcast_in_dim3A_106 : vector<256x1xf32> to vector<256x1xi32>
    %add3A_108 = vector.broadcast %mul3A_16 : i32 to vector<256x1xi32>
    %add3A_109 = arith.addi %convert_element_type3A_107, %add3A_108 : vector<256x1xi32>
    %jit3A_110 = arith.constant 0xFF800000 : f32
    %broadcast_in_dim3A_111 = vector.broadcast %jit3A_110 : f32 to vector<256x4096xf32>
    %select_n3A_112 = arith.select %eq3A_100, %broadcast_in_dim3A_111, %select_n3A_95 : vector<256x4096xi1>, vector<256x4096xf32>
    %reduce_max3A_113 = arith.constant dense<0xFF800000> : vector<256xf32>
    %reduce_max3A_114 = vector.multi_reduction <maximumf>, %select_n3A_112, %reduce_max3A_113 [1] : vector<256x4096xf32> to vector<256xf32>
    %broadcast_in_dim3A_115 = vector.shape_cast %reduce_max3A_114 : vector<256xf32> to vector<256x1xf32>
    %eq3A_116 = vector.broadcast %broadcast_in_dim3A_115 : vector<256x1xf32> to vector<256x4096xf32>
    %eq3A_117 = arith.cmpf oeq, %select_n3A_112, %eq3A_116 : vector<256x4096xf32>
    %jit3A_118 = arith.constant 4.096000e+03 : f32
    %broadcast_in_dim3A_119 = vector.broadcast %jit3A_118 : f32 to vector<256x4096xf32>
    %select_n3A_120 = arith.select %eq3A_117, %convert_element_type3A, %broadcast_in_dim3A_119 : vector<256x4096xi1>, vector<256x4096xf32>
    %reduce_min3A_121 = arith.constant dense<0x7F800000> : vector<256xf32>
    %reduce_min3A_122 = vector.multi_reduction <minimumf>, %select_n3A_120, %reduce_min3A_121 [1] : vector<256x4096xf32> to vector<256xf32>
    %broadcast_in_dim3A_123 = vector.shape_cast %reduce_min3A_122 : vector<256xf32> to vector<256x1xf32>
    %convert_element_type3A_124 = arith.fptosi %broadcast_in_dim3A_123 : vector<256x1xf32> to vector<256x1xi32>
    %add3A_125 = vector.broadcast %mul3A_16 : i32 to vector<256x1xi32>
    %add3A_126 = arith.addi %convert_element_type3A_124, %add3A_125 : vector<256x1xi32>
    %jit3A_127 = arith.constant 0xFF800000 : f32
    %broadcast_in_dim3A_128 = vector.broadcast %jit3A_127 : f32 to vector<256x4096xf32>
    %select_n3A_129 = arith.select %eq3A_117, %broadcast_in_dim3A_128, %select_n3A_112 : vector<256x4096xi1>, vector<256x4096xf32>
    %reduce_max3A_130 = arith.constant dense<0xFF800000> : vector<256xf32>
    %reduce_max3A_131 = vector.multi_reduction <maximumf>, %select_n3A_129, %reduce_max3A_130 [1] : vector<256x4096xf32> to vector<256xf32>
    %broadcast_in_dim3A_132 = vector.shape_cast %reduce_max3A_131 : vector<256xf32> to vector<256x1xf32>
    %eq3A_133 = vector.broadcast %broadcast_in_dim3A_132 : vector<256x1xf32> to vector<256x4096xf32>
    %eq3A_134 = arith.cmpf oeq, %select_n3A_129, %eq3A_133 : vector<256x4096xf32>
    %jit3A_135 = arith.constant 4.096000e+03 : f32
    %broadcast_in_dim3A_136 = vector.broadcast %jit3A_135 : f32 to vector<256x4096xf32>
    %select_n3A_137 = arith.select %eq3A_134, %convert_element_type3A, %broadcast_in_dim3A_136 : vector<256x4096xi1>, vector<256x4096xf32>
    %reduce_min3A_138 = arith.constant dense<0x7F800000> : vector<256xf32>
    %reduce_min3A_139 = vector.multi_reduction <minimumf>, %select_n3A_137, %reduce_min3A_138 [1] : vector<256x4096xf32> to vector<256xf32>
    %broadcast_in_dim3A_140 = vector.shape_cast %reduce_min3A_139 : vector<256xf32> to vector<256x1xf32>
    %convert_element_type3A_141 = arith.fptosi %broadcast_in_dim3A_140 : vector<256x1xf32> to vector<256x1xi32>
    %add3A_142 = vector.broadcast %mul3A_16 : i32 to vector<256x1xi32>
    %add3A_143 = arith.addi %convert_element_type3A_141, %add3A_142 : vector<256x1xi32>
    %jit3A_144 = arith.constant 0xFF800000 : f32
    %broadcast_in_dim3A_145 = vector.broadcast %jit3A_144 : f32 to vector<256x4096xf32>
    %select_n3A_146 = arith.select %eq3A_134, %broadcast_in_dim3A_145, %select_n3A_129 : vector<256x4096xi1>, vector<256x4096xf32>
    %reduce_max3A_147 = arith.constant dense<0xFF800000> : vector<256xf32>
    %reduce_max3A_148 = vector.multi_reduction <maximumf>, %select_n3A_146, %reduce_max3A_147 [1] : vector<256x4096xf32> to vector<256xf32>
    %broadcast_in_dim3A_149 = vector.shape_cast %reduce_max3A_148 : vector<256xf32> to vector<256x1xf32>
    %eq3A_150 = vector.broadcast %broadcast_in_dim3A_149 : vector<256x1xf32> to vector<256x4096xf32>
    %eq3A_151 = arith.cmpf oeq, %select_n3A_146, %eq3A_150 : vector<256x4096xf32>
    %jit3A_152 = arith.constant 4.096000e+03 : f32
    %broadcast_in_dim3A_153 = vector.broadcast %jit3A_152 : f32 to vector<256x4096xf32>
    %select_n3A_154 = arith.select %eq3A_151, %convert_element_type3A, %broadcast_in_dim3A_153 : vector<256x4096xi1>, vector<256x4096xf32>
    %reduce_min3A_155 = arith.constant dense<0x7F800000> : vector<256xf32>
    %reduce_min3A_156 = vector.multi_reduction <minimumf>, %select_n3A_154, %reduce_min3A_155 [1] : vector<256x4096xf32> to vector<256xf32>
    %broadcast_in_dim3A_157 = vector.shape_cast %reduce_min3A_156 : vector<256xf32> to vector<256x1xf32>
    %convert_element_type3A_158 = arith.fptosi %broadcast_in_dim3A_157 : vector<256x1xf32> to vector<256x1xi32>
    %add3A_159 = vector.broadcast %mul3A_16 : i32 to vector<256x1xi32>
    %add3A_160 = arith.addi %convert_element_type3A_158, %add3A_159 : vector<256x1xi32>
    %jit3A_161 = arith.constant 0xFF800000 : f32
    %broadcast_in_dim3A_162 = vector.broadcast %jit3A_161 : f32 to vector<256x4096xf32>
    %select_n3A_163 = arith.select %eq3A_151, %broadcast_in_dim3A_162, %select_n3A_146 : vector<256x4096xi1>, vector<256x4096xf32>
    %reduce_max3A_164 = arith.constant dense<0xFF800000> : vector<256xf32>
    %reduce_max3A_165 = vector.multi_reduction <maximumf>, %select_n3A_163, %reduce_max3A_164 [1] : vector<256x4096xf32> to vector<256xf32>
    %broadcast_in_dim3A_166 = vector.shape_cast %reduce_max3A_165 : vector<256xf32> to vector<256x1xf32>
    %eq3A_167 = vector.broadcast %broadcast_in_dim3A_166 : vector<256x1xf32> to vector<256x4096xf32>
    %eq3A_168 = arith.cmpf oeq, %select_n3A_163, %eq3A_167 : vector<256x4096xf32>
    %jit3A_169 = arith.constant 4.096000e+03 : f32
    %broadcast_in_dim3A_170 = vector.broadcast %jit3A_169 : f32 to vector<256x4096xf32>
    %select_n3A_171 = arith.select %eq3A_168, %convert_element_type3A, %broadcast_in_dim3A_170 : vector<256x4096xi1>, vector<256x4096xf32>
    %reduce_min3A_172 = arith.constant dense<0x7F800000> : vector<256xf32>
    %reduce_min3A_173 = vector.multi_reduction <minimumf>, %select_n3A_171, %reduce_min3A_172 [1] : vector<256x4096xf32> to vector<256xf32>
    %broadcast_in_dim3A_174 = vector.shape_cast %reduce_min3A_173 : vector<256xf32> to vector<256x1xf32>
    %convert_element_type3A_175 = arith.fptosi %broadcast_in_dim3A_174 : vector<256x1xf32> to vector<256x1xi32>
    %add3A_176 = vector.broadcast %mul3A_16 : i32 to vector<256x1xi32>
    %add3A_177 = arith.addi %convert_element_type3A_175, %add3A_176 : vector<256x1xi32>
    %jit3A_178 = arith.constant 0xFF800000 : f32
    %broadcast_in_dim3A_179 = vector.broadcast %jit3A_178 : f32 to vector<256x4096xf32>
    %select_n3A_180 = arith.select %eq3A_168, %broadcast_in_dim3A_179, %select_n3A_163 : vector<256x4096xi1>, vector<256x4096xf32>
    %reduce_max3A_181 = arith.constant dense<0xFF800000> : vector<256xf32>
    %reduce_max3A_182 = vector.multi_reduction <maximumf>, %select_n3A_180, %reduce_max3A_181 [1] : vector<256x4096xf32> to vector<256xf32>
    %broadcast_in_dim3A_183 = vector.shape_cast %reduce_max3A_182 : vector<256xf32> to vector<256x1xf32>
    %eq3A_184 = vector.broadcast %broadcast_in_dim3A_183 : vector<256x1xf32> to vector<256x4096xf32>
    %eq3A_185 = arith.cmpf oeq, %select_n3A_180, %eq3A_184 : vector<256x4096xf32>
    %jit3A_186 = arith.constant 4.096000e+03 : f32
    %broadcast_in_dim3A_187 = vector.broadcast %jit3A_186 : f32 to vector<256x4096xf32>
    %select_n3A_188 = arith.select %eq3A_185, %convert_element_type3A, %broadcast_in_dim3A_187 : vector<256x4096xi1>, vector<256x4096xf32>
    %reduce_min3A_189 = arith.constant dense<0x7F800000> : vector<256xf32>
    %reduce_min3A_190 = vector.multi_reduction <minimumf>, %select_n3A_188, %reduce_min3A_189 [1] : vector<256x4096xf32> to vector<256xf32>
    %broadcast_in_dim3A_191 = vector.shape_cast %reduce_min3A_190 : vector<256xf32> to vector<256x1xf32>
    %convert_element_type3A_192 = arith.fptosi %broadcast_in_dim3A_191 : vector<256x1xf32> to vector<256x1xi32>
    %add3A_193 = vector.broadcast %mul3A_16 : i32 to vector<256x1xi32>
    %add3A_194 = arith.addi %convert_element_type3A_192, %add3A_193 : vector<256x1xi32>
    %jit3A_195 = arith.constant 0xFF800000 : f32
    %broadcast_in_dim3A_196 = vector.broadcast %jit3A_195 : f32 to vector<256x4096xf32>
    %select_n3A_197 = arith.select %eq3A_185, %broadcast_in_dim3A_196, %select_n3A_180 : vector<256x4096xi1>, vector<256x4096xf32>
    %reduce_max3A_198 = arith.constant dense<0xFF800000> : vector<256xf32>
    %reduce_max3A_199 = vector.multi_reduction <maximumf>, %select_n3A_197, %reduce_max3A_198 [1] : vector<256x4096xf32> to vector<256xf32>
    %broadcast_in_dim3A_200 = vector.shape_cast %reduce_max3A_199 : vector<256xf32> to vector<256x1xf32>
    %eq3A_201 = vector.broadcast %broadcast_in_dim3A_200 : vector<256x1xf32> to vector<256x4096xf32>
    %eq3A_202 = arith.cmpf oeq, %select_n3A_197, %eq3A_201 : vector<256x4096xf32>
    %jit3A_203 = arith.constant 4.096000e+03 : f32
    %broadcast_in_dim3A_204 = vector.broadcast %jit3A_203 : f32 to vector<256x4096xf32>
    %select_n3A_205 = arith.select %eq3A_202, %convert_element_type3A, %broadcast_in_dim3A_204 : vector<256x4096xi1>, vector<256x4096xf32>
    %reduce_min3A_206 = arith.constant dense<0x7F800000> : vector<256xf32>
    %reduce_min3A_207 = vector.multi_reduction <minimumf>, %select_n3A_205, %reduce_min3A_206 [1] : vector<256x4096xf32> to vector<256xf32>
    %broadcast_in_dim3A_208 = vector.shape_cast %reduce_min3A_207 : vector<256xf32> to vector<256x1xf32>
    %convert_element_type3A_209 = arith.fptosi %broadcast_in_dim3A_208 : vector<256x1xf32> to vector<256x1xi32>
    %add3A_210 = vector.broadcast %mul3A_16 : i32 to vector<256x1xi32>
    %add3A_211 = arith.addi %convert_element_type3A_209, %add3A_210 : vector<256x1xi32>
    %jit3A_212 = arith.constant 0xFF800000 : f32
    %broadcast_in_dim3A_213 = vector.broadcast %jit3A_212 : f32 to vector<256x4096xf32>
    %select_n3A_214 = arith.select %eq3A_202, %broadcast_in_dim3A_213, %select_n3A_197 : vector<256x4096xi1>, vector<256x4096xf32>
    %reduce_max3A_215 = arith.constant dense<0xFF800000> : vector<256xf32>
    %reduce_max3A_216 = vector.multi_reduction <maximumf>, %select_n3A_214, %reduce_max3A_215 [1] : vector<256x4096xf32> to vector<256xf32>
    %broadcast_in_dim3A_217 = vector.shape_cast %reduce_max3A_216 : vector<256xf32> to vector<256x1xf32>
    %eq3A_218 = vector.broadcast %broadcast_in_dim3A_217 : vector<256x1xf32> to vector<256x4096xf32>
    %eq3A_219 = arith.cmpf oeq, %select_n3A_214, %eq3A_218 : vector<256x4096xf32>
    %jit3A_220 = arith.constant 4.096000e+03 : f32
    %broadcast_in_dim3A_221 = vector.broadcast %jit3A_220 : f32 to vector<256x4096xf32>
    %select_n3A_222 = arith.select %eq3A_219, %convert_element_type3A, %broadcast_in_dim3A_221 : vector<256x4096xi1>, vector<256x4096xf32>
    %reduce_min3A_223 = arith.constant dense<0x7F800000> : vector<256xf32>
    %reduce_min3A_224 = vector.multi_reduction <minimumf>, %select_n3A_222, %reduce_min3A_223 [1] : vector<256x4096xf32> to vector<256xf32>
    %broadcast_in_dim3A_225 = vector.shape_cast %reduce_min3A_224 : vector<256xf32> to vector<256x1xf32>
    %convert_element_type3A_226 = arith.fptosi %broadcast_in_dim3A_225 : vector<256x1xf32> to vector<256x1xi32>
    %add3A_227 = vector.broadcast %mul3A_16 : i32 to vector<256x1xi32>
    %add3A_228 = arith.addi %convert_element_type3A_226, %add3A_227 : vector<256x1xi32>
    %jit3A_229 = arith.constant 0xFF800000 : f32
    %broadcast_in_dim3A_230 = vector.broadcast %jit3A_229 : f32 to vector<256x4096xf32>
    %select_n3A_231 = arith.select %eq3A_219, %broadcast_in_dim3A_230, %select_n3A_214 : vector<256x4096xi1>, vector<256x4096xf32>
    %reduce_max3A_232 = arith.constant dense<0xFF800000> : vector<256xf32>
    %reduce_max3A_233 = vector.multi_reduction <maximumf>, %select_n3A_231, %reduce_max3A_232 [1] : vector<256x4096xf32> to vector<256xf32>
    %broadcast_in_dim3A_234 = vector.shape_cast %reduce_max3A_233 : vector<256xf32> to vector<256x1xf32>
    %eq3A_235 = vector.broadcast %broadcast_in_dim3A_234 : vector<256x1xf32> to vector<256x4096xf32>
    %eq3A_236 = arith.cmpf oeq, %select_n3A_231, %eq3A_235 : vector<256x4096xf32>
    %jit3A_237 = arith.constant 4.096000e+03 : f32
    %broadcast_in_dim3A_238 = vector.broadcast %jit3A_237 : f32 to vector<256x4096xf32>
    %select_n3A_239 = arith.select %eq3A_236, %convert_element_type3A, %broadcast_in_dim3A_238 : vector<256x4096xi1>, vector<256x4096xf32>
    %reduce_min3A_240 = arith.constant dense<0x7F800000> : vector<256xf32>
    %reduce_min3A_241 = vector.multi_reduction <minimumf>, %select_n3A_239, %reduce_min3A_240 [1] : vector<256x4096xf32> to vector<256xf32>
    %broadcast_in_dim3A_242 = vector.shape_cast %reduce_min3A_241 : vector<256xf32> to vector<256x1xf32>
    %convert_element_type3A_243 = arith.fptosi %broadcast_in_dim3A_242 : vector<256x1xf32> to vector<256x1xi32>
    %add3A_244 = vector.broadcast %mul3A_16 : i32 to vector<256x1xi32>
    %add3A_245 = arith.addi %convert_element_type3A_243, %add3A_244 : vector<256x1xi32>
    %jit3A_246 = arith.constant 0xFF800000 : f32
    %broadcast_in_dim3A_247 = vector.broadcast %jit3A_246 : f32 to vector<256x4096xf32>
    %select_n3A_248 = arith.select %eq3A_236, %broadcast_in_dim3A_247, %select_n3A_231 : vector<256x4096xi1>, vector<256x4096xf32>
    %reduce_max3A_249 = arith.constant dense<0xFF800000> : vector<256xf32>
    %reduce_max3A_250 = vector.multi_reduction <maximumf>, %select_n3A_248, %reduce_max3A_249 [1] : vector<256x4096xf32> to vector<256xf32>
    %broadcast_in_dim3A_251 = vector.shape_cast %reduce_max3A_250 : vector<256xf32> to vector<256x1xf32>
    %eq3A_252 = vector.broadcast %broadcast_in_dim3A_251 : vector<256x1xf32> to vector<256x4096xf32>
    %eq3A_253 = arith.cmpf oeq, %select_n3A_248, %eq3A_252 : vector<256x4096xf32>
    %jit3A_254 = arith.constant 4.096000e+03 : f32
    %broadcast_in_dim3A_255 = vector.broadcast %jit3A_254 : f32 to vector<256x4096xf32>
    %select_n3A_256 = arith.select %eq3A_253, %convert_element_type3A, %broadcast_in_dim3A_255 : vector<256x4096xi1>, vector<256x4096xf32>
    %reduce_min3A_257 = arith.constant dense<0x7F800000> : vector<256xf32>
    %reduce_min3A_258 = vector.multi_reduction <minimumf>, %select_n3A_256, %reduce_min3A_257 [1] : vector<256x4096xf32> to vector<256xf32>
    %broadcast_in_dim3A_259 = vector.shape_cast %reduce_min3A_258 : vector<256xf32> to vector<256x1xf32>
    %convert_element_type3A_260 = arith.fptosi %broadcast_in_dim3A_259 : vector<256x1xf32> to vector<256x1xi32>
    %add3A_261 = vector.broadcast %mul3A_16 : i32 to vector<256x1xi32>
    %add3A_262 = arith.addi %convert_element_type3A_260, %add3A_261 : vector<256x1xi32>
    %jit3A_263 = arith.constant 0xFF800000 : f32
    %broadcast_in_dim3A_264 = vector.broadcast %jit3A_263 : f32 to vector<256x4096xf32>
    %select_n3A_265 = arith.select %eq3A_253, %broadcast_in_dim3A_264, %select_n3A_248 : vector<256x4096xi1>, vector<256x4096xf32>
    %reduce_max3A_266 = arith.constant dense<0xFF800000> : vector<256xf32>
    %reduce_max3A_267 = vector.multi_reduction <maximumf>, %select_n3A_265, %reduce_max3A_266 [1] : vector<256x4096xf32> to vector<256xf32>
    %broadcast_in_dim3A_268 = vector.shape_cast %reduce_max3A_267 : vector<256xf32> to vector<256x1xf32>
    %eq3A_269 = vector.broadcast %broadcast_in_dim3A_268 : vector<256x1xf32> to vector<256x4096xf32>
    %eq3A_270 = arith.cmpf oeq, %select_n3A_265, %eq3A_269 : vector<256x4096xf32>
    %jit3A_271 = arith.constant 4.096000e+03 : f32
    %broadcast_in_dim3A_272 = vector.broadcast %jit3A_271 : f32 to vector<256x4096xf32>
    %select_n3A_273 = arith.select %eq3A_270, %convert_element_type3A, %broadcast_in_dim3A_272 : vector<256x4096xi1>, vector<256x4096xf32>
    %reduce_min3A_274 = arith.constant dense<0x7F800000> : vector<256xf32>
    %reduce_min3A_275 = vector.multi_reduction <minimumf>, %select_n3A_273, %reduce_min3A_274 [1] : vector<256x4096xf32> to vector<256xf32>
    %broadcast_in_dim3A_276 = vector.shape_cast %reduce_min3A_275 : vector<256xf32> to vector<256x1xf32>
    %convert_element_type3A_277 = arith.fptosi %broadcast_in_dim3A_276 : vector<256x1xf32> to vector<256x1xi32>
    %add3A_278 = vector.broadcast %mul3A_16 : i32 to vector<256x1xi32>
    %add3A_279 = arith.addi %convert_element_type3A_277, %add3A_278 : vector<256x1xi32>
    %jit3A_280 = arith.constant 0xFF800000 : f32
    %broadcast_in_dim3A_281 = vector.broadcast %jit3A_280 : f32 to vector<256x4096xf32>
    %select_n3A_282 = arith.select %eq3A_270, %broadcast_in_dim3A_281, %select_n3A_265 : vector<256x4096xi1>, vector<256x4096xf32>
    %reduce_max3A_283 = arith.constant dense<0xFF800000> : vector<256xf32>
    %reduce_max3A_284 = vector.multi_reduction <maximumf>, %select_n3A_282, %reduce_max3A_283 [1] : vector<256x4096xf32> to vector<256xf32>
    %broadcast_in_dim3A_285 = vector.shape_cast %reduce_max3A_284 : vector<256xf32> to vector<256x1xf32>
    %eq3A_286 = vector.broadcast %broadcast_in_dim3A_285 : vector<256x1xf32> to vector<256x4096xf32>
    %eq3A_287 = arith.cmpf oeq, %select_n3A_282, %eq3A_286 : vector<256x4096xf32>
    %jit3A_288 = arith.constant 4.096000e+03 : f32
    %broadcast_in_dim3A_289 = vector.broadcast %jit3A_288 : f32 to vector<256x4096xf32>
    %select_n3A_290 = arith.select %eq3A_287, %convert_element_type3A, %broadcast_in_dim3A_289 : vector<256x4096xi1>, vector<256x4096xf32>
    %reduce_min3A_291 = arith.constant dense<0x7F800000> : vector<256xf32>
    %reduce_min3A_292 = vector.multi_reduction <minimumf>, %select_n3A_290, %reduce_min3A_291 [1] : vector<256x4096xf32> to vector<256xf32>
    %broadcast_in_dim3A_293 = vector.shape_cast %reduce_min3A_292 : vector<256xf32> to vector<256x1xf32>
    %convert_element_type3A_294 = arith.fptosi %broadcast_in_dim3A_293 : vector<256x1xf32> to vector<256x1xi32>
    %add3A_295 = vector.broadcast %mul3A_16 : i32 to vector<256x1xi32>
    %add3A_296 = arith.addi %convert_element_type3A_294, %add3A_295 : vector<256x1xi32>
    %jit3A_297 = arith.constant 0xFF800000 : f32
    %broadcast_in_dim3A_298 = vector.broadcast %jit3A_297 : f32 to vector<256x4096xf32>
    %select_n3A_299 = arith.select %eq3A_287, %broadcast_in_dim3A_298, %select_n3A_282 : vector<256x4096xi1>, vector<256x4096xf32>
    %reduce_max3A_300 = arith.constant dense<0xFF800000> : vector<256xf32>
    %reduce_max3A_301 = vector.multi_reduction <maximumf>, %select_n3A_299, %reduce_max3A_300 [1] : vector<256x4096xf32> to vector<256xf32>
    %broadcast_in_dim3A_302 = vector.shape_cast %reduce_max3A_301 : vector<256xf32> to vector<256x1xf32>
    %eq3A_303 = vector.broadcast %broadcast_in_dim3A_302 : vector<256x1xf32> to vector<256x4096xf32>
    %eq3A_304 = arith.cmpf oeq, %select_n3A_299, %eq3A_303 : vector<256x4096xf32>
    %jit3A_305 = arith.constant 4.096000e+03 : f32
    %broadcast_in_dim3A_306 = vector.broadcast %jit3A_305 : f32 to vector<256x4096xf32>
    %select_n3A_307 = arith.select %eq3A_304, %convert_element_type3A, %broadcast_in_dim3A_306 : vector<256x4096xi1>, vector<256x4096xf32>
    %reduce_min3A_308 = arith.constant dense<0x7F800000> : vector<256xf32>
    %reduce_min3A_309 = vector.multi_reduction <minimumf>, %select_n3A_307, %reduce_min3A_308 [1] : vector<256x4096xf32> to vector<256xf32>
    %broadcast_in_dim3A_310 = vector.shape_cast %reduce_min3A_309 : vector<256xf32> to vector<256x1xf32>
    %convert_element_type3A_311 = arith.fptosi %broadcast_in_dim3A_310 : vector<256x1xf32> to vector<256x1xi32>
    %add3A_312 = vector.broadcast %mul3A_16 : i32 to vector<256x1xi32>
    %add3A_313 = arith.addi %convert_element_type3A_311, %add3A_312 : vector<256x1xi32>
    %jit3A_314 = arith.constant 0xFF800000 : f32
    %broadcast_in_dim3A_315 = vector.broadcast %jit3A_314 : f32 to vector<256x4096xf32>
    %select_n3A_316 = arith.select %eq3A_304, %broadcast_in_dim3A_315, %select_n3A_299 : vector<256x4096xi1>, vector<256x4096xf32>
    %reduce_max3A_317 = arith.constant dense<0xFF800000> : vector<256xf32>
    %reduce_max3A_318 = vector.multi_reduction <maximumf>, %select_n3A_316, %reduce_max3A_317 [1] : vector<256x4096xf32> to vector<256xf32>
    %broadcast_in_dim3A_319 = vector.shape_cast %reduce_max3A_318 : vector<256xf32> to vector<256x1xf32>
    %eq3A_320 = vector.broadcast %broadcast_in_dim3A_319 : vector<256x1xf32> to vector<256x4096xf32>
    %eq3A_321 = arith.cmpf oeq, %select_n3A_316, %eq3A_320 : vector<256x4096xf32>
    %jit3A_322 = arith.constant 4.096000e+03 : f32
    %broadcast_in_dim3A_323 = vector.broadcast %jit3A_322 : f32 to vector<256x4096xf32>
    %select_n3A_324 = arith.select %eq3A_321, %convert_element_type3A, %broadcast_in_dim3A_323 : vector<256x4096xi1>, vector<256x4096xf32>
    %reduce_min3A_325 = arith.constant dense<0x7F800000> : vector<256xf32>
    %reduce_min3A_326 = vector.multi_reduction <minimumf>, %select_n3A_324, %reduce_min3A_325 [1] : vector<256x4096xf32> to vector<256xf32>
    %broadcast_in_dim3A_327 = vector.shape_cast %reduce_min3A_326 : vector<256xf32> to vector<256x1xf32>
    %convert_element_type3A_328 = arith.fptosi %broadcast_in_dim3A_327 : vector<256x1xf32> to vector<256x1xi32>
    %add3A_329 = vector.broadcast %mul3A_16 : i32 to vector<256x1xi32>
    %add3A_330 = arith.addi %convert_element_type3A_328, %add3A_329 : vector<256x1xi32>
    %jit3A_331 = arith.constant 0xFF800000 : f32
    %broadcast_in_dim3A_332 = vector.broadcast %jit3A_331 : f32 to vector<256x4096xf32>
    %select_n3A_333 = arith.select %eq3A_321, %broadcast_in_dim3A_332, %select_n3A_316 : vector<256x4096xi1>, vector<256x4096xf32>
    %reduce_max3A_334 = arith.constant dense<0xFF800000> : vector<256xf32>
    %reduce_max3A_335 = vector.multi_reduction <maximumf>, %select_n3A_333, %reduce_max3A_334 [1] : vector<256x4096xf32> to vector<256xf32>
    %broadcast_in_dim3A_336 = vector.shape_cast %reduce_max3A_335 : vector<256xf32> to vector<256x1xf32>
    %eq3A_337 = vector.broadcast %broadcast_in_dim3A_336 : vector<256x1xf32> to vector<256x4096xf32>
    %eq3A_338 = arith.cmpf oeq, %select_n3A_333, %eq3A_337 : vector<256x4096xf32>
    %jit3A_339 = arith.constant 4.096000e+03 : f32
    %broadcast_in_dim3A_340 = vector.broadcast %jit3A_339 : f32 to vector<256x4096xf32>
    %select_n3A_341 = arith.select %eq3A_338, %convert_element_type3A, %broadcast_in_dim3A_340 : vector<256x4096xi1>, vector<256x4096xf32>
    %reduce_min3A_342 = arith.constant dense<0x7F800000> : vector<256xf32>
    %reduce_min3A_343 = vector.multi_reduction <minimumf>, %select_n3A_341, %reduce_min3A_342 [1] : vector<256x4096xf32> to vector<256xf32>
    %broadcast_in_dim3A_344 = vector.shape_cast %reduce_min3A_343 : vector<256xf32> to vector<256x1xf32>
    %convert_element_type3A_345 = arith.fptosi %broadcast_in_dim3A_344 : vector<256x1xf32> to vector<256x1xi32>
    %add3A_346 = vector.broadcast %mul3A_16 : i32 to vector<256x1xi32>
    %add3A_347 = arith.addi %convert_element_type3A_345, %add3A_346 : vector<256x1xi32>
    %concatenate3A = tpu.concatenate %add3A_24, %add3A_41, %add3A_58, %add3A_75, %add3A_92, %add3A_109, %add3A_126, %add3A_143, %add3A_160, %add3A_177, %add3A_194, %add3A_211, %add3A_228, %add3A_245, %add3A_262, %add3A_279, %add3A_296, %add3A_313, %add3A_330, %add3A_347, %add3A_347, %add3A_347, %add3A_347, %add3A_347, %add3A_347, %add3A_347, %add3A_347, %add3A_347, %add3A_347, %add3A_347, %add3A_347, %add3A_347 in 1 : vector<256x1xi32>, vector<256x1xi32>, vector<256x1xi32>, vector<256x1xi32>, vector<256x1xi32>, vector<256x1xi32>, vector<256x1xi32>, vector<256x1xi32>, vector<256x1xi32>, vector<256x1xi32>, vector<256x1xi32>, vector<256x1xi32>, vector<256x1xi32>, vector<256x1xi32>, vector<256x1xi32>, vector<256x1xi32>, vector<256x1xi32>, vector<256x1xi32>, vector<256x1xi32>, vector<256x1xi32>, vector<256x1xi32>, vector<256x1xi32>, vector<256x1xi32>, vector<256x1xi32>, vector<256x1xi32>, vector<256x1xi32>, vector<256x1xi32>, vector<256x1xi32>, vector<256x1xi32>, vector<256x1xi32>, vector<256x1xi32>, vector<256x1xi32> -> vector<256x32xi32>
    %transpose3A = tpu.transpose %concatenate3A, [1, 0] : vector<256x32xi32> -> vector<32x256xi32>
    %swap3A = arith.constant 0 : index
    %swap3A_348 = arith.constant 0 : index
    %swap3A_349 = arith.constant 0 : index
    %swap3A_350 = vector.load %arg4[%swap3A, %swap3A_348, %swap3A_349] : memref<1x32x256xi32, #tpu.memory_space<vmem>>, vector<1x32x256xi32>
    %swap3A_351 = vector.shape_cast %swap3A_350 : vector<1x32x256xi32> to vector<32x256xi32>
    %swap3A_352 = vector.shape_cast %transpose3A : vector<32x256xi32> to vector<1x32x256xi32>
    tpu.vector_store %arg4[%swap3A, %swap3A_348, %swap3A_349], %swap3A_352 {strides = array<i32>} : memref<1x32x256xi32, #tpu.memory_space<vmem>>, vector<1x32x256xi32>,
    return
  }
  func.func @transform_0(%arg0: i32, %arg1: i32) -> (i32, i32, i32) {
    %c0_i32 = arith.constant 0 : i32
    %c0_i32_0 = arith.constant 0 : i32
    return %arg0, %arg1, %c0_i32 : i32, i32, i32
  }
  func.func @transform_1(%arg0: i32, %arg1: i32) -> (i32, i32, i32) {
    %c0_i32 = arith.constant 0 : i32
    %c0_i32_0 = arith.constant 0 : i32
    %c0_i32_1 = arith.constant 0 : i32
    return %arg0, %c0_i32, %c0_i32_0 : i32, i32, i32
  }
  func.func @transform_2(%arg0: i32, %arg1: i32) -> (i32, i32, i32) {
    %c0_i32 = arith.constant 0 : i32
    %c0_i32_0 = arith.constant 0 : i32
    return %arg0, %c0_i32, %arg1 : i32, i32, i32
  }
}

module attributes {stable_mosaic.version = 14 : i64} {
  func.func @_edgeconv_body2(%arg0: i32, %arg1: i32, %arg2: memref<1x20x1024x64xf32, #tpu.memory_space<vmem>>, %arg3: memref<1x1024x64xf32, #tpu.memory_space<vmem>>, %arg4: memref<64x64xf32, #tpu.memory_space<vmem>>, %arg5: memref<64x64xf32, #tpu.memory_space<vmem>>, %arg6: memref<1x64xf32, #tpu.memory_space<vmem>>, %arg7: memref<64x64xf32, #tpu.memory_space<vmem>>, %arg8: memref<1x64xf32, #tpu.memory_space<vmem>>, %arg9: memref<1x1024x64xf32, #tpu.memory_space<vmem>>, %arg10: memref<1x64x1024xf32, #tpu.memory_space<vmem>>) attributes {dimension_semantics = [#tpu.dimension_semantics<arbitrary>, #tpu.dimension_semantics<arbitrary>], iteration_bounds = array<i64: 2, 4>, scalar_prefetch = 0 : i64, scratch_operands = 0 : i64, tpu.core_type = #tpu.core_type<tc>, window_params = [{transform_indices = @transform_0, window_bounds = array<i64: 1, 20, 1024, 64>}, {transform_indices = @transform_1, window_bounds = array<i64: 1, 1024, 64>}, {pipeline_mode = #tpu.pipeline_mode<synchronous>, transform_indices = @transform_2, window_bounds = array<i64: 64, 64>}, {pipeline_mode = #tpu.pipeline_mode<synchronous>, transform_indices = @transform_3, window_bounds = array<i64: 64, 64>}, {pipeline_mode = #tpu.pipeline_mode<synchronous>, transform_indices = @transform_4, window_bounds = array<i64: 1, 64>}, {pipeline_mode = #tpu.pipeline_mode<synchronous>, transform_indices = @transform_5, window_bounds = array<i64: 64, 64>}, {pipeline_mode = #tpu.pipeline_mode<synchronous>, transform_indices = @transform_6, window_bounds = array<i64: 1, 64>}, {transform_indices = @transform_7, window_bounds = array<i64: 1, 1024, 64>}, {transform_indices = @transform_8, window_bounds = array<i64: 1, 64, 1024>}]} {
    %get3A = arith.constant 0 : index
    %get3A_0 = arith.constant 0 : index
    %get3A_1 = arith.constant 0 : index
    %get3A_2 = vector.load %arg3[%get3A, %get3A_0, %get3A_1] : memref<1x1024x64xf32, #tpu.memory_space<vmem>>, vector<1x1024x64xf32>
    %get3A_3 = vector.shape_cast %get3A_2 : vector<1x1024x64xf32> to vector<1024x64xf32>
    %get3A_4 = arith.constant 0 : index
    %get3A_5 = arith.constant 0 : index
    %get3A_6 = vector.load %arg5[%get3A_4, %get3A_5] : memref<64x64xf32, #tpu.memory_space<vmem>>, vector<64x64xf32>
    %dot_general3A = arith.constant dense<0.000000e+00> : vector<1024x64xf32>
    %dot_general3A_7 = tpu.matmul %get3A_3, %get3A_6, %dot_general3A {dimension_numbers = #tpu.dot_dimension_numbers<[1], [0], [0], [1], [0, 0, 1, 1], [], []>, transpose_lhs_hint = false} : vector<1024x64xf32>, vector<64x64xf32>, vector<1024x64xf32> -> vector<1024x64xf32>
    %get3A_8 = arith.constant 0 : index
    %get3A_9 = arith.constant 0 : index
    %get3A_10 = vector.load %arg6[%get3A_8, %get3A_9] : memref<1x64xf32, #tpu.memory_space<vmem>>, vector<1x64xf32>
    %add3A = vector.broadcast %get3A_10 : vector<1x64xf32> to vector<1024x64xf32>
    %add3A_11 = arith.addf %dot_general3A_7, %add3A : vector<1024x64xf32>
    %get3A_12 = arith.constant 0 : index
    %get3A_13 = arith.constant 0 : index
    %get3A_14 = arith.constant 0 : index
    %get3A_15 = arith.constant 0 : index
    %get3A_16 = vector.load %arg2[%get3A_12, %get3A_13, %get3A_14, %get3A_15] : memref<1x20x1024x64xf32, #tpu.memory_space<vmem>>, vector<1x1x1024x64xf32>
    %get3A_17 = vector.shape_cast %get3A_16 : vector<1x1x1024x64xf32> to vector<1024x64xf32>
    %get3A_18 = arith.constant 0 : index
    %get3A_19 = arith.constant 0 : index
    %get3A_20 = vector.load %arg4[%get3A_18, %get3A_19] : memref<64x64xf32, #tpu.memory_space<vmem>>, vector<64x64xf32>
    %dot_general3A_21 = arith.constant dense<0.000000e+00> : vector<1024x64xf32>
    %dot_general3A_22 = tpu.matmul %get3A_17, %get3A_20, %dot_general3A_21 {dimension_numbers = #tpu.dot_dimension_numbers<[1], [0], [0], [1], [0, 0, 1, 1], [], []>, transpose_lhs_hint = false} : vector<1024x64xf32>, vector<64x64xf32>, vector<1024x64xf32> -> vector<1024x64xf32>
    %add3A_23 = arith.addf %dot_general3A_22, %add3A_11 : vector<1024x64xf32>
    %ge3A = arith.constant 0.000000e+00 : f32
    %ge3A_24 = vector.broadcast %ge3A : f32 to vector<1024x64xf32>
    %ge3A_25 = arith.cmpf oge, %add3A_23, %ge3A_24 : vector<1024x64xf32>
    %mul3A = arith.constant 2.000000e-01 : f32
    %mul3A_26 = vector.broadcast %mul3A : f32 to vector<1024x64xf32>
    %mul3A_27 = arith.mulf %mul3A_26, %add3A_23 : vector<1024x64xf32>
    %select_n3A = arith.select %ge3A_25, %add3A_23, %mul3A_27 : vector<1024x64xi1>, vector<1024x64xf32>
    %get3A_28 = arith.constant 0 : index
    %get3A_29 = arith.constant 0 : index
    %get3A_30 = vector.load %arg7[%get3A_28, %get3A_29] : memref<64x64xf32, #tpu.memory_space<vmem>>, vector<64x64xf32>
    %dot_general3A_31 = arith.constant dense<0.000000e+00> : vector<1024x64xf32>
    %dot_general3A_32 = tpu.matmul %select_n3A, %get3A_30, %dot_general3A_31 {dimension_numbers = #tpu.dot_dimension_numbers<[1], [0], [0], [1], [0, 0, 1, 1], [], []>, transpose_lhs_hint = false} : vector<1024x64xf32>, vector<64x64xf32>, vector<1024x64xf32> -> vector<1024x64xf32>
    %get3A_33 = arith.constant 0 : index
    %get3A_34 = arith.constant 0 : index
    %get3A_35 = vector.load %arg8[%get3A_33, %get3A_34] : memref<1x64xf32, #tpu.memory_space<vmem>>, vector<1x64xf32>
    %add3A_36 = vector.broadcast %get3A_35 : vector<1x64xf32> to vector<1024x64xf32>
    %add3A_37 = arith.addf %dot_general3A_32, %add3A_36 : vector<1024x64xf32>
    %ge3A_38 = arith.constant 0.000000e+00 : f32
    %ge3A_39 = vector.broadcast %ge3A_38 : f32 to vector<1024x64xf32>
    %ge3A_40 = arith.cmpf oge, %add3A_37, %ge3A_39 : vector<1024x64xf32>
    %mul3A_41 = arith.constant 2.000000e-01 : f32
    %mul3A_42 = vector.broadcast %mul3A_41 : f32 to vector<1024x64xf32>
    %mul3A_43 = arith.mulf %mul3A_42, %add3A_37 : vector<1024x64xf32>
    %select_n3A_44 = arith.select %ge3A_40, %add3A_37, %mul3A_43 : vector<1024x64xi1>, vector<1024x64xf32>
    %get3A_45 = arith.constant 0 : index
    %get3A_46 = arith.constant 1 : index
    %get3A_47 = arith.constant 0 : index
    %get3A_48 = arith.constant 0 : index
    %get3A_49 = vector.load %arg2[%get3A_45, %get3A_46, %get3A_47, %get3A_48] : memref<1x20x1024x64xf32, #tpu.memory_space<vmem>>, vector<1x1x1024x64xf32>
    %get3A_50 = vector.shape_cast %get3A_49 : vector<1x1x1024x64xf32> to vector<1024x64xf32>
    %get3A_51 = arith.constant 0 : index
    %get3A_52 = arith.constant 0 : index
    %get3A_53 = vector.load %arg4[%get3A_51, %get3A_52] : memref<64x64xf32, #tpu.memory_space<vmem>>, vector<64x64xf32>
    %dot_general3A_54 = arith.constant dense<0.000000e+00> : vector<1024x64xf32>
    %dot_general3A_55 = tpu.matmul %get3A_50, %get3A_53, %dot_general3A_54 {dimension_numbers = #tpu.dot_dimension_numbers<[1], [0], [0], [1], [0, 0, 1, 1], [], []>, transpose_lhs_hint = false} : vector<1024x64xf32>, vector<64x64xf32>, vector<1024x64xf32> -> vector<1024x64xf32>
    %add3A_56 = arith.addf %dot_general3A_55, %add3A_11 : vector<1024x64xf32>
    %ge3A_57 = arith.constant 0.000000e+00 : f32
    %ge3A_58 = vector.broadcast %ge3A_57 : f32 to vector<1024x64xf32>
    %ge3A_59 = arith.cmpf oge, %add3A_56, %ge3A_58 : vector<1024x64xf32>
    %mul3A_60 = arith.constant 2.000000e-01 : f32
    %mul3A_61 = vector.broadcast %mul3A_60 : f32 to vector<1024x64xf32>
    %mul3A_62 = arith.mulf %mul3A_61, %add3A_56 : vector<1024x64xf32>
    %select_n3A_63 = arith.select %ge3A_59, %add3A_56, %mul3A_62 : vector<1024x64xi1>, vector<1024x64xf32>
    %get3A_64 = arith.constant 0 : index
    %get3A_65 = arith.constant 0 : index
    %get3A_66 = vector.load %arg7[%get3A_64, %get3A_65] : memref<64x64xf32, #tpu.memory_space<vmem>>, vector<64x64xf32>
    %dot_general3A_67 = arith.constant dense<0.000000e+00> : vector<1024x64xf32>
    %dot_general3A_68 = tpu.matmul %select_n3A_63, %get3A_66, %dot_general3A_67 {dimension_numbers = #tpu.dot_dimension_numbers<[1], [0], [0], [1], [0, 0, 1, 1], [], []>, transpose_lhs_hint = false} : vector<1024x64xf32>, vector<64x64xf32>, vector<1024x64xf32> -> vector<1024x64xf32>
    %get3A_69 = arith.constant 0 : index
    %get3A_70 = arith.constant 0 : index
    %get3A_71 = vector.load %arg8[%get3A_69, %get3A_70] : memref<1x64xf32, #tpu.memory_space<vmem>>, vector<1x64xf32>
    %add3A_72 = vector.broadcast %get3A_71 : vector<1x64xf32> to vector<1024x64xf32>
    %add3A_73 = arith.addf %dot_general3A_68, %add3A_72 : vector<1024x64xf32>
    %ge3A_74 = arith.constant 0.000000e+00 : f32
    %ge3A_75 = vector.broadcast %ge3A_74 : f32 to vector<1024x64xf32>
    %ge3A_76 = arith.cmpf oge, %add3A_73, %ge3A_75 : vector<1024x64xf32>
    %mul3A_77 = arith.constant 2.000000e-01 : f32
    %mul3A_78 = vector.broadcast %mul3A_77 : f32 to vector<1024x64xf32>
    %mul3A_79 = arith.mulf %mul3A_78, %add3A_73 : vector<1024x64xf32>
    %select_n3A_80 = arith.select %ge3A_76, %add3A_73, %mul3A_79 : vector<1024x64xi1>, vector<1024x64xf32>
    %max3A = arith.maximumf %select_n3A_44, %select_n3A_80 : vector<1024x64xf32>
    %get3A_81 = arith.constant 0 : index
    %get3A_82 = arith.constant 2 : index
    %get3A_83 = arith.constant 0 : index
    %get3A_84 = arith.constant 0 : index
    %get3A_85 = vector.load %arg2[%get3A_81, %get3A_82, %get3A_83, %get3A_84] : memref<1x20x1024x64xf32, #tpu.memory_space<vmem>>, vector<1x1x1024x64xf32>
    %get3A_86 = vector.shape_cast %get3A_85 : vector<1x1x1024x64xf32> to vector<1024x64xf32>
    %get3A_87 = arith.constant 0 : index
    %get3A_88 = arith.constant 0 : index
    %get3A_89 = vector.load %arg4[%get3A_87, %get3A_88] : memref<64x64xf32, #tpu.memory_space<vmem>>, vector<64x64xf32>
    %dot_general3A_90 = arith.constant dense<0.000000e+00> : vector<1024x64xf32>
    %dot_general3A_91 = tpu.matmul %get3A_86, %get3A_89, %dot_general3A_90 {dimension_numbers = #tpu.dot_dimension_numbers<[1], [0], [0], [1], [0, 0, 1, 1], [], []>, transpose_lhs_hint = false} : vector<1024x64xf32>, vector<64x64xf32>, vector<1024x64xf32> -> vector<1024x64xf32>
    %add3A_92 = arith.addf %dot_general3A_91, %add3A_11 : vector<1024x64xf32>
    %ge3A_93 = arith.constant 0.000000e+00 : f32
    %ge3A_94 = vector.broadcast %ge3A_93 : f32 to vector<1024x64xf32>
    %ge3A_95 = arith.cmpf oge, %add3A_92, %ge3A_94 : vector<1024x64xf32>
    %mul3A_96 = arith.constant 2.000000e-01 : f32
    %mul3A_97 = vector.broadcast %mul3A_96 : f32 to vector<1024x64xf32>
    %mul3A_98 = arith.mulf %mul3A_97, %add3A_92 : vector<1024x64xf32>
    %select_n3A_99 = arith.select %ge3A_95, %add3A_92, %mul3A_98 : vector<1024x64xi1>, vector<1024x64xf32>
    %get3A_100 = arith.constant 0 : index
    %get3A_101 = arith.constant 0 : index
    %get3A_102 = vector.load %arg7[%get3A_100, %get3A_101] : memref<64x64xf32, #tpu.memory_space<vmem>>, vector<64x64xf32>
    %dot_general3A_103 = arith.constant dense<0.000000e+00> : vector<1024x64xf32>
    %dot_general3A_104 = tpu.matmul %select_n3A_99, %get3A_102, %dot_general3A_103 {dimension_numbers = #tpu.dot_dimension_numbers<[1], [0], [0], [1], [0, 0, 1, 1], [], []>, transpose_lhs_hint = false} : vector<1024x64xf32>, vector<64x64xf32>, vector<1024x64xf32> -> vector<1024x64xf32>
    %get3A_105 = arith.constant 0 : index
    %get3A_106 = arith.constant 0 : index
    %get3A_107 = vector.load %arg8[%get3A_105, %get3A_106] : memref<1x64xf32, #tpu.memory_space<vmem>>, vector<1x64xf32>
    %add3A_108 = vector.broadcast %get3A_107 : vector<1x64xf32> to vector<1024x64xf32>
    %add3A_109 = arith.addf %dot_general3A_104, %add3A_108 : vector<1024x64xf32>
    %ge3A_110 = arith.constant 0.000000e+00 : f32
    %ge3A_111 = vector.broadcast %ge3A_110 : f32 to vector<1024x64xf32>
    %ge3A_112 = arith.cmpf oge, %add3A_109, %ge3A_111 : vector<1024x64xf32>
    %mul3A_113 = arith.constant 2.000000e-01 : f32
    %mul3A_114 = vector.broadcast %mul3A_113 : f32 to vector<1024x64xf32>
    %mul3A_115 = arith.mulf %mul3A_114, %add3A_109 : vector<1024x64xf32>
    %select_n3A_116 = arith.select %ge3A_112, %add3A_109, %mul3A_115 : vector<1024x64xi1>, vector<1024x64xf32>
    %max3A_117 = arith.maximumf %max3A, %select_n3A_116 : vector<1024x64xf32>
    %get3A_118 = arith.constant 0 : index
    %get3A_119 = arith.constant 3 : index
    %get3A_120 = arith.constant 0 : index
    %get3A_121 = arith.constant 0 : index
    %get3A_122 = vector.load %arg2[%get3A_118, %get3A_119, %get3A_120, %get3A_121] : memref<1x20x1024x64xf32, #tpu.memory_space<vmem>>, vector<1x1x1024x64xf32>
    %get3A_123 = vector.shape_cast %get3A_122 : vector<1x1x1024x64xf32> to vector<1024x64xf32>
    %get3A_124 = arith.constant 0 : index
    %get3A_125 = arith.constant 0 : index
    %get3A_126 = vector.load %arg4[%get3A_124, %get3A_125] : memref<64x64xf32, #tpu.memory_space<vmem>>, vector<64x64xf32>
    %dot_general3A_127 = arith.constant dense<0.000000e+00> : vector<1024x64xf32>
    %dot_general3A_128 = tpu.matmul %get3A_123, %get3A_126, %dot_general3A_127 {dimension_numbers = #tpu.dot_dimension_numbers<[1], [0], [0], [1], [0, 0, 1, 1], [], []>, transpose_lhs_hint = false} : vector<1024x64xf32>, vector<64x64xf32>, vector<1024x64xf32> -> vector<1024x64xf32>
    %add3A_129 = arith.addf %dot_general3A_128, %add3A_11 : vector<1024x64xf32>
    %ge3A_130 = arith.constant 0.000000e+00 : f32
    %ge3A_131 = vector.broadcast %ge3A_130 : f32 to vector<1024x64xf32>
    %ge3A_132 = arith.cmpf oge, %add3A_129, %ge3A_131 : vector<1024x64xf32>
    %mul3A_133 = arith.constant 2.000000e-01 : f32
    %mul3A_134 = vector.broadcast %mul3A_133 : f32 to vector<1024x64xf32>
    %mul3A_135 = arith.mulf %mul3A_134, %add3A_129 : vector<1024x64xf32>
    %select_n3A_136 = arith.select %ge3A_132, %add3A_129, %mul3A_135 : vector<1024x64xi1>, vector<1024x64xf32>
    %get3A_137 = arith.constant 0 : index
    %get3A_138 = arith.constant 0 : index
    %get3A_139 = vector.load %arg7[%get3A_137, %get3A_138] : memref<64x64xf32, #tpu.memory_space<vmem>>, vector<64x64xf32>
    %dot_general3A_140 = arith.constant dense<0.000000e+00> : vector<1024x64xf32>
    %dot_general3A_141 = tpu.matmul %select_n3A_136, %get3A_139, %dot_general3A_140 {dimension_numbers = #tpu.dot_dimension_numbers<[1], [0], [0], [1], [0, 0, 1, 1], [], []>, transpose_lhs_hint = false} : vector<1024x64xf32>, vector<64x64xf32>, vector<1024x64xf32> -> vector<1024x64xf32>
    %get3A_142 = arith.constant 0 : index
    %get3A_143 = arith.constant 0 : index
    %get3A_144 = vector.load %arg8[%get3A_142, %get3A_143] : memref<1x64xf32, #tpu.memory_space<vmem>>, vector<1x64xf32>
    %add3A_145 = vector.broadcast %get3A_144 : vector<1x64xf32> to vector<1024x64xf32>
    %add3A_146 = arith.addf %dot_general3A_141, %add3A_145 : vector<1024x64xf32>
    %ge3A_147 = arith.constant 0.000000e+00 : f32
    %ge3A_148 = vector.broadcast %ge3A_147 : f32 to vector<1024x64xf32>
    %ge3A_149 = arith.cmpf oge, %add3A_146, %ge3A_148 : vector<1024x64xf32>
    %mul3A_150 = arith.constant 2.000000e-01 : f32
    %mul3A_151 = vector.broadcast %mul3A_150 : f32 to vector<1024x64xf32>
    %mul3A_152 = arith.mulf %mul3A_151, %add3A_146 : vector<1024x64xf32>
    %select_n3A_153 = arith.select %ge3A_149, %add3A_146, %mul3A_152 : vector<1024x64xi1>, vector<1024x64xf32>
    %max3A_154 = arith.maximumf %max3A_117, %select_n3A_153 : vector<1024x64xf32>
    %get3A_155 = arith.constant 0 : index
    %get3A_156 = arith.constant 4 : index
    %get3A_157 = arith.constant 0 : index
    %get3A_158 = arith.constant 0 : index
    %get3A_159 = vector.load %arg2[%get3A_155, %get3A_156, %get3A_157, %get3A_158] : memref<1x20x1024x64xf32, #tpu.memory_space<vmem>>, vector<1x1x1024x64xf32>
    %get3A_160 = vector.shape_cast %get3A_159 : vector<1x1x1024x64xf32> to vector<1024x64xf32>
    %get3A_161 = arith.constant 0 : index
    %get3A_162 = arith.constant 0 : index
    %get3A_163 = vector.load %arg4[%get3A_161, %get3A_162] : memref<64x64xf32, #tpu.memory_space<vmem>>, vector<64x64xf32>
    %dot_general3A_164 = arith.constant dense<0.000000e+00> : vector<1024x64xf32>
    %dot_general3A_165 = tpu.matmul %get3A_160, %get3A_163, %dot_general3A_164 {dimension_numbers = #tpu.dot_dimension_numbers<[1], [0], [0], [1], [0, 0, 1, 1], [], []>, transpose_lhs_hint = false} : vector<1024x64xf32>, vector<64x64xf32>, vector<1024x64xf32> -> vector<1024x64xf32>
    %add3A_166 = arith.addf %dot_general3A_165, %add3A_11 : vector<1024x64xf32>
    %ge3A_167 = arith.constant 0.000000e+00 : f32
    %ge3A_168 = vector.broadcast %ge3A_167 : f32 to vector<1024x64xf32>
    %ge3A_169 = arith.cmpf oge, %add3A_166, %ge3A_168 : vector<1024x64xf32>
    %mul3A_170 = arith.constant 2.000000e-01 : f32
    %mul3A_171 = vector.broadcast %mul3A_170 : f32 to vector<1024x64xf32>
    %mul3A_172 = arith.mulf %mul3A_171, %add3A_166 : vector<1024x64xf32>
    %select_n3A_173 = arith.select %ge3A_169, %add3A_166, %mul3A_172 : vector<1024x64xi1>, vector<1024x64xf32>
    %get3A_174 = arith.constant 0 : index
    %get3A_175 = arith.constant 0 : index
    %get3A_176 = vector.load %arg7[%get3A_174, %get3A_175] : memref<64x64xf32, #tpu.memory_space<vmem>>, vector<64x64xf32>
    %dot_general3A_177 = arith.constant dense<0.000000e+00> : vector<1024x64xf32>
    %dot_general3A_178 = tpu.matmul %select_n3A_173, %get3A_176, %dot_general3A_177 {dimension_numbers = #tpu.dot_dimension_numbers<[1], [0], [0], [1], [0, 0, 1, 1], [], []>, transpose_lhs_hint = false} : vector<1024x64xf32>, vector<64x64xf32>, vector<1024x64xf32> -> vector<1024x64xf32>
    %get3A_179 = arith.constant 0 : index
    %get3A_180 = arith.constant 0 : index
    %get3A_181 = vector.load %arg8[%get3A_179, %get3A_180] : memref<1x64xf32, #tpu.memory_space<vmem>>, vector<1x64xf32>
    %add3A_182 = vector.broadcast %get3A_181 : vector<1x64xf32> to vector<1024x64xf32>
    %add3A_183 = arith.addf %dot_general3A_178, %add3A_182 : vector<1024x64xf32>
    %ge3A_184 = arith.constant 0.000000e+00 : f32
    %ge3A_185 = vector.broadcast %ge3A_184 : f32 to vector<1024x64xf32>
    %ge3A_186 = arith.cmpf oge, %add3A_183, %ge3A_185 : vector<1024x64xf32>
    %mul3A_187 = arith.constant 2.000000e-01 : f32
    %mul3A_188 = vector.broadcast %mul3A_187 : f32 to vector<1024x64xf32>
    %mul3A_189 = arith.mulf %mul3A_188, %add3A_183 : vector<1024x64xf32>
    %select_n3A_190 = arith.select %ge3A_186, %add3A_183, %mul3A_189 : vector<1024x64xi1>, vector<1024x64xf32>
    %max3A_191 = arith.maximumf %max3A_154, %select_n3A_190 : vector<1024x64xf32>
    %get3A_192 = arith.constant 0 : index
    %get3A_193 = arith.constant 5 : index
    %get3A_194 = arith.constant 0 : index
    %get3A_195 = arith.constant 0 : index
    %get3A_196 = vector.load %arg2[%get3A_192, %get3A_193, %get3A_194, %get3A_195] : memref<1x20x1024x64xf32, #tpu.memory_space<vmem>>, vector<1x1x1024x64xf32>
    %get3A_197 = vector.shape_cast %get3A_196 : vector<1x1x1024x64xf32> to vector<1024x64xf32>
    %get3A_198 = arith.constant 0 : index
    %get3A_199 = arith.constant 0 : index
    %get3A_200 = vector.load %arg4[%get3A_198, %get3A_199] : memref<64x64xf32, #tpu.memory_space<vmem>>, vector<64x64xf32>
    %dot_general3A_201 = arith.constant dense<0.000000e+00> : vector<1024x64xf32>
    %dot_general3A_202 = tpu.matmul %get3A_197, %get3A_200, %dot_general3A_201 {dimension_numbers = #tpu.dot_dimension_numbers<[1], [0], [0], [1], [0, 0, 1, 1], [], []>, transpose_lhs_hint = false} : vector<1024x64xf32>, vector<64x64xf32>, vector<1024x64xf32> -> vector<1024x64xf32>
    %add3A_203 = arith.addf %dot_general3A_202, %add3A_11 : vector<1024x64xf32>
    %ge3A_204 = arith.constant 0.000000e+00 : f32
    %ge3A_205 = vector.broadcast %ge3A_204 : f32 to vector<1024x64xf32>
    %ge3A_206 = arith.cmpf oge, %add3A_203, %ge3A_205 : vector<1024x64xf32>
    %mul3A_207 = arith.constant 2.000000e-01 : f32
    %mul3A_208 = vector.broadcast %mul3A_207 : f32 to vector<1024x64xf32>
    %mul3A_209 = arith.mulf %mul3A_208, %add3A_203 : vector<1024x64xf32>
    %select_n3A_210 = arith.select %ge3A_206, %add3A_203, %mul3A_209 : vector<1024x64xi1>, vector<1024x64xf32>
    %get3A_211 = arith.constant 0 : index
    %get3A_212 = arith.constant 0 : index
    %get3A_213 = vector.load %arg7[%get3A_211, %get3A_212] : memref<64x64xf32, #tpu.memory_space<vmem>>, vector<64x64xf32>
    %dot_general3A_214 = arith.constant dense<0.000000e+00> : vector<1024x64xf32>
    %dot_general3A_215 = tpu.matmul %select_n3A_210, %get3A_213, %dot_general3A_214 {dimension_numbers = #tpu.dot_dimension_numbers<[1], [0], [0], [1], [0, 0, 1, 1], [], []>, transpose_lhs_hint = false} : vector<1024x64xf32>, vector<64x64xf32>, vector<1024x64xf32> -> vector<1024x64xf32>
    %get3A_216 = arith.constant 0 : index
    %get3A_217 = arith.constant 0 : index
    %get3A_218 = vector.load %arg8[%get3A_216, %get3A_217] : memref<1x64xf32, #tpu.memory_space<vmem>>, vector<1x64xf32>
    %add3A_219 = vector.broadcast %get3A_218 : vector<1x64xf32> to vector<1024x64xf32>
    %add3A_220 = arith.addf %dot_general3A_215, %add3A_219 : vector<1024x64xf32>
    %ge3A_221 = arith.constant 0.000000e+00 : f32
    %ge3A_222 = vector.broadcast %ge3A_221 : f32 to vector<1024x64xf32>
    %ge3A_223 = arith.cmpf oge, %add3A_220, %ge3A_222 : vector<1024x64xf32>
    %mul3A_224 = arith.constant 2.000000e-01 : f32
    %mul3A_225 = vector.broadcast %mul3A_224 : f32 to vector<1024x64xf32>
    %mul3A_226 = arith.mulf %mul3A_225, %add3A_220 : vector<1024x64xf32>
    %select_n3A_227 = arith.select %ge3A_223, %add3A_220, %mul3A_226 : vector<1024x64xi1>, vector<1024x64xf32>
    %max3A_228 = arith.maximumf %max3A_191, %select_n3A_227 : vector<1024x64xf32>
    %get3A_229 = arith.constant 0 : index
    %get3A_230 = arith.constant 6 : index
    %get3A_231 = arith.constant 0 : index
    %get3A_232 = arith.constant 0 : index
    %get3A_233 = vector.load %arg2[%get3A_229, %get3A_230, %get3A_231, %get3A_232] : memref<1x20x1024x64xf32, #tpu.memory_space<vmem>>, vector<1x1x1024x64xf32>
    %get3A_234 = vector.shape_cast %get3A_233 : vector<1x1x1024x64xf32> to vector<1024x64xf32>
    %get3A_235 = arith.constant 0 : index
    %get3A_236 = arith.constant 0 : index
    %get3A_237 = vector.load %arg4[%get3A_235, %get3A_236] : memref<64x64xf32, #tpu.memory_space<vmem>>, vector<64x64xf32>
    %dot_general3A_238 = arith.constant dense<0.000000e+00> : vector<1024x64xf32>
    %dot_general3A_239 = tpu.matmul %get3A_234, %get3A_237, %dot_general3A_238 {dimension_numbers = #tpu.dot_dimension_numbers<[1], [0], [0], [1], [0, 0, 1, 1], [], []>, transpose_lhs_hint = false} : vector<1024x64xf32>, vector<64x64xf32>, vector<1024x64xf32> -> vector<1024x64xf32>
    %add3A_240 = arith.addf %dot_general3A_239, %add3A_11 : vector<1024x64xf32>
    %ge3A_241 = arith.constant 0.000000e+00 : f32
    %ge3A_242 = vector.broadcast %ge3A_241 : f32 to vector<1024x64xf32>
    %ge3A_243 = arith.cmpf oge, %add3A_240, %ge3A_242 : vector<1024x64xf32>
    %mul3A_244 = arith.constant 2.000000e-01 : f32
    %mul3A_245 = vector.broadcast %mul3A_244 : f32 to vector<1024x64xf32>
    %mul3A_246 = arith.mulf %mul3A_245, %add3A_240 : vector<1024x64xf32>
    %select_n3A_247 = arith.select %ge3A_243, %add3A_240, %mul3A_246 : vector<1024x64xi1>, vector<1024x64xf32>
    %get3A_248 = arith.constant 0 : index
    %get3A_249 = arith.constant 0 : index
    %get3A_250 = vector.load %arg7[%get3A_248, %get3A_249] : memref<64x64xf32, #tpu.memory_space<vmem>>, vector<64x64xf32>
    %dot_general3A_251 = arith.constant dense<0.000000e+00> : vector<1024x64xf32>
    %dot_general3A_252 = tpu.matmul %select_n3A_247, %get3A_250, %dot_general3A_251 {dimension_numbers = #tpu.dot_dimension_numbers<[1], [0], [0], [1], [0, 0, 1, 1], [], []>, transpose_lhs_hint = false} : vector<1024x64xf32>, vector<64x64xf32>, vector<1024x64xf32> -> vector<1024x64xf32>
    %get3A_253 = arith.constant 0 : index
    %get3A_254 = arith.constant 0 : index
    %get3A_255 = vector.load %arg8[%get3A_253, %get3A_254] : memref<1x64xf32, #tpu.memory_space<vmem>>, vector<1x64xf32>
    %add3A_256 = vector.broadcast %get3A_255 : vector<1x64xf32> to vector<1024x64xf32>
    %add3A_257 = arith.addf %dot_general3A_252, %add3A_256 : vector<1024x64xf32>
    %ge3A_258 = arith.constant 0.000000e+00 : f32
    %ge3A_259 = vector.broadcast %ge3A_258 : f32 to vector<1024x64xf32>
    %ge3A_260 = arith.cmpf oge, %add3A_257, %ge3A_259 : vector<1024x64xf32>
    %mul3A_261 = arith.constant 2.000000e-01 : f32
    %mul3A_262 = vector.broadcast %mul3A_261 : f32 to vector<1024x64xf32>
    %mul3A_263 = arith.mulf %mul3A_262, %add3A_257 : vector<1024x64xf32>
    %select_n3A_264 = arith.select %ge3A_260, %add3A_257, %mul3A_263 : vector<1024x64xi1>, vector<1024x64xf32>
    %max3A_265 = arith.maximumf %max3A_228, %select_n3A_264 : vector<1024x64xf32>
    %get3A_266 = arith.constant 0 : index
    %get3A_267 = arith.constant 7 : index
    %get3A_268 = arith.constant 0 : index
    %get3A_269 = arith.constant 0 : index
    %get3A_270 = vector.load %arg2[%get3A_266, %get3A_267, %get3A_268, %get3A_269] : memref<1x20x1024x64xf32, #tpu.memory_space<vmem>>, vector<1x1x1024x64xf32>
    %get3A_271 = vector.shape_cast %get3A_270 : vector<1x1x1024x64xf32> to vector<1024x64xf32>
    %get3A_272 = arith.constant 0 : index
    %get3A_273 = arith.constant 0 : index
    %get3A_274 = vector.load %arg4[%get3A_272, %get3A_273] : memref<64x64xf32, #tpu.memory_space<vmem>>, vector<64x64xf32>
    %dot_general3A_275 = arith.constant dense<0.000000e+00> : vector<1024x64xf32>
    %dot_general3A_276 = tpu.matmul %get3A_271, %get3A_274, %dot_general3A_275 {dimension_numbers = #tpu.dot_dimension_numbers<[1], [0], [0], [1], [0, 0, 1, 1], [], []>, transpose_lhs_hint = false} : vector<1024x64xf32>, vector<64x64xf32>, vector<1024x64xf32> -> vector<1024x64xf32>
    %add3A_277 = arith.addf %dot_general3A_276, %add3A_11 : vector<1024x64xf32>
    %ge3A_278 = arith.constant 0.000000e+00 : f32
    %ge3A_279 = vector.broadcast %ge3A_278 : f32 to vector<1024x64xf32>
    %ge3A_280 = arith.cmpf oge, %add3A_277, %ge3A_279 : vector<1024x64xf32>
    %mul3A_281 = arith.constant 2.000000e-01 : f32
    %mul3A_282 = vector.broadcast %mul3A_281 : f32 to vector<1024x64xf32>
    %mul3A_283 = arith.mulf %mul3A_282, %add3A_277 : vector<1024x64xf32>
    %select_n3A_284 = arith.select %ge3A_280, %add3A_277, %mul3A_283 : vector<1024x64xi1>, vector<1024x64xf32>
    %get3A_285 = arith.constant 0 : index
    %get3A_286 = arith.constant 0 : index
    %get3A_287 = vector.load %arg7[%get3A_285, %get3A_286] : memref<64x64xf32, #tpu.memory_space<vmem>>, vector<64x64xf32>
    %dot_general3A_288 = arith.constant dense<0.000000e+00> : vector<1024x64xf32>
    %dot_general3A_289 = tpu.matmul %select_n3A_284, %get3A_287, %dot_general3A_288 {dimension_numbers = #tpu.dot_dimension_numbers<[1], [0], [0], [1], [0, 0, 1, 1], [], []>, transpose_lhs_hint = false} : vector<1024x64xf32>, vector<64x64xf32>, vector<1024x64xf32> -> vector<1024x64xf32>
    %get3A_290 = arith.constant 0 : index
    %get3A_291 = arith.constant 0 : index
    %get3A_292 = vector.load %arg8[%get3A_290, %get3A_291] : memref<1x64xf32, #tpu.memory_space<vmem>>, vector<1x64xf32>
    %add3A_293 = vector.broadcast %get3A_292 : vector<1x64xf32> to vector<1024x64xf32>
    %add3A_294 = arith.addf %dot_general3A_289, %add3A_293 : vector<1024x64xf32>
    %ge3A_295 = arith.constant 0.000000e+00 : f32
    %ge3A_296 = vector.broadcast %ge3A_295 : f32 to vector<1024x64xf32>
    %ge3A_297 = arith.cmpf oge, %add3A_294, %ge3A_296 : vector<1024x64xf32>
    %mul3A_298 = arith.constant 2.000000e-01 : f32
    %mul3A_299 = vector.broadcast %mul3A_298 : f32 to vector<1024x64xf32>
    %mul3A_300 = arith.mulf %mul3A_299, %add3A_294 : vector<1024x64xf32>
    %select_n3A_301 = arith.select %ge3A_297, %add3A_294, %mul3A_300 : vector<1024x64xi1>, vector<1024x64xf32>
    %max3A_302 = arith.maximumf %max3A_265, %select_n3A_301 : vector<1024x64xf32>
    %get3A_303 = arith.constant 0 : index
    %get3A_304 = arith.constant 8 : index
    %get3A_305 = arith.constant 0 : index
    %get3A_306 = arith.constant 0 : index
    %get3A_307 = vector.load %arg2[%get3A_303, %get3A_304, %get3A_305, %get3A_306] : memref<1x20x1024x64xf32, #tpu.memory_space<vmem>>, vector<1x1x1024x64xf32>
    %get3A_308 = vector.shape_cast %get3A_307 : vector<1x1x1024x64xf32> to vector<1024x64xf32>
    %get3A_309 = arith.constant 0 : index
    %get3A_310 = arith.constant 0 : index
    %get3A_311 = vector.load %arg4[%get3A_309, %get3A_310] : memref<64x64xf32, #tpu.memory_space<vmem>>, vector<64x64xf32>
    %dot_general3A_312 = arith.constant dense<0.000000e+00> : vector<1024x64xf32>
    %dot_general3A_313 = tpu.matmul %get3A_308, %get3A_311, %dot_general3A_312 {dimension_numbers = #tpu.dot_dimension_numbers<[1], [0], [0], [1], [0, 0, 1, 1], [], []>, transpose_lhs_hint = false} : vector<1024x64xf32>, vector<64x64xf32>, vector<1024x64xf32> -> vector<1024x64xf32>
    %add3A_314 = arith.addf %dot_general3A_313, %add3A_11 : vector<1024x64xf32>
    %ge3A_315 = arith.constant 0.000000e+00 : f32
    %ge3A_316 = vector.broadcast %ge3A_315 : f32 to vector<1024x64xf32>
    %ge3A_317 = arith.cmpf oge, %add3A_314, %ge3A_316 : vector<1024x64xf32>
    %mul3A_318 = arith.constant 2.000000e-01 : f32
    %mul3A_319 = vector.broadcast %mul3A_318 : f32 to vector<1024x64xf32>
    %mul3A_320 = arith.mulf %mul3A_319, %add3A_314 : vector<1024x64xf32>
    %select_n3A_321 = arith.select %ge3A_317, %add3A_314, %mul3A_320 : vector<1024x64xi1>, vector<1024x64xf32>
    %get3A_322 = arith.constant 0 : index
    %get3A_323 = arith.constant 0 : index
    %get3A_324 = vector.load %arg7[%get3A_322, %get3A_323] : memref<64x64xf32, #tpu.memory_space<vmem>>, vector<64x64xf32>
    %dot_general3A_325 = arith.constant dense<0.000000e+00> : vector<1024x64xf32>
    %dot_general3A_326 = tpu.matmul %select_n3A_321, %get3A_324, %dot_general3A_325 {dimension_numbers = #tpu.dot_dimension_numbers<[1], [0], [0], [1], [0, 0, 1, 1], [], []>, transpose_lhs_hint = false} : vector<1024x64xf32>, vector<64x64xf32>, vector<1024x64xf32> -> vector<1024x64xf32>
    %get3A_327 = arith.constant 0 : index
    %get3A_328 = arith.constant 0 : index
    %get3A_329 = vector.load %arg8[%get3A_327, %get3A_328] : memref<1x64xf32, #tpu.memory_space<vmem>>, vector<1x64xf32>
    %add3A_330 = vector.broadcast %get3A_329 : vector<1x64xf32> to vector<1024x64xf32>
    %add3A_331 = arith.addf %dot_general3A_326, %add3A_330 : vector<1024x64xf32>
    %ge3A_332 = arith.constant 0.000000e+00 : f32
    %ge3A_333 = vector.broadcast %ge3A_332 : f32 to vector<1024x64xf32>
    %ge3A_334 = arith.cmpf oge, %add3A_331, %ge3A_333 : vector<1024x64xf32>
    %mul3A_335 = arith.constant 2.000000e-01 : f32
    %mul3A_336 = vector.broadcast %mul3A_335 : f32 to vector<1024x64xf32>
    %mul3A_337 = arith.mulf %mul3A_336, %add3A_331 : vector<1024x64xf32>
    %select_n3A_338 = arith.select %ge3A_334, %add3A_331, %mul3A_337 : vector<1024x64xi1>, vector<1024x64xf32>
    %max3A_339 = arith.maximumf %max3A_302, %select_n3A_338 : vector<1024x64xf32>
    %get3A_340 = arith.constant 0 : index
    %get3A_341 = arith.constant 9 : index
    %get3A_342 = arith.constant 0 : index
    %get3A_343 = arith.constant 0 : index
    %get3A_344 = vector.load %arg2[%get3A_340, %get3A_341, %get3A_342, %get3A_343] : memref<1x20x1024x64xf32, #tpu.memory_space<vmem>>, vector<1x1x1024x64xf32>
    %get3A_345 = vector.shape_cast %get3A_344 : vector<1x1x1024x64xf32> to vector<1024x64xf32>
    %get3A_346 = arith.constant 0 : index
    %get3A_347 = arith.constant 0 : index
    %get3A_348 = vector.load %arg4[%get3A_346, %get3A_347] : memref<64x64xf32, #tpu.memory_space<vmem>>, vector<64x64xf32>
    %dot_general3A_349 = arith.constant dense<0.000000e+00> : vector<1024x64xf32>
    %dot_general3A_350 = tpu.matmul %get3A_345, %get3A_348, %dot_general3A_349 {dimension_numbers = #tpu.dot_dimension_numbers<[1], [0], [0], [1], [0, 0, 1, 1], [], []>, transpose_lhs_hint = false} : vector<1024x64xf32>, vector<64x64xf32>, vector<1024x64xf32> -> vector<1024x64xf32>
    %add3A_351 = arith.addf %dot_general3A_350, %add3A_11 : vector<1024x64xf32>
    %ge3A_352 = arith.constant 0.000000e+00 : f32
    %ge3A_353 = vector.broadcast %ge3A_352 : f32 to vector<1024x64xf32>
    %ge3A_354 = arith.cmpf oge, %add3A_351, %ge3A_353 : vector<1024x64xf32>
    %mul3A_355 = arith.constant 2.000000e-01 : f32
    %mul3A_356 = vector.broadcast %mul3A_355 : f32 to vector<1024x64xf32>
    %mul3A_357 = arith.mulf %mul3A_356, %add3A_351 : vector<1024x64xf32>
    %select_n3A_358 = arith.select %ge3A_354, %add3A_351, %mul3A_357 : vector<1024x64xi1>, vector<1024x64xf32>
    %get3A_359 = arith.constant 0 : index
    %get3A_360 = arith.constant 0 : index
    %get3A_361 = vector.load %arg7[%get3A_359, %get3A_360] : memref<64x64xf32, #tpu.memory_space<vmem>>, vector<64x64xf32>
    %dot_general3A_362 = arith.constant dense<0.000000e+00> : vector<1024x64xf32>
    %dot_general3A_363 = tpu.matmul %select_n3A_358, %get3A_361, %dot_general3A_362 {dimension_numbers = #tpu.dot_dimension_numbers<[1], [0], [0], [1], [0, 0, 1, 1], [], []>, transpose_lhs_hint = false} : vector<1024x64xf32>, vector<64x64xf32>, vector<1024x64xf32> -> vector<1024x64xf32>
    %get3A_364 = arith.constant 0 : index
    %get3A_365 = arith.constant 0 : index
    %get3A_366 = vector.load %arg8[%get3A_364, %get3A_365] : memref<1x64xf32, #tpu.memory_space<vmem>>, vector<1x64xf32>
    %add3A_367 = vector.broadcast %get3A_366 : vector<1x64xf32> to vector<1024x64xf32>
    %add3A_368 = arith.addf %dot_general3A_363, %add3A_367 : vector<1024x64xf32>
    %ge3A_369 = arith.constant 0.000000e+00 : f32
    %ge3A_370 = vector.broadcast %ge3A_369 : f32 to vector<1024x64xf32>
    %ge3A_371 = arith.cmpf oge, %add3A_368, %ge3A_370 : vector<1024x64xf32>
    %mul3A_372 = arith.constant 2.000000e-01 : f32
    %mul3A_373 = vector.broadcast %mul3A_372 : f32 to vector<1024x64xf32>
    %mul3A_374 = arith.mulf %mul3A_373, %add3A_368 : vector<1024x64xf32>
    %select_n3A_375 = arith.select %ge3A_371, %add3A_368, %mul3A_374 : vector<1024x64xi1>, vector<1024x64xf32>
    %max3A_376 = arith.maximumf %max3A_339, %select_n3A_375 : vector<1024x64xf32>
    %get3A_377 = arith.constant 0 : index
    %get3A_378 = arith.constant 10 : index
    %get3A_379 = arith.constant 0 : index
    %get3A_380 = arith.constant 0 : index
    %get3A_381 = vector.load %arg2[%get3A_377, %get3A_378, %get3A_379, %get3A_380] : memref<1x20x1024x64xf32, #tpu.memory_space<vmem>>, vector<1x1x1024x64xf32>
    %get3A_382 = vector.shape_cast %get3A_381 : vector<1x1x1024x64xf32> to vector<1024x64xf32>
    %get3A_383 = arith.constant 0 : index
    %get3A_384 = arith.constant 0 : index
    %get3A_385 = vector.load %arg4[%get3A_383, %get3A_384] : memref<64x64xf32, #tpu.memory_space<vmem>>, vector<64x64xf32>
    %dot_general3A_386 = arith.constant dense<0.000000e+00> : vector<1024x64xf32>
    %dot_general3A_387 = tpu.matmul %get3A_382, %get3A_385, %dot_general3A_386 {dimension_numbers = #tpu.dot_dimension_numbers<[1], [0], [0], [1], [0, 0, 1, 1], [], []>, transpose_lhs_hint = false} : vector<1024x64xf32>, vector<64x64xf32>, vector<1024x64xf32> -> vector<1024x64xf32>
    %add3A_388 = arith.addf %dot_general3A_387, %add3A_11 : vector<1024x64xf32>
    %ge3A_389 = arith.constant 0.000000e+00 : f32
    %ge3A_390 = vector.broadcast %ge3A_389 : f32 to vector<1024x64xf32>
    %ge3A_391 = arith.cmpf oge, %add3A_388, %ge3A_390 : vector<1024x64xf32>
    %mul3A_392 = arith.constant 2.000000e-01 : f32
    %mul3A_393 = vector.broadcast %mul3A_392 : f32 to vector<1024x64xf32>
    %mul3A_394 = arith.mulf %mul3A_393, %add3A_388 : vector<1024x64xf32>
    %select_n3A_395 = arith.select %ge3A_391, %add3A_388, %mul3A_394 : vector<1024x64xi1>, vector<1024x64xf32>
    %get3A_396 = arith.constant 0 : index
    %get3A_397 = arith.constant 0 : index
    %get3A_398 = vector.load %arg7[%get3A_396, %get3A_397] : memref<64x64xf32, #tpu.memory_space<vmem>>, vector<64x64xf32>
    %dot_general3A_399 = arith.constant dense<0.000000e+00> : vector<1024x64xf32>
    %dot_general3A_400 = tpu.matmul %select_n3A_395, %get3A_398, %dot_general3A_399 {dimension_numbers = #tpu.dot_dimension_numbers<[1], [0], [0], [1], [0, 0, 1, 1], [], []>, transpose_lhs_hint = false} : vector<1024x64xf32>, vector<64x64xf32>, vector<1024x64xf32> -> vector<1024x64xf32>
    %get3A_401 = arith.constant 0 : index
    %get3A_402 = arith.constant 0 : index
    %get3A_403 = vector.load %arg8[%get3A_401, %get3A_402] : memref<1x64xf32, #tpu.memory_space<vmem>>, vector<1x64xf32>
    %add3A_404 = vector.broadcast %get3A_403 : vector<1x64xf32> to vector<1024x64xf32>
    %add3A_405 = arith.addf %dot_general3A_400, %add3A_404 : vector<1024x64xf32>
    %ge3A_406 = arith.constant 0.000000e+00 : f32
    %ge3A_407 = vector.broadcast %ge3A_406 : f32 to vector<1024x64xf32>
    %ge3A_408 = arith.cmpf oge, %add3A_405, %ge3A_407 : vector<1024x64xf32>
    %mul3A_409 = arith.constant 2.000000e-01 : f32
    %mul3A_410 = vector.broadcast %mul3A_409 : f32 to vector<1024x64xf32>
    %mul3A_411 = arith.mulf %mul3A_410, %add3A_405 : vector<1024x64xf32>
    %select_n3A_412 = arith.select %ge3A_408, %add3A_405, %mul3A_411 : vector<1024x64xi1>, vector<1024x64xf32>
    %max3A_413 = arith.maximumf %max3A_376, %select_n3A_412 : vector<1024x64xf32>
    %get3A_414 = arith.constant 0 : index
    %get3A_415 = arith.constant 11 : index
    %get3A_416 = arith.constant 0 : index
    %get3A_417 = arith.constant 0 : index
    %get3A_418 = vector.load %arg2[%get3A_414, %get3A_415, %get3A_416, %get3A_417] : memref<1x20x1024x64xf32, #tpu.memory_space<vmem>>, vector<1x1x1024x64xf32>
    %get3A_419 = vector.shape_cast %get3A_418 : vector<1x1x1024x64xf32> to vector<1024x64xf32>
    %get3A_420 = arith.constant 0 : index
    %get3A_421 = arith.constant 0 : index
    %get3A_422 = vector.load %arg4[%get3A_420, %get3A_421] : memref<64x64xf32, #tpu.memory_space<vmem>>, vector<64x64xf32>
    %dot_general3A_423 = arith.constant dense<0.000000e+00> : vector<1024x64xf32>
    %dot_general3A_424 = tpu.matmul %get3A_419, %get3A_422, %dot_general3A_423 {dimension_numbers = #tpu.dot_dimension_numbers<[1], [0], [0], [1], [0, 0, 1, 1], [], []>, transpose_lhs_hint = false} : vector<1024x64xf32>, vector<64x64xf32>, vector<1024x64xf32> -> vector<1024x64xf32>
    %add3A_425 = arith.addf %dot_general3A_424, %add3A_11 : vector<1024x64xf32>
    %ge3A_426 = arith.constant 0.000000e+00 : f32
    %ge3A_427 = vector.broadcast %ge3A_426 : f32 to vector<1024x64xf32>
    %ge3A_428 = arith.cmpf oge, %add3A_425, %ge3A_427 : vector<1024x64xf32>
    %mul3A_429 = arith.constant 2.000000e-01 : f32
    %mul3A_430 = vector.broadcast %mul3A_429 : f32 to vector<1024x64xf32>
    %mul3A_431 = arith.mulf %mul3A_430, %add3A_425 : vector<1024x64xf32>
    %select_n3A_432 = arith.select %ge3A_428, %add3A_425, %mul3A_431 : vector<1024x64xi1>, vector<1024x64xf32>
    %get3A_433 = arith.constant 0 : index
    %get3A_434 = arith.constant 0 : index
    %get3A_435 = vector.load %arg7[%get3A_433, %get3A_434] : memref<64x64xf32, #tpu.memory_space<vmem>>, vector<64x64xf32>
    %dot_general3A_436 = arith.constant dense<0.000000e+00> : vector<1024x64xf32>
    %dot_general3A_437 = tpu.matmul %select_n3A_432, %get3A_435, %dot_general3A_436 {dimension_numbers = #tpu.dot_dimension_numbers<[1], [0], [0], [1], [0, 0, 1, 1], [], []>, transpose_lhs_hint = false} : vector<1024x64xf32>, vector<64x64xf32>, vector<1024x64xf32> -> vector<1024x64xf32>
    %get3A_438 = arith.constant 0 : index
    %get3A_439 = arith.constant 0 : index
    %get3A_440 = vector.load %arg8[%get3A_438, %get3A_439] : memref<1x64xf32, #tpu.memory_space<vmem>>, vector<1x64xf32>
    %add3A_441 = vector.broadcast %get3A_440 : vector<1x64xf32> to vector<1024x64xf32>
    %add3A_442 = arith.addf %dot_general3A_437, %add3A_441 : vector<1024x64xf32>
    %ge3A_443 = arith.constant 0.000000e+00 : f32
    %ge3A_444 = vector.broadcast %ge3A_443 : f32 to vector<1024x64xf32>
    %ge3A_445 = arith.cmpf oge, %add3A_442, %ge3A_444 : vector<1024x64xf32>
    %mul3A_446 = arith.constant 2.000000e-01 : f32
    %mul3A_447 = vector.broadcast %mul3A_446 : f32 to vector<1024x64xf32>
    %mul3A_448 = arith.mulf %mul3A_447, %add3A_442 : vector<1024x64xf32>
    %select_n3A_449 = arith.select %ge3A_445, %add3A_442, %mul3A_448 : vector<1024x64xi1>, vector<1024x64xf32>
    %max3A_450 = arith.maximumf %max3A_413, %select_n3A_449 : vector<1024x64xf32>
    %get3A_451 = arith.constant 0 : index
    %get3A_452 = arith.constant 12 : index
    %get3A_453 = arith.constant 0 : index
    %get3A_454 = arith.constant 0 : index
    %get3A_455 = vector.load %arg2[%get3A_451, %get3A_452, %get3A_453, %get3A_454] : memref<1x20x1024x64xf32, #tpu.memory_space<vmem>>, vector<1x1x1024x64xf32>
    %get3A_456 = vector.shape_cast %get3A_455 : vector<1x1x1024x64xf32> to vector<1024x64xf32>
    %get3A_457 = arith.constant 0 : index
    %get3A_458 = arith.constant 0 : index
    %get3A_459 = vector.load %arg4[%get3A_457, %get3A_458] : memref<64x64xf32, #tpu.memory_space<vmem>>, vector<64x64xf32>
    %dot_general3A_460 = arith.constant dense<0.000000e+00> : vector<1024x64xf32>
    %dot_general3A_461 = tpu.matmul %get3A_456, %get3A_459, %dot_general3A_460 {dimension_numbers = #tpu.dot_dimension_numbers<[1], [0], [0], [1], [0, 0, 1, 1], [], []>, transpose_lhs_hint = false} : vector<1024x64xf32>, vector<64x64xf32>, vector<1024x64xf32> -> vector<1024x64xf32>
    %add3A_462 = arith.addf %dot_general3A_461, %add3A_11 : vector<1024x64xf32>
    %ge3A_463 = arith.constant 0.000000e+00 : f32
    %ge3A_464 = vector.broadcast %ge3A_463 : f32 to vector<1024x64xf32>
    %ge3A_465 = arith.cmpf oge, %add3A_462, %ge3A_464 : vector<1024x64xf32>
    %mul3A_466 = arith.constant 2.000000e-01 : f32
    %mul3A_467 = vector.broadcast %mul3A_466 : f32 to vector<1024x64xf32>
    %mul3A_468 = arith.mulf %mul3A_467, %add3A_462 : vector<1024x64xf32>
    %select_n3A_469 = arith.select %ge3A_465, %add3A_462, %mul3A_468 : vector<1024x64xi1>, vector<1024x64xf32>
    %get3A_470 = arith.constant 0 : index
    %get3A_471 = arith.constant 0 : index
    %get3A_472 = vector.load %arg7[%get3A_470, %get3A_471] : memref<64x64xf32, #tpu.memory_space<vmem>>, vector<64x64xf32>
    %dot_general3A_473 = arith.constant dense<0.000000e+00> : vector<1024x64xf32>
    %dot_general3A_474 = tpu.matmul %select_n3A_469, %get3A_472, %dot_general3A_473 {dimension_numbers = #tpu.dot_dimension_numbers<[1], [0], [0], [1], [0, 0, 1, 1], [], []>, transpose_lhs_hint = false} : vector<1024x64xf32>, vector<64x64xf32>, vector<1024x64xf32> -> vector<1024x64xf32>
    %get3A_475 = arith.constant 0 : index
    %get3A_476 = arith.constant 0 : index
    %get3A_477 = vector.load %arg8[%get3A_475, %get3A_476] : memref<1x64xf32, #tpu.memory_space<vmem>>, vector<1x64xf32>
    %add3A_478 = vector.broadcast %get3A_477 : vector<1x64xf32> to vector<1024x64xf32>
    %add3A_479 = arith.addf %dot_general3A_474, %add3A_478 : vector<1024x64xf32>
    %ge3A_480 = arith.constant 0.000000e+00 : f32
    %ge3A_481 = vector.broadcast %ge3A_480 : f32 to vector<1024x64xf32>
    %ge3A_482 = arith.cmpf oge, %add3A_479, %ge3A_481 : vector<1024x64xf32>
    %mul3A_483 = arith.constant 2.000000e-01 : f32
    %mul3A_484 = vector.broadcast %mul3A_483 : f32 to vector<1024x64xf32>
    %mul3A_485 = arith.mulf %mul3A_484, %add3A_479 : vector<1024x64xf32>
    %select_n3A_486 = arith.select %ge3A_482, %add3A_479, %mul3A_485 : vector<1024x64xi1>, vector<1024x64xf32>
    %max3A_487 = arith.maximumf %max3A_450, %select_n3A_486 : vector<1024x64xf32>
    %get3A_488 = arith.constant 0 : index
    %get3A_489 = arith.constant 13 : index
    %get3A_490 = arith.constant 0 : index
    %get3A_491 = arith.constant 0 : index
    %get3A_492 = vector.load %arg2[%get3A_488, %get3A_489, %get3A_490, %get3A_491] : memref<1x20x1024x64xf32, #tpu.memory_space<vmem>>, vector<1x1x1024x64xf32>
    %get3A_493 = vector.shape_cast %get3A_492 : vector<1x1x1024x64xf32> to vector<1024x64xf32>
    %get3A_494 = arith.constant 0 : index
    %get3A_495 = arith.constant 0 : index
    %get3A_496 = vector.load %arg4[%get3A_494, %get3A_495] : memref<64x64xf32, #tpu.memory_space<vmem>>, vector<64x64xf32>
    %dot_general3A_497 = arith.constant dense<0.000000e+00> : vector<1024x64xf32>
    %dot_general3A_498 = tpu.matmul %get3A_493, %get3A_496, %dot_general3A_497 {dimension_numbers = #tpu.dot_dimension_numbers<[1], [0], [0], [1], [0, 0, 1, 1], [], []>, transpose_lhs_hint = false} : vector<1024x64xf32>, vector<64x64xf32>, vector<1024x64xf32> -> vector<1024x64xf32>
    %add3A_499 = arith.addf %dot_general3A_498, %add3A_11 : vector<1024x64xf32>
    %ge3A_500 = arith.constant 0.000000e+00 : f32
    %ge3A_501 = vector.broadcast %ge3A_500 : f32 to vector<1024x64xf32>
    %ge3A_502 = arith.cmpf oge, %add3A_499, %ge3A_501 : vector<1024x64xf32>
    %mul3A_503 = arith.constant 2.000000e-01 : f32
    %mul3A_504 = vector.broadcast %mul3A_503 : f32 to vector<1024x64xf32>
    %mul3A_505 = arith.mulf %mul3A_504, %add3A_499 : vector<1024x64xf32>
    %select_n3A_506 = arith.select %ge3A_502, %add3A_499, %mul3A_505 : vector<1024x64xi1>, vector<1024x64xf32>
    %get3A_507 = arith.constant 0 : index
    %get3A_508 = arith.constant 0 : index
    %get3A_509 = vector.load %arg7[%get3A_507, %get3A_508] : memref<64x64xf32, #tpu.memory_space<vmem>>, vector<64x64xf32>
    %dot_general3A_510 = arith.constant dense<0.000000e+00> : vector<1024x64xf32>
    %dot_general3A_511 = tpu.matmul %select_n3A_506, %get3A_509, %dot_general3A_510 {dimension_numbers = #tpu.dot_dimension_numbers<[1], [0], [0], [1], [0, 0, 1, 1], [], []>, transpose_lhs_hint = false} : vector<1024x64xf32>, vector<64x64xf32>, vector<1024x64xf32> -> vector<1024x64xf32>
    %get3A_512 = arith.constant 0 : index
    %get3A_513 = arith.constant 0 : index
    %get3A_514 = vector.load %arg8[%get3A_512, %get3A_513] : memref<1x64xf32, #tpu.memory_space<vmem>>, vector<1x64xf32>
    %add3A_515 = vector.broadcast %get3A_514 : vector<1x64xf32> to vector<1024x64xf32>
    %add3A_516 = arith.addf %dot_general3A_511, %add3A_515 : vector<1024x64xf32>
    %ge3A_517 = arith.constant 0.000000e+00 : f32
    %ge3A_518 = vector.broadcast %ge3A_517 : f32 to vector<1024x64xf32>
    %ge3A_519 = arith.cmpf oge, %add3A_516, %ge3A_518 : vector<1024x64xf32>
    %mul3A_520 = arith.constant 2.000000e-01 : f32
    %mul3A_521 = vector.broadcast %mul3A_520 : f32 to vector<1024x64xf32>
    %mul3A_522 = arith.mulf %mul3A_521, %add3A_516 : vector<1024x64xf32>
    %select_n3A_523 = arith.select %ge3A_519, %add3A_516, %mul3A_522 : vector<1024x64xi1>, vector<1024x64xf32>
    %max3A_524 = arith.maximumf %max3A_487, %select_n3A_523 : vector<1024x64xf32>
    %get3A_525 = arith.constant 0 : index
    %get3A_526 = arith.constant 14 : index
    %get3A_527 = arith.constant 0 : index
    %get3A_528 = arith.constant 0 : index
    %get3A_529 = vector.load %arg2[%get3A_525, %get3A_526, %get3A_527, %get3A_528] : memref<1x20x1024x64xf32, #tpu.memory_space<vmem>>, vector<1x1x1024x64xf32>
    %get3A_530 = vector.shape_cast %get3A_529 : vector<1x1x1024x64xf32> to vector<1024x64xf32>
    %get3A_531 = arith.constant 0 : index
    %get3A_532 = arith.constant 0 : index
    %get3A_533 = vector.load %arg4[%get3A_531, %get3A_532] : memref<64x64xf32, #tpu.memory_space<vmem>>, vector<64x64xf32>
    %dot_general3A_534 = arith.constant dense<0.000000e+00> : vector<1024x64xf32>
    %dot_general3A_535 = tpu.matmul %get3A_530, %get3A_533, %dot_general3A_534 {dimension_numbers = #tpu.dot_dimension_numbers<[1], [0], [0], [1], [0, 0, 1, 1], [], []>, transpose_lhs_hint = false} : vector<1024x64xf32>, vector<64x64xf32>, vector<1024x64xf32> -> vector<1024x64xf32>
    %add3A_536 = arith.addf %dot_general3A_535, %add3A_11 : vector<1024x64xf32>
    %ge3A_537 = arith.constant 0.000000e+00 : f32
    %ge3A_538 = vector.broadcast %ge3A_537 : f32 to vector<1024x64xf32>
    %ge3A_539 = arith.cmpf oge, %add3A_536, %ge3A_538 : vector<1024x64xf32>
    %mul3A_540 = arith.constant 2.000000e-01 : f32
    %mul3A_541 = vector.broadcast %mul3A_540 : f32 to vector<1024x64xf32>
    %mul3A_542 = arith.mulf %mul3A_541, %add3A_536 : vector<1024x64xf32>
    %select_n3A_543 = arith.select %ge3A_539, %add3A_536, %mul3A_542 : vector<1024x64xi1>, vector<1024x64xf32>
    %get3A_544 = arith.constant 0 : index
    %get3A_545 = arith.constant 0 : index
    %get3A_546 = vector.load %arg7[%get3A_544, %get3A_545] : memref<64x64xf32, #tpu.memory_space<vmem>>, vector<64x64xf32>
    %dot_general3A_547 = arith.constant dense<0.000000e+00> : vector<1024x64xf32>
    %dot_general3A_548 = tpu.matmul %select_n3A_543, %get3A_546, %dot_general3A_547 {dimension_numbers = #tpu.dot_dimension_numbers<[1], [0], [0], [1], [0, 0, 1, 1], [], []>, transpose_lhs_hint = false} : vector<1024x64xf32>, vector<64x64xf32>, vector<1024x64xf32> -> vector<1024x64xf32>
    %get3A_549 = arith.constant 0 : index
    %get3A_550 = arith.constant 0 : index
    %get3A_551 = vector.load %arg8[%get3A_549, %get3A_550] : memref<1x64xf32, #tpu.memory_space<vmem>>, vector<1x64xf32>
    %add3A_552 = vector.broadcast %get3A_551 : vector<1x64xf32> to vector<1024x64xf32>
    %add3A_553 = arith.addf %dot_general3A_548, %add3A_552 : vector<1024x64xf32>
    %ge3A_554 = arith.constant 0.000000e+00 : f32
    %ge3A_555 = vector.broadcast %ge3A_554 : f32 to vector<1024x64xf32>
    %ge3A_556 = arith.cmpf oge, %add3A_553, %ge3A_555 : vector<1024x64xf32>
    %mul3A_557 = arith.constant 2.000000e-01 : f32
    %mul3A_558 = vector.broadcast %mul3A_557 : f32 to vector<1024x64xf32>
    %mul3A_559 = arith.mulf %mul3A_558, %add3A_553 : vector<1024x64xf32>
    %select_n3A_560 = arith.select %ge3A_556, %add3A_553, %mul3A_559 : vector<1024x64xi1>, vector<1024x64xf32>
    %max3A_561 = arith.maximumf %max3A_524, %select_n3A_560 : vector<1024x64xf32>
    %get3A_562 = arith.constant 0 : index
    %get3A_563 = arith.constant 15 : index
    %get3A_564 = arith.constant 0 : index
    %get3A_565 = arith.constant 0 : index
    %get3A_566 = vector.load %arg2[%get3A_562, %get3A_563, %get3A_564, %get3A_565] : memref<1x20x1024x64xf32, #tpu.memory_space<vmem>>, vector<1x1x1024x64xf32>
    %get3A_567 = vector.shape_cast %get3A_566 : vector<1x1x1024x64xf32> to vector<1024x64xf32>
    %get3A_568 = arith.constant 0 : index
    %get3A_569 = arith.constant 0 : index
    %get3A_570 = vector.load %arg4[%get3A_568, %get3A_569] : memref<64x64xf32, #tpu.memory_space<vmem>>, vector<64x64xf32>
    %dot_general3A_571 = arith.constant dense<0.000000e+00> : vector<1024x64xf32>
    %dot_general3A_572 = tpu.matmul %get3A_567, %get3A_570, %dot_general3A_571 {dimension_numbers = #tpu.dot_dimension_numbers<[1], [0], [0], [1], [0, 0, 1, 1], [], []>, transpose_lhs_hint = false} : vector<1024x64xf32>, vector<64x64xf32>, vector<1024x64xf32> -> vector<1024x64xf32>
    %add3A_573 = arith.addf %dot_general3A_572, %add3A_11 : vector<1024x64xf32>
    %ge3A_574 = arith.constant 0.000000e+00 : f32
    %ge3A_575 = vector.broadcast %ge3A_574 : f32 to vector<1024x64xf32>
    %ge3A_576 = arith.cmpf oge, %add3A_573, %ge3A_575 : vector<1024x64xf32>
    %mul3A_577 = arith.constant 2.000000e-01 : f32
    %mul3A_578 = vector.broadcast %mul3A_577 : f32 to vector<1024x64xf32>
    %mul3A_579 = arith.mulf %mul3A_578, %add3A_573 : vector<1024x64xf32>
    %select_n3A_580 = arith.select %ge3A_576, %add3A_573, %mul3A_579 : vector<1024x64xi1>, vector<1024x64xf32>
    %get3A_581 = arith.constant 0 : index
    %get3A_582 = arith.constant 0 : index
    %get3A_583 = vector.load %arg7[%get3A_581, %get3A_582] : memref<64x64xf32, #tpu.memory_space<vmem>>, vector<64x64xf32>
    %dot_general3A_584 = arith.constant dense<0.000000e+00> : vector<1024x64xf32>
    %dot_general3A_585 = tpu.matmul %select_n3A_580, %get3A_583, %dot_general3A_584 {dimension_numbers = #tpu.dot_dimension_numbers<[1], [0], [0], [1], [0, 0, 1, 1], [], []>, transpose_lhs_hint = false} : vector<1024x64xf32>, vector<64x64xf32>, vector<1024x64xf32> -> vector<1024x64xf32>
    %get3A_586 = arith.constant 0 : index
    %get3A_587 = arith.constant 0 : index
    %get3A_588 = vector.load %arg8[%get3A_586, %get3A_587] : memref<1x64xf32, #tpu.memory_space<vmem>>, vector<1x64xf32>
    %add3A_589 = vector.broadcast %get3A_588 : vector<1x64xf32> to vector<1024x64xf32>
    %add3A_590 = arith.addf %dot_general3A_585, %add3A_589 : vector<1024x64xf32>
    %ge3A_591 = arith.constant 0.000000e+00 : f32
    %ge3A_592 = vector.broadcast %ge3A_591 : f32 to vector<1024x64xf32>
    %ge3A_593 = arith.cmpf oge, %add3A_590, %ge3A_592 : vector<1024x64xf32>
    %mul3A_594 = arith.constant 2.000000e-01 : f32
    %mul3A_595 = vector.broadcast %mul3A_594 : f32 to vector<1024x64xf32>
    %mul3A_596 = arith.mulf %mul3A_595, %add3A_590 : vector<1024x64xf32>
    %select_n3A_597 = arith.select %ge3A_593, %add3A_590, %mul3A_596 : vector<1024x64xi1>, vector<1024x64xf32>
    %max3A_598 = arith.maximumf %max3A_561, %select_n3A_597 : vector<1024x64xf32>
    %get3A_599 = arith.constant 0 : index
    %get3A_600 = arith.constant 16 : index
    %get3A_601 = arith.constant 0 : index
    %get3A_602 = arith.constant 0 : index
    %get3A_603 = vector.load %arg2[%get3A_599, %get3A_600, %get3A_601, %get3A_602] : memref<1x20x1024x64xf32, #tpu.memory_space<vmem>>, vector<1x1x1024x64xf32>
    %get3A_604 = vector.shape_cast %get3A_603 : vector<1x1x1024x64xf32> to vector<1024x64xf32>
    %get3A_605 = arith.constant 0 : index
    %get3A_606 = arith.constant 0 : index
    %get3A_607 = vector.load %arg4[%get3A_605, %get3A_606] : memref<64x64xf32, #tpu.memory_space<vmem>>, vector<64x64xf32>
    %dot_general3A_608 = arith.constant dense<0.000000e+00> : vector<1024x64xf32>
    %dot_general3A_609 = tpu.matmul %get3A_604, %get3A_607, %dot_general3A_608 {dimension_numbers = #tpu.dot_dimension_numbers<[1], [0], [0], [1], [0, 0, 1, 1], [], []>, transpose_lhs_hint = false} : vector<1024x64xf32>, vector<64x64xf32>, vector<1024x64xf32> -> vector<1024x64xf32>
    %add3A_610 = arith.addf %dot_general3A_609, %add3A_11 : vector<1024x64xf32>
    %ge3A_611 = arith.constant 0.000000e+00 : f32
    %ge3A_612 = vector.broadcast %ge3A_611 : f32 to vector<1024x64xf32>
    %ge3A_613 = arith.cmpf oge, %add3A_610, %ge3A_612 : vector<1024x64xf32>
    %mul3A_614 = arith.constant 2.000000e-01 : f32
    %mul3A_615 = vector.broadcast %mul3A_614 : f32 to vector<1024x64xf32>
    %mul3A_616 = arith.mulf %mul3A_615, %add3A_610 : vector<1024x64xf32>
    %select_n3A_617 = arith.select %ge3A_613, %add3A_610, %mul3A_616 : vector<1024x64xi1>, vector<1024x64xf32>
    %get3A_618 = arith.constant 0 : index
    %get3A_619 = arith.constant 0 : index
    %get3A_620 = vector.load %arg7[%get3A_618, %get3A_619] : memref<64x64xf32, #tpu.memory_space<vmem>>, vector<64x64xf32>
    %dot_general3A_621 = arith.constant dense<0.000000e+00> : vector<1024x64xf32>
    %dot_general3A_622 = tpu.matmul %select_n3A_617, %get3A_620, %dot_general3A_621 {dimension_numbers = #tpu.dot_dimension_numbers<[1], [0], [0], [1], [0, 0, 1, 1], [], []>, transpose_lhs_hint = false} : vector<1024x64xf32>, vector<64x64xf32>, vector<1024x64xf32> -> vector<1024x64xf32>
    %get3A_623 = arith.constant 0 : index
    %get3A_624 = arith.constant 0 : index
    %get3A_625 = vector.load %arg8[%get3A_623, %get3A_624] : memref<1x64xf32, #tpu.memory_space<vmem>>, vector<1x64xf32>
    %add3A_626 = vector.broadcast %get3A_625 : vector<1x64xf32> to vector<1024x64xf32>
    %add3A_627 = arith.addf %dot_general3A_622, %add3A_626 : vector<1024x64xf32>
    %ge3A_628 = arith.constant 0.000000e+00 : f32
    %ge3A_629 = vector.broadcast %ge3A_628 : f32 to vector<1024x64xf32>
    %ge3A_630 = arith.cmpf oge, %add3A_627, %ge3A_629 : vector<1024x64xf32>
    %mul3A_631 = arith.constant 2.000000e-01 : f32
    %mul3A_632 = vector.broadcast %mul3A_631 : f32 to vector<1024x64xf32>
    %mul3A_633 = arith.mulf %mul3A_632, %add3A_627 : vector<1024x64xf32>
    %select_n3A_634 = arith.select %ge3A_630, %add3A_627, %mul3A_633 : vector<1024x64xi1>, vector<1024x64xf32>
    %max3A_635 = arith.maximumf %max3A_598, %select_n3A_634 : vector<1024x64xf32>
    %get3A_636 = arith.constant 0 : index
    %get3A_637 = arith.constant 17 : index
    %get3A_638 = arith.constant 0 : index
    %get3A_639 = arith.constant 0 : index
    %get3A_640 = vector.load %arg2[%get3A_636, %get3A_637, %get3A_638, %get3A_639] : memref<1x20x1024x64xf32, #tpu.memory_space<vmem>>, vector<1x1x1024x64xf32>
    %get3A_641 = vector.shape_cast %get3A_640 : vector<1x1x1024x64xf32> to vector<1024x64xf32>
    %get3A_642 = arith.constant 0 : index
    %get3A_643 = arith.constant 0 : index
    %get3A_644 = vector.load %arg4[%get3A_642, %get3A_643] : memref<64x64xf32, #tpu.memory_space<vmem>>, vector<64x64xf32>
    %dot_general3A_645 = arith.constant dense<0.000000e+00> : vector<1024x64xf32>
    %dot_general3A_646 = tpu.matmul %get3A_641, %get3A_644, %dot_general3A_645 {dimension_numbers = #tpu.dot_dimension_numbers<[1], [0], [0], [1], [0, 0, 1, 1], [], []>, transpose_lhs_hint = false} : vector<1024x64xf32>, vector<64x64xf32>, vector<1024x64xf32> -> vector<1024x64xf32>
    %add3A_647 = arith.addf %dot_general3A_646, %add3A_11 : vector<1024x64xf32>
    %ge3A_648 = arith.constant 0.000000e+00 : f32
    %ge3A_649 = vector.broadcast %ge3A_648 : f32 to vector<1024x64xf32>
    %ge3A_650 = arith.cmpf oge, %add3A_647, %ge3A_649 : vector<1024x64xf32>
    %mul3A_651 = arith.constant 2.000000e-01 : f32
    %mul3A_652 = vector.broadcast %mul3A_651 : f32 to vector<1024x64xf32>
    %mul3A_653 = arith.mulf %mul3A_652, %add3A_647 : vector<1024x64xf32>
    %select_n3A_654 = arith.select %ge3A_650, %add3A_647, %mul3A_653 : vector<1024x64xi1>, vector<1024x64xf32>
    %get3A_655 = arith.constant 0 : index
    %get3A_656 = arith.constant 0 : index
    %get3A_657 = vector.load %arg7[%get3A_655, %get3A_656] : memref<64x64xf32, #tpu.memory_space<vmem>>, vector<64x64xf32>
    %dot_general3A_658 = arith.constant dense<0.000000e+00> : vector<1024x64xf32>
    %dot_general3A_659 = tpu.matmul %select_n3A_654, %get3A_657, %dot_general3A_658 {dimension_numbers = #tpu.dot_dimension_numbers<[1], [0], [0], [1], [0, 0, 1, 1], [], []>, transpose_lhs_hint = false} : vector<1024x64xf32>, vector<64x64xf32>, vector<1024x64xf32> -> vector<1024x64xf32>
    %get3A_660 = arith.constant 0 : index
    %get3A_661 = arith.constant 0 : index
    %get3A_662 = vector.load %arg8[%get3A_660, %get3A_661] : memref<1x64xf32, #tpu.memory_space<vmem>>, vector<1x64xf32>
    %add3A_663 = vector.broadcast %get3A_662 : vector<1x64xf32> to vector<1024x64xf32>
    %add3A_664 = arith.addf %dot_general3A_659, %add3A_663 : vector<1024x64xf32>
    %ge3A_665 = arith.constant 0.000000e+00 : f32
    %ge3A_666 = vector.broadcast %ge3A_665 : f32 to vector<1024x64xf32>
    %ge3A_667 = arith.cmpf oge, %add3A_664, %ge3A_666 : vector<1024x64xf32>
    %mul3A_668 = arith.constant 2.000000e-01 : f32
    %mul3A_669 = vector.broadcast %mul3A_668 : f32 to vector<1024x64xf32>
    %mul3A_670 = arith.mulf %mul3A_669, %add3A_664 : vector<1024x64xf32>
    %select_n3A_671 = arith.select %ge3A_667, %add3A_664, %mul3A_670 : vector<1024x64xi1>, vector<1024x64xf32>
    %max3A_672 = arith.maximumf %max3A_635, %select_n3A_671 : vector<1024x64xf32>
    %get3A_673 = arith.constant 0 : index
    %get3A_674 = arith.constant 18 : index
    %get3A_675 = arith.constant 0 : index
    %get3A_676 = arith.constant 0 : index
    %get3A_677 = vector.load %arg2[%get3A_673, %get3A_674, %get3A_675, %get3A_676] : memref<1x20x1024x64xf32, #tpu.memory_space<vmem>>, vector<1x1x1024x64xf32>
    %get3A_678 = vector.shape_cast %get3A_677 : vector<1x1x1024x64xf32> to vector<1024x64xf32>
    %get3A_679 = arith.constant 0 : index
    %get3A_680 = arith.constant 0 : index
    %get3A_681 = vector.load %arg4[%get3A_679, %get3A_680] : memref<64x64xf32, #tpu.memory_space<vmem>>, vector<64x64xf32>
    %dot_general3A_682 = arith.constant dense<0.000000e+00> : vector<1024x64xf32>
    %dot_general3A_683 = tpu.matmul %get3A_678, %get3A_681, %dot_general3A_682 {dimension_numbers = #tpu.dot_dimension_numbers<[1], [0], [0], [1], [0, 0, 1, 1], [], []>, transpose_lhs_hint = false} : vector<1024x64xf32>, vector<64x64xf32>, vector<1024x64xf32> -> vector<1024x64xf32>
    %add3A_684 = arith.addf %dot_general3A_683, %add3A_11 : vector<1024x64xf32>
    %ge3A_685 = arith.constant 0.000000e+00 : f32
    %ge3A_686 = vector.broadcast %ge3A_685 : f32 to vector<1024x64xf32>
    %ge3A_687 = arith.cmpf oge, %add3A_684, %ge3A_686 : vector<1024x64xf32>
    %mul3A_688 = arith.constant 2.000000e-01 : f32
    %mul3A_689 = vector.broadcast %mul3A_688 : f32 to vector<1024x64xf32>
    %mul3A_690 = arith.mulf %mul3A_689, %add3A_684 : vector<1024x64xf32>
    %select_n3A_691 = arith.select %ge3A_687, %add3A_684, %mul3A_690 : vector<1024x64xi1>, vector<1024x64xf32>
    %get3A_692 = arith.constant 0 : index
    %get3A_693 = arith.constant 0 : index
    %get3A_694 = vector.load %arg7[%get3A_692, %get3A_693] : memref<64x64xf32, #tpu.memory_space<vmem>>, vector<64x64xf32>
    %dot_general3A_695 = arith.constant dense<0.000000e+00> : vector<1024x64xf32>
    %dot_general3A_696 = tpu.matmul %select_n3A_691, %get3A_694, %dot_general3A_695 {dimension_numbers = #tpu.dot_dimension_numbers<[1], [0], [0], [1], [0, 0, 1, 1], [], []>, transpose_lhs_hint = false} : vector<1024x64xf32>, vector<64x64xf32>, vector<1024x64xf32> -> vector<1024x64xf32>
    %get3A_697 = arith.constant 0 : index
    %get3A_698 = arith.constant 0 : index
    %get3A_699 = vector.load %arg8[%get3A_697, %get3A_698] : memref<1x64xf32, #tpu.memory_space<vmem>>, vector<1x64xf32>
    %add3A_700 = vector.broadcast %get3A_699 : vector<1x64xf32> to vector<1024x64xf32>
    %add3A_701 = arith.addf %dot_general3A_696, %add3A_700 : vector<1024x64xf32>
    %ge3A_702 = arith.constant 0.000000e+00 : f32
    %ge3A_703 = vector.broadcast %ge3A_702 : f32 to vector<1024x64xf32>
    %ge3A_704 = arith.cmpf oge, %add3A_701, %ge3A_703 : vector<1024x64xf32>
    %mul3A_705 = arith.constant 2.000000e-01 : f32
    %mul3A_706 = vector.broadcast %mul3A_705 : f32 to vector<1024x64xf32>
    %mul3A_707 = arith.mulf %mul3A_706, %add3A_701 : vector<1024x64xf32>
    %select_n3A_708 = arith.select %ge3A_704, %add3A_701, %mul3A_707 : vector<1024x64xi1>, vector<1024x64xf32>
    %max3A_709 = arith.maximumf %max3A_672, %select_n3A_708 : vector<1024x64xf32>
    %get3A_710 = arith.constant 0 : index
    %get3A_711 = arith.constant 19 : index
    %get3A_712 = arith.constant 0 : index
    %get3A_713 = arith.constant 0 : index
    %get3A_714 = vector.load %arg2[%get3A_710, %get3A_711, %get3A_712, %get3A_713] : memref<1x20x1024x64xf32, #tpu.memory_space<vmem>>, vector<1x1x1024x64xf32>
    %get3A_715 = vector.shape_cast %get3A_714 : vector<1x1x1024x64xf32> to vector<1024x64xf32>
    %get3A_716 = arith.constant 0 : index
    %get3A_717 = arith.constant 0 : index
    %get3A_718 = vector.load %arg4[%get3A_716, %get3A_717] : memref<64x64xf32, #tpu.memory_space<vmem>>, vector<64x64xf32>
    %dot_general3A_719 = arith.constant dense<0.000000e+00> : vector<1024x64xf32>
    %dot_general3A_720 = tpu.matmul %get3A_715, %get3A_718, %dot_general3A_719 {dimension_numbers = #tpu.dot_dimension_numbers<[1], [0], [0], [1], [0, 0, 1, 1], [], []>, transpose_lhs_hint = false} : vector<1024x64xf32>, vector<64x64xf32>, vector<1024x64xf32> -> vector<1024x64xf32>
    %add3A_721 = arith.addf %dot_general3A_720, %add3A_11 : vector<1024x64xf32>
    %ge3A_722 = arith.constant 0.000000e+00 : f32
    %ge3A_723 = vector.broadcast %ge3A_722 : f32 to vector<1024x64xf32>
    %ge3A_724 = arith.cmpf oge, %add3A_721, %ge3A_723 : vector<1024x64xf32>
    %mul3A_725 = arith.constant 2.000000e-01 : f32
    %mul3A_726 = vector.broadcast %mul3A_725 : f32 to vector<1024x64xf32>
    %mul3A_727 = arith.mulf %mul3A_726, %add3A_721 : vector<1024x64xf32>
    %select_n3A_728 = arith.select %ge3A_724, %add3A_721, %mul3A_727 : vector<1024x64xi1>, vector<1024x64xf32>
    %get3A_729 = arith.constant 0 : index
    %get3A_730 = arith.constant 0 : index
    %get3A_731 = vector.load %arg7[%get3A_729, %get3A_730] : memref<64x64xf32, #tpu.memory_space<vmem>>, vector<64x64xf32>
    %dot_general3A_732 = arith.constant dense<0.000000e+00> : vector<1024x64xf32>
    %dot_general3A_733 = tpu.matmul %select_n3A_728, %get3A_731, %dot_general3A_732 {dimension_numbers = #tpu.dot_dimension_numbers<[1], [0], [0], [1], [0, 0, 1, 1], [], []>, transpose_lhs_hint = false} : vector<1024x64xf32>, vector<64x64xf32>, vector<1024x64xf32> -> vector<1024x64xf32>
    %get3A_734 = arith.constant 0 : index
    %get3A_735 = arith.constant 0 : index
    %get3A_736 = vector.load %arg8[%get3A_734, %get3A_735] : memref<1x64xf32, #tpu.memory_space<vmem>>, vector<1x64xf32>
    %add3A_737 = vector.broadcast %get3A_736 : vector<1x64xf32> to vector<1024x64xf32>
    %add3A_738 = arith.addf %dot_general3A_733, %add3A_737 : vector<1024x64xf32>
    %ge3A_739 = arith.constant 0.000000e+00 : f32
    %ge3A_740 = vector.broadcast %ge3A_739 : f32 to vector<1024x64xf32>
    %ge3A_741 = arith.cmpf oge, %add3A_738, %ge3A_740 : vector<1024x64xf32>
    %mul3A_742 = arith.constant 2.000000e-01 : f32
    %mul3A_743 = vector.broadcast %mul3A_742 : f32 to vector<1024x64xf32>
    %mul3A_744 = arith.mulf %mul3A_743, %add3A_738 : vector<1024x64xf32>
    %select_n3A_745 = arith.select %ge3A_741, %add3A_738, %mul3A_744 : vector<1024x64xi1>, vector<1024x64xf32>
    %max3A_746 = arith.maximumf %max3A_709, %select_n3A_745 : vector<1024x64xf32>
    %swap3A = arith.constant 0 : index
    %swap3A_747 = arith.constant 0 : index
    %swap3A_748 = arith.constant 0 : index
    %swap3A_749 = vector.load %arg9[%swap3A, %swap3A_747, %swap3A_748] : memref<1x1024x64xf32, #tpu.memory_space<vmem>>, vector<1x1024x64xf32>
    %swap3A_750 = vector.shape_cast %swap3A_749 : vector<1x1024x64xf32> to vector<1024x64xf32>
    %swap3A_751 = vector.shape_cast %max3A_746 : vector<1024x64xf32> to vector<1x1024x64xf32>
    tpu.vector_store %arg9[%swap3A, %swap3A_747, %swap3A_748], %swap3A_751 {strides = array<i32>} : memref<1x1024x64xf32, #tpu.memory_space<vmem>>, vector<1x1024x64xf32>,
    %transpose3A = tpu.transpose %max3A_746, [1, 0] : vector<1024x64xf32> -> vector<64x1024xf32>
    %swap3A_752 = arith.constant 0 : index
    %swap3A_753 = arith.constant 0 : index
    %swap3A_754 = arith.constant 0 : index
    %swap3A_755 = vector.load %arg10[%swap3A_752, %swap3A_753, %swap3A_754] : memref<1x64x1024xf32, #tpu.memory_space<vmem>>, vector<1x64x1024xf32>
    %swap3A_756 = vector.shape_cast %swap3A_755 : vector<1x64x1024xf32> to vector<64x1024xf32>
    %swap3A_757 = vector.shape_cast %transpose3A : vector<64x1024xf32> to vector<1x64x1024xf32>
    tpu.vector_store %arg10[%swap3A_752, %swap3A_753, %swap3A_754], %swap3A_757 {strides = array<i32>} : memref<1x64x1024xf32, #tpu.memory_space<vmem>>, vector<1x64x1024xf32>,
    return
  }
  func.func @transform_0(%arg0: i32, %arg1: i32) -> (i32, i32, i32, i32) {
    %c0_i32 = arith.constant 0 : i32
    %c0_i32_0 = arith.constant 0 : i32
    %c0_i32_1 = arith.constant 0 : i32
    return %arg0, %c0_i32, %arg1, %c0_i32_0 : i32, i32, i32, i32
  }
  func.func @transform_1(%arg0: i32, %arg1: i32) -> (i32, i32, i32) {
    %c0_i32 = arith.constant 0 : i32
    %c0_i32_0 = arith.constant 0 : i32
    return %arg0, %arg1, %c0_i32 : i32, i32, i32
  }
  func.func @transform_2(%arg0: i32, %arg1: i32) -> (i32, i32) {
    %c0_i32 = arith.constant 0 : i32
    %c0_i32_0 = arith.constant 0 : i32
    %c0_i32_1 = arith.constant 0 : i32
    return %c0_i32, %c0_i32_0 : i32, i32
  }
  func.func @transform_3(%arg0: i32, %arg1: i32) -> (i32, i32) {
    %c0_i32 = arith.constant 0 : i32
    %c0_i32_0 = arith.constant 0 : i32
    %c0_i32_1 = arith.constant 0 : i32
    return %c0_i32, %c0_i32_0 : i32, i32
  }
  func.func @transform_4(%arg0: i32, %arg1: i32) -> (i32, i32) {
    %c0_i32 = arith.constant 0 : i32
    %c0_i32_0 = arith.constant 0 : i32
    %c0_i32_1 = arith.constant 0 : i32
    return %c0_i32, %c0_i32_0 : i32, i32
  }
  func.func @transform_5(%arg0: i32, %arg1: i32) -> (i32, i32) {
    %c0_i32 = arith.constant 0 : i32
    %c0_i32_0 = arith.constant 0 : i32
    %c0_i32_1 = arith.constant 0 : i32
    return %c0_i32, %c0_i32_0 : i32, i32
  }
  func.func @transform_6(%arg0: i32, %arg1: i32) -> (i32, i32) {
    %c0_i32 = arith.constant 0 : i32
    %c0_i32_0 = arith.constant 0 : i32
    %c0_i32_1 = arith.constant 0 : i32
    return %c0_i32, %c0_i32_0 : i32, i32
  }
  func.func @transform_7(%arg0: i32, %arg1: i32) -> (i32, i32, i32) {
    %c0_i32 = arith.constant 0 : i32
    %c0_i32_0 = arith.constant 0 : i32
    return %arg0, %arg1, %c0_i32 : i32, i32, i32
  }
  func.func @transform_8(%arg0: i32, %arg1: i32) -> (i32, i32, i32) {
    %c0_i32 = arith.constant 0 : i32
    %c0_i32_0 = arith.constant 0 : i32
    return %arg0, %c0_i32, %arg1 : i32, i32, i32
  }
}

module attributes {stable_mosaic.version = 14 : i64} {
  func.func @_edgeconv_body1(%arg0: i32, %arg1: i32, %arg2: memref<1x20x1024x64xf32, #tpu.memory_space<vmem>>, %arg3: memref<1x1024x64xf32, #tpu.memory_space<vmem>>, %arg4: memref<64x64xf32, #tpu.memory_space<vmem>>, %arg5: memref<64x64xf32, #tpu.memory_space<vmem>>, %arg6: memref<1x64xf32, #tpu.memory_space<vmem>>, %arg7: memref<1x1024x64xf32, #tpu.memory_space<vmem>>) attributes {dimension_semantics = [#tpu.dimension_semantics<arbitrary>, #tpu.dimension_semantics<arbitrary>], iteration_bounds = array<i64: 2, 4>, scalar_prefetch = 0 : i64, scratch_operands = 0 : i64, tpu.core_type = #tpu.core_type<tc>, window_params = [{transform_indices = @transform_0, window_bounds = array<i64: 1, 20, 1024, 64>}, {transform_indices = @transform_1, window_bounds = array<i64: 1, 1024, 64>}, {pipeline_mode = #tpu.pipeline_mode<synchronous>, transform_indices = @transform_2, window_bounds = array<i64: 64, 64>}, {pipeline_mode = #tpu.pipeline_mode<synchronous>, transform_indices = @transform_3, window_bounds = array<i64: 64, 64>}, {pipeline_mode = #tpu.pipeline_mode<synchronous>, transform_indices = @transform_4, window_bounds = array<i64: 1, 64>}, {transform_indices = @transform_5, window_bounds = array<i64: 1, 1024, 64>}]} {
    %get3A = arith.constant 0 : index
    %get3A_0 = arith.constant 0 : index
    %get3A_1 = arith.constant 0 : index
    %get3A_2 = vector.load %arg3[%get3A, %get3A_0, %get3A_1] : memref<1x1024x64xf32, #tpu.memory_space<vmem>>, vector<1x1024x64xf32>
    %get3A_3 = vector.shape_cast %get3A_2 : vector<1x1024x64xf32> to vector<1024x64xf32>
    %get3A_4 = arith.constant 0 : index
    %get3A_5 = arith.constant 0 : index
    %get3A_6 = vector.load %arg5[%get3A_4, %get3A_5] : memref<64x64xf32, #tpu.memory_space<vmem>>, vector<64x64xf32>
    %dot_general3A = arith.constant dense<0.000000e+00> : vector<1024x64xf32>
    %dot_general3A_7 = tpu.matmul %get3A_3, %get3A_6, %dot_general3A {dimension_numbers = #tpu.dot_dimension_numbers<[1], [0], [0], [1], [0, 0, 1, 1], [], []>, transpose_lhs_hint = false} : vector<1024x64xf32>, vector<64x64xf32>, vector<1024x64xf32> -> vector<1024x64xf32>
    %get3A_8 = arith.constant 0 : index
    %get3A_9 = arith.constant 0 : index
    %get3A_10 = vector.load %arg6[%get3A_8, %get3A_9] : memref<1x64xf32, #tpu.memory_space<vmem>>, vector<1x64xf32>
    %add3A = vector.broadcast %get3A_10 : vector<1x64xf32> to vector<1024x64xf32>
    %add3A_11 = arith.addf %dot_general3A_7, %add3A : vector<1024x64xf32>
    %get3A_12 = arith.constant 0 : index
    %get3A_13 = arith.constant 0 : index
    %get3A_14 = arith.constant 0 : index
    %get3A_15 = arith.constant 0 : index
    %get3A_16 = vector.load %arg2[%get3A_12, %get3A_13, %get3A_14, %get3A_15] : memref<1x20x1024x64xf32, #tpu.memory_space<vmem>>, vector<1x1x1024x64xf32>
    %get3A_17 = vector.shape_cast %get3A_16 : vector<1x1x1024x64xf32> to vector<1024x64xf32>
    %get3A_18 = arith.constant 0 : index
    %get3A_19 = arith.constant 0 : index
    %get3A_20 = vector.load %arg4[%get3A_18, %get3A_19] : memref<64x64xf32, #tpu.memory_space<vmem>>, vector<64x64xf32>
    %dot_general3A_21 = arith.constant dense<0.000000e+00> : vector<1024x64xf32>
    %dot_general3A_22 = tpu.matmul %get3A_17, %get3A_20, %dot_general3A_21 {dimension_numbers = #tpu.dot_dimension_numbers<[1], [0], [0], [1], [0, 0, 1, 1], [], []>, transpose_lhs_hint = false} : vector<1024x64xf32>, vector<64x64xf32>, vector<1024x64xf32> -> vector<1024x64xf32>
    %add3A_23 = arith.addf %dot_general3A_22, %add3A_11 : vector<1024x64xf32>
    %ge3A = arith.constant 0.000000e+00 : f32
    %ge3A_24 = vector.broadcast %ge3A : f32 to vector<1024x64xf32>
    %ge3A_25 = arith.cmpf oge, %add3A_23, %ge3A_24 : vector<1024x64xf32>
    %mul3A = arith.constant 2.000000e-01 : f32
    %mul3A_26 = vector.broadcast %mul3A : f32 to vector<1024x64xf32>
    %mul3A_27 = arith.mulf %mul3A_26, %add3A_23 : vector<1024x64xf32>
    %select_n3A = arith.select %ge3A_25, %add3A_23, %mul3A_27 : vector<1024x64xi1>, vector<1024x64xf32>
    %get3A_28 = arith.constant 0 : index
    %get3A_29 = arith.constant 1 : index
    %get3A_30 = arith.constant 0 : index
    %get3A_31 = arith.constant 0 : index
    %get3A_32 = vector.load %arg2[%get3A_28, %get3A_29, %get3A_30, %get3A_31] : memref<1x20x1024x64xf32, #tpu.memory_space<vmem>>, vector<1x1x1024x64xf32>
    %get3A_33 = vector.shape_cast %get3A_32 : vector<1x1x1024x64xf32> to vector<1024x64xf32>
    %get3A_34 = arith.constant 0 : index
    %get3A_35 = arith.constant 0 : index
    %get3A_36 = vector.load %arg4[%get3A_34, %get3A_35] : memref<64x64xf32, #tpu.memory_space<vmem>>, vector<64x64xf32>
    %dot_general3A_37 = arith.constant dense<0.000000e+00> : vector<1024x64xf32>
    %dot_general3A_38 = tpu.matmul %get3A_33, %get3A_36, %dot_general3A_37 {dimension_numbers = #tpu.dot_dimension_numbers<[1], [0], [0], [1], [0, 0, 1, 1], [], []>, transpose_lhs_hint = false} : vector<1024x64xf32>, vector<64x64xf32>, vector<1024x64xf32> -> vector<1024x64xf32>
    %add3A_39 = arith.addf %dot_general3A_38, %add3A_11 : vector<1024x64xf32>
    %ge3A_40 = arith.constant 0.000000e+00 : f32
    %ge3A_41 = vector.broadcast %ge3A_40 : f32 to vector<1024x64xf32>
    %ge3A_42 = arith.cmpf oge, %add3A_39, %ge3A_41 : vector<1024x64xf32>
    %mul3A_43 = arith.constant 2.000000e-01 : f32
    %mul3A_44 = vector.broadcast %mul3A_43 : f32 to vector<1024x64xf32>
    %mul3A_45 = arith.mulf %mul3A_44, %add3A_39 : vector<1024x64xf32>
    %select_n3A_46 = arith.select %ge3A_42, %add3A_39, %mul3A_45 : vector<1024x64xi1>, vector<1024x64xf32>
    %max3A = arith.maximumf %select_n3A, %select_n3A_46 : vector<1024x64xf32>
    %get3A_47 = arith.constant 0 : index
    %get3A_48 = arith.constant 2 : index
    %get3A_49 = arith.constant 0 : index
    %get3A_50 = arith.constant 0 : index
    %get3A_51 = vector.load %arg2[%get3A_47, %get3A_48, %get3A_49, %get3A_50] : memref<1x20x1024x64xf32, #tpu.memory_space<vmem>>, vector<1x1x1024x64xf32>
    %get3A_52 = vector.shape_cast %get3A_51 : vector<1x1x1024x64xf32> to vector<1024x64xf32>
    %get3A_53 = arith.constant 0 : index
    %get3A_54 = arith.constant 0 : index
    %get3A_55 = vector.load %arg4[%get3A_53, %get3A_54] : memref<64x64xf32, #tpu.memory_space<vmem>>, vector<64x64xf32>
    %dot_general3A_56 = arith.constant dense<0.000000e+00> : vector<1024x64xf32>
    %dot_general3A_57 = tpu.matmul %get3A_52, %get3A_55, %dot_general3A_56 {dimension_numbers = #tpu.dot_dimension_numbers<[1], [0], [0], [1], [0, 0, 1, 1], [], []>, transpose_lhs_hint = false} : vector<1024x64xf32>, vector<64x64xf32>, vector<1024x64xf32> -> vector<1024x64xf32>
    %add3A_58 = arith.addf %dot_general3A_57, %add3A_11 : vector<1024x64xf32>
    %ge3A_59 = arith.constant 0.000000e+00 : f32
    %ge3A_60 = vector.broadcast %ge3A_59 : f32 to vector<1024x64xf32>
    %ge3A_61 = arith.cmpf oge, %add3A_58, %ge3A_60 : vector<1024x64xf32>
    %mul3A_62 = arith.constant 2.000000e-01 : f32
    %mul3A_63 = vector.broadcast %mul3A_62 : f32 to vector<1024x64xf32>
    %mul3A_64 = arith.mulf %mul3A_63, %add3A_58 : vector<1024x64xf32>
    %select_n3A_65 = arith.select %ge3A_61, %add3A_58, %mul3A_64 : vector<1024x64xi1>, vector<1024x64xf32>
    %max3A_66 = arith.maximumf %max3A, %select_n3A_65 : vector<1024x64xf32>
    %get3A_67 = arith.constant 0 : index
    %get3A_68 = arith.constant 3 : index
    %get3A_69 = arith.constant 0 : index
    %get3A_70 = arith.constant 0 : index
    %get3A_71 = vector.load %arg2[%get3A_67, %get3A_68, %get3A_69, %get3A_70] : memref<1x20x1024x64xf32, #tpu.memory_space<vmem>>, vector<1x1x1024x64xf32>
    %get3A_72 = vector.shape_cast %get3A_71 : vector<1x1x1024x64xf32> to vector<1024x64xf32>
    %get3A_73 = arith.constant 0 : index
    %get3A_74 = arith.constant 0 : index
    %get3A_75 = vector.load %arg4[%get3A_73, %get3A_74] : memref<64x64xf32, #tpu.memory_space<vmem>>, vector<64x64xf32>
    %dot_general3A_76 = arith.constant dense<0.000000e+00> : vector<1024x64xf32>
    %dot_general3A_77 = tpu.matmul %get3A_72, %get3A_75, %dot_general3A_76 {dimension_numbers = #tpu.dot_dimension_numbers<[1], [0], [0], [1], [0, 0, 1, 1], [], []>, transpose_lhs_hint = false} : vector<1024x64xf32>, vector<64x64xf32>, vector<1024x64xf32> -> vector<1024x64xf32>
    %add3A_78 = arith.addf %dot_general3A_77, %add3A_11 : vector<1024x64xf32>
    %ge3A_79 = arith.constant 0.000000e+00 : f32
    %ge3A_80 = vector.broadcast %ge3A_79 : f32 to vector<1024x64xf32>
    %ge3A_81 = arith.cmpf oge, %add3A_78, %ge3A_80 : vector<1024x64xf32>
    %mul3A_82 = arith.constant 2.000000e-01 : f32
    %mul3A_83 = vector.broadcast %mul3A_82 : f32 to vector<1024x64xf32>
    %mul3A_84 = arith.mulf %mul3A_83, %add3A_78 : vector<1024x64xf32>
    %select_n3A_85 = arith.select %ge3A_81, %add3A_78, %mul3A_84 : vector<1024x64xi1>, vector<1024x64xf32>
    %max3A_86 = arith.maximumf %max3A_66, %select_n3A_85 : vector<1024x64xf32>
    %get3A_87 = arith.constant 0 : index
    %get3A_88 = arith.constant 4 : index
    %get3A_89 = arith.constant 0 : index
    %get3A_90 = arith.constant 0 : index
    %get3A_91 = vector.load %arg2[%get3A_87, %get3A_88, %get3A_89, %get3A_90] : memref<1x20x1024x64xf32, #tpu.memory_space<vmem>>, vector<1x1x1024x64xf32>
    %get3A_92 = vector.shape_cast %get3A_91 : vector<1x1x1024x64xf32> to vector<1024x64xf32>
    %get3A_93 = arith.constant 0 : index
    %get3A_94 = arith.constant 0 : index
    %get3A_95 = vector.load %arg4[%get3A_93, %get3A_94] : memref<64x64xf32, #tpu.memory_space<vmem>>, vector<64x64xf32>
    %dot_general3A_96 = arith.constant dense<0.000000e+00> : vector<1024x64xf32>
    %dot_general3A_97 = tpu.matmul %get3A_92, %get3A_95, %dot_general3A_96 {dimension_numbers = #tpu.dot_dimension_numbers<[1], [0], [0], [1], [0, 0, 1, 1], [], []>, transpose_lhs_hint = false} : vector<1024x64xf32>, vector<64x64xf32>, vector<1024x64xf32> -> vector<1024x64xf32>
    %add3A_98 = arith.addf %dot_general3A_97, %add3A_11 : vector<1024x64xf32>
    %ge3A_99 = arith.constant 0.000000e+00 : f32
    %ge3A_100 = vector.broadcast %ge3A_99 : f32 to vector<1024x64xf32>
    %ge3A_101 = arith.cmpf oge, %add3A_98, %ge3A_100 : vector<1024x64xf32>
    %mul3A_102 = arith.constant 2.000000e-01 : f32
    %mul3A_103 = vector.broadcast %mul3A_102 : f32 to vector<1024x64xf32>
    %mul3A_104 = arith.mulf %mul3A_103, %add3A_98 : vector<1024x64xf32>
    %select_n3A_105 = arith.select %ge3A_101, %add3A_98, %mul3A_104 : vector<1024x64xi1>, vector<1024x64xf32>
    %max3A_106 = arith.maximumf %max3A_86, %select_n3A_105 : vector<1024x64xf32>
    %get3A_107 = arith.constant 0 : index
    %get3A_108 = arith.constant 5 : index
    %get3A_109 = arith.constant 0 : index
    %get3A_110 = arith.constant 0 : index
    %get3A_111 = vector.load %arg2[%get3A_107, %get3A_108, %get3A_109, %get3A_110] : memref<1x20x1024x64xf32, #tpu.memory_space<vmem>>, vector<1x1x1024x64xf32>
    %get3A_112 = vector.shape_cast %get3A_111 : vector<1x1x1024x64xf32> to vector<1024x64xf32>
    %get3A_113 = arith.constant 0 : index
    %get3A_114 = arith.constant 0 : index
    %get3A_115 = vector.load %arg4[%get3A_113, %get3A_114] : memref<64x64xf32, #tpu.memory_space<vmem>>, vector<64x64xf32>
    %dot_general3A_116 = arith.constant dense<0.000000e+00> : vector<1024x64xf32>
    %dot_general3A_117 = tpu.matmul %get3A_112, %get3A_115, %dot_general3A_116 {dimension_numbers = #tpu.dot_dimension_numbers<[1], [0], [0], [1], [0, 0, 1, 1], [], []>, transpose_lhs_hint = false} : vector<1024x64xf32>, vector<64x64xf32>, vector<1024x64xf32> -> vector<1024x64xf32>
    %add3A_118 = arith.addf %dot_general3A_117, %add3A_11 : vector<1024x64xf32>
    %ge3A_119 = arith.constant 0.000000e+00 : f32
    %ge3A_120 = vector.broadcast %ge3A_119 : f32 to vector<1024x64xf32>
    %ge3A_121 = arith.cmpf oge, %add3A_118, %ge3A_120 : vector<1024x64xf32>
    %mul3A_122 = arith.constant 2.000000e-01 : f32
    %mul3A_123 = vector.broadcast %mul3A_122 : f32 to vector<1024x64xf32>
    %mul3A_124 = arith.mulf %mul3A_123, %add3A_118 : vector<1024x64xf32>
    %select_n3A_125 = arith.select %ge3A_121, %add3A_118, %mul3A_124 : vector<1024x64xi1>, vector<1024x64xf32>
    %max3A_126 = arith.maximumf %max3A_106, %select_n3A_125 : vector<1024x64xf32>
    %get3A_127 = arith.constant 0 : index
    %get3A_128 = arith.constant 6 : index
    %get3A_129 = arith.constant 0 : index
    %get3A_130 = arith.constant 0 : index
    %get3A_131 = vector.load %arg2[%get3A_127, %get3A_128, %get3A_129, %get3A_130] : memref<1x20x1024x64xf32, #tpu.memory_space<vmem>>, vector<1x1x1024x64xf32>
    %get3A_132 = vector.shape_cast %get3A_131 : vector<1x1x1024x64xf32> to vector<1024x64xf32>
    %get3A_133 = arith.constant 0 : index
    %get3A_134 = arith.constant 0 : index
    %get3A_135 = vector.load %arg4[%get3A_133, %get3A_134] : memref<64x64xf32, #tpu.memory_space<vmem>>, vector<64x64xf32>
    %dot_general3A_136 = arith.constant dense<0.000000e+00> : vector<1024x64xf32>
    %dot_general3A_137 = tpu.matmul %get3A_132, %get3A_135, %dot_general3A_136 {dimension_numbers = #tpu.dot_dimension_numbers<[1], [0], [0], [1], [0, 0, 1, 1], [], []>, transpose_lhs_hint = false} : vector<1024x64xf32>, vector<64x64xf32>, vector<1024x64xf32> -> vector<1024x64xf32>
    %add3A_138 = arith.addf %dot_general3A_137, %add3A_11 : vector<1024x64xf32>
    %ge3A_139 = arith.constant 0.000000e+00 : f32
    %ge3A_140 = vector.broadcast %ge3A_139 : f32 to vector<1024x64xf32>
    %ge3A_141 = arith.cmpf oge, %add3A_138, %ge3A_140 : vector<1024x64xf32>
    %mul3A_142 = arith.constant 2.000000e-01 : f32
    %mul3A_143 = vector.broadcast %mul3A_142 : f32 to vector<1024x64xf32>
    %mul3A_144 = arith.mulf %mul3A_143, %add3A_138 : vector<1024x64xf32>
    %select_n3A_145 = arith.select %ge3A_141, %add3A_138, %mul3A_144 : vector<1024x64xi1>, vector<1024x64xf32>
    %max3A_146 = arith.maximumf %max3A_126, %select_n3A_145 : vector<1024x64xf32>
    %get3A_147 = arith.constant 0 : index
    %get3A_148 = arith.constant 7 : index
    %get3A_149 = arith.constant 0 : index
    %get3A_150 = arith.constant 0 : index
    %get3A_151 = vector.load %arg2[%get3A_147, %get3A_148, %get3A_149, %get3A_150] : memref<1x20x1024x64xf32, #tpu.memory_space<vmem>>, vector<1x1x1024x64xf32>
    %get3A_152 = vector.shape_cast %get3A_151 : vector<1x1x1024x64xf32> to vector<1024x64xf32>
    %get3A_153 = arith.constant 0 : index
    %get3A_154 = arith.constant 0 : index
    %get3A_155 = vector.load %arg4[%get3A_153, %get3A_154] : memref<64x64xf32, #tpu.memory_space<vmem>>, vector<64x64xf32>
    %dot_general3A_156 = arith.constant dense<0.000000e+00> : vector<1024x64xf32>
    %dot_general3A_157 = tpu.matmul %get3A_152, %get3A_155, %dot_general3A_156 {dimension_numbers = #tpu.dot_dimension_numbers<[1], [0], [0], [1], [0, 0, 1, 1], [], []>, transpose_lhs_hint = false} : vector<1024x64xf32>, vector<64x64xf32>, vector<1024x64xf32> -> vector<1024x64xf32>
    %add3A_158 = arith.addf %dot_general3A_157, %add3A_11 : vector<1024x64xf32>
    %ge3A_159 = arith.constant 0.000000e+00 : f32
    %ge3A_160 = vector.broadcast %ge3A_159 : f32 to vector<1024x64xf32>
    %ge3A_161 = arith.cmpf oge, %add3A_158, %ge3A_160 : vector<1024x64xf32>
    %mul3A_162 = arith.constant 2.000000e-01 : f32
    %mul3A_163 = vector.broadcast %mul3A_162 : f32 to vector<1024x64xf32>
    %mul3A_164 = arith.mulf %mul3A_163, %add3A_158 : vector<1024x64xf32>
    %select_n3A_165 = arith.select %ge3A_161, %add3A_158, %mul3A_164 : vector<1024x64xi1>, vector<1024x64xf32>
    %max3A_166 = arith.maximumf %max3A_146, %select_n3A_165 : vector<1024x64xf32>
    %get3A_167 = arith.constant 0 : index
    %get3A_168 = arith.constant 8 : index
    %get3A_169 = arith.constant 0 : index
    %get3A_170 = arith.constant 0 : index
    %get3A_171 = vector.load %arg2[%get3A_167, %get3A_168, %get3A_169, %get3A_170] : memref<1x20x1024x64xf32, #tpu.memory_space<vmem>>, vector<1x1x1024x64xf32>
    %get3A_172 = vector.shape_cast %get3A_171 : vector<1x1x1024x64xf32> to vector<1024x64xf32>
    %get3A_173 = arith.constant 0 : index
    %get3A_174 = arith.constant 0 : index
    %get3A_175 = vector.load %arg4[%get3A_173, %get3A_174] : memref<64x64xf32, #tpu.memory_space<vmem>>, vector<64x64xf32>
    %dot_general3A_176 = arith.constant dense<0.000000e+00> : vector<1024x64xf32>
    %dot_general3A_177 = tpu.matmul %get3A_172, %get3A_175, %dot_general3A_176 {dimension_numbers = #tpu.dot_dimension_numbers<[1], [0], [0], [1], [0, 0, 1, 1], [], []>, transpose_lhs_hint = false} : vector<1024x64xf32>, vector<64x64xf32>, vector<1024x64xf32> -> vector<1024x64xf32>
    %add3A_178 = arith.addf %dot_general3A_177, %add3A_11 : vector<1024x64xf32>
    %ge3A_179 = arith.constant 0.000000e+00 : f32
    %ge3A_180 = vector.broadcast %ge3A_179 : f32 to vector<1024x64xf32>
    %ge3A_181 = arith.cmpf oge, %add3A_178, %ge3A_180 : vector<1024x64xf32>
    %mul3A_182 = arith.constant 2.000000e-01 : f32
    %mul3A_183 = vector.broadcast %mul3A_182 : f32 to vector<1024x64xf32>
    %mul3A_184 = arith.mulf %mul3A_183, %add3A_178 : vector<1024x64xf32>
    %select_n3A_185 = arith.select %ge3A_181, %add3A_178, %mul3A_184 : vector<1024x64xi1>, vector<1024x64xf32>
    %max3A_186 = arith.maximumf %max3A_166, %select_n3A_185 : vector<1024x64xf32>
    %get3A_187 = arith.constant 0 : index
    %get3A_188 = arith.constant 9 : index
    %get3A_189 = arith.constant 0 : index
    %get3A_190 = arith.constant 0 : index
    %get3A_191 = vector.load %arg2[%get3A_187, %get3A_188, %get3A_189, %get3A_190] : memref<1x20x1024x64xf32, #tpu.memory_space<vmem>>, vector<1x1x1024x64xf32>
    %get3A_192 = vector.shape_cast %get3A_191 : vector<1x1x1024x64xf32> to vector<1024x64xf32>
    %get3A_193 = arith.constant 0 : index
    %get3A_194 = arith.constant 0 : index
    %get3A_195 = vector.load %arg4[%get3A_193, %get3A_194] : memref<64x64xf32, #tpu.memory_space<vmem>>, vector<64x64xf32>
    %dot_general3A_196 = arith.constant dense<0.000000e+00> : vector<1024x64xf32>
    %dot_general3A_197 = tpu.matmul %get3A_192, %get3A_195, %dot_general3A_196 {dimension_numbers = #tpu.dot_dimension_numbers<[1], [0], [0], [1], [0, 0, 1, 1], [], []>, transpose_lhs_hint = false} : vector<1024x64xf32>, vector<64x64xf32>, vector<1024x64xf32> -> vector<1024x64xf32>
    %add3A_198 = arith.addf %dot_general3A_197, %add3A_11 : vector<1024x64xf32>
    %ge3A_199 = arith.constant 0.000000e+00 : f32
    %ge3A_200 = vector.broadcast %ge3A_199 : f32 to vector<1024x64xf32>
    %ge3A_201 = arith.cmpf oge, %add3A_198, %ge3A_200 : vector<1024x64xf32>
    %mul3A_202 = arith.constant 2.000000e-01 : f32
    %mul3A_203 = vector.broadcast %mul3A_202 : f32 to vector<1024x64xf32>
    %mul3A_204 = arith.mulf %mul3A_203, %add3A_198 : vector<1024x64xf32>
    %select_n3A_205 = arith.select %ge3A_201, %add3A_198, %mul3A_204 : vector<1024x64xi1>, vector<1024x64xf32>
    %max3A_206 = arith.maximumf %max3A_186, %select_n3A_205 : vector<1024x64xf32>
    %get3A_207 = arith.constant 0 : index
    %get3A_208 = arith.constant 10 : index
    %get3A_209 = arith.constant 0 : index
    %get3A_210 = arith.constant 0 : index
    %get3A_211 = vector.load %arg2[%get3A_207, %get3A_208, %get3A_209, %get3A_210] : memref<1x20x1024x64xf32, #tpu.memory_space<vmem>>, vector<1x1x1024x64xf32>
    %get3A_212 = vector.shape_cast %get3A_211 : vector<1x1x1024x64xf32> to vector<1024x64xf32>
    %get3A_213 = arith.constant 0 : index
    %get3A_214 = arith.constant 0 : index
    %get3A_215 = vector.load %arg4[%get3A_213, %get3A_214] : memref<64x64xf32, #tpu.memory_space<vmem>>, vector<64x64xf32>
    %dot_general3A_216 = arith.constant dense<0.000000e+00> : vector<1024x64xf32>
    %dot_general3A_217 = tpu.matmul %get3A_212, %get3A_215, %dot_general3A_216 {dimension_numbers = #tpu.dot_dimension_numbers<[1], [0], [0], [1], [0, 0, 1, 1], [], []>, transpose_lhs_hint = false} : vector<1024x64xf32>, vector<64x64xf32>, vector<1024x64xf32> -> vector<1024x64xf32>
    %add3A_218 = arith.addf %dot_general3A_217, %add3A_11 : vector<1024x64xf32>
    %ge3A_219 = arith.constant 0.000000e+00 : f32
    %ge3A_220 = vector.broadcast %ge3A_219 : f32 to vector<1024x64xf32>
    %ge3A_221 = arith.cmpf oge, %add3A_218, %ge3A_220 : vector<1024x64xf32>
    %mul3A_222 = arith.constant 2.000000e-01 : f32
    %mul3A_223 = vector.broadcast %mul3A_222 : f32 to vector<1024x64xf32>
    %mul3A_224 = arith.mulf %mul3A_223, %add3A_218 : vector<1024x64xf32>
    %select_n3A_225 = arith.select %ge3A_221, %add3A_218, %mul3A_224 : vector<1024x64xi1>, vector<1024x64xf32>
    %max3A_226 = arith.maximumf %max3A_206, %select_n3A_225 : vector<1024x64xf32>
    %get3A_227 = arith.constant 0 : index
    %get3A_228 = arith.constant 11 : index
    %get3A_229 = arith.constant 0 : index
    %get3A_230 = arith.constant 0 : index
    %get3A_231 = vector.load %arg2[%get3A_227, %get3A_228, %get3A_229, %get3A_230] : memref<1x20x1024x64xf32, #tpu.memory_space<vmem>>, vector<1x1x1024x64xf32>
    %get3A_232 = vector.shape_cast %get3A_231 : vector<1x1x1024x64xf32> to vector<1024x64xf32>
    %get3A_233 = arith.constant 0 : index
    %get3A_234 = arith.constant 0 : index
    %get3A_235 = vector.load %arg4[%get3A_233, %get3A_234] : memref<64x64xf32, #tpu.memory_space<vmem>>, vector<64x64xf32>
    %dot_general3A_236 = arith.constant dense<0.000000e+00> : vector<1024x64xf32>
    %dot_general3A_237 = tpu.matmul %get3A_232, %get3A_235, %dot_general3A_236 {dimension_numbers = #tpu.dot_dimension_numbers<[1], [0], [0], [1], [0, 0, 1, 1], [], []>, transpose_lhs_hint = false} : vector<1024x64xf32>, vector<64x64xf32>, vector<1024x64xf32> -> vector<1024x64xf32>
    %add3A_238 = arith.addf %dot_general3A_237, %add3A_11 : vector<1024x64xf32>
    %ge3A_239 = arith.constant 0.000000e+00 : f32
    %ge3A_240 = vector.broadcast %ge3A_239 : f32 to vector<1024x64xf32>
    %ge3A_241 = arith.cmpf oge, %add3A_238, %ge3A_240 : vector<1024x64xf32>
    %mul3A_242 = arith.constant 2.000000e-01 : f32
    %mul3A_243 = vector.broadcast %mul3A_242 : f32 to vector<1024x64xf32>
    %mul3A_244 = arith.mulf %mul3A_243, %add3A_238 : vector<1024x64xf32>
    %select_n3A_245 = arith.select %ge3A_241, %add3A_238, %mul3A_244 : vector<1024x64xi1>, vector<1024x64xf32>
    %max3A_246 = arith.maximumf %max3A_226, %select_n3A_245 : vector<1024x64xf32>
    %get3A_247 = arith.constant 0 : index
    %get3A_248 = arith.constant 12 : index
    %get3A_249 = arith.constant 0 : index
    %get3A_250 = arith.constant 0 : index
    %get3A_251 = vector.load %arg2[%get3A_247, %get3A_248, %get3A_249, %get3A_250] : memref<1x20x1024x64xf32, #tpu.memory_space<vmem>>, vector<1x1x1024x64xf32>
    %get3A_252 = vector.shape_cast %get3A_251 : vector<1x1x1024x64xf32> to vector<1024x64xf32>
    %get3A_253 = arith.constant 0 : index
    %get3A_254 = arith.constant 0 : index
    %get3A_255 = vector.load %arg4[%get3A_253, %get3A_254] : memref<64x64xf32, #tpu.memory_space<vmem>>, vector<64x64xf32>
    %dot_general3A_256 = arith.constant dense<0.000000e+00> : vector<1024x64xf32>
    %dot_general3A_257 = tpu.matmul %get3A_252, %get3A_255, %dot_general3A_256 {dimension_numbers = #tpu.dot_dimension_numbers<[1], [0], [0], [1], [0, 0, 1, 1], [], []>, transpose_lhs_hint = false} : vector<1024x64xf32>, vector<64x64xf32>, vector<1024x64xf32> -> vector<1024x64xf32>
    %add3A_258 = arith.addf %dot_general3A_257, %add3A_11 : vector<1024x64xf32>
    %ge3A_259 = arith.constant 0.000000e+00 : f32
    %ge3A_260 = vector.broadcast %ge3A_259 : f32 to vector<1024x64xf32>
    %ge3A_261 = arith.cmpf oge, %add3A_258, %ge3A_260 : vector<1024x64xf32>
    %mul3A_262 = arith.constant 2.000000e-01 : f32
    %mul3A_263 = vector.broadcast %mul3A_262 : f32 to vector<1024x64xf32>
    %mul3A_264 = arith.mulf %mul3A_263, %add3A_258 : vector<1024x64xf32>
    %select_n3A_265 = arith.select %ge3A_261, %add3A_258, %mul3A_264 : vector<1024x64xi1>, vector<1024x64xf32>
    %max3A_266 = arith.maximumf %max3A_246, %select_n3A_265 : vector<1024x64xf32>
    %get3A_267 = arith.constant 0 : index
    %get3A_268 = arith.constant 13 : index
    %get3A_269 = arith.constant 0 : index
    %get3A_270 = arith.constant 0 : index
    %get3A_271 = vector.load %arg2[%get3A_267, %get3A_268, %get3A_269, %get3A_270] : memref<1x20x1024x64xf32, #tpu.memory_space<vmem>>, vector<1x1x1024x64xf32>
    %get3A_272 = vector.shape_cast %get3A_271 : vector<1x1x1024x64xf32> to vector<1024x64xf32>
    %get3A_273 = arith.constant 0 : index
    %get3A_274 = arith.constant 0 : index
    %get3A_275 = vector.load %arg4[%get3A_273, %get3A_274] : memref<64x64xf32, #tpu.memory_space<vmem>>, vector<64x64xf32>
    %dot_general3A_276 = arith.constant dense<0.000000e+00> : vector<1024x64xf32>
    %dot_general3A_277 = tpu.matmul %get3A_272, %get3A_275, %dot_general3A_276 {dimension_numbers = #tpu.dot_dimension_numbers<[1], [0], [0], [1], [0, 0, 1, 1], [], []>, transpose_lhs_hint = false} : vector<1024x64xf32>, vector<64x64xf32>, vector<1024x64xf32> -> vector<1024x64xf32>
    %add3A_278 = arith.addf %dot_general3A_277, %add3A_11 : vector<1024x64xf32>
    %ge3A_279 = arith.constant 0.000000e+00 : f32
    %ge3A_280 = vector.broadcast %ge3A_279 : f32 to vector<1024x64xf32>
    %ge3A_281 = arith.cmpf oge, %add3A_278, %ge3A_280 : vector<1024x64xf32>
    %mul3A_282 = arith.constant 2.000000e-01 : f32
    %mul3A_283 = vector.broadcast %mul3A_282 : f32 to vector<1024x64xf32>
    %mul3A_284 = arith.mulf %mul3A_283, %add3A_278 : vector<1024x64xf32>
    %select_n3A_285 = arith.select %ge3A_281, %add3A_278, %mul3A_284 : vector<1024x64xi1>, vector<1024x64xf32>
    %max3A_286 = arith.maximumf %max3A_266, %select_n3A_285 : vector<1024x64xf32>
    %get3A_287 = arith.constant 0 : index
    %get3A_288 = arith.constant 14 : index
    %get3A_289 = arith.constant 0 : index
    %get3A_290 = arith.constant 0 : index
    %get3A_291 = vector.load %arg2[%get3A_287, %get3A_288, %get3A_289, %get3A_290] : memref<1x20x1024x64xf32, #tpu.memory_space<vmem>>, vector<1x1x1024x64xf32>
    %get3A_292 = vector.shape_cast %get3A_291 : vector<1x1x1024x64xf32> to vector<1024x64xf32>
    %get3A_293 = arith.constant 0 : index
    %get3A_294 = arith.constant 0 : index
    %get3A_295 = vector.load %arg4[%get3A_293, %get3A_294] : memref<64x64xf32, #tpu.memory_space<vmem>>, vector<64x64xf32>
    %dot_general3A_296 = arith.constant dense<0.000000e+00> : vector<1024x64xf32>
    %dot_general3A_297 = tpu.matmul %get3A_292, %get3A_295, %dot_general3A_296 {dimension_numbers = #tpu.dot_dimension_numbers<[1], [0], [0], [1], [0, 0, 1, 1], [], []>, transpose_lhs_hint = false} : vector<1024x64xf32>, vector<64x64xf32>, vector<1024x64xf32> -> vector<1024x64xf32>
    %add3A_298 = arith.addf %dot_general3A_297, %add3A_11 : vector<1024x64xf32>
    %ge3A_299 = arith.constant 0.000000e+00 : f32
    %ge3A_300 = vector.broadcast %ge3A_299 : f32 to vector<1024x64xf32>
    %ge3A_301 = arith.cmpf oge, %add3A_298, %ge3A_300 : vector<1024x64xf32>
    %mul3A_302 = arith.constant 2.000000e-01 : f32
    %mul3A_303 = vector.broadcast %mul3A_302 : f32 to vector<1024x64xf32>
    %mul3A_304 = arith.mulf %mul3A_303, %add3A_298 : vector<1024x64xf32>
    %select_n3A_305 = arith.select %ge3A_301, %add3A_298, %mul3A_304 : vector<1024x64xi1>, vector<1024x64xf32>
    %max3A_306 = arith.maximumf %max3A_286, %select_n3A_305 : vector<1024x64xf32>
    %get3A_307 = arith.constant 0 : index
    %get3A_308 = arith.constant 15 : index
    %get3A_309 = arith.constant 0 : index
    %get3A_310 = arith.constant 0 : index
    %get3A_311 = vector.load %arg2[%get3A_307, %get3A_308, %get3A_309, %get3A_310] : memref<1x20x1024x64xf32, #tpu.memory_space<vmem>>, vector<1x1x1024x64xf32>
    %get3A_312 = vector.shape_cast %get3A_311 : vector<1x1x1024x64xf32> to vector<1024x64xf32>
    %get3A_313 = arith.constant 0 : index
    %get3A_314 = arith.constant 0 : index
    %get3A_315 = vector.load %arg4[%get3A_313, %get3A_314] : memref<64x64xf32, #tpu.memory_space<vmem>>, vector<64x64xf32>
    %dot_general3A_316 = arith.constant dense<0.000000e+00> : vector<1024x64xf32>
    %dot_general3A_317 = tpu.matmul %get3A_312, %get3A_315, %dot_general3A_316 {dimension_numbers = #tpu.dot_dimension_numbers<[1], [0], [0], [1], [0, 0, 1, 1], [], []>, transpose_lhs_hint = false} : vector<1024x64xf32>, vector<64x64xf32>, vector<1024x64xf32> -> vector<1024x64xf32>
    %add3A_318 = arith.addf %dot_general3A_317, %add3A_11 : vector<1024x64xf32>
    %ge3A_319 = arith.constant 0.000000e+00 : f32
    %ge3A_320 = vector.broadcast %ge3A_319 : f32 to vector<1024x64xf32>
    %ge3A_321 = arith.cmpf oge, %add3A_318, %ge3A_320 : vector<1024x64xf32>
    %mul3A_322 = arith.constant 2.000000e-01 : f32
    %mul3A_323 = vector.broadcast %mul3A_322 : f32 to vector<1024x64xf32>
    %mul3A_324 = arith.mulf %mul3A_323, %add3A_318 : vector<1024x64xf32>
    %select_n3A_325 = arith.select %ge3A_321, %add3A_318, %mul3A_324 : vector<1024x64xi1>, vector<1024x64xf32>
    %max3A_326 = arith.maximumf %max3A_306, %select_n3A_325 : vector<1024x64xf32>
    %get3A_327 = arith.constant 0 : index
    %get3A_328 = arith.constant 16 : index
    %get3A_329 = arith.constant 0 : index
    %get3A_330 = arith.constant 0 : index
    %get3A_331 = vector.load %arg2[%get3A_327, %get3A_328, %get3A_329, %get3A_330] : memref<1x20x1024x64xf32, #tpu.memory_space<vmem>>, vector<1x1x1024x64xf32>
    %get3A_332 = vector.shape_cast %get3A_331 : vector<1x1x1024x64xf32> to vector<1024x64xf32>
    %get3A_333 = arith.constant 0 : index
    %get3A_334 = arith.constant 0 : index
    %get3A_335 = vector.load %arg4[%get3A_333, %get3A_334] : memref<64x64xf32, #tpu.memory_space<vmem>>, vector<64x64xf32>
    %dot_general3A_336 = arith.constant dense<0.000000e+00> : vector<1024x64xf32>
    %dot_general3A_337 = tpu.matmul %get3A_332, %get3A_335, %dot_general3A_336 {dimension_numbers = #tpu.dot_dimension_numbers<[1], [0], [0], [1], [0, 0, 1, 1], [], []>, transpose_lhs_hint = false} : vector<1024x64xf32>, vector<64x64xf32>, vector<1024x64xf32> -> vector<1024x64xf32>
    %add3A_338 = arith.addf %dot_general3A_337, %add3A_11 : vector<1024x64xf32>
    %ge3A_339 = arith.constant 0.000000e+00 : f32
    %ge3A_340 = vector.broadcast %ge3A_339 : f32 to vector<1024x64xf32>
    %ge3A_341 = arith.cmpf oge, %add3A_338, %ge3A_340 : vector<1024x64xf32>
    %mul3A_342 = arith.constant 2.000000e-01 : f32
    %mul3A_343 = vector.broadcast %mul3A_342 : f32 to vector<1024x64xf32>
    %mul3A_344 = arith.mulf %mul3A_343, %add3A_338 : vector<1024x64xf32>
    %select_n3A_345 = arith.select %ge3A_341, %add3A_338, %mul3A_344 : vector<1024x64xi1>, vector<1024x64xf32>
    %max3A_346 = arith.maximumf %max3A_326, %select_n3A_345 : vector<1024x64xf32>
    %get3A_347 = arith.constant 0 : index
    %get3A_348 = arith.constant 17 : index
    %get3A_349 = arith.constant 0 : index
    %get3A_350 = arith.constant 0 : index
    %get3A_351 = vector.load %arg2[%get3A_347, %get3A_348, %get3A_349, %get3A_350] : memref<1x20x1024x64xf32, #tpu.memory_space<vmem>>, vector<1x1x1024x64xf32>
    %get3A_352 = vector.shape_cast %get3A_351 : vector<1x1x1024x64xf32> to vector<1024x64xf32>
    %get3A_353 = arith.constant 0 : index
    %get3A_354 = arith.constant 0 : index
    %get3A_355 = vector.load %arg4[%get3A_353, %get3A_354] : memref<64x64xf32, #tpu.memory_space<vmem>>, vector<64x64xf32>
    %dot_general3A_356 = arith.constant dense<0.000000e+00> : vector<1024x64xf32>
    %dot_general3A_357 = tpu.matmul %get3A_352, %get3A_355, %dot_general3A_356 {dimension_numbers = #tpu.dot_dimension_numbers<[1], [0], [0], [1], [0, 0, 1, 1], [], []>, transpose_lhs_hint = false} : vector<1024x64xf32>, vector<64x64xf32>, vector<1024x64xf32> -> vector<1024x64xf32>
    %add3A_358 = arith.addf %dot_general3A_357, %add3A_11 : vector<1024x64xf32>
    %ge3A_359 = arith.constant 0.000000e+00 : f32
    %ge3A_360 = vector.broadcast %ge3A_359 : f32 to vector<1024x64xf32>
    %ge3A_361 = arith.cmpf oge, %add3A_358, %ge3A_360 : vector<1024x64xf32>
    %mul3A_362 = arith.constant 2.000000e-01 : f32
    %mul3A_363 = vector.broadcast %mul3A_362 : f32 to vector<1024x64xf32>
    %mul3A_364 = arith.mulf %mul3A_363, %add3A_358 : vector<1024x64xf32>
    %select_n3A_365 = arith.select %ge3A_361, %add3A_358, %mul3A_364 : vector<1024x64xi1>, vector<1024x64xf32>
    %max3A_366 = arith.maximumf %max3A_346, %select_n3A_365 : vector<1024x64xf32>
    %get3A_367 = arith.constant 0 : index
    %get3A_368 = arith.constant 18 : index
    %get3A_369 = arith.constant 0 : index
    %get3A_370 = arith.constant 0 : index
    %get3A_371 = vector.load %arg2[%get3A_367, %get3A_368, %get3A_369, %get3A_370] : memref<1x20x1024x64xf32, #tpu.memory_space<vmem>>, vector<1x1x1024x64xf32>
    %get3A_372 = vector.shape_cast %get3A_371 : vector<1x1x1024x64xf32> to vector<1024x64xf32>
    %get3A_373 = arith.constant 0 : index
    %get3A_374 = arith.constant 0 : index
    %get3A_375 = vector.load %arg4[%get3A_373, %get3A_374] : memref<64x64xf32, #tpu.memory_space<vmem>>, vector<64x64xf32>
    %dot_general3A_376 = arith.constant dense<0.000000e+00> : vector<1024x64xf32>
    %dot_general3A_377 = tpu.matmul %get3A_372, %get3A_375, %dot_general3A_376 {dimension_numbers = #tpu.dot_dimension_numbers<[1], [0], [0], [1], [0, 0, 1, 1], [], []>, transpose_lhs_hint = false} : vector<1024x64xf32>, vector<64x64xf32>, vector<1024x64xf32> -> vector<1024x64xf32>
    %add3A_378 = arith.addf %dot_general3A_377, %add3A_11 : vector<1024x64xf32>
    %ge3A_379 = arith.constant 0.000000e+00 : f32
    %ge3A_380 = vector.broadcast %ge3A_379 : f32 to vector<1024x64xf32>
    %ge3A_381 = arith.cmpf oge, %add3A_378, %ge3A_380 : vector<1024x64xf32>
    %mul3A_382 = arith.constant 2.000000e-01 : f32
    %mul3A_383 = vector.broadcast %mul3A_382 : f32 to vector<1024x64xf32>
    %mul3A_384 = arith.mulf %mul3A_383, %add3A_378 : vector<1024x64xf32>
    %select_n3A_385 = arith.select %ge3A_381, %add3A_378, %mul3A_384 : vector<1024x64xi1>, vector<1024x64xf32>
    %max3A_386 = arith.maximumf %max3A_366, %select_n3A_385 : vector<1024x64xf32>
    %get3A_387 = arith.constant 0 : index
    %get3A_388 = arith.constant 19 : index
    %get3A_389 = arith.constant 0 : index
    %get3A_390 = arith.constant 0 : index
    %get3A_391 = vector.load %arg2[%get3A_387, %get3A_388, %get3A_389, %get3A_390] : memref<1x20x1024x64xf32, #tpu.memory_space<vmem>>, vector<1x1x1024x64xf32>
    %get3A_392 = vector.shape_cast %get3A_391 : vector<1x1x1024x64xf32> to vector<1024x64xf32>
    %get3A_393 = arith.constant 0 : index
    %get3A_394 = arith.constant 0 : index
    %get3A_395 = vector.load %arg4[%get3A_393, %get3A_394] : memref<64x64xf32, #tpu.memory_space<vmem>>, vector<64x64xf32>
    %dot_general3A_396 = arith.constant dense<0.000000e+00> : vector<1024x64xf32>
    %dot_general3A_397 = tpu.matmul %get3A_392, %get3A_395, %dot_general3A_396 {dimension_numbers = #tpu.dot_dimension_numbers<[1], [0], [0], [1], [0, 0, 1, 1], [], []>, transpose_lhs_hint = false} : vector<1024x64xf32>, vector<64x64xf32>, vector<1024x64xf32> -> vector<1024x64xf32>
    %add3A_398 = arith.addf %dot_general3A_397, %add3A_11 : vector<1024x64xf32>
    %ge3A_399 = arith.constant 0.000000e+00 : f32
    %ge3A_400 = vector.broadcast %ge3A_399 : f32 to vector<1024x64xf32>
    %ge3A_401 = arith.cmpf oge, %add3A_398, %ge3A_400 : vector<1024x64xf32>
    %mul3A_402 = arith.constant 2.000000e-01 : f32
    %mul3A_403 = vector.broadcast %mul3A_402 : f32 to vector<1024x64xf32>
    %mul3A_404 = arith.mulf %mul3A_403, %add3A_398 : vector<1024x64xf32>
    %select_n3A_405 = arith.select %ge3A_401, %add3A_398, %mul3A_404 : vector<1024x64xi1>, vector<1024x64xf32>
    %max3A_406 = arith.maximumf %max3A_386, %select_n3A_405 : vector<1024x64xf32>
    %swap3A = arith.constant 0 : index
    %swap3A_407 = arith.constant 0 : index
    %swap3A_408 = arith.constant 0 : index
    %swap3A_409 = vector.load %arg7[%swap3A, %swap3A_407, %swap3A_408] : memref<1x1024x64xf32, #tpu.memory_space<vmem>>, vector<1x1024x64xf32>
    %swap3A_410 = vector.shape_cast %swap3A_409 : vector<1x1024x64xf32> to vector<1024x64xf32>
    %swap3A_411 = vector.shape_cast %max3A_406 : vector<1024x64xf32> to vector<1x1024x64xf32>
    tpu.vector_store %arg7[%swap3A, %swap3A_407, %swap3A_408], %swap3A_411 {strides = array<i32>} : memref<1x1024x64xf32, #tpu.memory_space<vmem>>, vector<1x1024x64xf32>,
    return
  }
  func.func @transform_0(%arg0: i32, %arg1: i32) -> (i32, i32, i32, i32) {
    %c0_i32 = arith.constant 0 : i32
    %c0_i32_0 = arith.constant 0 : i32
    %c0_i32_1 = arith.constant 0 : i32
    return %arg0, %c0_i32, %arg1, %c0_i32_0 : i32, i32, i32, i32
  }
  func.func @transform_1(%arg0: i32, %arg1: i32) -> (i32, i32, i32) {
    %c0_i32 = arith.constant 0 : i32
    %c0_i32_0 = arith.constant 0 : i32
    return %arg0, %arg1, %c0_i32 : i32, i32, i32
  }
  func.func @transform_2(%arg0: i32, %arg1: i32) -> (i32, i32) {
    %c0_i32 = arith.constant 0 : i32
    %c0_i32_0 = arith.constant 0 : i32
    %c0_i32_1 = arith.constant 0 : i32
    return %c0_i32, %c0_i32_0 : i32, i32
  }
  func.func @transform_3(%arg0: i32, %arg1: i32) -> (i32, i32) {
    %c0_i32 = arith.constant 0 : i32
    %c0_i32_0 = arith.constant 0 : i32
    %c0_i32_1 = arith.constant 0 : i32
    return %c0_i32, %c0_i32_0 : i32, i32
  }
  func.func @transform_4(%arg0: i32, %arg1: i32) -> (i32, i32) {
    %c0_i32 = arith.constant 0 : i32
    %c0_i32_0 = arith.constant 0 : i32
    %c0_i32_1 = arith.constant 0 : i32
    return %c0_i32, %c0_i32_0 : i32, i32
  }
  func.func @transform_5(%arg0: i32, %arg1: i32) -> (i32, i32, i32) {
    %c0_i32 = arith.constant 0 : i32
    %c0_i32_0 = arith.constant 0 : i32
    return %arg0, %arg1, %c0_i32 : i32, i32, i32
  }
}

module attributes {stable_mosaic.version = 14 : i64} {
  func.func @_head_body(%arg0: i32, %arg1: memref<1x4096x64xf32, #tpu.memory_space<vmem>>, %arg2: memref<1x4096x64xf32, #tpu.memory_space<vmem>>, %arg3: memref<1x4096x64xf32, #tpu.memory_space<vmem>>, %arg4: memref<192x1024xf32, #tpu.memory_space<vmem>>, %arg5: memref<1x1024xf32, #tpu.memory_space<vmem>>, %arg6: memref<1024x512xf32, #tpu.memory_space<vmem>>, %arg7: memref<192x512xf32, #tpu.memory_space<vmem>>, %arg8: memref<1x512xf32, #tpu.memory_space<vmem>>, %arg9: memref<512x256xf32, #tpu.memory_space<vmem>>, %arg10: memref<1x256xf32, #tpu.memory_space<vmem>>, %arg11: memref<256x16xf32, #tpu.memory_space<vmem>>, %arg12: memref<1x4096x16xf32, #tpu.memory_space<vmem>>) attributes {dimension_semantics = [#tpu.dimension_semantics<arbitrary>], iteration_bounds = array<i64: 2>, scalar_prefetch = 0 : i64, scratch_operands = 0 : i64, tpu.core_type = #tpu.core_type<tc>, window_params = [{transform_indices = @transform_0, window_bounds = array<i64: 1, 4096, 64>}, {transform_indices = @transform_1, window_bounds = array<i64: 1, 4096, 64>}, {transform_indices = @transform_2, window_bounds = array<i64: 1, 4096, 64>}, {pipeline_mode = #tpu.pipeline_mode<synchronous>, transform_indices = @transform_3, window_bounds = array<i64: 192, 1024>}, {pipeline_mode = #tpu.pipeline_mode<synchronous>, transform_indices = @transform_4, window_bounds = array<i64: 1, 1024>}, {pipeline_mode = #tpu.pipeline_mode<synchronous>, transform_indices = @transform_5, window_bounds = array<i64: 1024, 512>}, {pipeline_mode = #tpu.pipeline_mode<synchronous>, transform_indices = @transform_6, window_bounds = array<i64: 192, 512>}, {pipeline_mode = #tpu.pipeline_mode<synchronous>, transform_indices = @transform_7, window_bounds = array<i64: 1, 512>}, {pipeline_mode = #tpu.pipeline_mode<synchronous>, transform_indices = @transform_8, window_bounds = array<i64: 512, 256>}, {pipeline_mode = #tpu.pipeline_mode<synchronous>, transform_indices = @transform_9, window_bounds = array<i64: 1, 256>}, {pipeline_mode = #tpu.pipeline_mode<synchronous>, transform_indices = @transform_10, window_bounds = array<i64: 256, 16>}, {transform_indices = @transform_11, window_bounds = array<i64: 1, 4096, 16>}]} {
    %get3A = arith.constant 0 : index
    %get3A_0 = arith.constant 0 : index
    %get3A_1 = arith.constant 0 : index
    %get3A_2 = vector.load %arg1[%get3A, %get3A_0, %get3A_1] : memref<1x4096x64xf32, #tpu.memory_space<vmem>>, vector<1x1024x64xf32>
    %get3A_3 = vector.shape_cast %get3A_2 : vector<1x1024x64xf32> to vector<1024x64xf32>
    %get3A_4 = arith.constant 0 : index
    %get3A_5 = arith.constant 0 : index
    %get3A_6 = arith.constant 0 : index
    %get3A_7 = vector.load %arg2[%get3A_4, %get3A_5, %get3A_6] : memref<1x4096x64xf32, #tpu.memory_space<vmem>>, vector<1x1024x64xf32>
    %get3A_8 = vector.shape_cast %get3A_7 : vector<1x1024x64xf32> to vector<1024x64xf32>
    %get3A_9 = arith.constant 0 : index
    %get3A_10 = arith.constant 0 : index
    %get3A_11 = arith.constant 0 : index
    %get3A_12 = vector.load %arg3[%get3A_9, %get3A_10, %get3A_11] : memref<1x4096x64xf32, #tpu.memory_space<vmem>>, vector<1x1024x64xf32>
    %get3A_13 = vector.shape_cast %get3A_12 : vector<1x1024x64xf32> to vector<1024x64xf32>
    %concatenate3A = tpu.concatenate %get3A_3, %get3A_8, %get3A_13 in 1 : vector<1024x64xf32>, vector<1024x64xf32>, vector<1024x64xf32> -> vector<1024x192xf32>
    %get3A_14 = arith.constant 0 : index
    %get3A_15 = arith.constant 0 : index
    %get3A_16 = vector.load %arg4[%get3A_14, %get3A_15] : memref<192x1024xf32, #tpu.memory_space<vmem>>, vector<192x1024xf32>
    %dot_general3A = arith.constant dense<0.000000e+00> : vector<1024x1024xf32>
    %dot_general3A_17 = tpu.matmul %concatenate3A, %get3A_16, %dot_general3A {dimension_numbers = #tpu.dot_dimension_numbers<[1], [0], [0], [1], [0, 0, 1, 1], [], []>, transpose_lhs_hint = false} : vector<1024x192xf32>, vector<192x1024xf32>, vector<1024x1024xf32> -> vector<1024x1024xf32>
    %get3A_18 = arith.constant 0 : index
    %get3A_19 = arith.constant 0 : index
    %get3A_20 = vector.load %arg5[%get3A_18, %get3A_19] : memref<1x1024xf32, #tpu.memory_space<vmem>>, vector<1x1024xf32>
    %add3A = vector.broadcast %get3A_20 : vector<1x1024xf32> to vector<1024x1024xf32>
    %add3A_21 = arith.addf %dot_general3A_17, %add3A : vector<1024x1024xf32>
    %ge3A = arith.constant 0.000000e+00 : f32
    %ge3A_22 = vector.broadcast %ge3A : f32 to vector<1024x1024xf32>
    %ge3A_23 = arith.cmpf oge, %add3A_21, %ge3A_22 : vector<1024x1024xf32>
    %mul3A = arith.constant 2.000000e-01 : f32
    %mul3A_24 = vector.broadcast %mul3A : f32 to vector<1024x1024xf32>
    %mul3A_25 = arith.mulf %mul3A_24, %add3A_21 : vector<1024x1024xf32>
    %select_n3A = arith.select %ge3A_23, %add3A_21, %mul3A_25 : vector<1024x1024xi1>, vector<1024x1024xf32>
    %reduce_max3A = arith.constant dense<0xFF800000> : vector<1024xf32>
    %reduce_max3A_26 = vector.multi_reduction <maximumf>, %select_n3A, %reduce_max3A [0] : vector<1024x1024xf32> to vector<1024xf32>
    %broadcast_in_dim3A = vector.shape_cast %reduce_max3A_26 : vector<1024xf32> to vector<1x1024xf32>
    %get3A_27 = arith.constant 0 : index
    %get3A_28 = arith.constant 1024 : index
    %get3A_29 = arith.constant 0 : index
    %get3A_30 = vector.load %arg1[%get3A_27, %get3A_28, %get3A_29] : memref<1x4096x64xf32, #tpu.memory_space<vmem>>, vector<1x1024x64xf32>
    %get3A_31 = vector.shape_cast %get3A_30 : vector<1x1024x64xf32> to vector<1024x64xf32>
    %get3A_32 = arith.constant 0 : index
    %get3A_33 = arith.constant 1024 : index
    %get3A_34 = arith.constant 0 : index
    %get3A_35 = vector.load %arg2[%get3A_32, %get3A_33, %get3A_34] : memref<1x4096x64xf32, #tpu.memory_space<vmem>>, vector<1x1024x64xf32>
    %get3A_36 = vector.shape_cast %get3A_35 : vector<1x1024x64xf32> to vector<1024x64xf32>
    %get3A_37 = arith.constant 0 : index
    %get3A_38 = arith.constant 1024 : index
    %get3A_39 = arith.constant 0 : index
    %get3A_40 = vector.load %arg3[%get3A_37, %get3A_38, %get3A_39] : memref<1x4096x64xf32, #tpu.memory_space<vmem>>, vector<1x1024x64xf32>
    %get3A_41 = vector.shape_cast %get3A_40 : vector<1x1024x64xf32> to vector<1024x64xf32>
    %concatenate3A_42 = tpu.concatenate %get3A_31, %get3A_36, %get3A_41 in 1 : vector<1024x64xf32>, vector<1024x64xf32>, vector<1024x64xf32> -> vector<1024x192xf32>
    %get3A_43 = arith.constant 0 : index
    %get3A_44 = arith.constant 0 : index
    %get3A_45 = vector.load %arg4[%get3A_43, %get3A_44] : memref<192x1024xf32, #tpu.memory_space<vmem>>, vector<192x1024xf32>
    %dot_general3A_46 = arith.constant dense<0.000000e+00> : vector<1024x1024xf32>
    %dot_general3A_47 = tpu.matmul %concatenate3A_42, %get3A_45, %dot_general3A_46 {dimension_numbers = #tpu.dot_dimension_numbers<[1], [0], [0], [1], [0, 0, 1, 1], [], []>, transpose_lhs_hint = false} : vector<1024x192xf32>, vector<192x1024xf32>, vector<1024x1024xf32> -> vector<1024x1024xf32>
    %get3A_48 = arith.constant 0 : index
    %get3A_49 = arith.constant 0 : index
    %get3A_50 = vector.load %arg5[%get3A_48, %get3A_49] : memref<1x1024xf32, #tpu.memory_space<vmem>>, vector<1x1024xf32>
    %add3A_51 = vector.broadcast %get3A_50 : vector<1x1024xf32> to vector<1024x1024xf32>
    %add3A_52 = arith.addf %dot_general3A_47, %add3A_51 : vector<1024x1024xf32>
    %ge3A_53 = arith.constant 0.000000e+00 : f32
    %ge3A_54 = vector.broadcast %ge3A_53 : f32 to vector<1024x1024xf32>
    %ge3A_55 = arith.cmpf oge, %add3A_52, %ge3A_54 : vector<1024x1024xf32>
    %mul3A_56 = arith.constant 2.000000e-01 : f32
    %mul3A_57 = vector.broadcast %mul3A_56 : f32 to vector<1024x1024xf32>
    %mul3A_58 = arith.mulf %mul3A_57, %add3A_52 : vector<1024x1024xf32>
    %select_n3A_59 = arith.select %ge3A_55, %add3A_52, %mul3A_58 : vector<1024x1024xi1>, vector<1024x1024xf32>
    %reduce_max3A_60 = arith.constant dense<0xFF800000> : vector<1024xf32>
    %reduce_max3A_61 = vector.multi_reduction <maximumf>, %select_n3A_59, %reduce_max3A_60 [0] : vector<1024x1024xf32> to vector<1024xf32>
    %broadcast_in_dim3A_62 = vector.shape_cast %reduce_max3A_61 : vector<1024xf32> to vector<1x1024xf32>
    %max3A = arith.maximumf %broadcast_in_dim3A, %broadcast_in_dim3A_62 : vector<1x1024xf32>
    %get3A_63 = arith.constant 0 : index
    %get3A_64 = arith.constant 2048 : index
    %get3A_65 = arith.constant 0 : index
    %get3A_66 = vector.load %arg1[%get3A_63, %get3A_64, %get3A_65] : memref<1x4096x64xf32, #tpu.memory_space<vmem>>, vector<1x1024x64xf32>
    %get3A_67 = vector.shape_cast %get3A_66 : vector<1x1024x64xf32> to vector<1024x64xf32>
    %get3A_68 = arith.constant 0 : index
    %get3A_69 = arith.constant 2048 : index
    %get3A_70 = arith.constant 0 : index
    %get3A_71 = vector.load %arg2[%get3A_68, %get3A_69, %get3A_70] : memref<1x4096x64xf32, #tpu.memory_space<vmem>>, vector<1x1024x64xf32>
    %get3A_72 = vector.shape_cast %get3A_71 : vector<1x1024x64xf32> to vector<1024x64xf32>
    %get3A_73 = arith.constant 0 : index
    %get3A_74 = arith.constant 2048 : index
    %get3A_75 = arith.constant 0 : index
    %get3A_76 = vector.load %arg3[%get3A_73, %get3A_74, %get3A_75] : memref<1x4096x64xf32, #tpu.memory_space<vmem>>, vector<1x1024x64xf32>
    %get3A_77 = vector.shape_cast %get3A_76 : vector<1x1024x64xf32> to vector<1024x64xf32>
    %concatenate3A_78 = tpu.concatenate %get3A_67, %get3A_72, %get3A_77 in 1 : vector<1024x64xf32>, vector<1024x64xf32>, vector<1024x64xf32> -> vector<1024x192xf32>
    %get3A_79 = arith.constant 0 : index
    %get3A_80 = arith.constant 0 : index
    %get3A_81 = vector.load %arg4[%get3A_79, %get3A_80] : memref<192x1024xf32, #tpu.memory_space<vmem>>, vector<192x1024xf32>
    %dot_general3A_82 = arith.constant dense<0.000000e+00> : vector<1024x1024xf32>
    %dot_general3A_83 = tpu.matmul %concatenate3A_78, %get3A_81, %dot_general3A_82 {dimension_numbers = #tpu.dot_dimension_numbers<[1], [0], [0], [1], [0, 0, 1, 1], [], []>, transpose_lhs_hint = false} : vector<1024x192xf32>, vector<192x1024xf32>, vector<1024x1024xf32> -> vector<1024x1024xf32>
    %get3A_84 = arith.constant 0 : index
    %get3A_85 = arith.constant 0 : index
    %get3A_86 = vector.load %arg5[%get3A_84, %get3A_85] : memref<1x1024xf32, #tpu.memory_space<vmem>>, vector<1x1024xf32>
    %add3A_87 = vector.broadcast %get3A_86 : vector<1x1024xf32> to vector<1024x1024xf32>
    %add3A_88 = arith.addf %dot_general3A_83, %add3A_87 : vector<1024x1024xf32>
    %ge3A_89 = arith.constant 0.000000e+00 : f32
    %ge3A_90 = vector.broadcast %ge3A_89 : f32 to vector<1024x1024xf32>
    %ge3A_91 = arith.cmpf oge, %add3A_88, %ge3A_90 : vector<1024x1024xf32>
    %mul3A_92 = arith.constant 2.000000e-01 : f32
    %mul3A_93 = vector.broadcast %mul3A_92 : f32 to vector<1024x1024xf32>
    %mul3A_94 = arith.mulf %mul3A_93, %add3A_88 : vector<1024x1024xf32>
    %select_n3A_95 = arith.select %ge3A_91, %add3A_88, %mul3A_94 : vector<1024x1024xi1>, vector<1024x1024xf32>
    %reduce_max3A_96 = arith.constant dense<0xFF800000> : vector<1024xf32>
    %reduce_max3A_97 = vector.multi_reduction <maximumf>, %select_n3A_95, %reduce_max3A_96 [0] : vector<1024x1024xf32> to vector<1024xf32>
    %broadcast_in_dim3A_98 = vector.shape_cast %reduce_max3A_97 : vector<1024xf32> to vector<1x1024xf32>
    %max3A_99 = arith.maximumf %max3A, %broadcast_in_dim3A_98 : vector<1x1024xf32>
    %get3A_100 = arith.constant 0 : index
    %get3A_101 = arith.constant 3072 : index
    %get3A_102 = arith.constant 0 : index
    %get3A_103 = vector.load %arg1[%get3A_100, %get3A_101, %get3A_102] : memref<1x4096x64xf32, #tpu.memory_space<vmem>>, vector<1x1024x64xf32>
    %get3A_104 = vector.shape_cast %get3A_103 : vector<1x1024x64xf32> to vector<1024x64xf32>
    %get3A_105 = arith.constant 0 : index
    %get3A_106 = arith.constant 3072 : index
    %get3A_107 = arith.constant 0 : index
    %get3A_108 = vector.load %arg2[%get3A_105, %get3A_106, %get3A_107] : memref<1x4096x64xf32, #tpu.memory_space<vmem>>, vector<1x1024x64xf32>
    %get3A_109 = vector.shape_cast %get3A_108 : vector<1x1024x64xf32> to vector<1024x64xf32>
    %get3A_110 = arith.constant 0 : index
    %get3A_111 = arith.constant 3072 : index
    %get3A_112 = arith.constant 0 : index
    %get3A_113 = vector.load %arg3[%get3A_110, %get3A_111, %get3A_112] : memref<1x4096x64xf32, #tpu.memory_space<vmem>>, vector<1x1024x64xf32>
    %get3A_114 = vector.shape_cast %get3A_113 : vector<1x1024x64xf32> to vector<1024x64xf32>
    %concatenate3A_115 = tpu.concatenate %get3A_104, %get3A_109, %get3A_114 in 1 : vector<1024x64xf32>, vector<1024x64xf32>, vector<1024x64xf32> -> vector<1024x192xf32>
    %get3A_116 = arith.constant 0 : index
    %get3A_117 = arith.constant 0 : index
    %get3A_118 = vector.load %arg4[%get3A_116, %get3A_117] : memref<192x1024xf32, #tpu.memory_space<vmem>>, vector<192x1024xf32>
    %dot_general3A_119 = arith.constant dense<0.000000e+00> : vector<1024x1024xf32>
    %dot_general3A_120 = tpu.matmul %concatenate3A_115, %get3A_118, %dot_general3A_119 {dimension_numbers = #tpu.dot_dimension_numbers<[1], [0], [0], [1], [0, 0, 1, 1], [], []>, transpose_lhs_hint = false} : vector<1024x192xf32>, vector<192x1024xf32>, vector<1024x1024xf32> -> vector<1024x1024xf32>
    %get3A_121 = arith.constant 0 : index
    %get3A_122 = arith.constant 0 : index
    %get3A_123 = vector.load %arg5[%get3A_121, %get3A_122] : memref<1x1024xf32, #tpu.memory_space<vmem>>, vector<1x1024xf32>
    %add3A_124 = vector.broadcast %get3A_123 : vector<1x1024xf32> to vector<1024x1024xf32>
    %add3A_125 = arith.addf %dot_general3A_120, %add3A_124 : vector<1024x1024xf32>
    %ge3A_126 = arith.constant 0.000000e+00 : f32
    %ge3A_127 = vector.broadcast %ge3A_126 : f32 to vector<1024x1024xf32>
    %ge3A_128 = arith.cmpf oge, %add3A_125, %ge3A_127 : vector<1024x1024xf32>
    %mul3A_129 = arith.constant 2.000000e-01 : f32
    %mul3A_130 = vector.broadcast %mul3A_129 : f32 to vector<1024x1024xf32>
    %mul3A_131 = arith.mulf %mul3A_130, %add3A_125 : vector<1024x1024xf32>
    %select_n3A_132 = arith.select %ge3A_128, %add3A_125, %mul3A_131 : vector<1024x1024xi1>, vector<1024x1024xf32>
    %reduce_max3A_133 = arith.constant dense<0xFF800000> : vector<1024xf32>
    %reduce_max3A_134 = vector.multi_reduction <maximumf>, %select_n3A_132, %reduce_max3A_133 [0] : vector<1024x1024xf32> to vector<1024xf32>
    %broadcast_in_dim3A_135 = vector.shape_cast %reduce_max3A_134 : vector<1024xf32> to vector<1x1024xf32>
    %max3A_136 = arith.maximumf %max3A_99, %broadcast_in_dim3A_135 : vector<1x1024xf32>
    %get3A_137 = arith.constant 0 : index
    %get3A_138 = arith.constant 0 : index
    %get3A_139 = vector.load %arg6[%get3A_137, %get3A_138] : memref<1024x512xf32, #tpu.memory_space<vmem>>, vector<1024x512xf32>
    %dot_general3A_140 = arith.constant dense<0.000000e+00> : vector<1x512xf32>
    %dot_general3A_141 = tpu.matmul %max3A_136, %get3A_139, %dot_general3A_140 {dimension_numbers = #tpu.dot_dimension_numbers<[1], [0], [0], [1], [0, 0, 1, 1], [], []>, transpose_lhs_hint = false} : vector<1x1024xf32>, vector<1024x512xf32>, vector<1x512xf32> -> vector<1x512xf32>
    %get3A_142 = arith.constant 0 : index
    %get3A_143 = arith.constant 0 : index
    %get3A_144 = arith.constant 0 : index
    %get3A_145 = vector.load %arg1[%get3A_142, %get3A_143, %get3A_144] : memref<1x4096x64xf32, #tpu.memory_space<vmem>>, vector<1x1024x64xf32>
    %get3A_146 = vector.shape_cast %get3A_145 : vector<1x1024x64xf32> to vector<1024x64xf32>
    %get3A_147 = arith.constant 0 : index
    %get3A_148 = arith.constant 0 : index
    %get3A_149 = arith.constant 0 : index
    %get3A_150 = vector.load %arg2[%get3A_147, %get3A_148, %get3A_149] : memref<1x4096x64xf32, #tpu.memory_space<vmem>>, vector<1x1024x64xf32>
    %get3A_151 = vector.shape_cast %get3A_150 : vector<1x1024x64xf32> to vector<1024x64xf32>
    %get3A_152 = arith.constant 0 : index
    %get3A_153 = arith.constant 0 : index
    %get3A_154 = arith.constant 0 : index
    %get3A_155 = vector.load %arg3[%get3A_152, %get3A_153, %get3A_154] : memref<1x4096x64xf32, #tpu.memory_space<vmem>>, vector<1x1024x64xf32>
    %get3A_156 = vector.shape_cast %get3A_155 : vector<1x1024x64xf32> to vector<1024x64xf32>
    %concatenate3A_157 = tpu.concatenate %get3A_146, %get3A_151, %get3A_156 in 1 : vector<1024x64xf32>, vector<1024x64xf32>, vector<1024x64xf32> -> vector<1024x192xf32>
    %get3A_158 = arith.constant 0 : index
    %get3A_159 = arith.constant 0 : index
    %get3A_160 = vector.load %arg7[%get3A_158, %get3A_159] : memref<192x512xf32, #tpu.memory_space<vmem>>, vector<192x512xf32>
    %dot_general3A_161 = arith.constant dense<0.000000e+00> : vector<1024x512xf32>
    %dot_general3A_162 = tpu.matmul %concatenate3A_157, %get3A_160, %dot_general3A_161 {dimension_numbers = #tpu.dot_dimension_numbers<[1], [0], [0], [1], [0, 0, 1, 1], [], []>, transpose_lhs_hint = false} : vector<1024x192xf32>, vector<192x512xf32>, vector<1024x512xf32> -> vector<1024x512xf32>
    %add3A_163 = vector.broadcast %dot_general3A_141 : vector<1x512xf32> to vector<1024x512xf32>
    %add3A_164 = arith.addf %dot_general3A_162, %add3A_163 : vector<1024x512xf32>
    %get3A_165 = arith.constant 0 : index
    %get3A_166 = arith.constant 0 : index
    %get3A_167 = vector.load %arg8[%get3A_165, %get3A_166] : memref<1x512xf32, #tpu.memory_space<vmem>>, vector<1x512xf32>
    %add3A_168 = vector.broadcast %get3A_167 : vector<1x512xf32> to vector<1024x512xf32>
    %add3A_169 = arith.addf %add3A_164, %add3A_168 : vector<1024x512xf32>
    %ge3A_170 = arith.constant 0.000000e+00 : f32
    %ge3A_171 = vector.broadcast %ge3A_170 : f32 to vector<1024x512xf32>
    %ge3A_172 = arith.cmpf oge, %add3A_169, %ge3A_171 : vector<1024x512xf32>
    %mul3A_173 = arith.constant 2.000000e-01 : f32
    %mul3A_174 = vector.broadcast %mul3A_173 : f32 to vector<1024x512xf32>
    %mul3A_175 = arith.mulf %mul3A_174, %add3A_169 : vector<1024x512xf32>
    %select_n3A_176 = arith.select %ge3A_172, %add3A_169, %mul3A_175 : vector<1024x512xi1>, vector<1024x512xf32>
    %get3A_177 = arith.constant 0 : index
    %get3A_178 = arith.constant 0 : index
    %get3A_179 = vector.load %arg9[%get3A_177, %get3A_178] : memref<512x256xf32, #tpu.memory_space<vmem>>, vector<512x256xf32>
    %dot_general3A_180 = arith.constant dense<0.000000e+00> : vector<1024x256xf32>
    %dot_general3A_181 = tpu.matmul %select_n3A_176, %get3A_179, %dot_general3A_180 {dimension_numbers = #tpu.dot_dimension_numbers<[1], [0], [0], [1], [0, 0, 1, 1], [], []>, transpose_lhs_hint = false} : vector<1024x512xf32>, vector<512x256xf32>, vector<1024x256xf32> -> vector<1024x256xf32>
    %get3A_182 = arith.constant 0 : index
    %get3A_183 = arith.constant 0 : index
    %get3A_184 = vector.load %arg10[%get3A_182, %get3A_183] : memref<1x256xf32, #tpu.memory_space<vmem>>, vector<1x256xf32>
    %add3A_185 = vector.broadcast %get3A_184 : vector<1x256xf32> to vector<1024x256xf32>
    %add3A_186 = arith.addf %dot_general3A_181, %add3A_185 : vector<1024x256xf32>
    %ge3A_187 = arith.constant 0.000000e+00 : f32
    %ge3A_188 = vector.broadcast %ge3A_187 : f32 to vector<1024x256xf32>
    %ge3A_189 = arith.cmpf oge, %add3A_186, %ge3A_188 : vector<1024x256xf32>
    %mul3A_190 = arith.constant 2.000000e-01 : f32
    %mul3A_191 = vector.broadcast %mul3A_190 : f32 to vector<1024x256xf32>
    %mul3A_192 = arith.mulf %mul3A_191, %add3A_186 : vector<1024x256xf32>
    %select_n3A_193 = arith.select %ge3A_189, %add3A_186, %mul3A_192 : vector<1024x256xi1>, vector<1024x256xf32>
    %get3A_194 = arith.constant 0 : index
    %get3A_195 = arith.constant 0 : index
    %get3A_196 = vector.load %arg11[%get3A_194, %get3A_195] : memref<256x16xf32, #tpu.memory_space<vmem>>, vector<256x16xf32>
    %dot_general3A_197 = arith.constant dense<0.000000e+00> : vector<1024x16xf32>
    %dot_general3A_198 = tpu.matmul %select_n3A_193, %get3A_196, %dot_general3A_197 {dimension_numbers = #tpu.dot_dimension_numbers<[1], [0], [0], [1], [0, 0, 1, 1], [], []>, transpose_lhs_hint = false} : vector<1024x256xf32>, vector<256x16xf32>, vector<1024x16xf32> -> vector<1024x16xf32>
    %swap3A = arith.constant 0 : index
    %swap3A_199 = arith.constant 0 : index
    %swap3A_200 = arith.constant 0 : index
    %swap3A_201 = vector.load %arg12[%swap3A, %swap3A_199, %swap3A_200] : memref<1x4096x16xf32, #tpu.memory_space<vmem>>, vector<1x1024x16xf32>
    %swap3A_202 = vector.shape_cast %swap3A_201 : vector<1x1024x16xf32> to vector<1024x16xf32>
    %swap3A_203 = vector.shape_cast %dot_general3A_198 : vector<1024x16xf32> to vector<1x1024x16xf32>
    tpu.vector_store %arg12[%swap3A, %swap3A_199, %swap3A_200], %swap3A_203 {strides = array<i32>} : memref<1x4096x16xf32, #tpu.memory_space<vmem>>, vector<1x1024x16xf32>,
    %get3A_204 = arith.constant 0 : index
    %get3A_205 = arith.constant 1024 : index
    %get3A_206 = arith.constant 0 : index
    %get3A_207 = vector.load %arg1[%get3A_204, %get3A_205, %get3A_206] : memref<1x4096x64xf32, #tpu.memory_space<vmem>>, vector<1x1024x64xf32>
    %get3A_208 = vector.shape_cast %get3A_207 : vector<1x1024x64xf32> to vector<1024x64xf32>
    %get3A_209 = arith.constant 0 : index
    %get3A_210 = arith.constant 1024 : index
    %get3A_211 = arith.constant 0 : index
    %get3A_212 = vector.load %arg2[%get3A_209, %get3A_210, %get3A_211] : memref<1x4096x64xf32, #tpu.memory_space<vmem>>, vector<1x1024x64xf32>
    %get3A_213 = vector.shape_cast %get3A_212 : vector<1x1024x64xf32> to vector<1024x64xf32>
    %get3A_214 = arith.constant 0 : index
    %get3A_215 = arith.constant 1024 : index
    %get3A_216 = arith.constant 0 : index
    %get3A_217 = vector.load %arg3[%get3A_214, %get3A_215, %get3A_216] : memref<1x4096x64xf32, #tpu.memory_space<vmem>>, vector<1x1024x64xf32>
    %get3A_218 = vector.shape_cast %get3A_217 : vector<1x1024x64xf32> to vector<1024x64xf32>
    %concatenate3A_219 = tpu.concatenate %get3A_208, %get3A_213, %get3A_218 in 1 : vector<1024x64xf32>, vector<1024x64xf32>, vector<1024x64xf32> -> vector<1024x192xf32>
    %get3A_220 = arith.constant 0 : index
    %get3A_221 = arith.constant 0 : index
    %get3A_222 = vector.load %arg7[%get3A_220, %get3A_221] : memref<192x512xf32, #tpu.memory_space<vmem>>, vector<192x512xf32>
    %dot_general3A_223 = arith.constant dense<0.000000e+00> : vector<1024x512xf32>
    %dot_general3A_224 = tpu.matmul %concatenate3A_219, %get3A_222, %dot_general3A_223 {dimension_numbers = #tpu.dot_dimension_numbers<[1], [0], [0], [1], [0, 0, 1, 1], [], []>, transpose_lhs_hint = false} : vector<1024x192xf32>, vector<192x512xf32>, vector<1024x512xf32> -> vector<1024x512xf32>
    %add3A_225 = vector.broadcast %dot_general3A_141 : vector<1x512xf32> to vector<1024x512xf32>
    %add3A_226 = arith.addf %dot_general3A_224, %add3A_225 : vector<1024x512xf32>
    %get3A_227 = arith.constant 0 : index
    %get3A_228 = arith.constant 0 : index
    %get3A_229 = vector.load %arg8[%get3A_227, %get3A_228] : memref<1x512xf32, #tpu.memory_space<vmem>>, vector<1x512xf32>
    %add3A_230 = vector.broadcast %get3A_229 : vector<1x512xf32> to vector<1024x512xf32>
    %add3A_231 = arith.addf %add3A_226, %add3A_230 : vector<1024x512xf32>
    %ge3A_232 = arith.constant 0.000000e+00 : f32
    %ge3A_233 = vector.broadcast %ge3A_232 : f32 to vector<1024x512xf32>
    %ge3A_234 = arith.cmpf oge, %add3A_231, %ge3A_233 : vector<1024x512xf32>
    %mul3A_235 = arith.constant 2.000000e-01 : f32
    %mul3A_236 = vector.broadcast %mul3A_235 : f32 to vector<1024x512xf32>
    %mul3A_237 = arith.mulf %mul3A_236, %add3A_231 : vector<1024x512xf32>
    %select_n3A_238 = arith.select %ge3A_234, %add3A_231, %mul3A_237 : vector<1024x512xi1>, vector<1024x512xf32>
    %get3A_239 = arith.constant 0 : index
    %get3A_240 = arith.constant 0 : index
    %get3A_241 = vector.load %arg9[%get3A_239, %get3A_240] : memref<512x256xf32, #tpu.memory_space<vmem>>, vector<512x256xf32>
    %dot_general3A_242 = arith.constant dense<0.000000e+00> : vector<1024x256xf32>
    %dot_general3A_243 = tpu.matmul %select_n3A_238, %get3A_241, %dot_general3A_242 {dimension_numbers = #tpu.dot_dimension_numbers<[1], [0], [0], [1], [0, 0, 1, 1], [], []>, transpose_lhs_hint = false} : vector<1024x512xf32>, vector<512x256xf32>, vector<1024x256xf32> -> vector<1024x256xf32>
    %get3A_244 = arith.constant 0 : index
    %get3A_245 = arith.constant 0 : index
    %get3A_246 = vector.load %arg10[%get3A_244, %get3A_245] : memref<1x256xf32, #tpu.memory_space<vmem>>, vector<1x256xf32>
    %add3A_247 = vector.broadcast %get3A_246 : vector<1x256xf32> to vector<1024x256xf32>
    %add3A_248 = arith.addf %dot_general3A_243, %add3A_247 : vector<1024x256xf32>
    %ge3A_249 = arith.constant 0.000000e+00 : f32
    %ge3A_250 = vector.broadcast %ge3A_249 : f32 to vector<1024x256xf32>
    %ge3A_251 = arith.cmpf oge, %add3A_248, %ge3A_250 : vector<1024x256xf32>
    %mul3A_252 = arith.constant 2.000000e-01 : f32
    %mul3A_253 = vector.broadcast %mul3A_252 : f32 to vector<1024x256xf32>
    %mul3A_254 = arith.mulf %mul3A_253, %add3A_248 : vector<1024x256xf32>
    %select_n3A_255 = arith.select %ge3A_251, %add3A_248, %mul3A_254 : vector<1024x256xi1>, vector<1024x256xf32>
    %get3A_256 = arith.constant 0 : index
    %get3A_257 = arith.constant 0 : index
    %get3A_258 = vector.load %arg11[%get3A_256, %get3A_257] : memref<256x16xf32, #tpu.memory_space<vmem>>, vector<256x16xf32>
    %dot_general3A_259 = arith.constant dense<0.000000e+00> : vector<1024x16xf32>
    %dot_general3A_260 = tpu.matmul %select_n3A_255, %get3A_258, %dot_general3A_259 {dimension_numbers = #tpu.dot_dimension_numbers<[1], [0], [0], [1], [0, 0, 1, 1], [], []>, transpose_lhs_hint = false} : vector<1024x256xf32>, vector<256x16xf32>, vector<1024x16xf32> -> vector<1024x16xf32>
    %swap3A_261 = arith.constant 0 : index
    %swap3A_262 = arith.constant 1024 : index
    %swap3A_263 = arith.constant 0 : index
    %swap3A_264 = vector.load %arg12[%swap3A_261, %swap3A_262, %swap3A_263] : memref<1x4096x16xf32, #tpu.memory_space<vmem>>, vector<1x1024x16xf32>
    %swap3A_265 = vector.shape_cast %swap3A_264 : vector<1x1024x16xf32> to vector<1024x16xf32>
    %swap3A_266 = vector.shape_cast %dot_general3A_260 : vector<1024x16xf32> to vector<1x1024x16xf32>
    tpu.vector_store %arg12[%swap3A_261, %swap3A_262, %swap3A_263], %swap3A_266 {strides = array<i32>} : memref<1x4096x16xf32, #tpu.memory_space<vmem>>, vector<1x1024x16xf32>,
    %get3A_267 = arith.constant 0 : index
    %get3A_268 = arith.constant 2048 : index
    %get3A_269 = arith.constant 0 : index
    %get3A_270 = vector.load %arg1[%get3A_267, %get3A_268, %get3A_269] : memref<1x4096x64xf32, #tpu.memory_space<vmem>>, vector<1x1024x64xf32>
    %get3A_271 = vector.shape_cast %get3A_270 : vector<1x1024x64xf32> to vector<1024x64xf32>
    %get3A_272 = arith.constant 0 : index
    %get3A_273 = arith.constant 2048 : index
    %get3A_274 = arith.constant 0 : index
    %get3A_275 = vector.load %arg2[%get3A_272, %get3A_273, %get3A_274] : memref<1x4096x64xf32, #tpu.memory_space<vmem>>, vector<1x1024x64xf32>
    %get3A_276 = vector.shape_cast %get3A_275 : vector<1x1024x64xf32> to vector<1024x64xf32>
    %get3A_277 = arith.constant 0 : index
    %get3A_278 = arith.constant 2048 : index
    %get3A_279 = arith.constant 0 : index
    %get3A_280 = vector.load %arg3[%get3A_277, %get3A_278, %get3A_279] : memref<1x4096x64xf32, #tpu.memory_space<vmem>>, vector<1x1024x64xf32>
    %get3A_281 = vector.shape_cast %get3A_280 : vector<1x1024x64xf32> to vector<1024x64xf32>
    %concatenate3A_282 = tpu.concatenate %get3A_271, %get3A_276, %get3A_281 in 1 : vector<1024x64xf32>, vector<1024x64xf32>, vector<1024x64xf32> -> vector<1024x192xf32>
    %get3A_283 = arith.constant 0 : index
    %get3A_284 = arith.constant 0 : index
    %get3A_285 = vector.load %arg7[%get3A_283, %get3A_284] : memref<192x512xf32, #tpu.memory_space<vmem>>, vector<192x512xf32>
    %dot_general3A_286 = arith.constant dense<0.000000e+00> : vector<1024x512xf32>
    %dot_general3A_287 = tpu.matmul %concatenate3A_282, %get3A_285, %dot_general3A_286 {dimension_numbers = #tpu.dot_dimension_numbers<[1], [0], [0], [1], [0, 0, 1, 1], [], []>, transpose_lhs_hint = false} : vector<1024x192xf32>, vector<192x512xf32>, vector<1024x512xf32> -> vector<1024x512xf32>
    %add3A_288 = vector.broadcast %dot_general3A_141 : vector<1x512xf32> to vector<1024x512xf32>
    %add3A_289 = arith.addf %dot_general3A_287, %add3A_288 : vector<1024x512xf32>
    %get3A_290 = arith.constant 0 : index
    %get3A_291 = arith.constant 0 : index
    %get3A_292 = vector.load %arg8[%get3A_290, %get3A_291] : memref<1x512xf32, #tpu.memory_space<vmem>>, vector<1x512xf32>
    %add3A_293 = vector.broadcast %get3A_292 : vector<1x512xf32> to vector<1024x512xf32>
    %add3A_294 = arith.addf %add3A_289, %add3A_293 : vector<1024x512xf32>
    %ge3A_295 = arith.constant 0.000000e+00 : f32
    %ge3A_296 = vector.broadcast %ge3A_295 : f32 to vector<1024x512xf32>
    %ge3A_297 = arith.cmpf oge, %add3A_294, %ge3A_296 : vector<1024x512xf32>
    %mul3A_298 = arith.constant 2.000000e-01 : f32
    %mul3A_299 = vector.broadcast %mul3A_298 : f32 to vector<1024x512xf32>
    %mul3A_300 = arith.mulf %mul3A_299, %add3A_294 : vector<1024x512xf32>
    %select_n3A_301 = arith.select %ge3A_297, %add3A_294, %mul3A_300 : vector<1024x512xi1>, vector<1024x512xf32>
    %get3A_302 = arith.constant 0 : index
    %get3A_303 = arith.constant 0 : index
    %get3A_304 = vector.load %arg9[%get3A_302, %get3A_303] : memref<512x256xf32, #tpu.memory_space<vmem>>, vector<512x256xf32>
    %dot_general3A_305 = arith.constant dense<0.000000e+00> : vector<1024x256xf32>
    %dot_general3A_306 = tpu.matmul %select_n3A_301, %get3A_304, %dot_general3A_305 {dimension_numbers = #tpu.dot_dimension_numbers<[1], [0], [0], [1], [0, 0, 1, 1], [], []>, transpose_lhs_hint = false} : vector<1024x512xf32>, vector<512x256xf32>, vector<1024x256xf32> -> vector<1024x256xf32>
    %get3A_307 = arith.constant 0 : index
    %get3A_308 = arith.constant 0 : index
    %get3A_309 = vector.load %arg10[%get3A_307, %get3A_308] : memref<1x256xf32, #tpu.memory_space<vmem>>, vector<1x256xf32>
    %add3A_310 = vector.broadcast %get3A_309 : vector<1x256xf32> to vector<1024x256xf32>
    %add3A_311 = arith.addf %dot_general3A_306, %add3A_310 : vector<1024x256xf32>
    %ge3A_312 = arith.constant 0.000000e+00 : f32
    %ge3A_313 = vector.broadcast %ge3A_312 : f32 to vector<1024x256xf32>
    %ge3A_314 = arith.cmpf oge, %add3A_311, %ge3A_313 : vector<1024x256xf32>
    %mul3A_315 = arith.constant 2.000000e-01 : f32
    %mul3A_316 = vector.broadcast %mul3A_315 : f32 to vector<1024x256xf32>
    %mul3A_317 = arith.mulf %mul3A_316, %add3A_311 : vector<1024x256xf32>
    %select_n3A_318 = arith.select %ge3A_314, %add3A_311, %mul3A_317 : vector<1024x256xi1>, vector<1024x256xf32>
    %get3A_319 = arith.constant 0 : index
    %get3A_320 = arith.constant 0 : index
    %get3A_321 = vector.load %arg11[%get3A_319, %get3A_320] : memref<256x16xf32, #tpu.memory_space<vmem>>, vector<256x16xf32>
    %dot_general3A_322 = arith.constant dense<0.000000e+00> : vector<1024x16xf32>
    %dot_general3A_323 = tpu.matmul %select_n3A_318, %get3A_321, %dot_general3A_322 {dimension_numbers = #tpu.dot_dimension_numbers<[1], [0], [0], [1], [0, 0, 1, 1], [], []>, transpose_lhs_hint = false} : vector<1024x256xf32>, vector<256x16xf32>, vector<1024x16xf32> -> vector<1024x16xf32>
    %swap3A_324 = arith.constant 0 : index
    %swap3A_325 = arith.constant 2048 : index
    %swap3A_326 = arith.constant 0 : index
    %swap3A_327 = vector.load %arg12[%swap3A_324, %swap3A_325, %swap3A_326] : memref<1x4096x16xf32, #tpu.memory_space<vmem>>, vector<1x1024x16xf32>
    %swap3A_328 = vector.shape_cast %swap3A_327 : vector<1x1024x16xf32> to vector<1024x16xf32>
    %swap3A_329 = vector.shape_cast %dot_general3A_323 : vector<1024x16xf32> to vector<1x1024x16xf32>
    tpu.vector_store %arg12[%swap3A_324, %swap3A_325, %swap3A_326], %swap3A_329 {strides = array<i32>} : memref<1x4096x16xf32, #tpu.memory_space<vmem>>, vector<1x1024x16xf32>,
    %get3A_330 = arith.constant 0 : index
    %get3A_331 = arith.constant 3072 : index
    %get3A_332 = arith.constant 0 : index
    %get3A_333 = vector.load %arg1[%get3A_330, %get3A_331, %get3A_332] : memref<1x4096x64xf32, #tpu.memory_space<vmem>>, vector<1x1024x64xf32>
    %get3A_334 = vector.shape_cast %get3A_333 : vector<1x1024x64xf32> to vector<1024x64xf32>
    %get3A_335 = arith.constant 0 : index
    %get3A_336 = arith.constant 3072 : index
    %get3A_337 = arith.constant 0 : index
    %get3A_338 = vector.load %arg2[%get3A_335, %get3A_336, %get3A_337] : memref<1x4096x64xf32, #tpu.memory_space<vmem>>, vector<1x1024x64xf32>
    %get3A_339 = vector.shape_cast %get3A_338 : vector<1x1024x64xf32> to vector<1024x64xf32>
    %get3A_340 = arith.constant 0 : index
    %get3A_341 = arith.constant 3072 : index
    %get3A_342 = arith.constant 0 : index
    %get3A_343 = vector.load %arg3[%get3A_340, %get3A_341, %get3A_342] : memref<1x4096x64xf32, #tpu.memory_space<vmem>>, vector<1x1024x64xf32>
    %get3A_344 = vector.shape_cast %get3A_343 : vector<1x1024x64xf32> to vector<1024x64xf32>
    %concatenate3A_345 = tpu.concatenate %get3A_334, %get3A_339, %get3A_344 in 1 : vector<1024x64xf32>, vector<1024x64xf32>, vector<1024x64xf32> -> vector<1024x192xf32>
    %get3A_346 = arith.constant 0 : index
    %get3A_347 = arith.constant 0 : index
    %get3A_348 = vector.load %arg7[%get3A_346, %get3A_347] : memref<192x512xf32, #tpu.memory_space<vmem>>, vector<192x512xf32>
    %dot_general3A_349 = arith.constant dense<0.000000e+00> : vector<1024x512xf32>
    %dot_general3A_350 = tpu.matmul %concatenate3A_345, %get3A_348, %dot_general3A_349 {dimension_numbers = #tpu.dot_dimension_numbers<[1], [0], [0], [1], [0, 0, 1, 1], [], []>, transpose_lhs_hint = false} : vector<1024x192xf32>, vector<192x512xf32>, vector<1024x512xf32> -> vector<1024x512xf32>
    %add3A_351 = vector.broadcast %dot_general3A_141 : vector<1x512xf32> to vector<1024x512xf32>
    %add3A_352 = arith.addf %dot_general3A_350, %add3A_351 : vector<1024x512xf32>
    %get3A_353 = arith.constant 0 : index
    %get3A_354 = arith.constant 0 : index
    %get3A_355 = vector.load %arg8[%get3A_353, %get3A_354] : memref<1x512xf32, #tpu.memory_space<vmem>>, vector<1x512xf32>
    %add3A_356 = vector.broadcast %get3A_355 : vector<1x512xf32> to vector<1024x512xf32>
    %add3A_357 = arith.addf %add3A_352, %add3A_356 : vector<1024x512xf32>
    %ge3A_358 = arith.constant 0.000000e+00 : f32
    %ge3A_359 = vector.broadcast %ge3A_358 : f32 to vector<1024x512xf32>
    %ge3A_360 = arith.cmpf oge, %add3A_357, %ge3A_359 : vector<1024x512xf32>
    %mul3A_361 = arith.constant 2.000000e-01 : f32
    %mul3A_362 = vector.broadcast %mul3A_361 : f32 to vector<1024x512xf32>
    %mul3A_363 = arith.mulf %mul3A_362, %add3A_357 : vector<1024x512xf32>
    %select_n3A_364 = arith.select %ge3A_360, %add3A_357, %mul3A_363 : vector<1024x512xi1>, vector<1024x512xf32>
    %get3A_365 = arith.constant 0 : index
    %get3A_366 = arith.constant 0 : index
    %get3A_367 = vector.load %arg9[%get3A_365, %get3A_366] : memref<512x256xf32, #tpu.memory_space<vmem>>, vector<512x256xf32>
    %dot_general3A_368 = arith.constant dense<0.000000e+00> : vector<1024x256xf32>
    %dot_general3A_369 = tpu.matmul %select_n3A_364, %get3A_367, %dot_general3A_368 {dimension_numbers = #tpu.dot_dimension_numbers<[1], [0], [0], [1], [0, 0, 1, 1], [], []>, transpose_lhs_hint = false} : vector<1024x512xf32>, vector<512x256xf32>, vector<1024x256xf32> -> vector<1024x256xf32>
    %get3A_370 = arith.constant 0 : index
    %get3A_371 = arith.constant 0 : index
    %get3A_372 = vector.load %arg10[%get3A_370, %get3A_371] : memref<1x256xf32, #tpu.memory_space<vmem>>, vector<1x256xf32>
    %add3A_373 = vector.broadcast %get3A_372 : vector<1x256xf32> to vector<1024x256xf32>
    %add3A_374 = arith.addf %dot_general3A_369, %add3A_373 : vector<1024x256xf32>
    %ge3A_375 = arith.constant 0.000000e+00 : f32
    %ge3A_376 = vector.broadcast %ge3A_375 : f32 to vector<1024x256xf32>
    %ge3A_377 = arith.cmpf oge, %add3A_374, %ge3A_376 : vector<1024x256xf32>
    %mul3A_378 = arith.constant 2.000000e-01 : f32
    %mul3A_379 = vector.broadcast %mul3A_378 : f32 to vector<1024x256xf32>
    %mul3A_380 = arith.mulf %mul3A_379, %add3A_374 : vector<1024x256xf32>
    %select_n3A_381 = arith.select %ge3A_377, %add3A_374, %mul3A_380 : vector<1024x256xi1>, vector<1024x256xf32>
    %get3A_382 = arith.constant 0 : index
    %get3A_383 = arith.constant 0 : index
    %get3A_384 = vector.load %arg11[%get3A_382, %get3A_383] : memref<256x16xf32, #tpu.memory_space<vmem>>, vector<256x16xf32>
    %dot_general3A_385 = arith.constant dense<0.000000e+00> : vector<1024x16xf32>
    %dot_general3A_386 = tpu.matmul %select_n3A_381, %get3A_384, %dot_general3A_385 {dimension_numbers = #tpu.dot_dimension_numbers<[1], [0], [0], [1], [0, 0, 1, 1], [], []>, transpose_lhs_hint = false} : vector<1024x256xf32>, vector<256x16xf32>, vector<1024x16xf32> -> vector<1024x16xf32>
    %swap3A_387 = arith.constant 0 : index
    %swap3A_388 = arith.constant 3072 : index
    %swap3A_389 = arith.constant 0 : index
    %swap3A_390 = vector.load %arg12[%swap3A_387, %swap3A_388, %swap3A_389] : memref<1x4096x16xf32, #tpu.memory_space<vmem>>, vector<1x1024x16xf32>
    %swap3A_391 = vector.shape_cast %swap3A_390 : vector<1x1024x16xf32> to vector<1024x16xf32>
    %swap3A_392 = vector.shape_cast %dot_general3A_386 : vector<1024x16xf32> to vector<1x1024x16xf32>
    tpu.vector_store %arg12[%swap3A_387, %swap3A_388, %swap3A_389], %swap3A_392 {strides = array<i32>} : memref<1x4096x16xf32, #tpu.memory_space<vmem>>, vector<1x1024x16xf32>,
    return
  }
  func.func @transform_0(%arg0: i32) -> (i32, i32, i32) {
    %c0_i32 = arith.constant 0 : i32
    %c0_i32_0 = arith.constant 0 : i32
    %c0_i32_1 = arith.constant 0 : i32
    return %arg0, %c0_i32, %c0_i32_0 : i32, i32, i32
  }
  func.func @transform_1(%arg0: i32) -> (i32, i32, i32) {
    %c0_i32 = arith.constant 0 : i32
    %c0_i32_0 = arith.constant 0 : i32
    %c0_i32_1 = arith.constant 0 : i32
    return %arg0, %c0_i32, %c0_i32_0 : i32, i32, i32
  }
  func.func @transform_2(%arg0: i32) -> (i32, i32, i32) {
    %c0_i32 = arith.constant 0 : i32
    %c0_i32_0 = arith.constant 0 : i32
    %c0_i32_1 = arith.constant 0 : i32
    return %arg0, %c0_i32, %c0_i32_0 : i32, i32, i32
  }
  func.func @transform_3(%arg0: i32) -> (i32, i32) {
    %c0_i32 = arith.constant 0 : i32
    %c0_i32_0 = arith.constant 0 : i32
    %c0_i32_1 = arith.constant 0 : i32
    return %c0_i32, %c0_i32_0 : i32, i32
  }
  func.func @transform_4(%arg0: i32) -> (i32, i32) {
    %c0_i32 = arith.constant 0 : i32
    %c0_i32_0 = arith.constant 0 : i32
    %c0_i32_1 = arith.constant 0 : i32
    return %c0_i32, %c0_i32_0 : i32, i32
  }
  func.func @transform_5(%arg0: i32) -> (i32, i32) {
    %c0_i32 = arith.constant 0 : i32
    %c0_i32_0 = arith.constant 0 : i32
    %c0_i32_1 = arith.constant 0 : i32
    return %c0_i32, %c0_i32_0 : i32, i32
  }
  func.func @transform_6(%arg0: i32) -> (i32, i32) {
    %c0_i32 = arith.constant 0 : i32
    %c0_i32_0 = arith.constant 0 : i32
    %c0_i32_1 = arith.constant 0 : i32
    return %c0_i32, %c0_i32_0 : i32, i32
  }
  func.func @transform_7(%arg0: i32) -> (i32, i32) {
    %c0_i32 = arith.constant 0 : i32
    %c0_i32_0 = arith.constant 0 : i32
    %c0_i32_1 = arith.constant 0 : i32
    return %c0_i32, %c0_i32_0 : i32, i32
  }
  func.func @transform_8(%arg0: i32) -> (i32, i32) {
    %c0_i32 = arith.constant 0 : i32
    %c0_i32_0 = arith.constant 0 : i32
    %c0_i32_1 = arith.constant 0 : i32
    return %c0_i32, %c0_i32_0 : i32, i32
  }
  func.func @transform_9(%arg0: i32) -> (i32, i32) {
    %c0_i32 = arith.constant 0 : i32
    %c0_i32_0 = arith.constant 0 : i32
    %c0_i32_1 = arith.constant 0 : i32
    return %c0_i32, %c0_i32_0 : i32, i32
  }
  func.func @transform_10(%arg0: i32) -> (i32, i32) {
    %c0_i32 = arith.constant 0 : i32
    %c0_i32_0 = arith.constant 0 : i32
    %c0_i32_1 = arith.constant 0 : i32
    return %c0_i32, %c0_i32_0 : i32, i32
  }
  func.func @transform_11(%arg0: i32) -> (i32, i32, i32) {
    %c0_i32 = arith.constant 0 : i32
    %c0_i32_0 = arith.constant 0 : i32
    %c0_i32_1 = arith.constant 0 : i32
    return %arg0, %c0_i32, %c0_i32_0 : i32, i32, i32
  }
}

</mosaic_0001>

<sc_bundles>
// kernel: kernel.12.cloned.1.call-start
scs
__scs_entry_jumppad:
0x0: {  	(pc) =	sbr.rel $0x88, $3  }
0x1: {  	(tag) =	ssettag $0x0;
	lr =	simm.s32 $0x1  }
0x2: {  	[smem:$0x3F87] =	sst lr;
	_ =	strace $0xD0000000  }
0x3: {  	_ = 	snop  }
0x4: {  	_ = 	snop  }
0x5: {  	_ = 	snop  }
0x6: {  	_ = 	snop  }
0x7: {  	_ = 	snop  }
__scs_overlays_trampoline_lowered:
0x8: {  	[smem:$0x3F96] =	sst s0  }
0x9: {  	[smem:$0x3F97] =	sst s1  }
0xa: {  	[smem:$0x3F98] =	sst s2  }
0xb: {  	[smem:$0x3F99] =	sst s3  }
0xc: {  	[smem:$0x3F9A] =	sst s4  }
0xd: {  	[smem:$0x3F9B] =	sst s5  }
0xe: {  	[smem:$0x3F9C] =	sst s6  }
0xf: {  	[smem:$0x3F9D] =	sst s7  }
0x10: {  	[smem:$0x3F9E] =	sst s8  }
0x11: {  	[smem:$0x3F9F] =	sst s9;
	s0 =	simm.s32 @!p0 $0x0  }
0x12: {  	s1 =	sld [smem:$0x3F85];
	s0 =	simm.s32 @p0 $0x1  }
0x13: {  	[smem:$0x3FA0] =	sst s0;
	s0 =	simm.s32 @!p1 $0x0  }
0x14: {  	s2 =	sld [smem:$0x3F84];
	s0 =	simm.s32 @p1 $0x1  }
0x15: {  	[smem:$0x3FA1] =	sst s0;
	s0 =	simm.s32 @!p2 $0x0  }
0x16: {  	s3 =	sld [smem:$0x3FDB];
	s0 =	simm.s32 @p2 $0x1  }
0x17: {  	s4 =	simm.s32 $0x1BF5;
	[smem:$0x3FA3] =	sst s0  }
0x18: {  	s0 =	sld [smem:$0x3F86];
	_ =	swait.ge [sflag:s4], $0x0  }
0x19: {  	s7 =	sld [smem:$0x3F87]  }
0x1a: {  	s8 =	sadd.s32 $0xFFFFE003, lr  }
0x1b: {  	s9 =	sadd.s32 $0xFFFFFEF7, lr;
	s5 =	simm.s32 $0xFFFFFFFF;
	p2 =	slt.u32 s8, $0xFFFFF086  }
0x1c: {  	p1 =	slt.u32 s9, $0xF7A;
	s5 =	simm.s32 @!p2 $0x0  }
0x1d: {  	s5 =	simm.s32 @p1 $0x1;
	p0 =	seq.s32 s7, s2  }
0x1e: {  	s7 =	smul.u32 @!p0 $0xF7A, s2;
	p2 =	seq.s32 @!p0 s5, $0x0  }
0x1f: {  	s9 =	smul.u32 $0xF7A, s1;
	s8 =	simm.s32 @!p0 $0x1BF5;
	p2 =	por !p2, p0  }
0x20: {  	[sflag:s8] =	ssyncset.s32 @!p0 $0xFFFFF086;
	s6 =	sadd.s32 @!p0 s3, s7;
	s7 =	simm.s32 @!p0 $0x108  }
0x21: {  	s3 =	sadd.s32 s3, s9;
	s6 =	sadd.s32 @!p0 $0x88, s6;
	s7 =	simm.s32 @p2 $0x1082  }
0x22: {  	[simem:s7], [sflag:s8] =	dma.local @!p0 [hbm:s6], $0xF7A  }
0x23: {  	s9 =	sor.u32 $0xD0000000, s2;
	s6 =	simm.s32 $0x108;
	_ =	swait.ge @!p0 [sflag:s8], $0x0  }
0x24: {  	s3 =	sadd.s32 $0x88, s3;
	s6 =	simm.s32 @!p1 $0x1082;
	[sflag:s4] =	ssyncset.s32 $0xFFFFF086  }
0x25: {  	[simem:s6], [sflag:s4] =	dma.local [hbm:s3], $0xF7A  }
0x26: {  	[smem:$0x3F87] =	sst s1;
	(tag) =	ssettag s2;
	_ =	strace s9  }
0x27: {  	s1 =	sld [smem:$0x3F97]  }
0x28: {  	s2 =	sld [smem:$0x3F98]  }
0x29: {  	s4 =	sld [smem:$0x3F9A]  }
0x2a: {  	p0 =	seq.s32 s5, $0x0;
	s5 =	sld [smem:$0x3F9B]  }
0x2b: {  	s6 =	sld [smem:$0x3F9C]  }
0x2c: {  	s7 =	sld [smem:$0x3F9D]  }
0x2d: {  	s3 =	simm.s32 $0x108;
	s8 =	sld [smem:$0x3F9E]  }
0x2e: {  	s3 =	simm.s32 @!p0 $0x1082;
	s9 =	sld [smem:$0x3F9F]  }
0x2f: {  	lr =	sadd.s32 s0, s3;
	s0 =	sld [smem:$0x3F96]  }
0x30: {  	s3 =	sld [smem:$0x3F99]  }
0x31: {  	[smem:$0x3FA2] =	sst s10  }
0x32: {  	s10 =	sld [smem:$0x3FA0];
	_ =	sdelay $0x3  }
0x33: {  	p0 =	seq.s32 s10, $0x1;
	s10 =	sld [smem:$0x3FA2];
	_ =	sdelay $0x3  }
0x34: {  	[smem:$0x3FA2] =	sst s10  }
0x35: {  	s10 =	sld [smem:$0x3FA1];
	_ =	sdelay $0x3  }
0x36: {  	p1 =	seq.s32 s10, $0x1;
	s10 =	sld [smem:$0x3FA2];
	_ =	sdelay $0x3  }
0x37: {  	[smem:$0x3FA2] =	sst s10  }
0x38: {  	s10 =	sld [smem:$0x3FA3]  }
0x39: {  	_ = 	snop;
	(pc) =	sbr.ind lr, $3  }
0x3a: {  	_ = 	snop  }
0x3b: {  	_ = 	snop  }
0x3c: {  	p2 =	seq.s32 s10, $0x1;
	s10 =	sld [smem:$0x3FA2]  }
0x3d: {  	_ =	shalt  }
0x3e: {  	_ =	shalt  }
0x3f: {  	_ =	shalt  }
0x40: {  	_ =	shalt  }
0x41: {  	_ =	shalt  }
0x42: {  	_ =	shalt  }
0x43: {  	_ =	shalt  }
0x44: {  	_ =	shalt  }
0x45: {  	_ =	shalt  }
0x46: {  	_ =	shalt  }
0x47: {  	_ =	shalt  }
0x48: {  	_ =	shalt  }
0x49: {  	_ =	shalt  }
0x4a: {  	_ =	shalt  }
0x4b: {  	_ =	shalt  }
0x4c: {  	_ =	shalt  }
0x4d: {  	_ =	shalt  }
0x4e: {  	_ =	shalt  }
0x4f: {  	_ =	shalt  }
0x50: {  	_ =	shalt  }
0x51: {  	_ =	shalt  }
0x52: {  	_ =	shalt  }
0x53: {  	_ =	shalt  }
0x54: {  	_ =	shalt  }
0x55: {  	_ =	shalt  }
0x56: {  	_ =	shalt  }
0x57: {  	_ =	shalt  }
0x58: {  	_ =	shalt  }
0x59: {  	_ =	shalt  }
0x5a: {  	_ =	shalt  }
0x5b: {  	_ =	shalt  }
0x5c: {  	_ =	shalt  }
0x5d: {  	_ =	shalt  }
0x5e: {  	_ =	shalt  }
0x5f: {  	_ =	shalt  }
0x60: {  	_ =	shalt  }
0x61: {  	_ =	shalt  }
0x62: {  	_ =	shalt  }
0x63: {  	_ =	shalt  }
0x64: {  	_ =	shalt  }
0x65: {  	_ =	shalt  }
0x66: {  	_ =	shalt  }
0x67: {  	_ =	shalt  }
0x68: {  	_ =	shalt  }
0x69: {  	_ =	shalt  }
0x6a: {  	_ =	shalt  }
0x6b: {  	_ =	shalt  }
0x6c: {  	_ =	shalt  }
0x6d: {  	_ =	shalt  }
0x6e: {  	_ =	shalt  }
0x6f: {  	_ =	shalt  }
0x70: {  	_ =	shalt  }
0x71: {  	_ =	shalt  }
0x72: {  	_ =	shalt  }
0x73: {  	_ =	shalt  }
0x74: {  	_ =	shalt  }
0x75: {  	_ =	shalt  }
0x76: {  	_ =	shalt  }
0x77: {  	_ =	shalt  }
0x78: {  	_ =	shalt  }
0x79: {  	_ =	shalt  }
0x7a: {  	_ =	shalt  }
0x7b: {  	_ =	shalt  }
0x7c: {  	_ =	shalt  }
0x7d: {  	_ =	shalt  }
0x7e: {  	_ =	shalt  }
0x7f: {  	_ =	shalt  }
0x80: {  	_ =	shalt  }
0x81: {  	_ =	shalt  }
0x82: {  	_ =	shalt  }
0x83: {  	_ =	shalt  }
0x84: {  	_ =	shalt  }
0x85: {  	_ =	shalt  }
0x86: {  	_ =	shalt  }
0x87: {  	_ =	shalt  }
.Lfunc_end0:
.L_simem_size_0:
called_computation_lowered:
.L_overlay_start_0:
0x88: {  	s2 =	sld [smem:$0x3FD9]  }
0x89: {  	s3 =	sld [smem:$0x3FFE];
	_ =	sdelay $0x1  }
0x8a: {  	s1 =	srdreg.scid  }
0x8b: {  	s0 =	sand.u32 $0x1, s1  }
0x8c: {  	s16 =	sshll.u32 s0, $0xA;
	s2 =	sadd.s32 s3, s2  }
0x8d: {  	s2 =	sadd.s32 s2, s16  }
0x8e: {  	[smem:$0x3FAE] =	sst s2  }
0x8f: {  	_ = 	snop  }
0x90: {  	(tm) =	ssettm $0x1  }
0x91: {  	s17 =	sld [smem:$0x3FFB];
	_ =	sdelay $0x3  }
0x92: {  	_ =	strace s17  }
0x93: {  	s2 =	sld [smem:$0x3FFC];
	_ =	sdelay $0x3  }
0x94: {  	_ =	strace s2  }
0x95: {  	s2 =	sld [smem:$0x3FFD];
	_ =	sdelay $0x3  }
0x96: {  	_ =	strace s2  }
0x97: {  	_ =	strace $0x8FFFFFFF  }
0x98: {  	s18 =	sld [smem:$0x3FDB];
	_ =	sdelay $0x1  }
0x99: {  	s19 =	simm.s32 $_scs_section_size  }
0x9a: {  	s4 =	simm.s32 $_size__tile_overlayer_lowered;
	s5 =	simm.s32 $_tile_overlayer_lowered  }
0x9b: {  	s22 =	simm.s32 $0x1BFF;
	s21 =	sshll.u32 s5, $0x1;
	s2 =	sadd.s32 s19, s18  }
0x9c: {  	s6 =	simm.s32 $0x0;
	s20 =	sshll.u32 s4, $0x1;
	s4 =	sadd.s32 s21, s2  }
0x9d: {  	[timem:s6], [sflag:s22] =	dma.local [hbm:s4], s20  }
0x9e: {  	_ =	swait.ge [sflag:s22], s20  }
0x9f: {  	s3 =	ssub.s32 $0x0, s20;
	[sflag:s22] =	ssyncset.done $0x0  }
0xa0: {  	[sflag:s22] =	ssyncadd.s32 s3;
	_ =	sdelay $0x1  }
0xa1: {  	s23 =	simm.s32 $0x1B8B  }
0xa2: {  	_ =	swait.ge [sflag:s23], $0x1  }
0xa3: {  	[sflag:s23] =	ssyncset.done $0x0  }
0xa4: {  	s25 =	simm.s32 $0x1B8E;
	s24 =	sld [smem:$0x3FFE];
	[sflag:s23] =	ssyncadd.s32 $0xFFFFFFFF  }
0xa5: {  	s26 =	simm.s32 $execute0_lowered;
	[smem:$0x3FD2] =	sst s25  }
0xa6: {  	s4 =	sshll.u32 s26, $0x1;
	_ =	strace $0x80000046;
	[dreg:$0x1] =	wrdreg $0xFFFFFFFF  }
0xa7: {  	s28 =	simm.s32 $_size_execute0_lowered;
	s2 =	sadd.s32 s2, s4;
	[dreg:$0x0] =	wrdreg $0x0  }
0xa8: {  	s4 =	sshll.u32 s28, $0x1;
	[dreg:$0x2] =	wrdreg s2  }
0xa9: {  	[dreg:$0x3] =	wrdreg s4  }
0xaa: {  	[dreg:$0x4] =	wrdreg $0xC0  }
0xab: {  	_ =	task [dreg:s6], $0x5FFFF  }
0xac: {  	[dreg:$0x1] =	wrdreg $0xFFFFFFFF  }
0xad: {  	[dreg:$0x0] =	wrdreg $0x60  }
0xae: {  	[dreg:$0x2] =	wrdreg s24  }
0xaf: {  	[dreg:$0x3] =	wrdreg $0x9  }
0xb0: {  	_ =	task.clear_ibuf [dreg:s6], $0x4FFFF;
	_ =	strace $0x90000046  }
0xb1: {  	s29 =	simm.s32 $0x9;
	_ =	strace $0x80000048  }
0xb2: {  	_ =	swait.ge [sflag:s29], $0x1  }
0xb3: {  	[sflag:s29] =	ssyncadd.s32 $0xFFFFFFFF  }
0xb4: {  	_ =	strace $0x90000048  }
0xb5: {  	_ =	sfence  }
0xb6: {  	s30 =	sld [smem:$0x0];
	_ =	sdelay $0x2  }
0xb7: {  	s31 =	sshll.u32 s1, $0xD;
	s1 =	sshrl.u32 s1, $0x2  }
0xb8: {  	s3 =	sand.u32 $0x4000, s31;
	s1 =	sadd.s32 s1, s30  }
0xb9: {  	s0 =	sor.u32 s3, s0;
	s1 =	sshll.u32 s1, $0x11  }
0xba: {  	s0 =	sor.u32 s1, s0  }
0xbb: {  	s0 =	sadd.s32 $0x8F2B, s0  }
0xbc: {  	[sflag:s0] =	ssyncadd.remote.s32 $0x1  }
0xbd: {  	_ =	sfence.sel $0xFFFF  }
0xbe: {  	[dreg:$0x0] =	wrdreg $0xFFFFFFFF;
	(pc) =	sbr.abs _section_cstart, $3  }
0xbf: {  	[dreg:$0x1] =	wrdreg $0xFFFFFFFF  }
0xc0: {  	_ =	task.clear_ibuf [dreg:s6], $0x2FFFF;
	_ =	strace $0x9FFFFFFF  }
0xc1: {  	(tm) =	ssettm $0x7FFFFFFF  }
tec
execute0_lowered:
.L_overlay_start_1:
0x0: {  	(tag) =	ssettag $0x1  }
0x1: {  	s2 =	rddreg [dreg:$0x0]  }
0x2: {  	s0 =	rddreg [dreg:$0x1];
	s1 =	simm.s32 $0x0  }
0x3: {  	[smem:$0x7FF] =	sst s1;
	s3 =	sadd.s32 $0x4E00, s2  }
0x4: {  	s4 =	sadd.s32 $0x10E00, s2;
	_ =	strace $0x80000047;
	[dreg:$0x2] =	wrdreg s3  }
0x5: {  	s6 =	simm.s32 $0xC00;
	[dreg:$0x3] =	wrdreg s4  }
0x6: {  	s18 =	simm.s32 $0x100;
	[dreg:$0x4] =	wrdreg s6  }
0x7: {  	s5 =	srdreg.scid;
	s19 =	simm.s32 $0x1400;
	[dreg:$0x5] =	wrdreg s18  }
0x8: {  	s20 =	simm.s32 $0x180;
	s22 =	simm.s32 $0x1C00;
	[dreg:$0x6] =	wrdreg s19  }
0x9: {  	s23 =	simm.s32 $0x200;
	s24 =	simm.s32 $0x2400;
	[dreg:$0x7] =	wrdreg s20  }
0xa: {  	s25 =	simm.s32 $0x280;
	s26 =	simm.s32 $0x2C00;
	[dreg:$0x8] =	wrdreg s22  }
0xb: {  	s28 =	simm.s32 $0x300;
	s29 =	simm.s32 $0x3400;
	[dreg:$0x9] =	wrdreg s23  }
0xc: {  	s30 =	simm.s32 $0x380;
	s5 =	sand.u32 $0x1, s5;
	[dreg:$0xa] =	wrdreg s24  }
0xd: {  	s3 =	sadd.s32 $0xCE00, s2;
	s2 =	stileid.u32;
	[dreg:$0xb] =	wrdreg s25  }
0xe: {  	s31 =	simm.s32 $0x3C00;
	s8 =	smul.u32 $0x1400, s5;
	[dreg:$0xc] =	wrdreg s26  }
0xf: {  	s11 =	simm.s32 $0x0;
	s10 =	smul.u32 $0x5, s5;
	[dreg:$0xd] =	wrdreg s28  }
0x10: {  	s17 =	ssub.s32 $0x2, s5;
	[dreg:$0xe] =	wrdreg s29;
	s21 =	smul.u32 $0x2800, s2  }
0x11: {  	[dreg:$0xf] =	wrdreg s30;
	s7 =	sshrl.u32 s17, $0x1;
	s9 =	smul.u32 $0xA, s2  }
0x12: {  	[dreg:$0x10] =	wrdreg s31;
	s4 =	ssub.s32 s17, s7;
	s7 =	simm.s32 $0x2  }
0x13: {  	s4 =	smax.u32 s4, $0x1;
	s5 =	sadd.s32 s8, s21;
	s6 =	sadd.s32 s10, s9  }
0x14: {  	s8 =	simm.s32 $0x80;
	s9 =	simm.s32 $0x400;
	s10 =	simm.s32 $0x1  }
.LBB2_1:
0x15: {  	s12 =	smulhi.u32 $0xCCCCCCCD, s6;
	_ =	sdelay $0x1  }
0x16: {  	s12 =	sshrl.u32 s12, $0x6  }
0x17: {  	s12 =	smul.u32 $0x50, s12  }
0x18: {  	s13 =	sadd.s32 $0x0, s6  }
0x19: {  	s13 =	smulhi.u32 $0xCCCCCCCD, s13;
	s12 =	ssub.s32 s6, s12  }
0x1a: {  	s12 =	sadd.s32 $0x0, s12  }
0x1b: {  	s13 =	sshrl.u32 s13, $0x6;
	s12 =	sshrl.u32 s12, $0x2  }
0x1c: {  	s14 =	sshll.u32 s13, $0x11;
	s15 =	sshll.u32 s12, $0xC  }
0x1d: {  	s16 =	sand.u32 $0xC00, s5;
	s14 =	sor.u32 s14, s15  }
0x1e: {  	s14 =	sor.u32 s16, s14  }
0x1f: {  	s28 =	rddreg [dreg:$0x2];
	s14 =	sshrl.u32 s14, $0x3  }
0x20: {  	s14 =	sadd.s32 s28, s14  }
0x21: {  	[tilespmem:s1], [sflag:$0x2] =	stream.linear.gather [hbm4b:s14+s1], $0x400, $0x38;
	[tilespmem:$0x4400] =	vst v63  }
0x22: {  	_ =	swait.ge [sflag:s7], $0x400  }
0x23: {  	s29 =	rddreg [dreg:$0x7]  }
0x24: {  	s30 =	rddreg [dreg:$0x10]  }
0x25: {  	s17 =	rddreg [dreg:$0x5]  }
0x26: {  	s18 =	rddreg [dreg:$0xc]  }
0x27: {  	s19 =	rddreg [dreg:$0x8];
	[sflag:s7] =	ssyncset.done $0x0  }
0x28: {  	s20 =	rddreg [dreg:$0x4];
	[sflag:s7] =	ssyncadd.s32 $0xFFFFFC00  }
0x29: {  	[tilespmem:s9], [sflag:$0x1] =	stream.indirect.gather [hbm4b:s3+s8], $0x10, s1, s8, $0xb8;
	[tilespmem:$0x4400] =	vst v63  }
0x2a: {  	s21 =	rddreg [dreg:$0x6]  }
0x2b: {  	[tilespmem:s20], [sflag:$0x1] =	stream.indirect.gather [hbm4b:s3+s8], $0x10, s8, s8, $0xb8;
	[tilespmem:$0x4400] =	vst v63  }
0x2c: {  	s22 =	rddreg [dreg:$0xe]  }
0x2d: {  	[tilespmem:s21], [sflag:$0x1] =	stream.indirect.gather [hbm4b:s3+s8], $0x10, s17, s8, $0xb8;
	[tilespmem:$0x4400] =	vst v63  }
0x2e: {  	s31 =	rddreg [dreg:$0xa]  }
0x2f: {  	[tilespmem:s19], [sflag:$0x1] =	stream.indirect.gather [hbm4b:s3+s8], $0x10, s29, s8, $0xb8;
	[tilespmem:$0x4400] =	vst v63  }
0x30: {  	s23 =	rddreg [dreg:$0x9]  }
0x31: {  	[tilespmem:s31], [sflag:$0x1] =	stream.indirect.gather [hbm4b:s3+s8], $0x10, s23, s8, $0xb8;
	[tilespmem:$0x4400] =	vst v63  }
0x32: {  	s24 =	rddreg [dreg:$0xb]  }
0x33: {  	[tilespmem:s18], [sflag:$0x1] =	stream.indirect.gather [hbm4b:s3+s8], $0x10, s24, s8, $0xb8;
	[tilespmem:$0x4400] =	vst v63  }
0x34: {  	s25 =	rddreg [dreg:$0xd]  }
0x35: {  	[tilespmem:s22], [sflag:$0x1] =	stream.indirect.gather [hbm4b:s3+s8], $0x10, s25, s8, $0xb8;
	[tilespmem:$0x4400] =	vst v63  }
0x36: {  	s26 =	rddreg [dreg:$0xf]  }
0x37: {  	[tilespmem:s30], [sflag:$0x1] =	stream.indirect.gather [hbm4b:s3+s8], $0x10, s26, s8, $0xb8;
	[tilespmem:$0x4400] =	vst v63  }
0x38: {  	_ =	swait.ge [sflag:s10], $0x800  }
0x39: {  	[sflag:s10] =	ssyncset.done $0x0  }
0x3a: {  	[sflag:s10] =	ssyncadd.s32 $0xFFFFF800  }
0x3b: {  	_ =	swait.ge [sflag:s10], $0x800  }
0x3c: {  	[sflag:s10] =	ssyncset.done $0x0  }
0x3d: {  	[sflag:s10] =	ssyncadd.s32 $0xFFFFF800  }
0x3e: {  	_ =	swait.ge [sflag:s10], $0x800  }
0x3f: {  	[sflag:s10] =	ssyncset.done $0x0  }
0x40: {  	[sflag:s10] =	ssyncadd.s32 $0xFFFFF800  }
0x41: {  	_ =	swait.ge [sflag:s10], $0x800  }
0x42: {  	[sflag:s10] =	ssyncset.done $0x0  }
0x43: {  	s13 =	smul.u32 $0x140000, s13;
	s12 =	sshll.u32 s12, $0x10;
	[sflag:s10] =	ssyncadd.s32 $0xFFFFF800  }
0x44: {  	s15 =	simm.s32 $0x1;
	s28 =	sadd.s32 $0x1, s6;
	_ =	swait.ge [sflag:s10], $0x800  }
0x45: {  	s16 =	sshll.u32 s16, $0x4;
	s14 =	smulhi.u32 $0xCCCCCCCD, s28;
	[sflag:s10] =	ssyncset.done $0x0  }
0x46: {  	s29 =	sadd.s32 s13, s12;
	s13 =	sadd.s32 $0x1, s6;
	[sflag:s10] =	ssyncadd.s32 $0xFFFFF800  }
0x47: {  	s12 =	sshrl.u32 s14, $0x6;
	s14 =	sadd.s32 $0x400, s5;
	_ =	swait.ge [sflag:s10], $0x800  }
0x48: {  	s16 =	sor.u32 s16, s29;
	s30 =	smulhi.u32 $0xCCCCCCCD, s13;
	[sflag:s10] =	ssyncset.done $0x0  }
0x49: {  	s20 =	sshll.u32 s12, $0x11;
	s17 =	sand.u32 $0xC00, s14;
	[sflag:s10] =	ssyncadd.s32 $0xFFFFF800  }
0x4a: {  	s19 =	sshrl.u32 s16, $0x3;
	s31 =	sshrl.u32 s30, $0x6;
	_ =	swait.ge [sflag:s10], $0x800  }
0x4b: {  	s18 =	simm.s32 $0x2;
	s21 =	smul.u32 $0x50, s31;
	[sflag:s10] =	ssyncset.done $0x0  }
.LBB2_2:
0x4c: {  	s16 =	sadd.s32 s18, s6;
	[sflag:s10] =	ssyncadd.s32 $0xFFFFF800;
	s22 =	smov.u32 s18  }
0x4d: {  	s12 =	smul.u32 $0x140000, s12;
	s21 =	ssub.s32 s6, s21;
	_ =	swait.ge [sflag:s10], $0x800  }
0x4e: {  	s16 =	smulhi.u32 $0xCCCCCCCD, s16;
	s15 =	sadd.s32 s21, s15;
	[sflag:s10] =	ssyncset.done $0x0  }
0x4f: {  	s29 =	rddreg [dreg:$0x3];
	s15 =	sshrl.u32 s15, $0x2;
	[sflag:s10] =	ssyncadd.s32 $0xFFFFF800  }
0x50: {  	s30 =	sadd.s32 s29, s19;
	s23 =	sshll.u32 s15, $0xC;
	s15 =	sshll.u32 s15, $0x10  }
0x51: {  	[hbm4b:s30+s1] =	stream.linear.scatter [tilespmem:s9], [sflag:$0x2], $0x4000, $0x38;
	[tilespmem:$0x4400] =	vst v63  }
0x52: {  	p0 =	sne.s32 s18, $0x4;
	s20 =	sor.u32 s20, s23;
	s15 =	sadd.s32 s12, s15  }
0x53: {  	s12 =	sshrl.u32 s16, $0x6;
	_ =	swait.ge [sflag:s7], $0x4000;
	s20 =	sor.u32 s17, s20  }
0x54: {  	s31 =	rddreg [dreg:$0x2];
	[sflag:s7] =	ssyncset.done $0x0;
	s21 =	sshrl.u32 s20, $0x3  }
0x55: {  	s16 =	sadd.s32 $0x1, s18;
	[sflag:s7] =	ssyncadd.s32 $0xFFFFC000;
	s18 =	sadd.s32 s31, s21  }
0x56: {  	[tilespmem:s1], [sflag:$0x2] =	stream.linear.gather [hbm4b:s18+s1], $0x400, $0x38;
	[tilespmem:$0x4400] =	vst v63  }
0x57: {  	s24 =	sshll.u32 s17, $0x4;
	_ =	swait.ge [sflag:s7], $0x400  }
0x58: {  	s17 =	sor.u32 s24, s15;
	s15 =	smov.u32 s22;
	s22 =	rddreg [dreg:$0x7]  }
0x59: {  	s19 =	rddreg [dreg:$0x10]  }
0x5a: {  	s26 =	rddreg [dreg:$0x5]  }
0x5b: {  	s21 =	rddreg [dreg:$0xc]  }
0x5c: {  	[sflag:s7] =	ssyncset.done $0x0;
	s28 =	rddreg [dreg:$0x8]  }
0x5d: {  	s29 =	rddreg [dreg:$0x4];
	[sflag:s7] =	ssyncadd.s32 $0xFFFFFC00  }
0x5e: {  	[tilespmem:s9], [sflag:$0x1] =	stream.indirect.gather [hbm4b:s3+s8], $0x10, s1, s8, $0xb8;
	[tilespmem:$0x4400] =	vst v63  }
0x5f: {  	s30 =	rddreg [dreg:$0x6]  }
0x60: {  	[tilespmem:s29], [sflag:$0x1] =	stream.indirect.gather [hbm4b:s3+s8], $0x10, s8, s8, $0xb8;
	[tilespmem:$0x4400] =	vst v63  }
0x61: {  	s25 =	rddreg [dreg:$0xe]  }
0x62: {  	[tilespmem:s30], [sflag:$0x1] =	stream.indirect.gather [hbm4b:s3+s8], $0x10, s26, s8, $0xb8;
	[tilespmem:$0x4400] =	vst v63  }
0x63: {  	s31 =	rddreg [dreg:$0xa]  }
0x64: {  	[tilespmem:s28], [sflag:$0x1] =	stream.indirect.gather [hbm4b:s3+s8], $0x10, s22, s8, $0xb8;
	[tilespmem:$0x4400] =	vst v63  }
0x65: {  	s26 =	rddreg [dreg:$0x9]  }
0x66: {  	[tilespmem:s31], [sflag:$0x1] =	stream.indirect.gather [hbm4b:s3+s8], $0x10, s26, s8, $0xb8;
	[tilespmem:$0x4400] =	vst v63  }
0x67: {  	s28 =	rddreg [dreg:$0xb]  }
0x68: {  	[tilespmem:s21], [sflag:$0x1] =	stream.indirect.gather [hbm4b:s3+s8], $0x10, s28, s8, $0xb8;
	[tilespmem:$0x4400] =	vst v63  }
0x69: {  	s29 =	rddreg [dreg:$0xd]  }
0x6a: {  	[tilespmem:s25], [sflag:$0x1] =	stream.indirect.gather [hbm4b:s3+s8], $0x10, s29, s8, $0xb8;
	[tilespmem:$0x4400] =	vst v63  }
0x6b: {  	s30 =	rddreg [dreg:$0xf]  }
0x6c: {  	[tilespmem:s19], [sflag:$0x1] =	stream.indirect.gather [hbm4b:s3+s8], $0x10, s30, s8, $0xb8;
	[tilespmem:$0x4400] =	vst v63  }
0x6d: {  	_ =	swait.ge [sflag:s10], $0x800  }
0x6e: {  	[sflag:s10] =	ssyncset.done $0x0  }
0x6f: {  	[sflag:s10] =	ssyncadd.s32 $0xFFFFF800  }
0x70: {  	_ =	swait.ge [sflag:s10], $0x800  }
0x71: {  	[sflag:s10] =	ssyncset.done $0x0  }
0x72: {  	[sflag:s10] =	ssyncadd.s32 $0xFFFFF800  }
0x73: {  	_ =	swait.ge [sflag:s10], $0x800  }
0x74: {  	[sflag:s10] =	ssyncset.done $0x0  }
0x75: {  	[sflag:s10] =	ssyncadd.s32 $0xFFFFF800  }
0x76: {  	_ =	swait.ge [sflag:s10], $0x800  }
0x77: {  	[sflag:s10] =	ssyncset.done $0x0  }
0x78: {  	[sflag:s10] =	ssyncadd.s32 $0xFFFFF800  }
0x79: {  	_ =	swait.ge [sflag:s10], $0x800  }
0x7a: {  	s13 =	sadd.s32 $0x1, s13;
	[sflag:s10] =	ssyncset.done $0x0  }
0x7b: {  	s31 =	smulhi.u32 $0xCCCCCCCD, s13;
	[sflag:s10] =	ssyncadd.s32 $0xFFFFF800  }
.Ltmp0:
0x7c: {  	_ =	swait.ge [sflag:s10], $0x800;
	(pc) =	sbr.rel @p0 .LBB2_2-.Ltmp0, $4  }
0x7d: {  	s14 =	sadd.s32 $0x400, s14;
	[sflag:s10] =	ssyncset.done $0x0  }
0x7e: {  	s20 =	sshll.u32 s12, $0x11;
	s18 =	sshrl.u32 s31, $0x6;
	[sflag:s10] =	ssyncadd.s32 $0xFFFFF800  }
0x7f: {  	s21 =	smul.u32 $0x50, s18;
	s18 =	smov.u32 s16;
	_ =	swait.ge [sflag:s10], $0x800  }
0x80: {  	s19 =	sshrl.u32 s17, $0x3;
	s17 =	sand.u32 $0xC00, s14;
	[sflag:s10] =	ssyncset.done $0x0  }
0x81: {  	[sflag:s10] =	ssyncadd.s32 $0xFFFFF800;
	s14 =	ssub.s32 s6, s21  }
0x82: {  	_ =	swait.ge [sflag:s10], $0x800;
	s14 =	sadd.s32 s14, s15  }
0x83: {  	s13 =	rddreg [dreg:$0x3];
	[sflag:s10] =	ssyncset.done $0x0;
	s14 =	sshrl.u32 s14, $0x2  }
0x84: {  	[sflag:s10] =	ssyncadd.s32 $0xFFFFF800;
	s13 =	sadd.s32 s13, s19;
	s25 =	sshll.u32 s14, $0xC  }
0x85: {  	[hbm4b:s13+s1] =	stream.linear.scatter [tilespmem:s9], [sflag:$0x2], $0x4000, $0x38;
	[tilespmem:$0x4400] =	vst v63  }
0x86: {  	s13 =	sor.u32 s20, s25  }
0x87: {  	_ =	swait.ge [sflag:s7], $0x4000;
	s13 =	sor.u32 s17, s13  }
0x88: {  	s26 =	rddreg [dreg:$0x2];
	[sflag:s7] =	ssyncset.done $0x0;
	s13 =	sshrl.u32 s13, $0x3  }
0x89: {  	[sflag:s7] =	ssyncadd.s32 $0xFFFFC000;
	s13 =	sadd.s32 s26, s13  }
0x8a: {  	[tilespmem:s1], [sflag:$0x2] =	stream.linear.gather [hbm4b:s13+s1], $0x400, $0x38;
	[tilespmem:$0x4400] =	vst v63  }
0x8b: {  	_ =	swait.ge [sflag:s7], $0x400  }
0x8c: {  	s28 =	rddreg [dreg:$0x7]  }
0x8d: {  	s29 =	rddreg [dreg:$0x10]  }
0x8e: {  	s16 =	rddreg [dreg:$0x5]  }
0x8f: {  	s18 =	rddreg [dreg:$0xc]  }
0x90: {  	[sflag:s7] =	ssyncset.done $0x0;
	s30 =	rddreg [dreg:$0x4]  }
0x91: {  	s31 =	rddreg [dreg:$0x6];
	[sflag:s7] =	ssyncadd.s32 $0xFFFFFC00  }
0x92: {  	[tilespmem:s9], [sflag:$0x1] =	stream.indirect.gather [hbm4b:s3+s8], $0x10, s1, s8, $0xb8;
	[tilespmem:$0x4400] =	vst v63  }
0x93: {  	s21 =	rddreg [dreg:$0x8]  }
0x94: {  	[tilespmem:s30], [sflag:$0x1] =	stream.indirect.gather [hbm4b:s3+s8], $0x10, s8, s8, $0xb8;
	[tilespmem:$0x4400] =	vst v63  }
0x95: {  	s22 =	rddreg [dreg:$0xa]  }
0x96: {  	[tilespmem:s31], [sflag:$0x1] =	stream.indirect.gather [hbm4b:s3+s8], $0x10, s16, s8, $0xb8;
	[tilespmem:$0x4400] =	vst v63  }
0x97: {  	s23 =	rddreg [dreg:$0x9]  }
0x98: {  	[tilespmem:s21], [sflag:$0x1] =	stream.indirect.gather [hbm4b:s3+s8], $0x10, s28, s8, $0xb8;
	[tilespmem:$0x4400] =	vst v63  }
0x99: {  	s24 =	rddreg [dreg:$0xe]  }
0x9a: {  	[tilespmem:s22], [sflag:$0x1] =	stream.indirect.gather [hbm4b:s3+s8], $0x10, s23, s8, $0xb8;
	[tilespmem:$0x4400] =	vst v63  }
0x9b: {  	s25 =	rddreg [dreg:$0xb]  }
0x9c: {  	[tilespmem:s18], [sflag:$0x1] =	stream.indirect.gather [hbm4b:s3+s8], $0x10, s25, s8, $0xb8;
	[tilespmem:$0x4400] =	vst v63  }
0x9d: {  	s26 =	rddreg [dreg:$0xd]  }
0x9e: {  	[tilespmem:s24], [sflag:$0x1] =	stream.indirect.gather [hbm4b:s3+s8], $0x10, s26, s8, $0xb8;
	[tilespmem:$0x4400] =	vst v63  }
0x9f: {  	s28 =	rddreg [dreg:$0xf]  }
0xa0: {  	[tilespmem:s29], [sflag:$0x1] =	stream.indirect.gather [hbm4b:s3+s8], $0x10, s28, s8, $0xb8;
	[tilespmem:$0x4400] =	vst v63  }
0xa1: {  	_ =	swait.ge [sflag:s10], $0x800  }
0xa2: {  	[sflag:s10] =	ssyncset.done $0x0  }
0xa3: {  	[sflag:s10] =	ssyncadd.s32 $0xFFFFF800  }
0xa4: {  	_ =	swait.ge [sflag:s10], $0x800  }
0xa5: {  	[sflag:s10] =	ssyncset.done $0x0  }
0xa6: {  	[sflag:s10] =	ssyncadd.s32 $0xFFFFF800  }
0xa7: {  	_ =	swait.ge [sflag:s10], $0x800  }
0xa8: {  	[sflag:s10] =	ssyncset.done $0x0  }
0xa9: {  	[sflag:s10] =	ssyncadd.s32 $0xFFFFF800  }
0xaa: {  	_ =	swait.ge [sflag:s10], $0x800  }
0xab: {  	[sflag:s10] =	ssyncset.done $0x0  }
0xac: {  	[sflag:s10] =	ssyncadd.s32 $0xFFFFF800  }
0xad: {  	_ =	swait.ge [sflag:s10], $0x800  }
0xae: {  	[sflag:s10] =	ssyncset.done $0x0  }
0xaf: {  	[sflag:s10] =	ssyncadd.s32 $0xFFFFF800  }
0xb0: {  	_ =	swait.ge [sflag:s10], $0x800  }
0xb1: {  	[sflag:s10] =	ssyncset.done $0x0  }
0xb2: {  	[sflag:s10] =	ssyncadd.s32 $0xFFFFF800  }
0xb3: {  	s12 =	smul.u32 $0x140000, s12;
	_ =	swait.ge [sflag:s10], $0x800  }
0xb4: {  	s11 =	sadd.s32 $0x1, s11;
	s29 =	sshll.u32 s14, $0x10;
	[sflag:s10] =	ssyncset.done $0x0  }
0xb5: {  	s30 =	sshll.u32 s17, $0x4;
	s12 =	sadd.s32 s12, s29;
	[sflag:s10] =	ssyncadd.s32 $0xFFFFF800  }
0xb6: {  	p0 =	sne.s32 s11, s4;
	s12 =	sor.u32 s30, s12;
	_ =	swait.ge [sflag:s10], $0x800  }
0xb7: {  	s12 =	sshrl.u32 s12, $0x3;
	s31 =	rddreg [dreg:$0x3];
	[sflag:s10] =	ssyncset.done $0x0  }
.Ltmp1:
0xb8: {  	[sflag:s10] =	ssyncadd.s32 $0xFFFFF800;
	s12 =	sadd.s32 s31, s12;
	(pc) =	sbr.rel @p0 .LBB2_1-.Ltmp1, $4  }
0xb9: {  	[hbm4b:s12+s1] =	stream.linear.scatter [tilespmem:s9], [sflag:$0x2], $0x4000, $0x38;
	[tilespmem:$0x4400] =	vst v63  }
0xba: {  	_ =	swait.ge [sflag:s7], $0x4000  }
0xbb: {  	[sflag:s7] =	ssyncset.done $0x0  }
0xbc: {  	[sflag:s7] =	ssyncadd.s32 $0xFFFFC000  }
0xbd: {  	_ =	sfence.sel $0x180000  }
0xbe: {  	[bflag:$0x0] =	sbarrier.arrive $0xFFFF  }
0xbf: {  	p0 =	sne.s32 s2, $0x0;
	_ =	strace $0x90000047  }
0xc0: {  	s0 =	sadd.s32 @!p0 $0x100000, s0;
	[bflag:$0x2] =	sbarrier.arrive $0xFFFF  }
0xc1: {  	[sflag:s0] =	ssyncadd.tile.s32 @!p0 $0x1;
	_ =	shalt  }
.Lfunc_end2:
_tile_overlayer_lowered:
.L_overlay_start_2:
0xc2: {  	(tag) =	ssettag $0x2  }
0xc3: {  	s0 =	rddreg [dreg:$0x0];
	s2 =	stileid.u32  }
0xc4: {  	s1 =	rddreg [dreg:$0x1];
	p0 =	sne.s32 s2, $0x0  }
0xc5: {  	s3 =	rddreg [dreg:$0x2];
	[bflag:$0x3] =	sbarrier.arrive $0xFFFF;
	s2 =	simm.s32 @!p0 $0x1C02  }
0xc6: {  	[timem:s3], [sflag:s2] =	dma.local @!p0 [hbm:s0], s1  }
0xc7: {  	s0 =	simm.s32 @!p0 $0x2  }
0xc8: {  	_ =	swait.ge @!p0 [sflag:s0], s1  }
0xc9: {  	s1 =	ssub.s32 @!p0 $0x0, s1;
	[sflag:s0] =	ssyncset.done @!p0 $0x0  }
0xca: {  	[sflag:s0] =	ssyncadd.s32 @!p0 s1  }
0xcb: {  	[bflag:$0x3] =	sbarrier.arrive $0xFFFF  }
0xcc: {  	_ =	shalt  }

// kernel: kernel.15.cloned.1.call-start
scs
__scs_entry_jumppad:
0x0: {  	(pc) =	sbr.rel $0x88, $3  }
0x1: {  	(tag) =	ssettag $0x0;
	lr =	simm.s32 $0x1  }
0x2: {  	[smem:$0x3F87] =	sst lr;
	_ =	strace $0xD0000000  }
0x3: {  	_ = 	snop  }
0x4: {  	_ = 	snop  }
0x5: {  	_ = 	snop  }
0x6: {  	_ = 	snop  }
0x7: {  	_ = 	snop  }
__scs_overlays_trampoline_lowered:
0x8: {  	[smem:$0x3F96] =	sst s0  }
0x9: {  	[smem:$0x3F97] =	sst s1  }
0xa: {  	[smem:$0x3F98] =	sst s2  }
0xb: {  	[smem:$0x3F99] =	sst s3  }
0xc: {  	[smem:$0x3F9A] =	sst s4  }
0xd: {  	[smem:$0x3F9B] =	sst s5  }
0xe: {  	[smem:$0x3F9C] =	sst s6  }
0xf: {  	[smem:$0x3F9D] =	sst s7  }
0x10: {  	[smem:$0x3F9E] =	sst s8  }
0x11: {  	[smem:$0x3F9F] =	sst s9;
	s0 =	simm.s32 @!p0 $0x0  }
0x12: {  	s1 =	sld [smem:$0x3F85];
	s0 =	simm.s32 @p0 $0x1  }
0x13: {  	[smem:$0x3FA0] =	sst s0;
	s0 =	simm.s32 @!p1 $0x0  }
0x14: {  	s2 =	sld [smem:$0x3F84];
	s0 =	simm.s32 @p1 $0x1  }
0x15: {  	[smem:$0x3FA1] =	sst s0;
	s0 =	simm.s32 @!p2 $0x0  }
0x16: {  	s3 =	sld [smem:$0x3FDB];
	s0 =	simm.s32 @p2 $0x1  }
0x17: {  	s4 =	simm.s32 $0x1BF5;
	[smem:$0x3FA3] =	sst s0  }
0x18: {  	s0 =	sld [smem:$0x3F86];
	_ =	swait.ge [sflag:s4], $0x0  }
0x19: {  	s7 =	sld [smem:$0x3F87]  }
0x1a: {  	s8 =	sadd.s32 $0xFFFFE003, lr  }
0x1b: {  	s9 =	sadd.s32 $0xFFFFFEF7, lr;
	s5 =	simm.s32 $0xFFFFFFFF;
	p2 =	slt.u32 s8, $0xFFFFF086  }
0x1c: {  	p1 =	slt.u32 s9, $0xF7A;
	s5 =	simm.s32 @!p2 $0x0  }
0x1d: {  	s5 =	simm.s32 @p1 $0x1;
	p0 =	seq.s32 s7, s2  }
0x1e: {  	s7 =	smul.u32 @!p0 $0xF7A, s2;
	p2 =	seq.s32 @!p0 s5, $0x0  }
0x1f: {  	s9 =	smul.u32 $0xF7A, s1;
	s8 =	simm.s32 @!p0 $0x1BF5;
	p2 =	por !p2, p0  }
0x20: {  	[sflag:s8] =	ssyncset.s32 @!p0 $0xFFFFF086;
	s6 =	sadd.s32 @!p0 s3, s7;
	s7 =	simm.s32 @!p0 $0x108  }
0x21: {  	s3 =	sadd.s32 s3, s9;
	s6 =	sadd.s32 @!p0 $0x88, s6;
	s7 =	simm.s32 @p2 $0x1082  }
0x22: {  	[simem:s7], [sflag:s8] =	dma.local @!p0 [hbm:s6], $0xF7A  }
0x23: {  	s9 =	sor.u32 $0xD0000000, s2;
	s6 =	simm.s32 $0x108;
	_ =	swait.ge @!p0 [sflag:s8], $0x0  }
0x24: {  	s3 =	sadd.s32 $0x88, s3;
	s6 =	simm.s32 @!p1 $0x1082;
	[sflag:s4] =	ssyncset.s32 $0xFFFFF086  }
0x25: {  	[simem:s6], [sflag:s4] =	dma.local [hbm:s3], $0xF7A  }
0x26: {  	[smem:$0x3F87] =	sst s1;
	(tag) =	ssettag s2;
	_ =	strace s9  }
0x27: {  	s1 =	sld [smem:$0x3F97]  }
0x28: {  	s2 =	sld [smem:$0x3F98]  }
0x29: {  	s4 =	sld [smem:$0x3F9A]  }
0x2a: {  	p0 =	seq.s32 s5, $0x0;
	s5 =	sld [smem:$0x3F9B]  }
0x2b: {  	s6 =	sld [smem:$0x3F9C]  }
0x2c: {  	s7 =	sld [smem:$0x3F9D]  }
0x2d: {  	s3 =	simm.s32 $0x108;
	s8 =	sld [smem:$0x3F9E]  }
0x2e: {  	s3 =	simm.s32 @!p0 $0x1082;
	s9 =	sld [smem:$0x3F9F]  }
0x2f: {  	lr =	sadd.s32 s0, s3;
	s0 =	sld [smem:$0x3F96]  }
0x30: {  	s3 =	sld [smem:$0x3F99]  }
0x31: {  	[smem:$0x3FA2] =	sst s10  }
0x32: {  	s10 =	sld [smem:$0x3FA0];
	_ =	sdelay $0x3  }
0x33: {  	p0 =	seq.s32 s10, $0x1;
	s10 =	sld [smem:$0x3FA2];
	_ =	sdelay $0x3  }
0x34: {  	[smem:$0x3FA2] =	sst s10  }
0x35: {  	s10 =	sld [smem:$0x3FA1];
	_ =	sdelay $0x3  }
0x36: {  	p1 =	seq.s32 s10, $0x1;
	s10 =	sld [smem:$0x3FA2];
	_ =	sdelay $0x3  }
0x37: {  	[smem:$0x3FA2] =	sst s10  }
0x38: {  	s10 =	sld [smem:$0x3FA3]  }
0x39: {  	_ = 	snop;
	(pc) =	sbr.ind lr, $3  }
0x3a: {  	_ = 	snop  }
0x3b: {  	_ = 	snop  }
0x3c: {  	p2 =	seq.s32 s10, $0x1;
	s10 =	sld [smem:$0x3FA2]  }
0x3d: {  	_ =	shalt  }
0x3e: {  	_ =	shalt  }
0x3f: {  	_ =	shalt  }
0x40: {  	_ =	shalt  }
0x41: {  	_ =	shalt  }
0x42: {  	_ =	shalt  }
0x43: {  	_ =	shalt  }
0x44: {  	_ =	shalt  }
0x45: {  	_ =	shalt  }
0x46: {  	_ =	shalt  }
0x47: {  	_ =	shalt  }
0x48: {  	_ =	shalt  }
0x49: {  	_ =	shalt  }
0x4a: {  	_ =	shalt  }
0x4b: {  	_ =	shalt  }
0x4c: {  	_ =	shalt  }
0x4d: {  	_ =	shalt  }
0x4e: {  	_ =	shalt  }
0x4f: {  	_ =	shalt  }
0x50: {  	_ =	shalt  }
0x51: {  	_ =	shalt  }
0x52: {  	_ =	shalt  }
0x53: {  	_ =	shalt  }
0x54: {  	_ =	shalt  }
0x55: {  	_ =	shalt  }
0x56: {  	_ =	shalt  }
0x57: {  	_ =	shalt  }
0x58: {  	_ =	shalt  }
0x59: {  	_ =	shalt  }
0x5a: {  	_ =	shalt  }
0x5b: {  	_ =	shalt  }
0x5c: {  	_ =	shalt  }
0x5d: {  	_ =	shalt  }
0x5e: {  	_ =	shalt  }
0x5f: {  	_ =	shalt  }
0x60: {  	_ =	shalt  }
0x61: {  	_ =	shalt  }
0x62: {  	_ =	shalt  }
0x63: {  	_ =	shalt  }
0x64: {  	_ =	shalt  }
0x65: {  	_ =	shalt  }
0x66: {  	_ =	shalt  }
0x67: {  	_ =	shalt  }
0x68: {  	_ =	shalt  }
0x69: {  	_ =	shalt  }
0x6a: {  	_ =	shalt  }
0x6b: {  	_ =	shalt  }
0x6c: {  	_ =	shalt  }
0x6d: {  	_ =	shalt  }
0x6e: {  	_ =	shalt  }
0x6f: {  	_ =	shalt  }
0x70: {  	_ =	shalt  }
0x71: {  	_ =	shalt  }
0x72: {  	_ =	shalt  }
0x73: {  	_ =	shalt  }
0x74: {  	_ =	shalt  }
0x75: {  	_ =	shalt  }
0x76: {  	_ =	shalt  }
0x77: {  	_ =	shalt  }
0x78: {  	_ =	shalt  }
0x79: {  	_ =	shalt  }
0x7a: {  	_ =	shalt  }
0x7b: {  	_ =	shalt  }
0x7c: {  	_ =	shalt  }
0x7d: {  	_ =	shalt  }
0x7e: {  	_ =	shalt  }
0x7f: {  	_ =	shalt  }
0x80: {  	_ =	shalt  }
0x81: {  	_ =	shalt  }
0x82: {  	_ =	shalt  }
0x83: {  	_ =	shalt  }
0x84: {  	_ =	shalt  }
0x85: {  	_ =	shalt  }
0x86: {  	_ =	shalt  }
0x87: {  	_ =	shalt  }
.Lfunc_end0:
.L_simem_size_0:
called_computation.1_lowered:
.L_overlay_start_0:
0x88: {  	s2 =	sld [smem:$0x3FD9]  }
0x89: {  	s3 =	sld [smem:$0x3FFE];
	_ =	sdelay $0x1  }
0x8a: {  	s1 =	srdreg.scid  }
0x8b: {  	s0 =	sand.u32 $0x1, s1  }
0x8c: {  	s16 =	sshll.u32 s0, $0xA;
	s2 =	sadd.s32 s3, s2  }
0x8d: {  	s2 =	sadd.s32 s2, s16  }
0x8e: {  	[smem:$0x3FAE] =	sst s2  }
0x8f: {  	_ = 	snop  }
0x90: {  	(tm) =	ssettm $0x1  }
0x91: {  	s17 =	sld [smem:$0x3FFB];
	_ =	sdelay $0x3  }
0x92: {  	_ =	strace s17  }
0x93: {  	s2 =	sld [smem:$0x3FFC];
	_ =	sdelay $0x3  }
0x94: {  	_ =	strace s2  }
0x95: {  	s2 =	sld [smem:$0x3FFD];
	_ =	sdelay $0x3  }
0x96: {  	_ =	strace s2  }
0x97: {  	_ =	strace $0x8FFFFFFF  }
0x98: {  	s18 =	sld [smem:$0x3FDB];
	_ =	sdelay $0x1  }
0x99: {  	s19 =	simm.s32 $_scs_section_size  }
0x9a: {  	s4 =	simm.s32 $_size__tile_overlayer_lowered;
	s5 =	simm.s32 $_tile_overlayer_lowered  }
0x9b: {  	s22 =	simm.s32 $0x1BFF;
	s21 =	sshll.u32 s5, $0x1;
	s2 =	sadd.s32 s19, s18  }
0x9c: {  	s6 =	simm.s32 $0x0;
	s20 =	sshll.u32 s4, $0x1;
	s4 =	sadd.s32 s21, s2  }
0x9d: {  	[timem:s6], [sflag:s22] =	dma.local [hbm:s4], s20  }
0x9e: {  	_ =	swait.ge [sflag:s22], s20  }
0x9f: {  	s3 =	ssub.s32 $0x0, s20;
	[sflag:s22] =	ssyncset.done $0x0  }
0xa0: {  	[sflag:s22] =	ssyncadd.s32 s3;
	_ =	sdelay $0x1  }
0xa1: {  	s23 =	simm.s32 $0x1B8B  }
0xa2: {  	_ =	swait.ge [sflag:s23], $0x1  }
0xa3: {  	[sflag:s23] =	ssyncset.done $0x0  }
0xa4: {  	s25 =	simm.s32 $0x1B8E;
	s24 =	sld [smem:$0x3FFE];
	[sflag:s23] =	ssyncadd.s32 $0xFFFFFFFF  }
0xa5: {  	s26 =	simm.s32 $execute0_lowered;
	[smem:$0x3FD2] =	sst s25  }
0xa6: {  	s4 =	sshll.u32 s26, $0x1;
	_ =	strace $0x80000049;
	[dreg:$0x1] =	wrdreg $0xFFFFFFFF  }
0xa7: {  	s28 =	simm.s32 $_size_execute0_lowered;
	s2 =	sadd.s32 s2, s4;
	[dreg:$0x0] =	wrdreg $0x0  }
0xa8: {  	s4 =	sshll.u32 s28, $0x1;
	[dreg:$0x2] =	wrdreg s2  }
0xa9: {  	[dreg:$0x3] =	wrdreg s4  }
0xaa: {  	[dreg:$0x4] =	wrdreg $0xC0  }
0xab: {  	_ =	task [dreg:s6], $0x5FFFF  }
0xac: {  	[dreg:$0x1] =	wrdreg $0xFFFFFFFF  }
0xad: {  	[dreg:$0x0] =	wrdreg $0x60  }
0xae: {  	[dreg:$0x2] =	wrdreg s24  }
0xaf: {  	[dreg:$0x3] =	wrdreg $0x9  }
0xb0: {  	_ =	task.clear_ibuf [dreg:s6], $0x4FFFF;
	_ =	strace $0x90000049  }
0xb1: {  	s29 =	simm.s32 $0x9;
	_ =	strace $0x8000004B  }
0xb2: {  	_ =	swait.ge [sflag:s29], $0x1  }
0xb3: {  	[sflag:s29] =	ssyncadd.s32 $0xFFFFFFFF  }
0xb4: {  	_ =	strace $0x9000004B  }
0xb5: {  	_ =	sfence  }
0xb6: {  	s30 =	sld [smem:$0x0];
	_ =	sdelay $0x2  }
0xb7: {  	s31 =	sshll.u32 s1, $0xD;
	s1 =	sshrl.u32 s1, $0x2  }
0xb8: {  	s3 =	sand.u32 $0x4000, s31;
	s1 =	sadd.s32 s1, s30  }
0xb9: {  	s0 =	sor.u32 s3, s0;
	s1 =	sshll.u32 s1, $0x11  }
0xba: {  	s0 =	sor.u32 s1, s0  }
0xbb: {  	s0 =	sadd.s32 $0x8F2B, s0  }
0xbc: {  	[sflag:s0] =	ssyncadd.remote.s32 $0x1  }
0xbd: {  	_ =	sfence.sel $0xFFFF  }
0xbe: {  	[dreg:$0x0] =	wrdreg $0xFFFFFFFF;
	(pc) =	sbr.abs _section_cstart, $3  }
0xbf: {  	[dreg:$0x1] =	wrdreg $0xFFFFFFFF  }
0xc0: {  	_ =	task.clear_ibuf [dreg:s6], $0x2FFFF;
	_ =	strace $0x9FFFFFFF  }
0xc1: {  	(tm) =	ssettm $0x7FFFFFFF  }
tec
execute0_lowered:
.L_overlay_start_1:
0x0: {  	(tag) =	ssettag $0x1  }
0x1: {  	s2 =	rddreg [dreg:$0x0]  }
0x2: {  	s0 =	rddreg [dreg:$0x1];
	s1 =	simm.s32 $0x0  }
0x3: {  	[smem:$0x7FF] =	sst s1;
	s3 =	sadd.s32 $0x4E00, s2  }
0x4: {  	s4 =	sadd.s32 $0x1CE00, s2;
	_ =	strace $0x8000004A;
	[dreg:$0x2] =	wrdreg s3  }
0x5: {  	s6 =	simm.s32 $0x2400;
	[dreg:$0x3] =	wrdreg s4  }
0x6: {  	s18 =	simm.s32 $0x100;
	[dreg:$0x4] =	wrdreg s6  }
0x7: {  	s5 =	srdreg.scid;
	s19 =	simm.s32 $0x4400;
	[dreg:$0x5] =	wrdreg s18  }
0x8: {  	s20 =	simm.s32 $0x180;
	s22 =	simm.s32 $0x6400;
	[dreg:$0x6] =	wrdreg s19  }
0x9: {  	s23 =	simm.s32 $0x200;
	s24 =	simm.s32 $0x8400;
	[dreg:$0x7] =	wrdreg s20  }
0xa: {  	s25 =	simm.s32 $0x280;
	s26 =	simm.s32 $0xA400;
	[dreg:$0x8] =	wrdreg s22  }
0xb: {  	s28 =	simm.s32 $0x300;
	s29 =	simm.s32 $0xC400;
	[dreg:$0x9] =	wrdreg s23  }
0xc: {  	s30 =	simm.s32 $0x380;
	s5 =	sand.u32 $0x1, s5;
	[dreg:$0xa] =	wrdreg s24  }
0xd: {  	s3 =	sadd.s32 $0xCE00, s2;
	s2 =	stileid.u32;
	[dreg:$0xb] =	wrdreg s25  }
0xe: {  	s31 =	simm.s32 $0xE400;
	s8 =	smul.u32 $0x1400, s5;
	[dreg:$0xc] =	wrdreg s26  }
0xf: {  	s11 =	simm.s32 $0x0;
	s10 =	smul.u32 $0x5, s5;
	[dreg:$0xd] =	wrdreg s28  }
0x10: {  	s17 =	ssub.s32 $0x2, s5;
	[dreg:$0xe] =	wrdreg s29;
	s21 =	smul.u32 $0x2800, s2  }
0x11: {  	[dreg:$0xf] =	wrdreg s30;
	s7 =	sshrl.u32 s17, $0x1;
	s9 =	smul.u32 $0xA, s2  }
0x12: {  	[dreg:$0x10] =	wrdreg s31;
	s4 =	ssub.s32 s17, s7;
	s7 =	simm.s32 $0x2  }
0x13: {  	s4 =	smax.u32 s4, $0x1;
	s5 =	sadd.s32 s8, s21;
	s6 =	sadd.s32 s10, s9  }
0x14: {  	s8 =	simm.s32 $0x80;
	s9 =	simm.s32 $0x400;
	s10 =	simm.s32 $0x1  }
.LBB2_1:
0x15: {  	s12 =	smulhi.u32 $0xCCCCCCCD, s6;
	_ =	sdelay $0x1  }
0x16: {  	s12 =	sshrl.u32 s12, $0x6  }
0x17: {  	s12 =	smul.u32 $0x50, s12  }
0x18: {  	s13 =	sadd.s32 $0x0, s6  }
0x19: {  	s13 =	smulhi.u32 $0xCCCCCCCD, s13;
	s12 =	ssub.s32 s6, s12  }
0x1a: {  	s12 =	sadd.s32 $0x0, s12  }
0x1b: {  	s13 =	sshrl.u32 s13, $0x6;
	s12 =	sshrl.u32 s12, $0x2  }
0x1c: {  	s14 =	sshll.u32 s13, $0x11;
	s15 =	sshll.u32 s12, $0xC  }
0x1d: {  	s16 =	sand.u32 $0xC00, s5;
	s14 =	sor.u32 s14, s15  }
0x1e: {  	s14 =	sor.u32 s16, s14  }
0x1f: {  	s28 =	rddreg [dreg:$0x2];
	s14 =	sshrl.u32 s14, $0x3  }
0x20: {  	s14 =	sadd.s32 s28, s14  }
0x21: {  	[tilespmem:s1], [sflag:$0x2] =	stream.linear.gather [hbm4b:s14+s1], $0x400, $0x38;
	[tilespmem:$0x10400] =	vst v63  }
0x22: {  	_ =	swait.ge [sflag:s7], $0x400  }
0x23: {  	s29 =	rddreg [dreg:$0x7]  }
0x24: {  	s30 =	rddreg [dreg:$0x10]  }
0x25: {  	s17 =	rddreg [dreg:$0x5]  }
0x26: {  	s18 =	rddreg [dreg:$0xc]  }
0x27: {  	s19 =	rddreg [dreg:$0x8];
	[sflag:s7] =	ssyncset.done $0x0  }
0x28: {  	s20 =	rddreg [dreg:$0x4];
	[sflag:s7] =	ssyncadd.s32 $0xFFFFFC00  }
0x29: {  	[tilespmem:s9], [sflag:$0x1] =	stream.indirect.gather [hbm4b:s3+s8], $0x40, s1, s8, $0xb8;
	[tilespmem:$0x10400] =	vst v63  }
0x2a: {  	s21 =	rddreg [dreg:$0x6]  }
0x2b: {  	[tilespmem:s20], [sflag:$0x1] =	stream.indirect.gather [hbm4b:s3+s8], $0x40, s8, s8, $0xb8;
	[tilespmem:$0x10400] =	vst v63  }
0x2c: {  	s22 =	rddreg [dreg:$0xe]  }
0x2d: {  	[tilespmem:s21], [sflag:$0x1] =	stream.indirect.gather [hbm4b:s3+s8], $0x40, s17, s8, $0xb8;
	[tilespmem:$0x10400] =	vst v63  }
0x2e: {  	s31 =	rddreg [dreg:$0xa]  }
0x2f: {  	[tilespmem:s19], [sflag:$0x1] =	stream.indirect.gather [hbm4b:s3+s8], $0x40, s29, s8, $0xb8;
	[tilespmem:$0x10400] =	vst v63  }
0x30: {  	s23 =	rddreg [dreg:$0x9]  }
0x31: {  	[tilespmem:s31], [sflag:$0x1] =	stream.indirect.gather [hbm4b:s3+s8], $0x40, s23, s8, $0xb8;
	[tilespmem:$0x10400] =	vst v63  }
0x32: {  	s24 =	rddreg [dreg:$0xb]  }
0x33: {  	[tilespmem:s18], [sflag:$0x1] =	stream.indirect.gather [hbm4b:s3+s8], $0x40, s24, s8, $0xb8;
	[tilespmem:$0x10400] =	vst v63  }
0x34: {  	s25 =	rddreg [dreg:$0xd]  }
0x35: {  	[tilespmem:s22], [sflag:$0x1] =	stream.indirect.gather [hbm4b:s3+s8], $0x40, s25, s8, $0xb8;
	[tilespmem:$0x10400] =	vst v63  }
0x36: {  	s26 =	rddreg [dreg:$0xf]  }
0x37: {  	[tilespmem:s30], [sflag:$0x1] =	stream.indirect.gather [hbm4b:s3+s8], $0x40, s26, s8, $0xb8;
	[tilespmem:$0x10400] =	vst v63  }
0x38: {  	_ =	swait.ge [sflag:s10], $0x2000  }
0x39: {  	[sflag:s10] =	ssyncset.done $0x0  }
0x3a: {  	[sflag:s10] =	ssyncadd.s32 $0xFFFFE000  }
0x3b: {  	_ =	swait.ge [sflag:s10], $0x2000  }
0x3c: {  	[sflag:s10] =	ssyncset.done $0x0  }
0x3d: {  	[sflag:s10] =	ssyncadd.s32 $0xFFFFE000  }
0x3e: {  	_ =	swait.ge [sflag:s10], $0x2000  }
0x3f: {  	[sflag:s10] =	ssyncset.done $0x0  }
0x40: {  	[sflag:s10] =	ssyncadd.s32 $0xFFFFE000  }
0x41: {  	_ =	swait.ge [sflag:s10], $0x2000  }
0x42: {  	[sflag:s10] =	ssyncset.done $0x0  }
0x43: {  	s13 =	smul.u32 $0x500000, s13;
	s12 =	sshll.u32 s12, $0x12;
	[sflag:s10] =	ssyncadd.s32 $0xFFFFE000  }
0x44: {  	s15 =	simm.s32 $0x1;
	s28 =	sadd.s32 $0x1, s6;
	_ =	swait.ge [sflag:s10], $0x2000  }
0x45: {  	s16 =	sshll.u32 s16, $0x6;
	s14 =	smulhi.u32 $0xCCCCCCCD, s28;
	[sflag:s10] =	ssyncset.done $0x0  }
0x46: {  	s29 =	sadd.s32 s13, s12;
	s13 =	sadd.s32 $0x1, s6;
	[sflag:s10] =	ssyncadd.s32 $0xFFFFE000  }
0x47: {  	s12 =	sshrl.u32 s14, $0x6;
	s14 =	sadd.s32 $0x400, s5;
	_ =	swait.ge [sflag:s10], $0x2000  }
0x48: {  	s16 =	sor.u32 s16, s29;
	s30 =	smulhi.u32 $0xCCCCCCCD, s13;
	[sflag:s10] =	ssyncset.done $0x0  }
0x49: {  	s20 =	sshll.u32 s12, $0x11;
	s17 =	sand.u32 $0xC00, s14;
	[sflag:s10] =	ssyncadd.s32 $0xFFFFE000  }
0x4a: {  	s19 =	sshrl.u32 s16, $0x3;
	s31 =	sshrl.u32 s30, $0x6;
	_ =	swait.ge [sflag:s10], $0x2000  }
0x4b: {  	s18 =	simm.s32 $0x2;
	s21 =	smul.u32 $0x50, s31;
	[sflag:s10] =	ssyncset.done $0x0  }
.LBB2_2:
0x4c: {  	s16 =	sadd.s32 s18, s6;
	[sflag:s10] =	ssyncadd.s32 $0xFFFFE000;
	s22 =	smov.u32 s18  }
0x4d: {  	s12 =	smul.u32 $0x500000, s12;
	s21 =	ssub.s32 s6, s21;
	_ =	swait.ge [sflag:s10], $0x2000  }
0x4e: {  	s16 =	smulhi.u32 $0xCCCCCCCD, s16;
	s15 =	sadd.s32 s21, s15;
	[sflag:s10] =	ssyncset.done $0x0  }
0x4f: {  	s29 =	rddreg [dreg:$0x3];
	s15 =	sshrl.u32 s15, $0x2;
	[sflag:s10] =	ssyncadd.s32 $0xFFFFE000  }
0x50: {  	s30 =	sadd.s32 s29, s19;
	s23 =	sshll.u32 s15, $0xC;
	s15 =	sshll.u32 s15, $0x12  }
0x51: {  	[hbm4b:s30+s1] =	stream.linear.scatter [tilespmem:s9], [sflag:$0x2], $0x10000, $0x38;
	[tilespmem:$0x10400] =	vst v63  }
0x52: {  	p0 =	sne.s32 s18, $0x4;
	s20 =	sor.u32 s20, s23;
	s15 =	sadd.s32 s12, s15  }
0x53: {  	s12 =	sshrl.u32 s16, $0x6;
	_ =	swait.ge [sflag:s7], $0x10000;
	s20 =	sor.u32 s17, s20  }
0x54: {  	s31 =	rddreg [dreg:$0x2];
	[sflag:s7] =	ssyncset.done $0x0;
	s21 =	sshrl.u32 s20, $0x3  }
0x55: {  	s16 =	sadd.s32 $0x1, s18;
	[sflag:s7] =	ssyncadd.s32 $0xFFFF0000;
	s18 =	sadd.s32 s31, s21  }
0x56: {  	[tilespmem:s1], [sflag:$0x2] =	stream.linear.gather [hbm4b:s18+s1], $0x400, $0x38;
	[tilespmem:$0x10400] =	vst v63  }
0x57: {  	s24 =	sshll.u32 s17, $0x6;
	_ =	swait.ge [sflag:s7], $0x400  }
0x58: {  	s17 =	sor.u32 s24, s15;
	s15 =	smov.u32 s22;
	s22 =	rddreg [dreg:$0x7]  }
0x59: {  	s19 =	rddreg [dreg:$0x10]  }
0x5a: {  	s26 =	rddreg [dreg:$0x5]  }
0x5b: {  	s21 =	rddreg [dreg:$0xc]  }
0x5c: {  	[sflag:s7] =	ssyncset.done $0x0;
	s28 =	rddreg [dreg:$0x8]  }
0x5d: {  	s29 =	rddreg [dreg:$0x4];
	[sflag:s7] =	ssyncadd.s32 $0xFFFFFC00  }
0x5e: {  	[tilespmem:s9], [sflag:$0x1] =	stream.indirect.gather [hbm4b:s3+s8], $0x40, s1, s8, $0xb8;
	[tilespmem:$0x10400] =	vst v63  }
0x5f: {  	s30 =	rddreg [dreg:$0x6]  }
0x60: {  	[tilespmem:s29], [sflag:$0x1] =	stream.indirect.gather [hbm4b:s3+s8], $0x40, s8, s8, $0xb8;
	[tilespmem:$0x10400] =	vst v63  }
0x61: {  	s25 =	rddreg [dreg:$0xe]  }
0x62: {  	[tilespmem:s30], [sflag:$0x1] =	stream.indirect.gather [hbm4b:s3+s8], $0x40, s26, s8, $0xb8;
	[tilespmem:$0x10400] =	vst v63  }
0x63: {  	s31 =	rddreg [dreg:$0xa]  }
0x64: {  	[tilespmem:s28], [sflag:$0x1] =	stream.indirect.gather [hbm4b:s3+s8], $0x40, s22, s8, $0xb8;
	[tilespmem:$0x10400] =	vst v63  }
0x65: {  	s26 =	rddreg [dreg:$0x9]  }
0x66: {  	[tilespmem:s31], [sflag:$0x1] =	stream.indirect.gather [hbm4b:s3+s8], $0x40, s26, s8, $0xb8;
	[tilespmem:$0x10400] =	vst v63  }
0x67: {  	s28 =	rddreg [dreg:$0xb]  }
0x68: {  	[tilespmem:s21], [sflag:$0x1] =	stream.indirect.gather [hbm4b:s3+s8], $0x40, s28, s8, $0xb8;
	[tilespmem:$0x10400] =	vst v63  }
0x69: {  	s29 =	rddreg [dreg:$0xd]  }
0x6a: {  	[tilespmem:s25], [sflag:$0x1] =	stream.indirect.gather [hbm4b:s3+s8], $0x40, s29, s8, $0xb8;
	[tilespmem:$0x10400] =	vst v63  }
0x6b: {  	s30 =	rddreg [dreg:$0xf]  }
0x6c: {  	[tilespmem:s19], [sflag:$0x1] =	stream.indirect.gather [hbm4b:s3+s8], $0x40, s30, s8, $0xb8;
	[tilespmem:$0x10400] =	vst v63  }
0x6d: {  	_ =	swait.ge [sflag:s10], $0x2000  }
0x6e: {  	[sflag:s10] =	ssyncset.done $0x0  }
0x6f: {  	[sflag:s10] =	ssyncadd.s32 $0xFFFFE000  }
0x70: {  	_ =	swait.ge [sflag:s10], $0x2000  }
0x71: {  	[sflag:s10] =	ssyncset.done $0x0  }
0x72: {  	[sflag:s10] =	ssyncadd.s32 $0xFFFFE000  }
0x73: {  	_ =	swait.ge [sflag:s10], $0x2000  }
0x74: {  	[sflag:s10] =	ssyncset.done $0x0  }
0x75: {  	[sflag:s10] =	ssyncadd.s32 $0xFFFFE000  }
0x76: {  	_ =	swait.ge [sflag:s10], $0x2000  }
0x77: {  	[sflag:s10] =	ssyncset.done $0x0  }
0x78: {  	[sflag:s10] =	ssyncadd.s32 $0xFFFFE000  }
0x79: {  	_ =	swait.ge [sflag:s10], $0x2000  }
0x7a: {  	s13 =	sadd.s32 $0x1, s13;
	[sflag:s10] =	ssyncset.done $0x0  }
0x7b: {  	s31 =	smulhi.u32 $0xCCCCCCCD, s13;
	[sflag:s10] =	ssyncadd.s32 $0xFFFFE000  }
.Ltmp0:
0x7c: {  	_ =	swait.ge [sflag:s10], $0x2000;
	(pc) =	sbr.rel @p0 .LBB2_2-.Ltmp0, $4  }
0x7d: {  	s14 =	sadd.s32 $0x400, s14;
	[sflag:s10] =	ssyncset.done $0x0  }
0x7e: {  	s20 =	sshll.u32 s12, $0x11;
	s18 =	sshrl.u32 s31, $0x6;
	[sflag:s10] =	ssyncadd.s32 $0xFFFFE000  }
0x7f: {  	s21 =	smul.u32 $0x50, s18;
	s18 =	smov.u32 s16;
	_ =	swait.ge [sflag:s10], $0x2000  }
0x80: {  	s19 =	sshrl.u32 s17, $0x3;
	s17 =	sand.u32 $0xC00, s14;
	[sflag:s10] =	ssyncset.done $0x0  }
0x81: {  	[sflag:s10] =	ssyncadd.s32 $0xFFFFE000;
	s14 =	ssub.s32 s6, s21  }
0x82: {  	_ =	swait.ge [sflag:s10], $0x2000;
	s14 =	sadd.s32 s14, s15  }
0x83: {  	s13 =	rddreg [dreg:$0x3];
	[sflag:s10] =	ssyncset.done $0x0;
	s14 =	sshrl.u32 s14, $0x2  }
0x84: {  	[sflag:s10] =	ssyncadd.s32 $0xFFFFE000;
	s13 =	sadd.s32 s13, s19;
	s25 =	sshll.u32 s14, $0xC  }
0x85: {  	[hbm4b:s13+s1] =	stream.linear.scatter [tilespmem:s9], [sflag:$0x2], $0x10000, $0x38;
	[tilespmem:$0x10400] =	vst v63  }
0x86: {  	s13 =	sor.u32 s20, s25  }
0x87: {  	_ =	swait.ge [sflag:s7], $0x10000;
	s13 =	sor.u32 s17, s13  }
0x88: {  	s26 =	rddreg [dreg:$0x2];
	[sflag:s7] =	ssyncset.done $0x0;
	s13 =	sshrl.u32 s13, $0x3  }
0x89: {  	[sflag:s7] =	ssyncadd.s32 $0xFFFF0000;
	s13 =	sadd.s32 s26, s13  }
0x8a: {  	[tilespmem:s1], [sflag:$0x2] =	stream.linear.gather [hbm4b:s13+s1], $0x400, $0x38;
	[tilespmem:$0x10400] =	vst v63  }
0x8b: {  	_ =	swait.ge [sflag:s7], $0x400  }
0x8c: {  	s28 =	rddreg [dreg:$0x7]  }
0x8d: {  	s29 =	rddreg [dreg:$0x10]  }
0x8e: {  	s16 =	rddreg [dreg:$0x5]  }
0x8f: {  	s18 =	rddreg [dreg:$0xc]  }
0x90: {  	[sflag:s7] =	ssyncset.done $0x0;
	s30 =	rddreg [dreg:$0x4]  }
0x91: {  	s31 =	rddreg [dreg:$0x6];
	[sflag:s7] =	ssyncadd.s32 $0xFFFFFC00  }
0x92: {  	[tilespmem:s9], [sflag:$0x1] =	stream.indirect.gather [hbm4b:s3+s8], $0x40, s1, s8, $0xb8;
	[tilespmem:$0x10400] =	vst v63  }
0x93: {  	s21 =	rddreg [dreg:$0x8]  }
0x94: {  	[tilespmem:s30], [sflag:$0x1] =	stream.indirect.gather [hbm4b:s3+s8], $0x40, s8, s8, $0xb8;
	[tilespmem:$0x10400] =	vst v63  }
0x95: {  	s22 =	rddreg [dreg:$0xa]  }
0x96: {  	[tilespmem:s31], [sflag:$0x1] =	stream.indirect.gather [hbm4b:s3+s8], $0x40, s16, s8, $0xb8;
	[tilespmem:$0x10400] =	vst v63  }
0x97: {  	s23 =	rddreg [dreg:$0x9]  }
0x98: {  	[tilespmem:s21], [sflag:$0x1] =	stream.indirect.gather [hbm4b:s3+s8], $0x40, s28, s8, $0xb8;
	[tilespmem:$0x10400] =	vst v63  }
0x99: {  	s24 =	rddreg [dreg:$0xe]  }
0x9a: {  	[tilespmem:s22], [sflag:$0x1] =	stream.indirect.gather [hbm4b:s3+s8], $0x40, s23, s8, $0xb8;
	[tilespmem:$0x10400] =	vst v63  }
0x9b: {  	s25 =	rddreg [dreg:$0xb]  }
0x9c: {  	[tilespmem:s18], [sflag:$0x1] =	stream.indirect.gather [hbm4b:s3+s8], $0x40, s25, s8, $0xb8;
	[tilespmem:$0x10400] =	vst v63  }
0x9d: {  	s26 =	rddreg [dreg:$0xd]  }
0x9e: {  	[tilespmem:s24], [sflag:$0x1] =	stream.indirect.gather [hbm4b:s3+s8], $0x40, s26, s8, $0xb8;
	[tilespmem:$0x10400] =	vst v63  }
0x9f: {  	s28 =	rddreg [dreg:$0xf]  }
0xa0: {  	[tilespmem:s29], [sflag:$0x1] =	stream.indirect.gather [hbm4b:s3+s8], $0x40, s28, s8, $0xb8;
	[tilespmem:$0x10400] =	vst v63  }
0xa1: {  	_ =	swait.ge [sflag:s10], $0x2000  }
0xa2: {  	[sflag:s10] =	ssyncset.done $0x0  }
0xa3: {  	[sflag:s10] =	ssyncadd.s32 $0xFFFFE000  }
0xa4: {  	_ =	swait.ge [sflag:s10], $0x2000  }
0xa5: {  	[sflag:s10] =	ssyncset.done $0x0  }
0xa6: {  	[sflag:s10] =	ssyncadd.s32 $0xFFFFE000  }
0xa7: {  	_ =	swait.ge [sflag:s10], $0x2000  }
0xa8: {  	[sflag:s10] =	ssyncset.done $0x0  }
0xa9: {  	[sflag:s10] =	ssyncadd.s32 $0xFFFFE000  }
0xaa: {  	_ =	swait.ge [sflag:s10], $0x2000  }
0xab: {  	[sflag:s10] =	ssyncset.done $0x0  }
0xac: {  	[sflag:s10] =	ssyncadd.s32 $0xFFFFE000  }
0xad: {  	_ =	swait.ge [sflag:s10], $0x2000  }
0xae: {  	[sflag:s10] =	ssyncset.done $0x0  }
0xaf: {  	[sflag:s10] =	ssyncadd.s32 $0xFFFFE000  }
0xb0: {  	_ =	swait.ge [sflag:s10], $0x2000  }
0xb1: {  	[sflag:s10] =	ssyncset.done $0x0  }
0xb2: {  	[sflag:s10] =	ssyncadd.s32 $0xFFFFE000  }
0xb3: {  	s12 =	smul.u32 $0x500000, s12;
	_ =	swait.ge [sflag:s10], $0x2000  }
0xb4: {  	s11 =	sadd.s32 $0x1, s11;
	s29 =	sshll.u32 s14, $0x12;
	[sflag:s10] =	ssyncset.done $0x0  }
0xb5: {  	s30 =	sshll.u32 s17, $0x6;
	s12 =	sadd.s32 s12, s29;
	[sflag:s10] =	ssyncadd.s32 $0xFFFFE000  }
0xb6: {  	p0 =	sne.s32 s11, s4;
	s12 =	sor.u32 s30, s12;
	_ =	swait.ge [sflag:s10], $0x2000  }
0xb7: {  	s12 =	sshrl.u32 s12, $0x3;
	s31 =	rddreg [dreg:$0x3];
	[sflag:s10] =	ssyncset.done $0x0  }
.Ltmp1:
0xb8: {  	[sflag:s10] =	ssyncadd.s32 $0xFFFFE000;
	s12 =	sadd.s32 s31, s12;
	(pc) =	sbr.rel @p0 .LBB2_1-.Ltmp1, $4  }
0xb9: {  	[hbm4b:s12+s1] =	stream.linear.scatter [tilespmem:s9], [sflag:$0x2], $0x10000, $0x38;
	[tilespmem:$0x10400] =	vst v63  }
0xba: {  	_ =	swait.ge [sflag:s7], $0x10000  }
0xbb: {  	[sflag:s7] =	ssyncset.done $0x0  }
0xbc: {  	[sflag:s7] =	ssyncadd.s32 $0xFFFF0000  }
0xbd: {  	_ =	sfence.sel $0x180000  }
0xbe: {  	[bflag:$0x0] =	sbarrier.arrive $0xFFFF  }
0xbf: {  	p0 =	sne.s32 s2, $0x0;
	_ =	strace $0x9000004A  }
0xc0: {  	s0 =	sadd.s32 @!p0 $0x100000, s0;
	[bflag:$0x2] =	sbarrier.arrive $0xFFFF  }
0xc1: {  	[sflag:s0] =	ssyncadd.tile.s32 @!p0 $0x1;
	_ =	shalt  }
.Lfunc_end2:
_tile_overlayer_lowered:
.L_overlay_start_2:
0xc2: {  	(tag) =	ssettag $0x2  }
0xc3: {  	s0 =	rddreg [dreg:$0x0];
	s2 =	stileid.u32  }
0xc4: {  	s1 =	rddreg [dreg:$0x1];
	p0 =	sne.s32 s2, $0x0  }
0xc5: {  	s3 =	rddreg [dreg:$0x2];
	[bflag:$0x3] =	sbarrier.arrive $0xFFFF;
	s2 =	simm.s32 @!p0 $0x1C02  }
0xc6: {  	[timem:s3], [sflag:s2] =	dma.local @!p0 [hbm:s0], s1  }
0xc7: {  	s0 =	simm.s32 @!p0 $0x2  }
0xc8: {  	_ =	swait.ge @!p0 [sflag:s0], s1  }
0xc9: {  	s1 =	ssub.s32 @!p0 $0x0, s1;
	[sflag:s0] =	ssyncset.done @!p0 $0x0  }
0xca: {  	[sflag:s0] =	ssyncadd.s32 @!p0 s1  }
0xcb: {  	[bflag:$0x3] =	sbarrier.arrive $0xFFFF  }
0xcc: {  	_ =	shalt  }

// kernel: kernel.18.cloned.1.call-start
scs
__scs_entry_jumppad:
0x0: {  	(pc) =	sbr.rel $0x88, $3  }
0x1: {  	(tag) =	ssettag $0x0;
	lr =	simm.s32 $0x1  }
0x2: {  	[smem:$0x3F87] =	sst lr;
	_ =	strace $0xD0000000  }
0x3: {  	_ = 	snop  }
0x4: {  	_ = 	snop  }
0x5: {  	_ = 	snop  }
0x6: {  	_ = 	snop  }
0x7: {  	_ = 	snop  }
__scs_overlays_trampoline_lowered:
0x8: {  	[smem:$0x3F96] =	sst s0  }
0x9: {  	[smem:$0x3F97] =	sst s1  }
0xa: {  	[smem:$0x3F98] =	sst s2  }
0xb: {  	[smem:$0x3F99] =	sst s3  }
0xc: {  	[smem:$0x3F9A] =	sst s4  }
0xd: {  	[smem:$0x3F9B] =	sst s5  }
0xe: {  	[smem:$0x3F9C] =	sst s6  }
0xf: {  	[smem:$0x3F9D] =	sst s7  }
0x10: {  	[smem:$0x3F9E] =	sst s8  }
0x11: {  	[smem:$0x3F9F] =	sst s9;
	s0 =	simm.s32 @!p0 $0x0  }
0x12: {  	s1 =	sld [smem:$0x3F85];
	s0 =	simm.s32 @p0 $0x1  }
0x13: {  	[smem:$0x3FA0] =	sst s0;
	s0 =	simm.s32 @!p1 $0x0  }
0x14: {  	s2 =	sld [smem:$0x3F84];
	s0 =	simm.s32 @p1 $0x1  }
0x15: {  	[smem:$0x3FA1] =	sst s0;
	s0 =	simm.s32 @!p2 $0x0  }
0x16: {  	s3 =	sld [smem:$0x3FDB];
	s0 =	simm.s32 @p2 $0x1  }
0x17: {  	s4 =	simm.s32 $0x1BF5;
	[smem:$0x3FA3] =	sst s0  }
0x18: {  	s0 =	sld [smem:$0x3F86];
	_ =	swait.ge [sflag:s4], $0x0  }
0x19: {  	s7 =	sld [smem:$0x3F87]  }
0x1a: {  	s8 =	sadd.s32 $0xFFFFE003, lr  }
0x1b: {  	s9 =	sadd.s32 $0xFFFFFEF7, lr;
	s5 =	simm.s32 $0xFFFFFFFF;
	p2 =	slt.u32 s8, $0xFFFFF086  }
0x1c: {  	p1 =	slt.u32 s9, $0xF7A;
	s5 =	simm.s32 @!p2 $0x0  }
0x1d: {  	s5 =	simm.s32 @p1 $0x1;
	p0 =	seq.s32 s7, s2  }
0x1e: {  	s7 =	smul.u32 @!p0 $0xF7A, s2;
	p2 =	seq.s32 @!p0 s5, $0x0  }
0x1f: {  	s9 =	smul.u32 $0xF7A, s1;
	s8 =	simm.s32 @!p0 $0x1BF5;
	p2 =	por !p2, p0  }
0x20: {  	[sflag:s8] =	ssyncset.s32 @!p0 $0xFFFFF086;
	s6 =	sadd.s32 @!p0 s3, s7;
	s7 =	simm.s32 @!p0 $0x108  }
0x21: {  	s3 =	sadd.s32 s3, s9;
	s6 =	sadd.s32 @!p0 $0x88, s6;
	s7 =	simm.s32 @p2 $0x1082  }
0x22: {  	[simem:s7], [sflag:s8] =	dma.local @!p0 [hbm:s6], $0xF7A  }
0x23: {  	s9 =	sor.u32 $0xD0000000, s2;
	s6 =	simm.s32 $0x108;
	_ =	swait.ge @!p0 [sflag:s8], $0x0  }
0x24: {  	s3 =	sadd.s32 $0x88, s3;
	s6 =	simm.s32 @!p1 $0x1082;
	[sflag:s4] =	ssyncset.s32 $0xFFFFF086  }
0x25: {  	[simem:s6], [sflag:s4] =	dma.local [hbm:s3], $0xF7A  }
0x26: {  	[smem:$0x3F87] =	sst s1;
	(tag) =	ssettag s2;
	_ =	strace s9  }
0x27: {  	s1 =	sld [smem:$0x3F97]  }
0x28: {  	s2 =	sld [smem:$0x3F98]  }
0x29: {  	s4 =	sld [smem:$0x3F9A]  }
0x2a: {  	p0 =	seq.s32 s5, $0x0;
	s5 =	sld [smem:$0x3F9B]  }
0x2b: {  	s6 =	sld [smem:$0x3F9C]  }
0x2c: {  	s7 =	sld [smem:$0x3F9D]  }
0x2d: {  	s3 =	simm.s32 $0x108;
	s8 =	sld [smem:$0x3F9E]  }
0x2e: {  	s3 =	simm.s32 @!p0 $0x1082;
	s9 =	sld [smem:$0x3F9F]  }
0x2f: {  	lr =	sadd.s32 s0, s3;
	s0 =	sld [smem:$0x3F96]  }
0x30: {  	s3 =	sld [smem:$0x3F99]  }
0x31: {  	[smem:$0x3FA2] =	sst s10  }
0x32: {  	s10 =	sld [smem:$0x3FA0];
	_ =	sdelay $0x3  }
0x33: {  	p0 =	seq.s32 s10, $0x1;
	s10 =	sld [smem:$0x3FA2];
	_ =	sdelay $0x3  }
0x34: {  	[smem:$0x3FA2] =	sst s10  }
0x35: {  	s10 =	sld [smem:$0x3FA1];
	_ =	sdelay $0x3  }
0x36: {  	p1 =	seq.s32 s10, $0x1;
	s10 =	sld [smem:$0x3FA2];
	_ =	sdelay $0x3  }
0x37: {  	[smem:$0x3FA2] =	sst s10  }
0x38: {  	s10 =	sld [smem:$0x3FA3]  }
0x39: {  	_ = 	snop;
	(pc) =	sbr.ind lr, $3  }
0x3a: {  	_ = 	snop  }
0x3b: {  	_ = 	snop  }
0x3c: {  	p2 =	seq.s32 s10, $0x1;
	s10 =	sld [smem:$0x3FA2]  }
0x3d: {  	_ =	shalt  }
0x3e: {  	_ =	shalt  }
0x3f: {  	_ =	shalt  }
0x40: {  	_ =	shalt  }
0x41: {  	_ =	shalt  }
0x42: {  	_ =	shalt  }
0x43: {  	_ =	shalt  }
0x44: {  	_ =	shalt  }
0x45: {  	_ =	shalt  }
0x46: {  	_ =	shalt  }
0x47: {  	_ =	shalt  }
0x48: {  	_ =	shalt  }
0x49: {  	_ =	shalt  }
0x4a: {  	_ =	shalt  }
0x4b: {  	_ =	shalt  }
0x4c: {  	_ =	shalt  }
0x4d: {  	_ =	shalt  }
0x4e: {  	_ =	shalt  }
0x4f: {  	_ =	shalt  }
0x50: {  	_ =	shalt  }
0x51: {  	_ =	shalt  }
0x52: {  	_ =	shalt  }
0x53: {  	_ =	shalt  }
0x54: {  	_ =	shalt  }
0x55: {  	_ =	shalt  }
0x56: {  	_ =	shalt  }
0x57: {  	_ =	shalt  }
0x58: {  	_ =	shalt  }
0x59: {  	_ =	shalt  }
0x5a: {  	_ =	shalt  }
0x5b: {  	_ =	shalt  }
0x5c: {  	_ =	shalt  }
0x5d: {  	_ =	shalt  }
0x5e: {  	_ =	shalt  }
0x5f: {  	_ =	shalt  }
0x60: {  	_ =	shalt  }
0x61: {  	_ =	shalt  }
0x62: {  	_ =	shalt  }
0x63: {  	_ =	shalt  }
0x64: {  	_ =	shalt  }
0x65: {  	_ =	shalt  }
0x66: {  	_ =	shalt  }
0x67: {  	_ =	shalt  }
0x68: {  	_ =	shalt  }
0x69: {  	_ =	shalt  }
0x6a: {  	_ =	shalt  }
0x6b: {  	_ =	shalt  }
0x6c: {  	_ =	shalt  }
0x6d: {  	_ =	shalt  }
0x6e: {  	_ =	shalt  }
0x6f: {  	_ =	shalt  }
0x70: {  	_ =	shalt  }
0x71: {  	_ =	shalt  }
0x72: {  	_ =	shalt  }
0x73: {  	_ =	shalt  }
0x74: {  	_ =	shalt  }
0x75: {  	_ =	shalt  }
0x76: {  	_ =	shalt  }
0x77: {  	_ =	shalt  }
0x78: {  	_ =	shalt  }
0x79: {  	_ =	shalt  }
0x7a: {  	_ =	shalt  }
0x7b: {  	_ =	shalt  }
0x7c: {  	_ =	shalt  }
0x7d: {  	_ =	shalt  }
0x7e: {  	_ =	shalt  }
0x7f: {  	_ =	shalt  }
0x80: {  	_ =	shalt  }
0x81: {  	_ =	shalt  }
0x82: {  	_ =	shalt  }
0x83: {  	_ =	shalt  }
0x84: {  	_ =	shalt  }
0x85: {  	_ =	shalt  }
0x86: {  	_ =	shalt  }
0x87: {  	_ =	shalt  }
.Lfunc_end0:
.L_simem_size_0:
called_computation.2_lowered:
.L_overlay_start_0:
0x88: {  	s2 =	sld [smem:$0x3FD9]  }
0x89: {  	s3 =	sld [smem:$0x3FFE];
	_ =	sdelay $0x1  }
0x8a: {  	s1 =	srdreg.scid  }
0x8b: {  	s0 =	sand.u32 $0x1, s1  }
0x8c: {  	s16 =	sshll.u32 s0, $0xA;
	s2 =	sadd.s32 s3, s2  }
0x8d: {  	s2 =	sadd.s32 s2, s16  }
0x8e: {  	[smem:$0x3FAE] =	sst s2  }
0x8f: {  	_ = 	snop  }
0x90: {  	(tm) =	ssettm $0x1  }
0x91: {  	s17 =	sld [smem:$0x3FFB];
	_ =	sdelay $0x3  }
0x92: {  	_ =	strace s17  }
0x93: {  	s2 =	sld [smem:$0x3FFC];
	_ =	sdelay $0x3  }
0x94: {  	_ =	strace s2  }
0x95: {  	s2 =	sld [smem:$0x3FFD];
	_ =	sdelay $0x3  }
0x96: {  	_ =	strace s2  }
0x97: {  	_ =	strace $0x8FFFFFFF  }
0x98: {  	s18 =	sld [smem:$0x3FDB];
	_ =	sdelay $0x1  }
0x99: {  	s19 =	simm.s32 $_scs_section_size  }
0x9a: {  	s4 =	simm.s32 $_size__tile_overlayer_lowered;
	s5 =	simm.s32 $_tile_overlayer_lowered  }
0x9b: {  	s22 =	simm.s32 $0x1BFF;
	s21 =	sshll.u32 s5, $0x1;
	s2 =	sadd.s32 s19, s18  }
0x9c: {  	s6 =	simm.s32 $0x0;
	s20 =	sshll.u32 s4, $0x1;
	s4 =	sadd.s32 s21, s2  }
0x9d: {  	[timem:s6], [sflag:s22] =	dma.local [hbm:s4], s20  }
0x9e: {  	_ =	swait.ge [sflag:s22], s20  }
0x9f: {  	s3 =	ssub.s32 $0x0, s20;
	[sflag:s22] =	ssyncset.done $0x0  }
0xa0: {  	[sflag:s22] =	ssyncadd.s32 s3;
	_ =	sdelay $0x1  }
0xa1: {  	s23 =	simm.s32 $0x1B8B  }
0xa2: {  	_ =	swait.ge [sflag:s23], $0x1  }
0xa3: {  	[sflag:s23] =	ssyncset.done $0x0  }
0xa4: {  	s25 =	simm.s32 $0x1B8E;
	s24 =	sld [smem:$0x3FFE];
	[sflag:s23] =	ssyncadd.s32 $0xFFFFFFFF  }
0xa5: {  	s26 =	simm.s32 $execute0_lowered;
	[smem:$0x3FD2] =	sst s25  }
0xa6: {  	s4 =	sshll.u32 s26, $0x1;
	_ =	strace $0x8000004C;
	[dreg:$0x1] =	wrdreg $0xFFFFFFFF  }
0xa7: {  	s28 =	simm.s32 $_size_execute0_lowered;
	s2 =	sadd.s32 s2, s4;
	[dreg:$0x0] =	wrdreg $0x0  }
0xa8: {  	s4 =	sshll.u32 s28, $0x1;
	[dreg:$0x2] =	wrdreg s2  }
0xa9: {  	[dreg:$0x3] =	wrdreg s4  }
0xaa: {  	[dreg:$0x4] =	wrdreg $0xC0  }
0xab: {  	_ =	task [dreg:s6], $0x5FFFF  }
0xac: {  	[dreg:$0x1] =	wrdreg $0xFFFFFFFF  }
0xad: {  	[dreg:$0x0] =	wrdreg $0x60  }
0xae: {  	[dreg:$0x2] =	wrdreg s24  }
0xaf: {  	[dreg:$0x3] =	wrdreg $0x9  }
0xb0: {  	_ =	task.clear_ibuf [dreg:s6], $0x4FFFF;
	_ =	strace $0x9000004C  }
0xb1: {  	s29 =	simm.s32 $0x9;
	_ =	strace $0x8000004E  }
0xb2: {  	_ =	swait.ge [sflag:s29], $0x1  }
0xb3: {  	[sflag:s29] =	ssyncadd.s32 $0xFFFFFFFF  }
0xb4: {  	_ =	strace $0x9000004E  }
0xb5: {  	_ =	sfence  }
0xb6: {  	s30 =	sld [smem:$0x0];
	_ =	sdelay $0x2  }
0xb7: {  	s31 =	sshll.u32 s1, $0xD;
	s1 =	sshrl.u32 s1, $0x2  }
0xb8: {  	s3 =	sand.u32 $0x4000, s31;
	s1 =	sadd.s32 s1, s30  }
0xb9: {  	s0 =	sor.u32 s3, s0;
	s1 =	sshll.u32 s1, $0x11  }
0xba: {  	s0 =	sor.u32 s1, s0  }
0xbb: {  	s0 =	sadd.s32 $0x8F2B, s0  }
0xbc: {  	[sflag:s0] =	ssyncadd.remote.s32 $0x1  }
0xbd: {  	_ =	sfence.sel $0xFFFF  }
0xbe: {  	[dreg:$0x0] =	wrdreg $0xFFFFFFFF;
	(pc) =	sbr.abs _section_cstart, $3  }
0xbf: {  	[dreg:$0x1] =	wrdreg $0xFFFFFFFF  }
0xc0: {  	_ =	task.clear_ibuf [dreg:s6], $0x2FFFF;
	_ =	strace $0x9FFFFFFF  }
0xc1: {  	(tm) =	ssettm $0x7FFFFFFF  }
tec
execute0_lowered:
.L_overlay_start_1:
0x0: {  	(tag) =	ssettag $0x1  }
0x1: {  	s2 =	rddreg [dreg:$0x0]  }
0x2: {  	s0 =	rddreg [dreg:$0x1];
	s1 =	simm.s32 $0x0  }
0x3: {  	[smem:$0x7FF] =	sst s1;
	s3 =	sadd.s32 $0x4E00, s2  }
0x4: {  	s4 =	sadd.s32 $0x1CE00, s2;
	_ =	strace $0x8000004D;
	[dreg:$0x2] =	wrdreg s3  }
0x5: {  	s6 =	simm.s32 $0x2400;
	[dreg:$0x3] =	wrdreg s4  }
0x6: {  	s18 =	simm.s32 $0x100;
	[dreg:$0x4] =	wrdreg s6  }
0x7: {  	s5 =	srdreg.scid;
	s19 =	simm.s32 $0x4400;
	[dreg:$0x5] =	wrdreg s18  }
0x8: {  	s20 =	simm.s32 $0x180;
	s22 =	simm.s32 $0x6400;
	[dreg:$0x6] =	wrdreg s19  }
0x9: {  	s23 =	simm.s32 $0x200;
	s24 =	simm.s32 $0x8400;
	[dreg:$0x7] =	wrdreg s20  }
0xa: {  	s25 =	simm.s32 $0x280;
	s26 =	simm.s32 $0xA400;
	[dreg:$0x8] =	wrdreg s22  }
0xb: {  	s28 =	simm.s32 $0x300;
	s29 =	simm.s32 $0xC400;
	[dreg:$0x9] =	wrdreg s23  }
0xc: {  	s30 =	simm.s32 $0x380;
	s5 =	sand.u32 $0x1, s5;
	[dreg:$0xa] =	wrdreg s24  }
0xd: {  	s3 =	sadd.s32 $0xCE00, s2;
	s2 =	stileid.u32;
	[dreg:$0xb] =	wrdreg s25  }
0xe: {  	s31 =	simm.s32 $0xE400;
	s8 =	smul.u32 $0x1400, s5;
	[dreg:$0xc] =	wrdreg s26  }
0xf: {  	s11 =	simm.s32 $0x0;
	s10 =	smul.u32 $0x5, s5;
	[dreg:$0xd] =	wrdreg s28  }
0x10: {  	s17 =	ssub.s32 $0x2, s5;
	[dreg:$0xe] =	wrdreg s29;
	s21 =	smul.u32 $0x2800, s2  }
0x11: {  	[dreg:$0xf] =	wrdreg s30;
	s7 =	sshrl.u32 s17, $0x1;
	s9 =	smul.u32 $0xA, s2  }
0x12: {  	[dreg:$0x10] =	wrdreg s31;
	s4 =	ssub.s32 s17, s7;
	s7 =	simm.s32 $0x2  }
0x13: {  	s4 =	smax.u32 s4, $0x1;
	s5 =	sadd.s32 s8, s21;
	s6 =	sadd.s32 s10, s9  }
0x14: {  	s8 =	simm.s32 $0x80;
	s9 =	simm.s32 $0x400;
	s10 =	simm.s32 $0x1  }
.LBB2_1:
0x15: {  	s12 =	smulhi.u32 $0xCCCCCCCD, s6;
	_ =	sdelay $0x1  }
0x16: {  	s12 =	sshrl.u32 s12, $0x6  }
0x17: {  	s12 =	smul.u32 $0x50, s12  }
0x18: {  	s13 =	sadd.s32 $0x0, s6  }
0x19: {  	s13 =	smulhi.u32 $0xCCCCCCCD, s13;
	s12 =	ssub.s32 s6, s12  }
0x1a: {  	s12 =	sadd.s32 $0x0, s12  }
0x1b: {  	s13 =	sshrl.u32 s13, $0x6;
	s12 =	sshrl.u32 s12, $0x2  }
0x1c: {  	s14 =	sshll.u32 s13, $0x11;
	s15 =	sshll.u32 s12, $0xC  }
0x1d: {  	s16 =	sand.u32 $0xC00, s5;
	s14 =	sor.u32 s14, s15  }
0x1e: {  	s14 =	sor.u32 s16, s14  }
0x1f: {  	s28 =	rddreg [dreg:$0x2];
	s14 =	sshrl.u32 s14, $0x3  }
0x20: {  	s14 =	sadd.s32 s28, s14  }
0x21: {  	[tilespmem:s1], [sflag:$0x2] =	stream.linear.gather [hbm4b:s14+s1], $0x400, $0x38;
	[tilespmem:$0x10400] =	vst v63  }
0x22: {  	_ =	swait.ge [sflag:s7], $0x400  }
0x23: {  	s29 =	rddreg [dreg:$0x7]  }
0x24: {  	s30 =	rddreg [dreg:$0x10]  }
0x25: {  	s17 =	rddreg [dreg:$0x5]  }
0x26: {  	s18 =	rddreg [dreg:$0xc]  }
0x27: {  	s19 =	rddreg [dreg:$0x8];
	[sflag:s7] =	ssyncset.done $0x0  }
0x28: {  	s20 =	rddreg [dreg:$0x4];
	[sflag:s7] =	ssyncadd.s32 $0xFFFFFC00  }
0x29: {  	[tilespmem:s9], [sflag:$0x1] =	stream.indirect.gather [hbm4b:s3+s8], $0x40, s1, s8, $0xb8;
	[tilespmem:$0x10400] =	vst v63  }
0x2a: {  	s21 =	rddreg [dreg:$0x6]  }
0x2b: {  	[tilespmem:s20], [sflag:$0x1] =	stream.indirect.gather [hbm4b:s3+s8], $0x40, s8, s8, $0xb8;
	[tilespmem:$0x10400] =	vst v63  }
0x2c: {  	s22 =	rddreg [dreg:$0xe]  }
0x2d: {  	[tilespmem:s21], [sflag:$0x1] =	stream.indirect.gather [hbm4b:s3+s8], $0x40, s17, s8, $0xb8;
	[tilespmem:$0x10400] =	vst v63  }
0x2e: {  	s31 =	rddreg [dreg:$0xa]  }
0x2f: {  	[tilespmem:s19], [sflag:$0x1] =	stream.indirect.gather [hbm4b:s3+s8], $0x40, s29, s8, $0xb8;
	[tilespmem:$0x10400] =	vst v63  }
0x30: {  	s23 =	rddreg [dreg:$0x9]  }
0x31: {  	[tilespmem:s31], [sflag:$0x1] =	stream.indirect.gather [hbm4b:s3+s8], $0x40, s23, s8, $0xb8;
	[tilespmem:$0x10400] =	vst v63  }
0x32: {  	s24 =	rddreg [dreg:$0xb]  }
0x33: {  	[tilespmem:s18], [sflag:$0x1] =	stream.indirect.gather [hbm4b:s3+s8], $0x40, s24, s8, $0xb8;
	[tilespmem:$0x10400] =	vst v63  }
0x34: {  	s25 =	rddreg [dreg:$0xd]  }
0x35: {  	[tilespmem:s22], [sflag:$0x1] =	stream.indirect.gather [hbm4b:s3+s8], $0x40, s25, s8, $0xb8;
	[tilespmem:$0x10400] =	vst v63  }
0x36: {  	s26 =	rddreg [dreg:$0xf]  }
0x37: {  	[tilespmem:s30], [sflag:$0x1] =	stream.indirect.gather [hbm4b:s3+s8], $0x40, s26, s8, $0xb8;
	[tilespmem:$0x10400] =	vst v63  }
0x38: {  	_ =	swait.ge [sflag:s10], $0x2000  }
0x39: {  	[sflag:s10] =	ssyncset.done $0x0  }
0x3a: {  	[sflag:s10] =	ssyncadd.s32 $0xFFFFE000  }
0x3b: {  	_ =	swait.ge [sflag:s10], $0x2000  }
0x3c: {  	[sflag:s10] =	ssyncset.done $0x0  }
0x3d: {  	[sflag:s10] =	ssyncadd.s32 $0xFFFFE000  }
0x3e: {  	_ =	swait.ge [sflag:s10], $0x2000  }
0x3f: {  	[sflag:s10] =	ssyncset.done $0x0  }
0x40: {  	[sflag:s10] =	ssyncadd.s32 $0xFFFFE000  }
0x41: {  	_ =	swait.ge [sflag:s10], $0x2000  }
0x42: {  	[sflag:s10] =	ssyncset.done $0x0  }
0x43: {  	s13 =	smul.u32 $0x500000, s13;
	s12 =	sshll.u32 s12, $0x12;
	[sflag:s10] =	ssyncadd.s32 $0xFFFFE000  }
0x44: {  	s15 =	simm.s32 $0x1;
	s28 =	sadd.s32 $0x1, s6;
	_ =	swait.ge [sflag:s10], $0x2000  }
0x45: {  	s16 =	sshll.u32 s16, $0x6;
	s14 =	smulhi.u32 $0xCCCCCCCD, s28;
	[sflag:s10] =	ssyncset.done $0x0  }
0x46: {  	s29 =	sadd.s32 s13, s12;
	s13 =	sadd.s32 $0x1, s6;
	[sflag:s10] =	ssyncadd.s32 $0xFFFFE000  }
0x47: {  	s12 =	sshrl.u32 s14, $0x6;
	s14 =	sadd.s32 $0x400, s5;
	_ =	swait.ge [sflag:s10], $0x2000  }
0x48: {  	s16 =	sor.u32 s16, s29;
	s30 =	smulhi.u32 $0xCCCCCCCD, s13;
	[sflag:s10] =	ssyncset.done $0x0  }
0x49: {  	s20 =	sshll.u32 s12, $0x11;
	s17 =	sand.u32 $0xC00, s14;
	[sflag:s10] =	ssyncadd.s32 $0xFFFFE000  }
0x4a: {  	s19 =	sshrl.u32 s16, $0x3;
	s31 =	sshrl.u32 s30, $0x6;
	_ =	swait.ge [sflag:s10], $0x2000  }
0x4b: {  	s18 =	simm.s32 $0x2;
	s21 =	smul.u32 $0x50, s31;
	[sflag:s10] =	ssyncset.done $0x0  }
.LBB2_2:
0x4c: {  	s16 =	sadd.s32 s18, s6;
	[sflag:s10] =	ssyncadd.s32 $0xFFFFE000;
	s22 =	smov.u32 s18  }
0x4d: {  	s12 =	smul.u32 $0x500000, s12;
	s21 =	ssub.s32 s6, s21;
	_ =	swait.ge [sflag:s10], $0x2000  }
0x4e: {  	s16 =	smulhi.u32 $0xCCCCCCCD, s16;
	s15 =	sadd.s32 s21, s15;
	[sflag:s10] =	ssyncset.done $0x0  }
0x4f: {  	s29 =	rddreg [dreg:$0x3];
	s15 =	sshrl.u32 s15, $0x2;
	[sflag:s10] =	ssyncadd.s32 $0xFFFFE000  }
0x50: {  	s30 =	sadd.s32 s29, s19;
	s23 =	sshll.u32 s15, $0xC;
	s15 =	sshll.u32 s15, $0x12  }
0x51: {  	[hbm4b:s30+s1] =	stream.linear.scatter [tilespmem:s9], [sflag:$0x2], $0x10000, $0x38;
	[tilespmem:$0x10400] =	vst v63  }
0x52: {  	p0 =	sne.s32 s18, $0x4;
	s20 =	sor.u32 s20, s23;
	s15 =	sadd.s32 s12, s15  }
0x53: {  	s12 =	sshrl.u32 s16, $0x6;
	_ =	swait.ge [sflag:s7], $0x10000;
	s20 =	sor.u32 s17, s20  }
0x54: {  	s31 =	rddreg [dreg:$0x2];
	[sflag:s7] =	ssyncset.done $0x0;
	s21 =	sshrl.u32 s20, $0x3  }
0x55: {  	s16 =	sadd.s32 $0x1, s18;
	[sflag:s7] =	ssyncadd.s32 $0xFFFF0000;
	s18 =	sadd.s32 s31, s21  }
0x56: {  	[tilespmem:s1], [sflag:$0x2] =	stream.linear.gather [hbm4b:s18+s1], $0x400, $0x38;
	[tilespmem:$0x10400] =	vst v63  }
0x57: {  	s24 =	sshll.u32 s17, $0x6;
	_ =	swait.ge [sflag:s7], $0x400  }
0x58: {  	s17 =	sor.u32 s24, s15;
	s15 =	smov.u32 s22;
	s22 =	rddreg [dreg:$0x7]  }
0x59: {  	s19 =	rddreg [dreg:$0x10]  }
0x5a: {  	s26 =	rddreg [dreg:$0x5]  }
0x5b: {  	s21 =	rddreg [dreg:$0xc]  }
0x5c: {  	[sflag:s7] =	ssyncset.done $0x0;
	s28 =	rddreg [dreg:$0x8]  }
0x5d: {  	s29 =	rddreg [dreg:$0x4];
	[sflag:s7] =	ssyncadd.s32 $0xFFFFFC00  }
0x5e: {  	[tilespmem:s9], [sflag:$0x1] =	stream.indirect.gather [hbm4b:s3+s8], $0x40, s1, s8, $0xb8;
	[tilespmem:$0x10400] =	vst v63  }
0x5f: {  	s30 =	rddreg [dreg:$0x6]  }
0x60: {  	[tilespmem:s29], [sflag:$0x1] =	stream.indirect.gather [hbm4b:s3+s8], $0x40, s8, s8, $0xb8;
	[tilespmem:$0x10400] =	vst v63  }
0x61: {  	s25 =	rddreg [dreg:$0xe]  }
0x62: {  	[tilespmem:s30], [sflag:$0x1] =	stream.indirect.gather [hbm4b:s3+s8], $0x40, s26, s8, $0xb8;
	[tilespmem:$0x10400] =	vst v63  }
0x63: {  	s31 =	rddreg [dreg:$0xa]  }
0x64: {  	[tilespmem:s28], [sflag:$0x1] =	stream.indirect.gather [hbm4b:s3+s8], $0x40, s22, s8, $0xb8;
	[tilespmem:$0x10400] =	vst v63  }
0x65: {  	s26 =	rddreg [dreg:$0x9]  }
0x66: {  	[tilespmem:s31], [sflag:$0x1] =	stream.indirect.gather [hbm4b:s3+s8], $0x40, s26, s8, $0xb8;
	[tilespmem:$0x10400] =	vst v63  }
0x67: {  	s28 =	rddreg [dreg:$0xb]  }
0x68: {  	[tilespmem:s21], [sflag:$0x1] =	stream.indirect.gather [hbm4b:s3+s8], $0x40, s28, s8, $0xb8;
	[tilespmem:$0x10400] =	vst v63  }
0x69: {  	s29 =	rddreg [dreg:$0xd]  }
0x6a: {  	[tilespmem:s25], [sflag:$0x1] =	stream.indirect.gather [hbm4b:s3+s8], $0x40, s29, s8, $0xb8;
	[tilespmem:$0x10400] =	vst v63  }
0x6b: {  	s30 =	rddreg [dreg:$0xf]  }
0x6c: {  	[tilespmem:s19], [sflag:$0x1] =	stream.indirect.gather [hbm4b:s3+s8], $0x40, s30, s8, $0xb8;
	[tilespmem:$0x10400] =	vst v63  }
0x6d: {  	_ =	swait.ge [sflag:s10], $0x2000  }
0x6e: {  	[sflag:s10] =	ssyncset.done $0x0  }
0x6f: {  	[sflag:s10] =	ssyncadd.s32 $0xFFFFE000  }
0x70: {  	_ =	swait.ge [sflag:s10], $0x2000  }
0x71: {  	[sflag:s10] =	ssyncset.done $0x0  }
0x72: {  	[sflag:s10] =	ssyncadd.s32 $0xFFFFE000  }
0x73: {  	_ =	swait.ge [sflag:s10], $0x2000  }
0x74: {  	[sflag:s10] =	ssyncset.done $0x0  }
0x75: {  	[sflag:s10] =	ssyncadd.s32 $0xFFFFE000  }
0x76: {  	_ =	swait.ge [sflag:s10], $0x2000  }
0x77: {  	[sflag:s10] =	ssyncset.done $0x0  }
0x78: {  	[sflag:s10] =	ssyncadd.s32 $0xFFFFE000  }
0x79: {  	_ =	swait.ge [sflag:s10], $0x2000  }
0x7a: {  	s13 =	sadd.s32 $0x1, s13;
	[sflag:s10] =	ssyncset.done $0x0  }
0x7b: {  	s31 =	smulhi.u32 $0xCCCCCCCD, s13;
	[sflag:s10] =	ssyncadd.s32 $0xFFFFE000  }
.Ltmp0:
0x7c: {  	_ =	swait.ge [sflag:s10], $0x2000;
	(pc) =	sbr.rel @p0 .LBB2_2-.Ltmp0, $4  }
0x7d: {  	s14 =	sadd.s32 $0x400, s14;
	[sflag:s10] =	ssyncset.done $0x0  }
0x7e: {  	s20 =	sshll.u32 s12, $0x11;
	s18 =	sshrl.u32 s31, $0x6;
	[sflag:s10] =	ssyncadd.s32 $0xFFFFE000  }
0x7f: {  	s21 =	smul.u32 $0x50, s18;
	s18 =	smov.u32 s16;
	_ =	swait.ge [sflag:s10], $0x2000  }
0x80: {  	s19 =	sshrl.u32 s17, $0x3;
	s17 =	sand.u32 $0xC00, s14;
	[sflag:s10] =	ssyncset.done $0x0  }
0x81: {  	[sflag:s10] =	ssyncadd.s32 $0xFFFFE000;
	s14 =	ssub.s32 s6, s21  }
0x82: {  	_ =	swait.ge [sflag:s10], $0x2000;
	s14 =	sadd.s32 s14, s15  }
0x83: {  	s13 =	rddreg [dreg:$0x3];
	[sflag:s10] =	ssyncset.done $0x0;
	s14 =	sshrl.u32 s14, $0x2  }
0x84: {  	[sflag:s10] =	ssyncadd.s32 $0xFFFFE000;
	s13 =	sadd.s32 s13, s19;
	s25 =	sshll.u32 s14, $0xC  }
0x85: {  	[hbm4b:s13+s1] =	stream.linear.scatter [tilespmem:s9], [sflag:$0x2], $0x10000, $0x38;
	[tilespmem:$0x10400] =	vst v63  }
0x86: {  	s13 =	sor.u32 s20, s25  }
0x87: {  	_ =	swait.ge [sflag:s7], $0x10000;
	s13 =	sor.u32 s17, s13  }
0x88: {  	s26 =	rddreg [dreg:$0x2];
	[sflag:s7] =	ssyncset.done $0x0;
	s13 =	sshrl.u32 s13, $0x3  }
0x89: {  	[sflag:s7] =	ssyncadd.s32 $0xFFFF0000;
	s13 =	sadd.s32 s26, s13  }
0x8a: {  	[tilespmem:s1], [sflag:$0x2] =	stream.linear.gather [hbm4b:s13+s1], $0x400, $0x38;
	[tilespmem:$0x10400] =	vst v63  }
0x8b: {  	_ =	swait.ge [sflag:s7], $0x400  }
0x8c: {  	s28 =	rddreg [dreg:$0x7]  }
0x8d: {  	s29 =	rddreg [dreg:$0x10]  }
0x8e: {  	s16 =	rddreg [dreg:$0x5]  }
0x8f: {  	s18 =	rddreg [dreg:$0xc]  }
0x90: {  	[sflag:s7] =	ssyncset.done $0x0;
	s30 =	rddreg [dreg:$0x4]  }
0x91: {  	s31 =	rddreg [dreg:$0x6];
	[sflag:s7] =	ssyncadd.s32 $0xFFFFFC00  }
0x92: {  	[tilespmem:s9], [sflag:$0x1] =	stream.indirect.gather [hbm4b:s3+s8], $0x40, s1, s8, $0xb8;
	[tilespmem:$0x10400] =	vst v63  }
0x93: {  	s21 =	rddreg [dreg:$0x8]  }
0x94: {  	[tilespmem:s30], [sflag:$0x1] =	stream.indirect.gather [hbm4b:s3+s8], $0x40, s8, s8, $0xb8;
	[tilespmem:$0x10400] =	vst v63  }
0x95: {  	s22 =	rddreg [dreg:$0xa]  }
0x96: {  	[tilespmem:s31], [sflag:$0x1] =	stream.indirect.gather [hbm4b:s3+s8], $0x40, s16, s8, $0xb8;
	[tilespmem:$0x10400] =	vst v63  }
0x97: {  	s23 =	rddreg [dreg:$0x9]  }
0x98: {  	[tilespmem:s21], [sflag:$0x1] =	stream.indirect.gather [hbm4b:s3+s8], $0x40, s28, s8, $0xb8;
	[tilespmem:$0x10400] =	vst v63  }
0x99: {  	s24 =	rddreg [dreg:$0xe]  }
0x9a: {  	[tilespmem:s22], [sflag:$0x1] =	stream.indirect.gather [hbm4b:s3+s8], $0x40, s23, s8, $0xb8;
	[tilespmem:$0x10400] =	vst v63  }
0x9b: {  	s25 =	rddreg [dreg:$0xb]  }
0x9c: {  	[tilespmem:s18], [sflag:$0x1] =	stream.indirect.gather [hbm4b:s3+s8], $0x40, s25, s8, $0xb8;
	[tilespmem:$0x10400] =	vst v63  }
0x9d: {  	s26 =	rddreg [dreg:$0xd]  }
0x9e: {  	[tilespmem:s24], [sflag:$0x1] =	stream.indirect.gather [hbm4b:s3+s8], $0x40, s26, s8, $0xb8;
	[tilespmem:$0x10400] =	vst v63  }
0x9f: {  	s28 =	rddreg [dreg:$0xf]  }
0xa0: {  	[tilespmem:s29], [sflag:$0x1] =	stream.indirect.gather [hbm4b:s3+s8], $0x40, s28, s8, $0xb8;
	[tilespmem:$0x10400] =	vst v63  }
0xa1: {  	_ =	swait.ge [sflag:s10], $0x2000  }
0xa2: {  	[sflag:s10] =	ssyncset.done $0x0  }
0xa3: {  	[sflag:s10] =	ssyncadd.s32 $0xFFFFE000  }
0xa4: {  	_ =	swait.ge [sflag:s10], $0x2000  }
0xa5: {  	[sflag:s10] =	ssyncset.done $0x0  }
0xa6: {  	[sflag:s10] =	ssyncadd.s32 $0xFFFFE000  }
0xa7: {  	_ =	swait.ge [sflag:s10], $0x2000  }
0xa8: {  	[sflag:s10] =	ssyncset.done $0x0  }
0xa9: {  	[sflag:s10] =	ssyncadd.s32 $0xFFFFE000  }
0xaa: {  	_ =	swait.ge [sflag:s10], $0x2000  }
0xab: {  	[sflag:s10] =	ssyncset.done $0x0  }
0xac: {  	[sflag:s10] =	ssyncadd.s32 $0xFFFFE000  }
0xad: {  	_ =	swait.ge [sflag:s10], $0x2000  }
0xae: {  	[sflag:s10] =	ssyncset.done $0x0  }
0xaf: {  	[sflag:s10] =	ssyncadd.s32 $0xFFFFE000  }
0xb0: {  	_ =	swait.ge [sflag:s10], $0x2000  }
0xb1: {  	[sflag:s10] =	ssyncset.done $0x0  }
0xb2: {  	[sflag:s10] =	ssyncadd.s32 $0xFFFFE000  }
0xb3: {  	s12 =	smul.u32 $0x500000, s12;
	_ =	swait.ge [sflag:s10], $0x2000  }
0xb4: {  	s11 =	sadd.s32 $0x1, s11;
	s29 =	sshll.u32 s14, $0x12;
	[sflag:s10] =	ssyncset.done $0x0  }
0xb5: {  	s30 =	sshll.u32 s17, $0x6;
	s12 =	sadd.s32 s12, s29;
	[sflag:s10] =	ssyncadd.s32 $0xFFFFE000  }
0xb6: {  	p0 =	sne.s32 s11, s4;
	s12 =	sor.u32 s30, s12;
	_ =	swait.ge [sflag:s10], $0x2000  }
0xb7: {  	s12 =	sshrl.u32 s12, $0x3;
	s31 =	rddreg [dreg:$0x3];
	[sflag:s10] =	ssyncset.done $0x0  }
.Ltmp1:
0xb8: {  	[sflag:s10] =	ssyncadd.s32 $0xFFFFE000;
	s12 =	sadd.s32 s31, s12;
	(pc) =	sbr.rel @p0 .LBB2_1-.Ltmp1, $4  }
0xb9: {  	[hbm4b:s12+s1] =	stream.linear.scatter [tilespmem:s9], [sflag:$0x2], $0x10000, $0x38;
	[tilespmem:$0x10400] =	vst v63  }
0xba: {  	_ =	swait.ge [sflag:s7], $0x10000  }
0xbb: {  	[sflag:s7] =	ssyncset.done $0x0  }
0xbc: {  	[sflag:s7] =	ssyncadd.s32 $0xFFFF0000  }
0xbd: {  	_ =	sfence.sel $0x180000  }
0xbe: {  	[bflag:$0x0] =	sbarrier.arrive $0xFFFF  }
0xbf: {  	p0 =	sne.s32 s2, $0x0;
	_ =	strace $0x9000004D  }
0xc0: {  	s0 =	sadd.s32 @!p0 $0x100000, s0;
	[bflag:$0x2] =	sbarrier.arrive $0xFFFF  }
0xc1: {  	[sflag:s0] =	ssyncadd.tile.s32 @!p0 $0x1;
	_ =	shalt  }
.Lfunc_end2:
_tile_overlayer_lowered:
.L_overlay_start_2:
0xc2: {  	(tag) =	ssettag $0x2  }
0xc3: {  	s0 =	rddreg [dreg:$0x0];
	s2 =	stileid.u32  }
0xc4: {  	s1 =	rddreg [dreg:$0x1];
	p0 =	sne.s32 s2, $0x0  }
0xc5: {  	s3 =	rddreg [dreg:$0x2];
	[bflag:$0x3] =	sbarrier.arrive $0xFFFF;
	s2 =	simm.s32 @!p0 $0x1C02  }
0xc6: {  	[timem:s3], [sflag:s2] =	dma.local @!p0 [hbm:s0], s1  }
0xc7: {  	s0 =	simm.s32 @!p0 $0x2  }
0xc8: {  	_ =	swait.ge @!p0 [sflag:s0], s1  }
0xc9: {  	s1 =	ssub.s32 @!p0 $0x0, s1;
	[sflag:s0] =	ssyncset.done @!p0 $0x0  }
0xca: {  	[sflag:s0] =	ssyncadd.s32 @!p0 s1  }
0xcb: {  	[bflag:$0x3] =	sbarrier.arrive $0xFFFF  }
0xcc: {  	_ =	shalt  }

</sc_bundles>
